<compile_context>
chip_gen: v7x
topology: tpu7x:2x2x1
jax: 0.10.2.dev20260603
libtpu: 0.0.44.dev20260713+nightly
codegen_flags: <defaults>
</compile_context>

<pallas_src>
import functools

import jax
import jax.numpy as jnp
from jax import lax
from jax.experimental import pallas as pl
from jax.experimental.pallas import tpu as pltpu
from jax.experimental.pallas import tpu_sc as plsc

N = 10000
NP = 10240
E = 160000
D = 256
H = D // 2
G = 3 * D
NLAYERS = 3

R = 2000
NS = 16
EPW = E // NS
K = 80
KP = K
NCHUNK = EPW // K
NBUF = 3
RPS = NP // NS
ZR = 32
LANES = 16



def _linmsg_body(x_ref, wT_ref, b_ref, wm_ref, h_ref, m_ref):
    h = (
        jnp.dot(x_ref[...].astype(jnp.bfloat16),
                wT_ref[...].astype(jnp.bfloat16),
                preferred_element_type=jnp.float32)
        + b_ref[...]
    )
    h_ref[...] = h
    m = jnp.dot(h.astype(jnp.bfloat16), wm_ref[...].astype(jnp.bfloat16),
                preferred_element_type=jnp.float32)
    m_ref[0] = m[:, :H]
    m_ref[1] = m[:, H:]


_linmsg = pl.pallas_call(
    _linmsg_body,
    grid=(N // R,),
    in_specs=[
        pl.BlockSpec((R, D), lambda i: (i, 0)),
        pl.BlockSpec((D, D), lambda i: (0, 0)),
        pl.BlockSpec((1, D), lambda i: (0, 0)),
        pl.BlockSpec((D, D), lambda i: (0, 0)),
    ],
    out_specs=[
        pl.BlockSpec((R, D), lambda i: (i, 0)),
        pl.BlockSpec((2, R, H), lambda i: (0, i, 0)),
    ],
    out_shape=[
        jax.ShapeDtypeStruct((N, D), jnp.float32),
        jax.ShapeDtypeStruct((2, NP, H), jnp.float32),
    ],
)


def _gh_body(h_ref, whhT_ref, bhh_ref, gh_ref):
    gh_ref[...] = (
        jnp.dot(h_ref[...].astype(jnp.bfloat16),
                whhT_ref[...].astype(jnp.bfloat16),
                preferred_element_type=jnp.float32)
        + bhh_ref[...]
    )


_gh = pl.pallas_call(
    _gh_body,
    grid=(N // R,),
    in_specs=[
        pl.BlockSpec((R, D), lambda i: (i, 0)),
        pl.BlockSpec((D, G), lambda i: (0, 0)),
        pl.BlockSpec((1, G), lambda i: (0, 0)),
    ],
    out_specs=pl.BlockSpec((R, G), lambda i: (i, 0)),
    out_shape=jax.ShapeDtypeStruct((N, G), jnp.float32),
)


def _gru_block(agg_ref, gh_ref, h_ref, wihT_ref, bih_ref):
    gi = (
        jnp.dot(agg_ref[0].astype(jnp.bfloat16),
                wihT_ref[:H].astype(jnp.bfloat16),
                preferred_element_type=jnp.float32)
        + jnp.dot(agg_ref[1].astype(jnp.bfloat16),
                  wihT_ref[H:].astype(jnp.bfloat16),
                  preferred_element_type=jnp.float32)
        + bih_ref[...]
    )
    gh = gh_ref[...]
    h = h_ref[...]
    r = jax.nn.sigmoid(gi[:, :D] + gh[:, :D])
    z = jax.nn.sigmoid(gi[:, D:2 * D] + gh[:, D:2 * D])
    n = jnp.tanh(gi[:, 2 * D:] + r * gh[:, 2 * D:])
    return (1.0 - z) * n + z * h


def _gru_body(agg_ref, gh_ref, h_ref, wihT_ref, bih_ref, out_ref):
    out_ref[...] = _gru_block(agg_ref, gh_ref, h_ref, wihT_ref, bih_ref)


_gru = pl.pallas_call(
    _gru_body,
    grid=(N // R,),
    in_specs=[
        pl.BlockSpec((2, R, H), lambda i: (0, i, 0)),
        pl.BlockSpec((R, G), lambda i: (i, 0)),
        pl.BlockSpec((R, D), lambda i: (i, 0)),
        pl.BlockSpec((D, G), lambda i: (0, 0)),
        pl.BlockSpec((1, G), lambda i: (0, 0)),
    ],
    out_specs=pl.BlockSpec((R, D), lambda i: (i, 0)),
    out_shape=jax.ShapeDtypeStruct((N, D), jnp.float32),
)


def _grumsg_body(agg_ref, gh_ref, h_ref, wihT_ref, bih_ref, wm_ref,
                 hout_ref, m_ref):
    hn = _gru_block(agg_ref, gh_ref, h_ref, wihT_ref, bih_ref)
    hout_ref[...] = hn
    m = jnp.dot(hn.astype(jnp.bfloat16), wm_ref[...].astype(jnp.bfloat16),
                preferred_element_type=jnp.float32)
    m_ref[0] = m[:, :H]
    m_ref[1] = m[:, H:]


_grumsg = pl.pallas_call(
    _grumsg_body,
    grid=(N // R,),
    in_specs=[
        pl.BlockSpec((2, R, H), lambda i: (0, i, 0)),
        pl.BlockSpec((R, G), lambda i: (i, 0)),
        pl.BlockSpec((R, D), lambda i: (i, 0)),
        pl.BlockSpec((D, G), lambda i: (0, 0)),
        pl.BlockSpec((1, G), lambda i: (0, 0)),
        pl.BlockSpec((D, D), lambda i: (0, 0)),
    ],
    out_specs=[
        pl.BlockSpec((R, D), lambda i: (i, 0)),
        pl.BlockSpec((2, R, H), lambda i: (0, i, 0)),
    ],
    out_shape=[
        jax.ShapeDtypeStruct((N, D), jnp.float32),
        jax.ShapeDtypeStruct((2, NP, H), jnp.float32),
    ],
)



def _sc_scatter_body(m_hbm, packed_hbm, out_hbm,
                     packed_v, src0, src1, src2, dst0, dst1, dst2,
                     rows0, rows1, rows2,
                     shared, sem0, sem1, sem2):
    c = lax.axis_index("c")
    s = lax.axis_index("s")
    rows = [rows0, rows1, rows2]
    srcb = [src0, src1, src2]
    dstb = [dst0, dst1, dst2]
    sems = [sem0, sem1, sem2]
    coff = c * NP

    pltpu.sync_copy(packed_hbm.at[s], packed_v)

    def unpack(i, b):
        for j in range(KP // LANES):
            sl = pl.ds(j * LANES, LANES)
            v = packed_v[i, sl]
            srcb[b][sl] = (v & 0xFFFF) + coff
            dstb[b][sl] = lax.shift_right_logical(v, 16)

    def zrow(i, carry):
        def zcol(j, carry2):
            rows0[i, pl.ds(j * LANES, LANES)] = jnp.zeros(
                (LANES,), jnp.float32)
            return carry2
        return lax.fori_loop(0, H // LANES, zcol, carry)

    lax.fori_loop(0, KP, zrow, 0)
    for kk in range(RPS // KP):
        pltpu.sync_copy(rows0, shared.at[pl.ds(s * RPS + kk * KP, KP)])

    for b in range(NBUF):
        unpack(b, b)
        pltpu.async_copy(m_hbm.at[srcb[b]], rows[b], sems[b])
    plsc.subcore_barrier()

    def outer(t, carry):
        for b in range(NBUF):
            i = t * NBUF + b
            pltpu.make_async_copy(
                m_hbm.at[srcb[b]], rows[b], sems[b]).wait()
            pltpu.sync_copy(rows[b], shared.at[dstb[b]], add=True)

            @pl.when(i + NBUF < NCHUNK)
            def _():
                unpack(i + NBUF, b)
                pltpu.async_copy(m_hbm.at[srcb[b]], rows[b], sems[b])
        return carry

    lax.fori_loop(0, NCHUNK // NBUF, outer, 0)
    for i in range(NCHUNK - NCHUNK % NBUF, NCHUNK):
        b = i % NBUF
        pltpu.make_async_copy(m_hbm.at[srcb[b]], rows[b], sems[b]).wait()
        pltpu.sync_copy(rows[b], shared.at[dstb[b]], add=True)
    plsc.subcore_barrier()

    for kk in range(RPS // KP):
        r0 = s * RPS + kk * KP
        pltpu.sync_copy(shared.at[pl.ds(r0, KP)], rows0)
        pltpu.sync_copy(rows0, out_hbm.at[pl.ds(coff + r0, KP)])


@functools.lru_cache(maxsize=None)
def _get_sc_scatter():
    return pl.kernel(
        _sc_scatter_body,
        out_type=jax.ShapeDtypeStruct((2 * NP, H), jnp.float32),
        mesh=plsc.VectorSubcoreMesh(core_axis_name="c", subcore_axis_name="s"),
        scratch_types=[
            pltpu.VMEM((NCHUNK, KP), jnp.int32),
            pltpu.VMEM((KP,), jnp.int32),
            pltpu.VMEM((KP,), jnp.int32),
            pltpu.VMEM((KP,), jnp.int32),
            pltpu.VMEM((KP,), jnp.int32),
            pltpu.VMEM((KP,), jnp.int32),
            pltpu.VMEM((KP,), jnp.int32),
            pltpu.VMEM((KP, H), jnp.float32),
            pltpu.VMEM((KP, H), jnp.float32),
            pltpu.VMEM((KP, H), jnp.float32),
            pltpu.VMEM_SHARED((NP, H), jnp.float32),
            pltpu.SemaphoreType.DMA,
            pltpu.SemaphoreType.DMA,
            pltpu.SemaphoreType.DMA,
        ],
    )



@jax.jit
def kernel(x, edge_index, W_lin, b_lin, weight, w_ih, w_hh, b_ih, b_hh):
    src = edge_index[0]
    dst = edge_index[1]
    whhT = w_hh.T
    wihT = w_ih.T
    bhh = b_hh.reshape(1, G)
    bih = b_ih.reshape(1, G)

    packed = (src | (dst << 16)).reshape(NS, NCHUNK, K)

    h, m_split = _linmsg(x, W_lin.T, b_lin.reshape(1, D), weight[0])
    for i in range(NLAYERS):
        agg_flat = _get_sc_scatter()(m_split.reshape(2 * NP, H), packed)
        gh = _gh(h, whhT, bhh)
        agg = agg_flat.reshape(2, NP, H)
        if i + 1 < NLAYERS:
            h, m_split = _grumsg(agg, gh, h, wihT, bih, weight[i + 1])
        else:
            h = _gru(agg, gh, h, wihT, bih)
    return h

# --- scband reference (transcript-rebuilt; emitter-appended) ---
"""Pipeline reference for scband-ggnn-23029614641359 (READ-ONLY COPY).

The authoritative reference and input builder live on the scoring server;
editing this copy changes nothing except your own understanding.
"""

import jax, jax.numpy as jnp
import numpy as np

NUM_LAYERS = 3


def setup_inputs(seed: int = 0) -> dict:
    key = jax.random.key(seed)
    ks = jax.random.split(key, 10)
    N, E = 10000, 160000
    in_ch, out_ch = 256, 256
    x = jax.random.normal(ks[0], (N, in_ch), dtype=jnp.float32)
    edge_index = jax.random.randint(ks[1], (2, E), 0, N, dtype=jnp.int32)
    # lin_in params
    W_lin = jax.random.normal(ks[2], (out_ch, in_ch), dtype=jnp.float32) / np.sqrt(in_ch)
    b_lin = jnp.zeros((out_ch,), dtype=jnp.float32)
    # GatedGraphConv weight: [num_layers, out, out]
    weight = jax.random.normal(ks[3], (NUM_LAYERS, out_ch, out_ch), dtype=jnp.float32) / np.sqrt(out_ch)
    # GRUCell params
    w_ih = jax.random.normal(ks[4], (3 * out_ch, out_ch), dtype=jnp.float32) / np.sqrt(out_ch)
    w_hh = jax.random.normal(ks[5], (3 * out_ch, out_ch), dtype=jnp.float32) / np.sqrt(out_ch)
    b_ih = jnp.zeros((3 * out_ch,), dtype=jnp.float32)
    b_hh = jnp.zeros((3 * out_ch,), dtype=jnp.float32)
    return {"x": x, "edge_index": edge_index, "W_lin": W_lin, "b_lin": b_lin,
            "weight": weight, "w_ih": w_ih, "w_hh": w_hh, "b_ih": b_ih, "b_hh": b_hh}


def _gru_cell(inp, h, w_ih, w_hh, b_ih, b_hh):
    gi = inp @ w_ih.T + b_ih
    gh = h @ w_hh.T + b_hh
    i_r, i_z, i_n = jnp.split(gi, 3, axis=-1)
    h_r, h_z, h_n = jnp.split(gh, 3, axis=-1)
    r = jax.nn.sigmoid(i_r + h_r)
    z = jax.nn.sigmoid(i_z + h_z)
    n = jnp.tanh(i_n + r * h_n)
    return (1.0 - z) * n + z * h


def reference(x, edge_index, W_lin, b_lin, weight, w_ih, w_hh, b_ih, b_hh):
    # lin_in
    h = x @ W_lin.T + b_lin
    src = edge_index[0]
    dst = edge_index[1]
    # GatedGraphConv: num_layers rounds of (matmul -> scatter-add propagate -> GRU)
    for i in range(NUM_LAYERS):
        m = h @ weight[i]
        msgs = jnp.take(m, src, axis=0)
        agg = jnp.zeros_like(h).at[dst].add(msgs)
        h = _gru_cell(agg, h, w_ih, w_hh, b_ih, b_hh)
    return h

if __name__ == "__main__":
    import jax
    _d = setup_inputs()
    print(jax.jit(kernel)(*tuple(_d.values())))

</pallas_src>

<mosaic_0001>
#map = affine_map<(d0, d1) -> (0, 0)>
#map1 = affine_map<(d0, d1) -> (0, 0, 0)>
module attributes {stable_mosaic.version = 14 : i64} {
  func.func @_sc_scatter_body(%arg0: i32, %arg1: i32, %arg2: memref<20480x128xf32, #tpu.memory_space<hbm>>, %arg3: memref<16x125x80xi32, #tpu.memory_space<hbm>>, %arg4: memref<20480x128xf32, #tpu.memory_space<hbm>>, %arg5: memref<125x80xi32, #tpu.memory_space<vmem>>, %arg6: memref<80xi32, #tpu.memory_space<vmem>>, %arg7: memref<80xi32, #tpu.memory_space<vmem>>, %arg8: memref<80xi32, #tpu.memory_space<vmem>>, %arg9: memref<80xi32, #tpu.memory_space<vmem>>, %arg10: memref<80xi32, #tpu.memory_space<vmem>>, %arg11: memref<80xi32, #tpu.memory_space<vmem>>, %arg12: memref<80x128xf32, #tpu.memory_space<vmem>>, %arg13: memref<80x128xf32, #tpu.memory_space<vmem>>, %arg14: memref<80x128xf32, #tpu.memory_space<vmem>>, %arg15: memref<10240x128xf32, #tpu.memory_space<vmem_shared>>, %arg16: memref<!tpu.dma_semaphore, #tpu.memory_space<semaphore_mem>>, %arg17: memref<!tpu.dma_semaphore, #tpu.memory_space<semaphore_mem>>, %arg18: memref<!tpu.dma_semaphore, #tpu.memory_space<semaphore_mem>>) attributes {dimension_semantics = [#tpu.dimension_semantics<core_parallel>, #tpu.dimension_semantics<subcore_parallel>], iteration_bounds = array<i64: 2, 16>, scalar_prefetch = 0 : i64, scratch_operands = 14 : i64, tpu.core_type = #tpu.core_type<sc_vector_subcore>, window_params = [{transform_indices = #map}, {transform_indices = #map1}, {transform_indices = #map}]} {
    %mul3A = arith.constant 10240 : i32
    %mul3A_0 = arith.muli %arg0, %mul3A : i32
    "tpu.region"() ({
      %run_scoped3A = tpu.sem_alloc : memref<!tpu.dma_semaphore, #tpu.memory_space<semaphore_mem>>
      %dma_start3A_408 = arith.constant 0 : i32
      %dma_start3A_409 = arith.constant 0 : i32
      %dma_start3A_410 = tpu.memref_slice %arg3[%arg1, %dma_start3A_408, %dma_start3A_409] : memref<16x125x80xi32, #tpu.memory_space<hbm>> -> memref<1x125x80xi32, #tpu.memory_space<hbm>>
      %dma_start3A_411 = tpu.memref_squeeze %dma_start3A_410 : memref<1x125x80xi32, #tpu.memory_space<hbm>> -> memref<125x80xi32, #tpu.memory_space<hbm>>
      %dma_start3A_412 = arith.constant 0 : i32
      %dma_start3A_413 = arith.constant 0 : i32
      %dma_start3A_414 = tpu.memref_slice %arg3[%arg1, %dma_start3A_412, %dma_start3A_413] : memref<16x125x80xi32, #tpu.memory_space<hbm>> -> memref<1x125x80xi32, #tpu.memory_space<hbm>>
      %dma_start3A_415 = tpu.memref_squeeze %dma_start3A_414 : memref<1x125x80xi32, #tpu.memory_space<hbm>> -> memref<125x80xi32, #tpu.memory_space<hbm>>
      tpu.enqueue_dma source(%dma_start3A_415 : memref<125x80xi32, #tpu.memory_space<hbm>>) target(%arg5 : memref<125x80xi32, #tpu.memory_space<vmem>>) target_semaphore(%run_scoped3A : memref<!tpu.dma_semaphore, #tpu.memory_space<semaphore_mem>>)
      %dma_wait3A_416 = arith.constant 0 : i32
      %dma_wait3A_417 = arith.constant 0 : i32
      %dma_wait3A_418 = tpu.memref_slice %arg3[%arg1, %dma_wait3A_416, %dma_wait3A_417] : memref<16x125x80xi32, #tpu.memory_space<hbm>> -> memref<1x125x80xi32, #tpu.memory_space<hbm>>
      %dma_wait3A_419 = tpu.memref_squeeze %dma_wait3A_418 : memref<1x125x80xi32, #tpu.memory_space<hbm>> -> memref<125x80xi32, #tpu.memory_space<hbm>>
      %dma_wait3A_420 = arith.constant 0 : i32
      %dma_wait3A_421 = arith.constant 0 : i32
      %dma_wait3A_422 = tpu.memref_slice %arg3[%arg1, %dma_wait3A_420, %dma_wait3A_421] : memref<16x125x80xi32, #tpu.memory_space<hbm>> -> memref<1x125x80xi32, #tpu.memory_space<hbm>>
      %dma_wait3A_423 = tpu.memref_squeeze %dma_wait3A_422 : memref<1x125x80xi32, #tpu.memory_space<hbm>> -> memref<125x80xi32, #tpu.memory_space<hbm>>
      tpu.wait_dma2 semaphore(%run_scoped3A : memref<!tpu.dma_semaphore, #tpu.memory_space<semaphore_mem>>) src(%dma_wait3A_423 : memref<125x80xi32, #tpu.memory_space<hbm>>) dst(%arg5 : memref<125x80xi32, #tpu.memory_space<vmem>>)
      tpu.yield
    }) : () -> ()
    %scan3A = arith.constant 0 : i32
    %scan3A_1 = arith.constant 0 : i32
    %scan3A_2 = arith.constant 80 : i32
    %scan3A_3 = arith.addi %scan3A_1, %scan3A_2 : i32
    %scan3A_4 = arith.constant 1 : i32
    scf.for %scan3A_408 = %scan3A_1 to %scan3A_3 step %scan3A_4  : i32 {
      %scan3A_409 = arith.constant 0 : i32
      %scan3A_410 = arith.constant 8 : i32
      %scan3A_411 = arith.addi %scan3A_409, %scan3A_410 : i32
      %scan3A_412 = arith.constant 1 : i32
      scf.for %scan3A_414 = %scan3A_409 to %scan3A_411 step %scan3A_412  : i32 {
        %broadcast_in_dim3A = arith.constant 0.000000e+00 : f32
        %broadcast_in_dim3A_415 = vector.broadcast %broadcast_in_dim3A : f32 to vector<16xf32>
        %mul3A_416 = arith.constant 16 : i32
        %mul3A_417 = arith.muli %scan3A_414, %mul3A_416 : i32
        %swap3A_418 = arith.index_cast %scan3A_408 : i32 to index
        %swap3A_419 = arith.index_cast %mul3A_417 : i32 to index
        %swap3A_420 = tpu.vector_load %arg12[%swap3A_418, %swap3A_419] {strides = array<i32>} : memref<80x128xf32, #tpu.memory_space<vmem>>, vector<1x16xf32>,
        %swap3A_421 = vector.shape_cast %swap3A_420 : vector<1x16xf32> to vector<16xf32>
        %swap3A_422 = vector.shape_cast %broadcast_in_dim3A_415 : vector<16xf32> to vector<1x16xf32>
        tpu.vector_store %arg12[%swap3A_418, %swap3A_419], %swap3A_422 {strides = array<i32>} : memref<80x128xf32, #tpu.memory_space<vmem>>, vector<1x16xf32>,
      }
      %scan3A_413 = arith.constant 8 : i32
    }
    %scan3A_5 = arith.constant 80 : i32
    %mul3A_6 = arith.constant 640 : i32
    %mul3A_7 = arith.muli %arg1, %mul3A_6 : i32
    %add3A = arith.constant 0 : i32
    %add3A_8 = arith.addi %mul3A_7, %add3A : i32
    "tpu.region"() ({
      %run_scoped3A = tpu.sem_alloc : memref<!tpu.dma_semaphore, #tpu.memory_space<semaphore_mem>>
      %dma_start3A_408 = arith.constant 0 : i32
      %dma_start3A_409 = tpu.memref_slice %arg15[%add3A_8, %dma_start3A_408] : memref<10240x128xf32, #tpu.memory_space<vmem_shared>> -> memref<80x128xf32, #tpu.memory_space<vmem_shared>>
      %dma_start3A_410 = arith.constant 0 : i32
      %dma_start3A_411 = tpu.memref_slice %arg15[%add3A_8, %dma_start3A_410] : memref<10240x128xf32, #tpu.memory_space<vmem_shared>> -> memref<80x128xf32, #tpu.memory_space<vmem_shared>>
      tpu.enqueue_dma source(%arg12 : memref<80x128xf32, #tpu.memory_space<vmem>>) target(%dma_start3A_411 : memref<80x128xf32, #tpu.memory_space<vmem_shared>>) target_semaphore(%run_scoped3A : memref<!tpu.dma_semaphore, #tpu.memory_space<semaphore_mem>>)
      %dma_wait3A_412 = arith.constant 0 : i32
      %dma_wait3A_413 = tpu.memref_slice %arg15[%add3A_8, %dma_wait3A_412] : memref<10240x128xf32, #tpu.memory_space<vmem_shared>> -> memref<80x128xf32, #tpu.memory_space<vmem_shared>>
      %dma_wait3A_414 = arith.constant 0 : i32
      %dma_wait3A_415 = tpu.memref_slice %arg15[%add3A_8, %dma_wait3A_414] : memref<10240x128xf32, #tpu.memory_space<vmem_shared>> -> memref<80x128xf32, #tpu.memory_space<vmem_shared>>
      tpu.wait_dma2 semaphore(%run_scoped3A : memref<!tpu.dma_semaphore, #tpu.memory_space<semaphore_mem>>) src(%arg12 : memref<80x128xf32, #tpu.memory_space<vmem>>) dst(%dma_wait3A_415 : memref<80x128xf32, #tpu.memory_space<vmem_shared>>)
      tpu.yield
    }) : () -> ()
    %mul3A_9 = arith.constant 640 : i32
    %mul3A_10 = arith.muli %arg1, %mul3A_9 : i32
    %add3A_11 = arith.constant 80 : i32
    %add3A_12 = arith.addi %mul3A_10, %add3A_11 : i32
    "tpu.region"() ({
      %run_scoped3A = tpu.sem_alloc : memref<!tpu.dma_semaphore, #tpu.memory_space<semaphore_mem>>
      %dma_start3A_408 = arith.constant 0 : i32
      %dma_start3A_409 = tpu.memref_slice %arg15[%add3A_12, %dma_start3A_408] : memref<10240x128xf32, #tpu.memory_space<vmem_shared>> -> memref<80x128xf32, #tpu.memory_space<vmem_shared>>
      %dma_start3A_410 = arith.constant 0 : i32
      %dma_start3A_411 = tpu.memref_slice %arg15[%add3A_12, %dma_start3A_410] : memref<10240x128xf32, #tpu.memory_space<vmem_shared>> -> memref<80x128xf32, #tpu.memory_space<vmem_shared>>
      tpu.enqueue_dma source(%arg12 : memref<80x128xf32, #tpu.memory_space<vmem>>) target(%dma_start3A_411 : memref<80x128xf32, #tpu.memory_space<vmem_shared>>) target_semaphore(%run_scoped3A : memref<!tpu.dma_semaphore, #tpu.memory_space<semaphore_mem>>)
      %dma_wait3A_412 = arith.constant 0 : i32
      %dma_wait3A_413 = tpu.memref_slice %arg15[%add3A_12, %dma_wait3A_412] : memref<10240x128xf32, #tpu.memory_space<vmem_shared>> -> memref<80x128xf32, #tpu.memory_space<vmem_shared>>
      %dma_wait3A_414 = arith.constant 0 : i32
      %dma_wait3A_415 = tpu.memref_slice %arg15[%add3A_12, %dma_wait3A_414] : memref<10240x128xf32, #tpu.memory_space<vmem_shared>> -> memref<80x128xf32, #tpu.memory_space<vmem_shared>>
      tpu.wait_dma2 semaphore(%run_scoped3A : memref<!tpu.dma_semaphore, #tpu.memory_space<semaphore_mem>>) src(%arg12 : memref<80x128xf32, #tpu.memory_space<vmem>>) dst(%dma_wait3A_415 : memref<80x128xf32, #tpu.memory_space<vmem_shared>>)
      tpu.yield
    }) : () -> ()
    %mul3A_13 = arith.constant 640 : i32
    %mul3A_14 = arith.muli %arg1, %mul3A_13 : i32
    %add3A_15 = arith.constant 160 : i32
    %add3A_16 = arith.addi %mul3A_14, %add3A_15 : i32
    "tpu.region"() ({
      %run_scoped3A = tpu.sem_alloc : memref<!tpu.dma_semaphore, #tpu.memory_space<semaphore_mem>>
      %dma_start3A_408 = arith.constant 0 : i32
      %dma_start3A_409 = tpu.memref_slice %arg15[%add3A_16, %dma_start3A_408] : memref<10240x128xf32, #tpu.memory_space<vmem_shared>> -> memref<80x128xf32, #tpu.memory_space<vmem_shared>>
      %dma_start3A_410 = arith.constant 0 : i32
      %dma_start3A_411 = tpu.memref_slice %arg15[%add3A_16, %dma_start3A_410] : memref<10240x128xf32, #tpu.memory_space<vmem_shared>> -> memref<80x128xf32, #tpu.memory_space<vmem_shared>>
      tpu.enqueue_dma source(%arg12 : memref<80x128xf32, #tpu.memory_space<vmem>>) target(%dma_start3A_411 : memref<80x128xf32, #tpu.memory_space<vmem_shared>>) target_semaphore(%run_scoped3A : memref<!tpu.dma_semaphore, #tpu.memory_space<semaphore_mem>>)
      %dma_wait3A_412 = arith.constant 0 : i32
      %dma_wait3A_413 = tpu.memref_slice %arg15[%add3A_16, %dma_wait3A_412] : memref<10240x128xf32, #tpu.memory_space<vmem_shared>> -> memref<80x128xf32, #tpu.memory_space<vmem_shared>>
      %dma_wait3A_414 = arith.constant 0 : i32
      %dma_wait3A_415 = tpu.memref_slice %arg15[%add3A_16, %dma_wait3A_414] : memref<10240x128xf32, #tpu.memory_space<vmem_shared>> -> memref<80x128xf32, #tpu.memory_space<vmem_shared>>
      tpu.wait_dma2 semaphore(%run_scoped3A : memref<!tpu.dma_semaphore, #tpu.memory_space<semaphore_mem>>) src(%arg12 : memref<80x128xf32, #tpu.memory_space<vmem>>) dst(%dma_wait3A_415 : memref<80x128xf32, #tpu.memory_space<vmem_shared>>)
      tpu.yield
    }) : () -> ()
    %mul3A_17 = arith.constant 640 : i32
    %mul3A_18 = arith.muli %arg1, %mul3A_17 : i32
    %add3A_19 = arith.constant 240 : i32
    %add3A_20 = arith.addi %mul3A_18, %add3A_19 : i32
    "tpu.region"() ({
      %run_scoped3A = tpu.sem_alloc : memref<!tpu.dma_semaphore, #tpu.memory_space<semaphore_mem>>
      %dma_start3A_408 = arith.constant 0 : i32
      %dma_start3A_409 = tpu.memref_slice %arg15[%add3A_20, %dma_start3A_408] : memref<10240x128xf32, #tpu.memory_space<vmem_shared>> -> memref<80x128xf32, #tpu.memory_space<vmem_shared>>
      %dma_start3A_410 = arith.constant 0 : i32
      %dma_start3A_411 = tpu.memref_slice %arg15[%add3A_20, %dma_start3A_410] : memref<10240x128xf32, #tpu.memory_space<vmem_shared>> -> memref<80x128xf32, #tpu.memory_space<vmem_shared>>
      tpu.enqueue_dma source(%arg12 : memref<80x128xf32, #tpu.memory_space<vmem>>) target(%dma_start3A_411 : memref<80x128xf32, #tpu.memory_space<vmem_shared>>) target_semaphore(%run_scoped3A : memref<!tpu.dma_semaphore, #tpu.memory_space<semaphore_mem>>)
      %dma_wait3A_412 = arith.constant 0 : i32
      %dma_wait3A_413 = tpu.memref_slice %arg15[%add3A_20, %dma_wait3A_412] : memref<10240x128xf32, #tpu.memory_space<vmem_shared>> -> memref<80x128xf32, #tpu.memory_space<vmem_shared>>
      %dma_wait3A_414 = arith.constant 0 : i32
      %dma_wait3A_415 = tpu.memref_slice %arg15[%add3A_20, %dma_wait3A_414] : memref<10240x128xf32, #tpu.memory_space<vmem_shared>> -> memref<80x128xf32, #tpu.memory_space<vmem_shared>>
      tpu.wait_dma2 semaphore(%run_scoped3A : memref<!tpu.dma_semaphore, #tpu.memory_space<semaphore_mem>>) src(%arg12 : memref<80x128xf32, #tpu.memory_space<vmem>>) dst(%dma_wait3A_415 : memref<80x128xf32, #tpu.memory_space<vmem_shared>>)
      tpu.yield
    }) : () -> ()
    %mul3A_21 = arith.constant 640 : i32
    %mul3A_22 = arith.muli %arg1, %mul3A_21 : i32
    %add3A_23 = arith.constant 320 : i32
    %add3A_24 = arith.addi %mul3A_22, %add3A_23 : i32
    "tpu.region"() ({
      %run_scoped3A = tpu.sem_alloc : memref<!tpu.dma_semaphore, #tpu.memory_space<semaphore_mem>>
      %dma_start3A_408 = arith.constant 0 : i32
      %dma_start3A_409 = tpu.memref_slice %arg15[%add3A_24, %dma_start3A_408] : memref<10240x128xf32, #tpu.memory_space<vmem_shared>> -> memref<80x128xf32, #tpu.memory_space<vmem_shared>>
      %dma_start3A_410 = arith.constant 0 : i32
      %dma_start3A_411 = tpu.memref_slice %arg15[%add3A_24, %dma_start3A_410] : memref<10240x128xf32, #tpu.memory_space<vmem_shared>> -> memref<80x128xf32, #tpu.memory_space<vmem_shared>>
      tpu.enqueue_dma source(%arg12 : memref<80x128xf32, #tpu.memory_space<vmem>>) target(%dma_start3A_411 : memref<80x128xf32, #tpu.memory_space<vmem_shared>>) target_semaphore(%run_scoped3A : memref<!tpu.dma_semaphore, #tpu.memory_space<semaphore_mem>>)
      %dma_wait3A_412 = arith.constant 0 : i32
      %dma_wait3A_413 = tpu.memref_slice %arg15[%add3A_24, %dma_wait3A_412] : memref<10240x128xf32, #tpu.memory_space<vmem_shared>> -> memref<80x128xf32, #tpu.memory_space<vmem_shared>>
      %dma_wait3A_414 = arith.constant 0 : i32
      %dma_wait3A_415 = tpu.memref_slice %arg15[%add3A_24, %dma_wait3A_414] : memref<10240x128xf32, #tpu.memory_space<vmem_shared>> -> memref<80x128xf32, #tpu.memory_space<vmem_shared>>
      tpu.wait_dma2 semaphore(%run_scoped3A : memref<!tpu.dma_semaphore, #tpu.memory_space<semaphore_mem>>) src(%arg12 : memref<80x128xf32, #tpu.memory_space<vmem>>) dst(%dma_wait3A_415 : memref<80x128xf32, #tpu.memory_space<vmem_shared>>)
      tpu.yield
    }) : () -> ()
    %mul3A_25 = arith.constant 640 : i32
    %mul3A_26 = arith.muli %arg1, %mul3A_25 : i32
    %add3A_27 = arith.constant 400 : i32
    %add3A_28 = arith.addi %mul3A_26, %add3A_27 : i32
    "tpu.region"() ({
      %run_scoped3A = tpu.sem_alloc : memref<!tpu.dma_semaphore, #tpu.memory_space<semaphore_mem>>
      %dma_start3A_408 = arith.constant 0 : i32
      %dma_start3A_409 = tpu.memref_slice %arg15[%add3A_28, %dma_start3A_408] : memref<10240x128xf32, #tpu.memory_space<vmem_shared>> -> memref<80x128xf32, #tpu.memory_space<vmem_shared>>
      %dma_start3A_410 = arith.constant 0 : i32
      %dma_start3A_411 = tpu.memref_slice %arg15[%add3A_28, %dma_start3A_410] : memref<10240x128xf32, #tpu.memory_space<vmem_shared>> -> memref<80x128xf32, #tpu.memory_space<vmem_shared>>
      tpu.enqueue_dma source(%arg12 : memref<80x128xf32, #tpu.memory_space<vmem>>) target(%dma_start3A_411 : memref<80x128xf32, #tpu.memory_space<vmem_shared>>) target_semaphore(%run_scoped3A : memref<!tpu.dma_semaphore, #tpu.memory_space<semaphore_mem>>)
      %dma_wait3A_412 = arith.constant 0 : i32
      %dma_wait3A_413 = tpu.memref_slice %arg15[%add3A_28, %dma_wait3A_412] : memref<10240x128xf32, #tpu.memory_space<vmem_shared>> -> memref<80x128xf32, #tpu.memory_space<vmem_shared>>
      %dma_wait3A_414 = arith.constant 0 : i32
      %dma_wait3A_415 = tpu.memref_slice %arg15[%add3A_28, %dma_wait3A_414] : memref<10240x128xf32, #tpu.memory_space<vmem_shared>> -> memref<80x128xf32, #tpu.memory_space<vmem_shared>>
      tpu.wait_dma2 semaphore(%run_scoped3A : memref<!tpu.dma_semaphore, #tpu.memory_space<semaphore_mem>>) src(%arg12 : memref<80x128xf32, #tpu.memory_space<vmem>>) dst(%dma_wait3A_415 : memref<80x128xf32, #tpu.memory_space<vmem_shared>>)
      tpu.yield
    }) : () -> ()
    %mul3A_29 = arith.constant 640 : i32
    %mul3A_30 = arith.muli %arg1, %mul3A_29 : i32
    %add3A_31 = arith.constant 480 : i32
    %add3A_32 = arith.addi %mul3A_30, %add3A_31 : i32
    "tpu.region"() ({
      %run_scoped3A = tpu.sem_alloc : memref<!tpu.dma_semaphore, #tpu.memory_space<semaphore_mem>>
      %dma_start3A_408 = arith.constant 0 : i32
      %dma_start3A_409 = tpu.memref_slice %arg15[%add3A_32, %dma_start3A_408] : memref<10240x128xf32, #tpu.memory_space<vmem_shared>> -> memref<80x128xf32, #tpu.memory_space<vmem_shared>>
      %dma_start3A_410 = arith.constant 0 : i32
      %dma_start3A_411 = tpu.memref_slice %arg15[%add3A_32, %dma_start3A_410] : memref<10240x128xf32, #tpu.memory_space<vmem_shared>> -> memref<80x128xf32, #tpu.memory_space<vmem_shared>>
      tpu.enqueue_dma source(%arg12 : memref<80x128xf32, #tpu.memory_space<vmem>>) target(%dma_start3A_411 : memref<80x128xf32, #tpu.memory_space<vmem_shared>>) target_semaphore(%run_scoped3A : memref<!tpu.dma_semaphore, #tpu.memory_space<semaphore_mem>>)
      %dma_wait3A_412 = arith.constant 0 : i32
      %dma_wait3A_413 = tpu.memref_slice %arg15[%add3A_32, %dma_wait3A_412] : memref<10240x128xf32, #tpu.memory_space<vmem_shared>> -> memref<80x128xf32, #tpu.memory_space<vmem_shared>>
      %dma_wait3A_414 = arith.constant 0 : i32
      %dma_wait3A_415 = tpu.memref_slice %arg15[%add3A_32, %dma_wait3A_414] : memref<10240x128xf32, #tpu.memory_space<vmem_shared>> -> memref<80x128xf32, #tpu.memory_space<vmem_shared>>
      tpu.wait_dma2 semaphore(%run_scoped3A : memref<!tpu.dma_semaphore, #tpu.memory_space<semaphore_mem>>) src(%arg12 : memref<80x128xf32, #tpu.memory_space<vmem>>) dst(%dma_wait3A_415 : memref<80x128xf32, #tpu.memory_space<vmem_shared>>)
      tpu.yield
    }) : () -> ()
    %mul3A_33 = arith.constant 640 : i32
    %mul3A_34 = arith.muli %arg1, %mul3A_33 : i32
    %add3A_35 = arith.constant 560 : i32
    %add3A_36 = arith.addi %mul3A_34, %add3A_35 : i32
    "tpu.region"() ({
      %run_scoped3A = tpu.sem_alloc : memref<!tpu.dma_semaphore, #tpu.memory_space<semaphore_mem>>
      %dma_start3A_408 = arith.constant 0 : i32
      %dma_start3A_409 = tpu.memref_slice %arg15[%add3A_36, %dma_start3A_408] : memref<10240x128xf32, #tpu.memory_space<vmem_shared>> -> memref<80x128xf32, #tpu.memory_space<vmem_shared>>
      %dma_start3A_410 = arith.constant 0 : i32
      %dma_start3A_411 = tpu.memref_slice %arg15[%add3A_36, %dma_start3A_410] : memref<10240x128xf32, #tpu.memory_space<vmem_shared>> -> memref<80x128xf32, #tpu.memory_space<vmem_shared>>
      tpu.enqueue_dma source(%arg12 : memref<80x128xf32, #tpu.memory_space<vmem>>) target(%dma_start3A_411 : memref<80x128xf32, #tpu.memory_space<vmem_shared>>) target_semaphore(%run_scoped3A : memref<!tpu.dma_semaphore, #tpu.memory_space<semaphore_mem>>)
      %dma_wait3A_412 = arith.constant 0 : i32
      %dma_wait3A_413 = tpu.memref_slice %arg15[%add3A_36, %dma_wait3A_412] : memref<10240x128xf32, #tpu.memory_space<vmem_shared>> -> memref<80x128xf32, #tpu.memory_space<vmem_shared>>
      %dma_wait3A_414 = arith.constant 0 : i32
      %dma_wait3A_415 = tpu.memref_slice %arg15[%add3A_36, %dma_wait3A_414] : memref<10240x128xf32, #tpu.memory_space<vmem_shared>> -> memref<80x128xf32, #tpu.memory_space<vmem_shared>>
      tpu.wait_dma2 semaphore(%run_scoped3A : memref<!tpu.dma_semaphore, #tpu.memory_space<semaphore_mem>>) src(%arg12 : memref<80x128xf32, #tpu.memory_space<vmem>>) dst(%dma_wait3A_415 : memref<80x128xf32, #tpu.memory_space<vmem_shared>>)
      tpu.yield
    }) : () -> ()
    %get3A = arith.constant 0 : i32
    %get3A_37 = arith.index_cast %get3A : i32 to index
    %get3A_38 = arith.constant 0 : index
    %get3A_39 = tpu.vector_load %arg5[%get3A_37, %get3A_38] {strides = array<i32>} : memref<125x80xi32, #tpu.memory_space<vmem>>, vector<1x16xi32>,
    %get3A_40 = vector.shape_cast %get3A_39 : vector<1x16xi32> to vector<16xi32>
    %and3A = arith.constant 65535 : i32
    %and3A_41 = vector.broadcast %and3A : i32 to vector<16xi32>
    %and3A_42 = arith.andi %get3A_40, %and3A_41 : vector<16xi32>
    %add3A_43 = vector.broadcast %mul3A_0 : i32 to vector<16xi32>
    %add3A_44 = arith.addi %and3A_42, %add3A_43 : vector<16xi32>
    %swap3A = arith.constant 0 : index
    %swap3A_45 = tpu.vector_load %arg6[%swap3A] {strides = array<i32>} : memref<80xi32, #tpu.memory_space<vmem>>, vector<16xi32>,
    %swap3A_46 = vector.shape_cast %swap3A_45 : vector<16xi32> to vector<16xi32>
    %swap3A_47 = vector.shape_cast %add3A_44 : vector<16xi32> to vector<16xi32>
    tpu.vector_store %arg6[%swap3A], %swap3A_47 {strides = array<i32>} : memref<80xi32, #tpu.memory_space<vmem>>, vector<16xi32>,
    %shift_right_logical3A = arith.constant 16 : i32
    %shift_right_logical3A_48 = vector.broadcast %shift_right_logical3A : i32 to vector<16xi32>
    %shift_right_logical3A_49 = arith.shrui %get3A_40, %shift_right_logical3A_48 : vector<16xi32>
    %swap3A_50 = arith.constant 0 : index
    %swap3A_51 = tpu.vector_load %arg9[%swap3A_50] {strides = array<i32>} : memref<80xi32, #tpu.memory_space<vmem>>, vector<16xi32>,
    %swap3A_52 = vector.shape_cast %swap3A_51 : vector<16xi32> to vector<16xi32>
    %swap3A_53 = vector.shape_cast %shift_right_logical3A_49 : vector<16xi32> to vector<16xi32>
    tpu.vector_store %arg9[%swap3A_50], %swap3A_53 {strides = array<i32>} : memref<80xi32, #tpu.memory_space<vmem>>, vector<16xi32>,
    %get3A_54 = arith.constant 0 : i32
    %get3A_55 = arith.index_cast %get3A_54 : i32 to index
    %get3A_56 = arith.constant 16 : index
    %get3A_57 = tpu.vector_load %arg5[%get3A_55, %get3A_56] {strides = array<i32>} : memref<125x80xi32, #tpu.memory_space<vmem>>, vector<1x16xi32>,
    %get3A_58 = vector.shape_cast %get3A_57 : vector<1x16xi32> to vector<16xi32>
    %and3A_59 = arith.constant 65535 : i32
    %and3A_60 = vector.broadcast %and3A_59 : i32 to vector<16xi32>
    %and3A_61 = arith.andi %get3A_58, %and3A_60 : vector<16xi32>
    %add3A_62 = vector.broadcast %mul3A_0 : i32 to vector<16xi32>
    %add3A_63 = arith.addi %and3A_61, %add3A_62 : vector<16xi32>
    %swap3A_64 = arith.constant 16 : index
    %swap3A_65 = tpu.vector_load %arg6[%swap3A_64] {strides = array<i32>} : memref<80xi32, #tpu.memory_space<vmem>>, vector<16xi32>,
    %swap3A_66 = vector.shape_cast %swap3A_65 : vector<16xi32> to vector<16xi32>
    %swap3A_67 = vector.shape_cast %add3A_63 : vector<16xi32> to vector<16xi32>
    tpu.vector_store %arg6[%swap3A_64], %swap3A_67 {strides = array<i32>} : memref<80xi32, #tpu.memory_space<vmem>>, vector<16xi32>,
    %shift_right_logical3A_68 = arith.constant 16 : i32
    %shift_right_logical3A_69 = vector.broadcast %shift_right_logical3A_68 : i32 to vector<16xi32>
    %shift_right_logical3A_70 = arith.shrui %get3A_58, %shift_right_logical3A_69 : vector<16xi32>
    %swap3A_71 = arith.constant 16 : index
    %swap3A_72 = tpu.vector_load %arg9[%swap3A_71] {strides = array<i32>} : memref<80xi32, #tpu.memory_space<vmem>>, vector<16xi32>,
    %swap3A_73 = vector.shape_cast %swap3A_72 : vector<16xi32> to vector<16xi32>
    %swap3A_74 = vector.shape_cast %shift_right_logical3A_70 : vector<16xi32> to vector<16xi32>
    tpu.vector_store %arg9[%swap3A_71], %swap3A_74 {strides = array<i32>} : memref<80xi32, #tpu.memory_space<vmem>>, vector<16xi32>,
    %get3A_75 = arith.constant 0 : i32
    %get3A_76 = arith.index_cast %get3A_75 : i32 to index
    %get3A_77 = arith.constant 32 : index
    %get3A_78 = tpu.vector_load %arg5[%get3A_76, %get3A_77] {strides = array<i32>} : memref<125x80xi32, #tpu.memory_space<vmem>>, vector<1x16xi32>,
    %get3A_79 = vector.shape_cast %get3A_78 : vector<1x16xi32> to vector<16xi32>
    %and3A_80 = arith.constant 65535 : i32
    %and3A_81 = vector.broadcast %and3A_80 : i32 to vector<16xi32>
    %and3A_82 = arith.andi %get3A_79, %and3A_81 : vector<16xi32>
    %add3A_83 = vector.broadcast %mul3A_0 : i32 to vector<16xi32>
    %add3A_84 = arith.addi %and3A_82, %add3A_83 : vector<16xi32>
    %swap3A_85 = arith.constant 32 : index
    %swap3A_86 = tpu.vector_load %arg6[%swap3A_85] {strides = array<i32>} : memref<80xi32, #tpu.memory_space<vmem>>, vector<16xi32>,
    %swap3A_87 = vector.shape_cast %swap3A_86 : vector<16xi32> to vector<16xi32>
    %swap3A_88 = vector.shape_cast %add3A_84 : vector<16xi32> to vector<16xi32>
    tpu.vector_store %arg6[%swap3A_85], %swap3A_88 {strides = array<i32>} : memref<80xi32, #tpu.memory_space<vmem>>, vector<16xi32>,
    %shift_right_logical3A_89 = arith.constant 16 : i32
    %shift_right_logical3A_90 = vector.broadcast %shift_right_logical3A_89 : i32 to vector<16xi32>
    %shift_right_logical3A_91 = arith.shrui %get3A_79, %shift_right_logical3A_90 : vector<16xi32>
    %swap3A_92 = arith.constant 32 : index
    %swap3A_93 = tpu.vector_load %arg9[%swap3A_92] {strides = array<i32>} : memref<80xi32, #tpu.memory_space<vmem>>, vector<16xi32>,
    %swap3A_94 = vector.shape_cast %swap3A_93 : vector<16xi32> to vector<16xi32>
    %swap3A_95 = vector.shape_cast %shift_right_logical3A_91 : vector<16xi32> to vector<16xi32>
    tpu.vector_store %arg9[%swap3A_92], %swap3A_95 {strides = array<i32>} : memref<80xi32, #tpu.memory_space<vmem>>, vector<16xi32>,
    %get3A_96 = arith.constant 0 : i32
    %get3A_97 = arith.index_cast %get3A_96 : i32 to index
    %get3A_98 = arith.constant 48 : index
    %get3A_99 = tpu.vector_load %arg5[%get3A_97, %get3A_98] {strides = array<i32>} : memref<125x80xi32, #tpu.memory_space<vmem>>, vector<1x16xi32>,
    %get3A_100 = vector.shape_cast %get3A_99 : vector<1x16xi32> to vector<16xi32>
    %and3A_101 = arith.constant 65535 : i32
    %and3A_102 = vector.broadcast %and3A_101 : i32 to vector<16xi32>
    %and3A_103 = arith.andi %get3A_100, %and3A_102 : vector<16xi32>
    %add3A_104 = vector.broadcast %mul3A_0 : i32 to vector<16xi32>
    %add3A_105 = arith.addi %and3A_103, %add3A_104 : vector<16xi32>
    %swap3A_106 = arith.constant 48 : index
    %swap3A_107 = tpu.vector_load %arg6[%swap3A_106] {strides = array<i32>} : memref<80xi32, #tpu.memory_space<vmem>>, vector<16xi32>,
    %swap3A_108 = vector.shape_cast %swap3A_107 : vector<16xi32> to vector<16xi32>
    %swap3A_109 = vector.shape_cast %add3A_105 : vector<16xi32> to vector<16xi32>
    tpu.vector_store %arg6[%swap3A_106], %swap3A_109 {strides = array<i32>} : memref<80xi32, #tpu.memory_space<vmem>>, vector<16xi32>,
    %shift_right_logical3A_110 = arith.constant 16 : i32
    %shift_right_logical3A_111 = vector.broadcast %shift_right_logical3A_110 : i32 to vector<16xi32>
    %shift_right_logical3A_112 = arith.shrui %get3A_100, %shift_right_logical3A_111 : vector<16xi32>
    %swap3A_113 = arith.constant 48 : index
    %swap3A_114 = tpu.vector_load %arg9[%swap3A_113] {strides = array<i32>} : memref<80xi32, #tpu.memory_space<vmem>>, vector<16xi32>,
    %swap3A_115 = vector.shape_cast %swap3A_114 : vector<16xi32> to vector<16xi32>
    %swap3A_116 = vector.shape_cast %shift_right_logical3A_112 : vector<16xi32> to vector<16xi32>
    tpu.vector_store %arg9[%swap3A_113], %swap3A_116 {strides = array<i32>} : memref<80xi32, #tpu.memory_space<vmem>>, vector<16xi32>,
    %get3A_117 = arith.constant 0 : i32
    %get3A_118 = arith.index_cast %get3A_117 : i32 to index
    %get3A_119 = arith.constant 64 : index
    %get3A_120 = tpu.vector_load %arg5[%get3A_118, %get3A_119] {strides = array<i32>} : memref<125x80xi32, #tpu.memory_space<vmem>>, vector<1x16xi32>,
    %get3A_121 = vector.shape_cast %get3A_120 : vector<1x16xi32> to vector<16xi32>
    %and3A_122 = arith.constant 65535 : i32
    %and3A_123 = vector.broadcast %and3A_122 : i32 to vector<16xi32>
    %and3A_124 = arith.andi %get3A_121, %and3A_123 : vector<16xi32>
    %add3A_125 = vector.broadcast %mul3A_0 : i32 to vector<16xi32>
    %add3A_126 = arith.addi %and3A_124, %add3A_125 : vector<16xi32>
    %swap3A_127 = arith.constant 64 : index
    %swap3A_128 = tpu.vector_load %arg6[%swap3A_127] {strides = array<i32>} : memref<80xi32, #tpu.memory_space<vmem>>, vector<16xi32>,
    %swap3A_129 = vector.shape_cast %swap3A_128 : vector<16xi32> to vector<16xi32>
    %swap3A_130 = vector.shape_cast %add3A_126 : vector<16xi32> to vector<16xi32>
    tpu.vector_store %arg6[%swap3A_127], %swap3A_130 {strides = array<i32>} : memref<80xi32, #tpu.memory_space<vmem>>, vector<16xi32>,
    %shift_right_logical3A_131 = arith.constant 16 : i32
    %shift_right_logical3A_132 = vector.broadcast %shift_right_logical3A_131 : i32 to vector<16xi32>
    %shift_right_logical3A_133 = arith.shrui %get3A_121, %shift_right_logical3A_132 : vector<16xi32>
    %swap3A_134 = arith.constant 64 : index
    %swap3A_135 = tpu.vector_load %arg9[%swap3A_134] {strides = array<i32>} : memref<80xi32, #tpu.memory_space<vmem>>, vector<16xi32>,
    %swap3A_136 = vector.shape_cast %swap3A_135 : vector<16xi32> to vector<16xi32>
    %swap3A_137 = vector.shape_cast %shift_right_logical3A_133 : vector<16xi32> to vector<16xi32>
    tpu.vector_store %arg9[%swap3A_134], %swap3A_137 {strides = array<i32>} : memref<80xi32, #tpu.memory_space<vmem>>, vector<16xi32>,
    %dma_start3A = arith.constant 0 : i32
    %dma_start3A_138 = arith.constant 0 : i32
    %dma_start3A_139 = tpu.memref_slice %arg2[%dma_start3A, %dma_start3A_138] : memref<20480x128xf32, #tpu.memory_space<hbm>> -> memref<20480x128xf32, #tpu.memory_space<hbm>>
    tpu.enqueue_indirect_dma source(%dma_start3A_139 : memref<20480x128xf32, #tpu.memory_space<hbm>>) target(%arg12 : memref<80x128xf32, #tpu.memory_space<vmem>>) offsets(%arg6 : memref<80xi32, #tpu.memory_space<vmem>>) semaphore(%arg16 : memref<!tpu.dma_semaphore, #tpu.memory_space<semaphore_mem>>)
    %get3A_140 = arith.constant 1 : i32
    %get3A_141 = arith.index_cast %get3A_140 : i32 to index
    %get3A_142 = arith.constant 0 : index
    %get3A_143 = tpu.vector_load %arg5[%get3A_141, %get3A_142] {strides = array<i32>} : memref<125x80xi32, #tpu.memory_space<vmem>>, vector<1x16xi32>,
    %get3A_144 = vector.shape_cast %get3A_143 : vector<1x16xi32> to vector<16xi32>
    %and3A_145 = arith.constant 65535 : i32
    %and3A_146 = vector.broadcast %and3A_145 : i32 to vector<16xi32>
    %and3A_147 = arith.andi %get3A_144, %and3A_146 : vector<16xi32>
    %add3A_148 = vector.broadcast %mul3A_0 : i32 to vector<16xi32>
    %add3A_149 = arith.addi %and3A_147, %add3A_148 : vector<16xi32>
    %swap3A_150 = arith.constant 0 : index
    %swap3A_151 = tpu.vector_load %arg7[%swap3A_150] {strides = array<i32>} : memref<80xi32, #tpu.memory_space<vmem>>, vector<16xi32>,
    %swap3A_152 = vector.shape_cast %swap3A_151 : vector<16xi32> to vector<16xi32>
    %swap3A_153 = vector.shape_cast %add3A_149 : vector<16xi32> to vector<16xi32>
    tpu.vector_store %arg7[%swap3A_150], %swap3A_153 {strides = array<i32>} : memref<80xi32, #tpu.memory_space<vmem>>, vector<16xi32>,
    %shift_right_logical3A_154 = arith.constant 16 : i32
    %shift_right_logical3A_155 = vector.broadcast %shift_right_logical3A_154 : i32 to vector<16xi32>
    %shift_right_logical3A_156 = arith.shrui %get3A_144, %shift_right_logical3A_155 : vector<16xi32>
    %swap3A_157 = arith.constant 0 : index
    %swap3A_158 = tpu.vector_load %arg10[%swap3A_157] {strides = array<i32>} : memref<80xi32, #tpu.memory_space<vmem>>, vector<16xi32>,
    %swap3A_159 = vector.shape_cast %swap3A_158 : vector<16xi32> to vector<16xi32>
    %swap3A_160 = vector.shape_cast %shift_right_logical3A_156 : vector<16xi32> to vector<16xi32>
    tpu.vector_store %arg10[%swap3A_157], %swap3A_160 {strides = array<i32>} : memref<80xi32, #tpu.memory_space<vmem>>, vector<16xi32>,
    %get3A_161 = arith.constant 1 : i32
    %get3A_162 = arith.index_cast %get3A_161 : i32 to index
    %get3A_163 = arith.constant 16 : index
    %get3A_164 = tpu.vector_load %arg5[%get3A_162, %get3A_163] {strides = array<i32>} : memref<125x80xi32, #tpu.memory_space<vmem>>, vector<1x16xi32>,
    %get3A_165 = vector.shape_cast %get3A_164 : vector<1x16xi32> to vector<16xi32>
    %and3A_166 = arith.constant 65535 : i32
    %and3A_167 = vector.broadcast %and3A_166 : i32 to vector<16xi32>
    %and3A_168 = arith.andi %get3A_165, %and3A_167 : vector<16xi32>
    %add3A_169 = vector.broadcast %mul3A_0 : i32 to vector<16xi32>
    %add3A_170 = arith.addi %and3A_168, %add3A_169 : vector<16xi32>
    %swap3A_171 = arith.constant 16 : index
    %swap3A_172 = tpu.vector_load %arg7[%swap3A_171] {strides = array<i32>} : memref<80xi32, #tpu.memory_space<vmem>>, vector<16xi32>,
    %swap3A_173 = vector.shape_cast %swap3A_172 : vector<16xi32> to vector<16xi32>
    %swap3A_174 = vector.shape_cast %add3A_170 : vector<16xi32> to vector<16xi32>
    tpu.vector_store %arg7[%swap3A_171], %swap3A_174 {strides = array<i32>} : memref<80xi32, #tpu.memory_space<vmem>>, vector<16xi32>,
    %shift_right_logical3A_175 = arith.constant 16 : i32
    %shift_right_logical3A_176 = vector.broadcast %shift_right_logical3A_175 : i32 to vector<16xi32>
    %shift_right_logical3A_177 = arith.shrui %get3A_165, %shift_right_logical3A_176 : vector<16xi32>
    %swap3A_178 = arith.constant 16 : index
    %swap3A_179 = tpu.vector_load %arg10[%swap3A_178] {strides = array<i32>} : memref<80xi32, #tpu.memory_space<vmem>>, vector<16xi32>,
    %swap3A_180 = vector.shape_cast %swap3A_179 : vector<16xi32> to vector<16xi32>
    %swap3A_181 = vector.shape_cast %shift_right_logical3A_177 : vector<16xi32> to vector<16xi32>
    tpu.vector_store %arg10[%swap3A_178], %swap3A_181 {strides = array<i32>} : memref<80xi32, #tpu.memory_space<vmem>>, vector<16xi32>,
    %get3A_182 = arith.constant 1 : i32
    %get3A_183 = arith.index_cast %get3A_182 : i32 to index
    %get3A_184 = arith.constant 32 : index
    %get3A_185 = tpu.vector_load %arg5[%get3A_183, %get3A_184] {strides = array<i32>} : memref<125x80xi32, #tpu.memory_space<vmem>>, vector<1x16xi32>,
    %get3A_186 = vector.shape_cast %get3A_185 : vector<1x16xi32> to vector<16xi32>
    %and3A_187 = arith.constant 65535 : i32
    %and3A_188 = vector.broadcast %and3A_187 : i32 to vector<16xi32>
    %and3A_189 = arith.andi %get3A_186, %and3A_188 : vector<16xi32>
    %add3A_190 = vector.broadcast %mul3A_0 : i32 to vector<16xi32>
    %add3A_191 = arith.addi %and3A_189, %add3A_190 : vector<16xi32>
    %swap3A_192 = arith.constant 32 : index
    %swap3A_193 = tpu.vector_load %arg7[%swap3A_192] {strides = array<i32>} : memref<80xi32, #tpu.memory_space<vmem>>, vector<16xi32>,
    %swap3A_194 = vector.shape_cast %swap3A_193 : vector<16xi32> to vector<16xi32>
    %swap3A_195 = vector.shape_cast %add3A_191 : vector<16xi32> to vector<16xi32>
    tpu.vector_store %arg7[%swap3A_192], %swap3A_195 {strides = array<i32>} : memref<80xi32, #tpu.memory_space<vmem>>, vector<16xi32>,
    %shift_right_logical3A_196 = arith.constant 16 : i32
    %shift_right_logical3A_197 = vector.broadcast %shift_right_logical3A_196 : i32 to vector<16xi32>
    %shift_right_logical3A_198 = arith.shrui %get3A_186, %shift_right_logical3A_197 : vector<16xi32>
    %swap3A_199 = arith.constant 32 : index
    %swap3A_200 = tpu.vector_load %arg10[%swap3A_199] {strides = array<i32>} : memref<80xi32, #tpu.memory_space<vmem>>, vector<16xi32>,
    %swap3A_201 = vector.shape_cast %swap3A_200 : vector<16xi32> to vector<16xi32>
    %swap3A_202 = vector.shape_cast %shift_right_logical3A_198 : vector<16xi32> to vector<16xi32>
    tpu.vector_store %arg10[%swap3A_199], %swap3A_202 {strides = array<i32>} : memref<80xi32, #tpu.memory_space<vmem>>, vector<16xi32>,
    %get3A_203 = arith.constant 1 : i32
    %get3A_204 = arith.index_cast %get3A_203 : i32 to index
    %get3A_205 = arith.constant 48 : index
    %get3A_206 = tpu.vector_load %arg5[%get3A_204, %get3A_205] {strides = array<i32>} : memref<125x80xi32, #tpu.memory_space<vmem>>, vector<1x16xi32>,
    %get3A_207 = vector.shape_cast %get3A_206 : vector<1x16xi32> to vector<16xi32>
    %and3A_208 = arith.constant 65535 : i32
    %and3A_209 = vector.broadcast %and3A_208 : i32 to vector<16xi32>
    %and3A_210 = arith.andi %get3A_207, %and3A_209 : vector<16xi32>
    %add3A_211 = vector.broadcast %mul3A_0 : i32 to vector<16xi32>
    %add3A_212 = arith.addi %and3A_210, %add3A_211 : vector<16xi32>
    %swap3A_213 = arith.constant 48 : index
    %swap3A_214 = tpu.vector_load %arg7[%swap3A_213] {strides = array<i32>} : memref<80xi32, #tpu.memory_space<vmem>>, vector<16xi32>,
    %swap3A_215 = vector.shape_cast %swap3A_214 : vector<16xi32> to vector<16xi32>
    %swap3A_216 = vector.shape_cast %add3A_212 : vector<16xi32> to vector<16xi32>
    tpu.vector_store %arg7[%swap3A_213], %swap3A_216 {strides = array<i32>} : memref<80xi32, #tpu.memory_space<vmem>>, vector<16xi32>,
    %shift_right_logical3A_217 = arith.constant 16 : i32
    %shift_right_logical3A_218 = vector.broadcast %shift_right_logical3A_217 : i32 to vector<16xi32>
    %shift_right_logical3A_219 = arith.shrui %get3A_207, %shift_right_logical3A_218 : vector<16xi32>
    %swap3A_220 = arith.constant 48 : index
    %swap3A_221 = tpu.vector_load %arg10[%swap3A_220] {strides = array<i32>} : memref<80xi32, #tpu.memory_space<vmem>>, vector<16xi32>,
    %swap3A_222 = vector.shape_cast %swap3A_221 : vector<16xi32> to vector<16xi32>
    %swap3A_223 = vector.shape_cast %shift_right_logical3A_219 : vector<16xi32> to vector<16xi32>
    tpu.vector_store %arg10[%swap3A_220], %swap3A_223 {strides = array<i32>} : memref<80xi32, #tpu.memory_space<vmem>>, vector<16xi32>,
    %get3A_224 = arith.constant 1 : i32
    %get3A_225 = arith.index_cast %get3A_224 : i32 to index
    %get3A_226 = arith.constant 64 : index
    %get3A_227 = tpu.vector_load %arg5[%get3A_225, %get3A_226] {strides = array<i32>} : memref<125x80xi32, #tpu.memory_space<vmem>>, vector<1x16xi32>,
    %get3A_228 = vector.shape_cast %get3A_227 : vector<1x16xi32> to vector<16xi32>
    %and3A_229 = arith.constant 65535 : i32
    %and3A_230 = vector.broadcast %and3A_229 : i32 to vector<16xi32>
    %and3A_231 = arith.andi %get3A_228, %and3A_230 : vector<16xi32>
    %add3A_232 = vector.broadcast %mul3A_0 : i32 to vector<16xi32>
    %add3A_233 = arith.addi %and3A_231, %add3A_232 : vector<16xi32>
    %swap3A_234 = arith.constant 64 : index
    %swap3A_235 = tpu.vector_load %arg7[%swap3A_234] {strides = array<i32>} : memref<80xi32, #tpu.memory_space<vmem>>, vector<16xi32>,
    %swap3A_236 = vector.shape_cast %swap3A_235 : vector<16xi32> to vector<16xi32>
    %swap3A_237 = vector.shape_cast %add3A_233 : vector<16xi32> to vector<16xi32>
    tpu.vector_store %arg7[%swap3A_234], %swap3A_237 {strides = array<i32>} : memref<80xi32, #tpu.memory_space<vmem>>, vector<16xi32>,
    %shift_right_logical3A_238 = arith.constant 16 : i32
    %shift_right_logical3A_239 = vector.broadcast %shift_right_logical3A_238 : i32 to vector<16xi32>
    %shift_right_logical3A_240 = arith.shrui %get3A_228, %shift_right_logical3A_239 : vector<16xi32>
    %swap3A_241 = arith.constant 64 : index
    %swap3A_242 = tpu.vector_load %arg10[%swap3A_241] {strides = array<i32>} : memref<80xi32, #tpu.memory_space<vmem>>, vector<16xi32>,
    %swap3A_243 = vector.shape_cast %swap3A_242 : vector<16xi32> to vector<16xi32>
    %swap3A_244 = vector.shape_cast %shift_right_logical3A_240 : vector<16xi32> to vector<16xi32>
    tpu.vector_store %arg10[%swap3A_241], %swap3A_244 {strides = array<i32>} : memref<80xi32, #tpu.memory_space<vmem>>, vector<16xi32>,
    %dma_start3A_245 = arith.constant 0 : i32
    %dma_start3A_246 = arith.constant 0 : i32
    %dma_start3A_247 = tpu.memref_slice %arg2[%dma_start3A_245, %dma_start3A_246] : memref<20480x128xf32, #tpu.memory_space<hbm>> -> memref<20480x128xf32, #tpu.memory_space<hbm>>
    tpu.enqueue_indirect_dma source(%dma_start3A_247 : memref<20480x128xf32, #tpu.memory_space<hbm>>) target(%arg13 : memref<80x128xf32, #tpu.memory_space<vmem>>) offsets(%arg7 : memref<80xi32, #tpu.memory_space<vmem>>) semaphore(%arg17 : memref<!tpu.dma_semaphore, #tpu.memory_space<semaphore_mem>>)
    %get3A_248 = arith.constant 2 : i32
    %get3A_249 = arith.index_cast %get3A_248 : i32 to index
    %get3A_250 = arith.constant 0 : index
    %get3A_251 = tpu.vector_load %arg5[%get3A_249, %get3A_250] {strides = array<i32>} : memref<125x80xi32, #tpu.memory_space<vmem>>, vector<1x16xi32>,
    %get3A_252 = vector.shape_cast %get3A_251 : vector<1x16xi32> to vector<16xi32>
    %and3A_253 = arith.constant 65535 : i32
    %and3A_254 = vector.broadcast %and3A_253 : i32 to vector<16xi32>
    %and3A_255 = arith.andi %get3A_252, %and3A_254 : vector<16xi32>
    %add3A_256 = vector.broadcast %mul3A_0 : i32 to vector<16xi32>
    %add3A_257 = arith.addi %and3A_255, %add3A_256 : vector<16xi32>
    %swap3A_258 = arith.constant 0 : index
    %swap3A_259 = tpu.vector_load %arg8[%swap3A_258] {strides = array<i32>} : memref<80xi32, #tpu.memory_space<vmem>>, vector<16xi32>,
    %swap3A_260 = vector.shape_cast %swap3A_259 : vector<16xi32> to vector<16xi32>
    %swap3A_261 = vector.shape_cast %add3A_257 : vector<16xi32> to vector<16xi32>
    tpu.vector_store %arg8[%swap3A_258], %swap3A_261 {strides = array<i32>} : memref<80xi32, #tpu.memory_space<vmem>>, vector<16xi32>,
    %shift_right_logical3A_262 = arith.constant 16 : i32
    %shift_right_logical3A_263 = vector.broadcast %shift_right_logical3A_262 : i32 to vector<16xi32>
    %shift_right_logical3A_264 = arith.shrui %get3A_252, %shift_right_logical3A_263 : vector<16xi32>
    %swap3A_265 = arith.constant 0 : index
    %swap3A_266 = tpu.vector_load %arg11[%swap3A_265] {strides = array<i32>} : memref<80xi32, #tpu.memory_space<vmem>>, vector<16xi32>,
    %swap3A_267 = vector.shape_cast %swap3A_266 : vector<16xi32> to vector<16xi32>
    %swap3A_268 = vector.shape_cast %shift_right_logical3A_264 : vector<16xi32> to vector<16xi32>
    tpu.vector_store %arg11[%swap3A_265], %swap3A_268 {strides = array<i32>} : memref<80xi32, #tpu.memory_space<vmem>>, vector<16xi32>,
    %get3A_269 = arith.constant 2 : i32
    %get3A_270 = arith.index_cast %get3A_269 : i32 to index
    %get3A_271 = arith.constant 16 : index
    %get3A_272 = tpu.vector_load %arg5[%get3A_270, %get3A_271] {strides = array<i32>} : memref<125x80xi32, #tpu.memory_space<vmem>>, vector<1x16xi32>,
    %get3A_273 = vector.shape_cast %get3A_272 : vector<1x16xi32> to vector<16xi32>
    %and3A_274 = arith.constant 65535 : i32
    %and3A_275 = vector.broadcast %and3A_274 : i32 to vector<16xi32>
    %and3A_276 = arith.andi %get3A_273, %and3A_275 : vector<16xi32>
    %add3A_277 = vector.broadcast %mul3A_0 : i32 to vector<16xi32>
    %add3A_278 = arith.addi %and3A_276, %add3A_277 : vector<16xi32>
    %swap3A_279 = arith.constant 16 : index
    %swap3A_280 = tpu.vector_load %arg8[%swap3A_279] {strides = array<i32>} : memref<80xi32, #tpu.memory_space<vmem>>, vector<16xi32>,
    %swap3A_281 = vector.shape_cast %swap3A_280 : vector<16xi32> to vector<16xi32>
    %swap3A_282 = vector.shape_cast %add3A_278 : vector<16xi32> to vector<16xi32>
    tpu.vector_store %arg8[%swap3A_279], %swap3A_282 {strides = array<i32>} : memref<80xi32, #tpu.memory_space<vmem>>, vector<16xi32>,
    %shift_right_logical3A_283 = arith.constant 16 : i32
    %shift_right_logical3A_284 = vector.broadcast %shift_right_logical3A_283 : i32 to vector<16xi32>
    %shift_right_logical3A_285 = arith.shrui %get3A_273, %shift_right_logical3A_284 : vector<16xi32>
    %swap3A_286 = arith.constant 16 : index
    %swap3A_287 = tpu.vector_load %arg11[%swap3A_286] {strides = array<i32>} : memref<80xi32, #tpu.memory_space<vmem>>, vector<16xi32>,
    %swap3A_288 = vector.shape_cast %swap3A_287 : vector<16xi32> to vector<16xi32>
    %swap3A_289 = vector.shape_cast %shift_right_logical3A_285 : vector<16xi32> to vector<16xi32>
    tpu.vector_store %arg11[%swap3A_286], %swap3A_289 {strides = array<i32>} : memref<80xi32, #tpu.memory_space<vmem>>, vector<16xi32>,
    %get3A_290 = arith.constant 2 : i32
    %get3A_291 = arith.index_cast %get3A_290 : i32 to index
    %get3A_292 = arith.constant 32 : index
    %get3A_293 = tpu.vector_load %arg5[%get3A_291, %get3A_292] {strides = array<i32>} : memref<125x80xi32, #tpu.memory_space<vmem>>, vector<1x16xi32>,
    %get3A_294 = vector.shape_cast %get3A_293 : vector<1x16xi32> to vector<16xi32>
    %and3A_295 = arith.constant 65535 : i32
    %and3A_296 = vector.broadcast %and3A_295 : i32 to vector<16xi32>
    %and3A_297 = arith.andi %get3A_294, %and3A_296 : vector<16xi32>
    %add3A_298 = vector.broadcast %mul3A_0 : i32 to vector<16xi32>
    %add3A_299 = arith.addi %and3A_297, %add3A_298 : vector<16xi32>
    %swap3A_300 = arith.constant 32 : index
    %swap3A_301 = tpu.vector_load %arg8[%swap3A_300] {strides = array<i32>} : memref<80xi32, #tpu.memory_space<vmem>>, vector<16xi32>,
    %swap3A_302 = vector.shape_cast %swap3A_301 : vector<16xi32> to vector<16xi32>
    %swap3A_303 = vector.shape_cast %add3A_299 : vector<16xi32> to vector<16xi32>
    tpu.vector_store %arg8[%swap3A_300], %swap3A_303 {strides = array<i32>} : memref<80xi32, #tpu.memory_space<vmem>>, vector<16xi32>,
    %shift_right_logical3A_304 = arith.constant 16 : i32
    %shift_right_logical3A_305 = vector.broadcast %shift_right_logical3A_304 : i32 to vector<16xi32>
    %shift_right_logical3A_306 = arith.shrui %get3A_294, %shift_right_logical3A_305 : vector<16xi32>
    %swap3A_307 = arith.constant 32 : index
    %swap3A_308 = tpu.vector_load %arg11[%swap3A_307] {strides = array<i32>} : memref<80xi32, #tpu.memory_space<vmem>>, vector<16xi32>,
    %swap3A_309 = vector.shape_cast %swap3A_308 : vector<16xi32> to vector<16xi32>
    %swap3A_310 = vector.shape_cast %shift_right_logical3A_306 : vector<16xi32> to vector<16xi32>
    tpu.vector_store %arg11[%swap3A_307], %swap3A_310 {strides = array<i32>} : memref<80xi32, #tpu.memory_space<vmem>>, vector<16xi32>,
    %get3A_311 = arith.constant 2 : i32
    %get3A_312 = arith.index_cast %get3A_311 : i32 to index
    %get3A_313 = arith.constant 48 : index
    %get3A_314 = tpu.vector_load %arg5[%get3A_312, %get3A_313] {strides = array<i32>} : memref<125x80xi32, #tpu.memory_space<vmem>>, vector<1x16xi32>,
    %get3A_315 = vector.shape_cast %get3A_314 : vector<1x16xi32> to vector<16xi32>
    %and3A_316 = arith.constant 65535 : i32
    %and3A_317 = vector.broadcast %and3A_316 : i32 to vector<16xi32>
    %and3A_318 = arith.andi %get3A_315, %and3A_317 : vector<16xi32>
    %add3A_319 = vector.broadcast %mul3A_0 : i32 to vector<16xi32>
    %add3A_320 = arith.addi %and3A_318, %add3A_319 : vector<16xi32>
    %swap3A_321 = arith.constant 48 : index
    %swap3A_322 = tpu.vector_load %arg8[%swap3A_321] {strides = array<i32>} : memref<80xi32, #tpu.memory_space<vmem>>, vector<16xi32>,
    %swap3A_323 = vector.shape_cast %swap3A_322 : vector<16xi32> to vector<16xi32>
    %swap3A_324 = vector.shape_cast %add3A_320 : vector<16xi32> to vector<16xi32>
    tpu.vector_store %arg8[%swap3A_321], %swap3A_324 {strides = array<i32>} : memref<80xi32, #tpu.memory_space<vmem>>, vector<16xi32>,
    %shift_right_logical3A_325 = arith.constant 16 : i32
    %shift_right_logical3A_326 = vector.broadcast %shift_right_logical3A_325 : i32 to vector<16xi32>
    %shift_right_logical3A_327 = arith.shrui %get3A_315, %shift_right_logical3A_326 : vector<16xi32>
    %swap3A_328 = arith.constant 48 : index
    %swap3A_329 = tpu.vector_load %arg11[%swap3A_328] {strides = array<i32>} : memref<80xi32, #tpu.memory_space<vmem>>, vector<16xi32>,
    %swap3A_330 = vector.shape_cast %swap3A_329 : vector<16xi32> to vector<16xi32>
    %swap3A_331 = vector.shape_cast %shift_right_logical3A_327 : vector<16xi32> to vector<16xi32>
    tpu.vector_store %arg11[%swap3A_328], %swap3A_331 {strides = array<i32>} : memref<80xi32, #tpu.memory_space<vmem>>, vector<16xi32>,
    %get3A_332 = arith.constant 2 : i32
    %get3A_333 = arith.index_cast %get3A_332 : i32 to index
    %get3A_334 = arith.constant 64 : index
    %get3A_335 = tpu.vector_load %arg5[%get3A_333, %get3A_334] {strides = array<i32>} : memref<125x80xi32, #tpu.memory_space<vmem>>, vector<1x16xi32>,
    %get3A_336 = vector.shape_cast %get3A_335 : vector<1x16xi32> to vector<16xi32>
    %and3A_337 = arith.constant 65535 : i32
    %and3A_338 = vector.broadcast %and3A_337 : i32 to vector<16xi32>
    %and3A_339 = arith.andi %get3A_336, %and3A_338 : vector<16xi32>
    %add3A_340 = vector.broadcast %mul3A_0 : i32 to vector<16xi32>
    %add3A_341 = arith.addi %and3A_339, %add3A_340 : vector<16xi32>
    %swap3A_342 = arith.constant 64 : index
    %swap3A_343 = tpu.vector_load %arg8[%swap3A_342] {strides = array<i32>} : memref<80xi32, #tpu.memory_space<vmem>>, vector<16xi32>,
    %swap3A_344 = vector.shape_cast %swap3A_343 : vector<16xi32> to vector<16xi32>
    %swap3A_345 = vector.shape_cast %add3A_341 : vector<16xi32> to vector<16xi32>
    tpu.vector_store %arg8[%swap3A_342], %swap3A_345 {strides = array<i32>} : memref<80xi32, #tpu.memory_space<vmem>>, vector<16xi32>,
    %shift_right_logical3A_346 = arith.constant 16 : i32
    %shift_right_logical3A_347 = vector.broadcast %shift_right_logical3A_346 : i32 to vector<16xi32>
    %shift_right_logical3A_348 = arith.shrui %get3A_336, %shift_right_logical3A_347 : vector<16xi32>
    %swap3A_349 = arith.constant 64 : index
    %swap3A_350 = tpu.vector_load %arg11[%swap3A_349] {strides = array<i32>} : memref<80xi32, #tpu.memory_space<vmem>>, vector<16xi32>,
    %swap3A_351 = vector.shape_cast %swap3A_350 : vector<16xi32> to vector<16xi32>
    %swap3A_352 = vector.shape_cast %shift_right_logical3A_348 : vector<16xi32> to vector<16xi32>
    tpu.vector_store %arg11[%swap3A_349], %swap3A_352 {strides = array<i32>} : memref<80xi32, #tpu.memory_space<vmem>>, vector<16xi32>,
    %dma_start3A_353 = arith.constant 0 : i32
    %dma_start3A_354 = arith.constant 0 : i32
    %dma_start3A_355 = tpu.memref_slice %arg2[%dma_start3A_353, %dma_start3A_354] : memref<20480x128xf32, #tpu.memory_space<hbm>> -> memref<20480x128xf32, #tpu.memory_space<hbm>>
    tpu.enqueue_indirect_dma source(%dma_start3A_355 : memref<20480x128xf32, #tpu.memory_space<hbm>>) target(%arg14 : memref<80x128xf32, #tpu.memory_space<vmem>>) offsets(%arg8 : memref<80xi32, #tpu.memory_space<vmem>>) semaphore(%arg18 : memref<!tpu.dma_semaphore, #tpu.memory_space<semaphore_mem>>)
    %barrier3A = arith.constant 0 : index
    tpu.barrier barrier_id(%barrier3A)
    %scan3A_356 = arith.constant 0 : i32
    %scan3A_357 = arith.constant 0 : i32
    %scan3A_358 = arith.constant 41 : i32
    %scan3A_359 = arith.addi %scan3A_357, %scan3A_358 : i32
    %scan3A_360 = arith.constant 1 : i32
    scf.for %scan3A_408 = %scan3A_357 to %scan3A_359 step %scan3A_360  : i32 {
      %mul3A_409 = arith.constant 3 : i32
      %mul3A_410 = arith.muli %scan3A_408, %mul3A_409 : i32
      %add3A_411 = arith.constant 0 : i32
      %add3A_412 = arith.addi %mul3A_410, %add3A_411 : i32
      %dma_wait3A_413 = arith.constant 0 : i32
      %dma_wait3A_414 = arith.constant 0 : i32
      %dma_wait3A_415 = tpu.memref_slice %arg2[%dma_wait3A_413, %dma_wait3A_414] : memref<20480x128xf32, #tpu.memory_space<hbm>> -> memref<20480x128xf32, #tpu.memory_space<hbm>>
      tpu.wait_indirect_dma semaphore(%arg16 : memref<!tpu.dma_semaphore, #tpu.memory_space<semaphore_mem>>) src(%dma_wait3A_415 : memref<20480x128xf32, #tpu.memory_space<hbm>>) dst(%arg12 : memref<80x128xf32, #tpu.memory_space<vmem>>)
      "tpu.region"() ({
        %run_scoped3A = tpu.sem_alloc : memref<!tpu.dma_semaphore, #tpu.memory_space<semaphore_mem>>
        %dma_start3A_448 = arith.constant 0 : i32
        %dma_start3A_449 = arith.constant 0 : i32
        %dma_start3A_450 = tpu.memref_slice %arg15[%dma_start3A_448, %dma_start3A_449] : memref<10240x128xf32, #tpu.memory_space<vmem_shared>> -> memref<10240x128xf32, #tpu.memory_space<vmem_shared>>
        tpu.enqueue_indirect_dma source(%arg12 : memref<80x128xf32, #tpu.memory_space<vmem>>) target(%dma_start3A_450 : memref<10240x128xf32, #tpu.memory_space<vmem_shared>>) offsets(%arg9 : memref<80xi32, #tpu.memory_space<vmem>>) semaphore(%run_scoped3A : memref<!tpu.dma_semaphore, #tpu.memory_space<semaphore_mem>>) {add = true}
        %dma_wait3A_451 = arith.constant 0 : i32
        %dma_wait3A_452 = arith.constant 0 : i32
        %dma_wait3A_453 = tpu.memref_slice %arg15[%dma_wait3A_451, %dma_wait3A_452] : memref<10240x128xf32, #tpu.memory_space<vmem_shared>> -> memref<10240x128xf32, #tpu.memory_space<vmem_shared>>
        tpu.wait_indirect_dma semaphore(%run_scoped3A : memref<!tpu.dma_semaphore, #tpu.memory_space<semaphore_mem>>) src(%arg12 : memref<80x128xf32, #tpu.memory_space<vmem>>) dst(%dma_wait3A_453 : memref<10240x128xf32, #tpu.memory_space<vmem_shared>>)
        tpu.yield
      }) : () -> ()
      %add3A_416 = arith.constant 3 : i32
      %add3A_417 = arith.addi %add3A_412, %add3A_416 : i32
      %lt3A = arith.constant 125 : i32
      %lt3A_418 = arith.cmpi slt, %add3A_417, %lt3A : i32
      %convert_element_type3A = arith.extui %lt3A_418 : i1 to i32
      %cond3A = arith.constant 0 : i32
      %cond3A_419 = arith.cmpi ne, %convert_element_type3A, %cond3A : i32
      scf.if %cond3A_419 {
        %add3A_448 = arith.constant 3 : i32
        %add3A_449 = arith.addi %add3A_412, %add3A_448 : i32
        %get3A_450 = arith.index_cast %add3A_449 : i32 to index
        %get3A_451 = arith.constant 0 : index
        %get3A_452 = tpu.vector_load %arg5[%get3A_450, %get3A_451] {strides = array<i32>} : memref<125x80xi32, #tpu.memory_space<vmem>>, vector<1x16xi32>,
        %get3A_453 = vector.shape_cast %get3A_452 : vector<1x16xi32> to vector<16xi32>
        %and3A_454 = arith.constant 65535 : i32
        %and3A_455 = vector.broadcast %and3A_454 : i32 to vector<16xi32>
        %and3A_456 = arith.andi %get3A_453, %and3A_455 : vector<16xi32>
        %add3A_457 = vector.broadcast %mul3A_0 : i32 to vector<16xi32>
        %add3A_458 = arith.addi %and3A_456, %add3A_457 : vector<16xi32>
        %swap3A_459 = arith.constant 0 : index
        %swap3A_460 = tpu.vector_load %arg6[%swap3A_459] {strides = array<i32>} : memref<80xi32, #tpu.memory_space<vmem>>, vector<16xi32>,
        %swap3A_461 = vector.shape_cast %swap3A_460 : vector<16xi32> to vector<16xi32>
        %swap3A_462 = vector.shape_cast %add3A_458 : vector<16xi32> to vector<16xi32>
        tpu.vector_store %arg6[%swap3A_459], %swap3A_462 {strides = array<i32>} : memref<80xi32, #tpu.memory_space<vmem>>, vector<16xi32>,
        %shift_right_logical3A_463 = arith.constant 16 : i32
        %shift_right_logical3A_464 = vector.broadcast %shift_right_logical3A_463 : i32 to vector<16xi32>
        %shift_right_logical3A_465 = arith.shrui %get3A_453, %shift_right_logical3A_464 : vector<16xi32>
        %swap3A_466 = arith.constant 0 : index
        %swap3A_467 = tpu.vector_load %arg9[%swap3A_466] {strides = array<i32>} : memref<80xi32, #tpu.memory_space<vmem>>, vector<16xi32>,
        %swap3A_468 = vector.shape_cast %swap3A_467 : vector<16xi32> to vector<16xi32>
        %swap3A_469 = vector.shape_cast %shift_right_logical3A_465 : vector<16xi32> to vector<16xi32>
        tpu.vector_store %arg9[%swap3A_466], %swap3A_469 {strides = array<i32>} : memref<80xi32, #tpu.memory_space<vmem>>, vector<16xi32>,
        %get3A_470 = arith.index_cast %add3A_449 : i32 to index
        %get3A_471 = arith.constant 16 : index
        %get3A_472 = tpu.vector_load %arg5[%get3A_470, %get3A_471] {strides = array<i32>} : memref<125x80xi32, #tpu.memory_space<vmem>>, vector<1x16xi32>,
        %get3A_473 = vector.shape_cast %get3A_472 : vector<1x16xi32> to vector<16xi32>
        %and3A_474 = arith.constant 65535 : i32
        %and3A_475 = vector.broadcast %and3A_474 : i32 to vector<16xi32>
        %and3A_476 = arith.andi %get3A_473, %and3A_475 : vector<16xi32>
        %add3A_477 = vector.broadcast %mul3A_0 : i32 to vector<16xi32>
        %add3A_478 = arith.addi %and3A_476, %add3A_477 : vector<16xi32>
        %swap3A_479 = arith.constant 16 : index
        %swap3A_480 = tpu.vector_load %arg6[%swap3A_479] {strides = array<i32>} : memref<80xi32, #tpu.memory_space<vmem>>, vector<16xi32>,
        %swap3A_481 = vector.shape_cast %swap3A_480 : vector<16xi32> to vector<16xi32>
        %swap3A_482 = vector.shape_cast %add3A_478 : vector<16xi32> to vector<16xi32>
        tpu.vector_store %arg6[%swap3A_479], %swap3A_482 {strides = array<i32>} : memref<80xi32, #tpu.memory_space<vmem>>, vector<16xi32>,
        %shift_right_logical3A_483 = arith.constant 16 : i32
        %shift_right_logical3A_484 = vector.broadcast %shift_right_logical3A_483 : i32 to vector<16xi32>
        %shift_right_logical3A_485 = arith.shrui %get3A_473, %shift_right_logical3A_484 : vector<16xi32>
        %swap3A_486 = arith.constant 16 : index
        %swap3A_487 = tpu.vector_load %arg9[%swap3A_486] {strides = array<i32>} : memref<80xi32, #tpu.memory_space<vmem>>, vector<16xi32>,
        %swap3A_488 = vector.shape_cast %swap3A_487 : vector<16xi32> to vector<16xi32>
        %swap3A_489 = vector.shape_cast %shift_right_logical3A_485 : vector<16xi32> to vector<16xi32>
        tpu.vector_store %arg9[%swap3A_486], %swap3A_489 {strides = array<i32>} : memref<80xi32, #tpu.memory_space<vmem>>, vector<16xi32>,
        %get3A_490 = arith.index_cast %add3A_449 : i32 to index
        %get3A_491 = arith.constant 32 : index
        %get3A_492 = tpu.vector_load %arg5[%get3A_490, %get3A_491] {strides = array<i32>} : memref<125x80xi32, #tpu.memory_space<vmem>>, vector<1x16xi32>,
        %get3A_493 = vector.shape_cast %get3A_492 : vector<1x16xi32> to vector<16xi32>
        %and3A_494 = arith.constant 65535 : i32
        %and3A_495 = vector.broadcast %and3A_494 : i32 to vector<16xi32>
        %and3A_496 = arith.andi %get3A_493, %and3A_495 : vector<16xi32>
        %add3A_497 = vector.broadcast %mul3A_0 : i32 to vector<16xi32>
        %add3A_498 = arith.addi %and3A_496, %add3A_497 : vector<16xi32>
        %swap3A_499 = arith.constant 32 : index
        %swap3A_500 = tpu.vector_load %arg6[%swap3A_499] {strides = array<i32>} : memref<80xi32, #tpu.memory_space<vmem>>, vector<16xi32>,
        %swap3A_501 = vector.shape_cast %swap3A_500 : vector<16xi32> to vector<16xi32>
        %swap3A_502 = vector.shape_cast %add3A_498 : vector<16xi32> to vector<16xi32>
        tpu.vector_store %arg6[%swap3A_499], %swap3A_502 {strides = array<i32>} : memref<80xi32, #tpu.memory_space<vmem>>, vector<16xi32>,
        %shift_right_logical3A_503 = arith.constant 16 : i32
        %shift_right_logical3A_504 = vector.broadcast %shift_right_logical3A_503 : i32 to vector<16xi32>
        %shift_right_logical3A_505 = arith.shrui %get3A_493, %shift_right_logical3A_504 : vector<16xi32>
        %swap3A_506 = arith.constant 32 : index
        %swap3A_507 = tpu.vector_load %arg9[%swap3A_506] {strides = array<i32>} : memref<80xi32, #tpu.memory_space<vmem>>, vector<16xi32>,
        %swap3A_508 = vector.shape_cast %swap3A_507 : vector<16xi32> to vector<16xi32>
        %swap3A_509 = vector.shape_cast %shift_right_logical3A_505 : vector<16xi32> to vector<16xi32>
        tpu.vector_store %arg9[%swap3A_506], %swap3A_509 {strides = array<i32>} : memref<80xi32, #tpu.memory_space<vmem>>, vector<16xi32>,
        %get3A_510 = arith.index_cast %add3A_449 : i32 to index
        %get3A_511 = arith.constant 48 : index
        %get3A_512 = tpu.vector_load %arg5[%get3A_510, %get3A_511] {strides = array<i32>} : memref<125x80xi32, #tpu.memory_space<vmem>>, vector<1x16xi32>,
        %get3A_513 = vector.shape_cast %get3A_512 : vector<1x16xi32> to vector<16xi32>
        %and3A_514 = arith.constant 65535 : i32
        %and3A_515 = vector.broadcast %and3A_514 : i32 to vector<16xi32>
        %and3A_516 = arith.andi %get3A_513, %and3A_515 : vector<16xi32>
        %add3A_517 = vector.broadcast %mul3A_0 : i32 to vector<16xi32>
        %add3A_518 = arith.addi %and3A_516, %add3A_517 : vector<16xi32>
        %swap3A_519 = arith.constant 48 : index
        %swap3A_520 = tpu.vector_load %arg6[%swap3A_519] {strides = array<i32>} : memref<80xi32, #tpu.memory_space<vmem>>, vector<16xi32>,
        %swap3A_521 = vector.shape_cast %swap3A_520 : vector<16xi32> to vector<16xi32>
        %swap3A_522 = vector.shape_cast %add3A_518 : vector<16xi32> to vector<16xi32>
        tpu.vector_store %arg6[%swap3A_519], %swap3A_522 {strides = array<i32>} : memref<80xi32, #tpu.memory_space<vmem>>, vector<16xi32>,
        %shift_right_logical3A_523 = arith.constant 16 : i32
        %shift_right_logical3A_524 = vector.broadcast %shift_right_logical3A_523 : i32 to vector<16xi32>
        %shift_right_logical3A_525 = arith.shrui %get3A_513, %shift_right_logical3A_524 : vector<16xi32>
        %swap3A_526 = arith.constant 48 : index
        %swap3A_527 = tpu.vector_load %arg9[%swap3A_526] {strides = array<i32>} : memref<80xi32, #tpu.memory_space<vmem>>, vector<16xi32>,
        %swap3A_528 = vector.shape_cast %swap3A_527 : vector<16xi32> to vector<16xi32>
        %swap3A_529 = vector.shape_cast %shift_right_logical3A_525 : vector<16xi32> to vector<16xi32>
        tpu.vector_store %arg9[%swap3A_526], %swap3A_529 {strides = array<i32>} : memref<80xi32, #tpu.memory_space<vmem>>, vector<16xi32>,
        %get3A_530 = arith.index_cast %add3A_449 : i32 to index
        %get3A_531 = arith.constant 64 : index
        %get3A_532 = tpu.vector_load %arg5[%get3A_530, %get3A_531] {strides = array<i32>} : memref<125x80xi32, #tpu.memory_space<vmem>>, vector<1x16xi32>,
        %get3A_533 = vector.shape_cast %get3A_532 : vector<1x16xi32> to vector<16xi32>
        %and3A_534 = arith.constant 65535 : i32
        %and3A_535 = vector.broadcast %and3A_534 : i32 to vector<16xi32>
        %and3A_536 = arith.andi %get3A_533, %and3A_535 : vector<16xi32>
        %add3A_537 = vector.broadcast %mul3A_0 : i32 to vector<16xi32>
        %add3A_538 = arith.addi %and3A_536, %add3A_537 : vector<16xi32>
        %swap3A_539 = arith.constant 64 : index
        %swap3A_540 = tpu.vector_load %arg6[%swap3A_539] {strides = array<i32>} : memref<80xi32, #tpu.memory_space<vmem>>, vector<16xi32>,
        %swap3A_541 = vector.shape_cast %swap3A_540 : vector<16xi32> to vector<16xi32>
        %swap3A_542 = vector.shape_cast %add3A_538 : vector<16xi32> to vector<16xi32>
        tpu.vector_store %arg6[%swap3A_539], %swap3A_542 {strides = array<i32>} : memref<80xi32, #tpu.memory_space<vmem>>, vector<16xi32>,
        %shift_right_logical3A_543 = arith.constant 16 : i32
        %shift_right_logical3A_544 = vector.broadcast %shift_right_logical3A_543 : i32 to vector<16xi32>
        %shift_right_logical3A_545 = arith.shrui %get3A_533, %shift_right_logical3A_544 : vector<16xi32>
        %swap3A_546 = arith.constant 64 : index
        %swap3A_547 = tpu.vector_load %arg9[%swap3A_546] {strides = array<i32>} : memref<80xi32, #tpu.memory_space<vmem>>, vector<16xi32>,
        %swap3A_548 = vector.shape_cast %swap3A_547 : vector<16xi32> to vector<16xi32>
        %swap3A_549 = vector.shape_cast %shift_right_logical3A_545 : vector<16xi32> to vector<16xi32>
        tpu.vector_store %arg9[%swap3A_546], %swap3A_549 {strides = array<i32>} : memref<80xi32, #tpu.memory_space<vmem>>, vector<16xi32>,
        %dma_start3A_550 = arith.constant 0 : i32
        %dma_start3A_551 = arith.constant 0 : i32
        %dma_start3A_552 = tpu.memref_slice %arg2[%dma_start3A_550, %dma_start3A_551] : memref<20480x128xf32, #tpu.memory_space<hbm>> -> memref<20480x128xf32, #tpu.memory_space<hbm>>
        tpu.enqueue_indirect_dma source(%dma_start3A_552 : memref<20480x128xf32, #tpu.memory_space<hbm>>) target(%arg12 : memref<80x128xf32, #tpu.memory_space<vmem>>) offsets(%arg6 : memref<80xi32, #tpu.memory_space<vmem>>) semaphore(%arg16 : memref<!tpu.dma_semaphore, #tpu.memory_space<semaphore_mem>>)
      } else {
      }
      %mul3A_420 = arith.constant 3 : i32
      %mul3A_421 = arith.muli %scan3A_408, %mul3A_420 : i32
      %add3A_422 = arith.constant 1 : i32
      %add3A_423 = arith.addi %mul3A_421, %add3A_422 : i32
      %dma_wait3A_424 = arith.constant 0 : i32
      %dma_wait3A_425 = arith.constant 0 : i32
      %dma_wait3A_426 = tpu.memref_slice %arg2[%dma_wait3A_424, %dma_wait3A_425] : memref<20480x128xf32, #tpu.memory_space<hbm>> -> memref<20480x128xf32, #tpu.memory_space<hbm>>
      tpu.wait_indirect_dma semaphore(%arg17 : memref<!tpu.dma_semaphore, #tpu.memory_space<semaphore_mem>>) src(%dma_wait3A_426 : memref<20480x128xf32, #tpu.memory_space<hbm>>) dst(%arg13 : memref<80x128xf32, #tpu.memory_space<vmem>>)
      "tpu.region"() ({
        %run_scoped3A = tpu.sem_alloc : memref<!tpu.dma_semaphore, #tpu.memory_space<semaphore_mem>>
        %dma_start3A_448 = arith.constant 0 : i32
        %dma_start3A_449 = arith.constant 0 : i32
        %dma_start3A_450 = tpu.memref_slice %arg15[%dma_start3A_448, %dma_start3A_449] : memref<10240x128xf32, #tpu.memory_space<vmem_shared>> -> memref<10240x128xf32, #tpu.memory_space<vmem_shared>>
        tpu.enqueue_indirect_dma source(%arg13 : memref<80x128xf32, #tpu.memory_space<vmem>>) target(%dma_start3A_450 : memref<10240x128xf32, #tpu.memory_space<vmem_shared>>) offsets(%arg10 : memref<80xi32, #tpu.memory_space<vmem>>) semaphore(%run_scoped3A : memref<!tpu.dma_semaphore, #tpu.memory_space<semaphore_mem>>) {add = true}
        %dma_wait3A_451 = arith.constant 0 : i32
        %dma_wait3A_452 = arith.constant 0 : i32
        %dma_wait3A_453 = tpu.memref_slice %arg15[%dma_wait3A_451, %dma_wait3A_452] : memref<10240x128xf32, #tpu.memory_space<vmem_shared>> -> memref<10240x128xf32, #tpu.memory_space<vmem_shared>>
        tpu.wait_indirect_dma semaphore(%run_scoped3A : memref<!tpu.dma_semaphore, #tpu.memory_space<semaphore_mem>>) src(%arg13 : memref<80x128xf32, #tpu.memory_space<vmem>>) dst(%dma_wait3A_453 : memref<10240x128xf32, #tpu.memory_space<vmem_shared>>)
        tpu.yield
      }) : () -> ()
      %add3A_427 = arith.constant 3 : i32
      %add3A_428 = arith.addi %add3A_423, %add3A_427 : i32
      %lt3A_429 = arith.constant 125 : i32
      %lt3A_430 = arith.cmpi slt, %add3A_428, %lt3A_429 : i32
      %convert_element_type3A_431 = arith.extui %lt3A_430 : i1 to i32
      %cond3A_432 = arith.constant 0 : i32
      %cond3A_433 = arith.cmpi ne, %convert_element_type3A_431, %cond3A_432 : i32
      scf.if %cond3A_433 {
        %add3A_448 = arith.constant 3 : i32
        %add3A_449 = arith.addi %add3A_423, %add3A_448 : i32
        %get3A_450 = arith.index_cast %add3A_449 : i32 to index
        %get3A_451 = arith.constant 0 : index
        %get3A_452 = tpu.vector_load %arg5[%get3A_450, %get3A_451] {strides = array<i32>} : memref<125x80xi32, #tpu.memory_space<vmem>>, vector<1x16xi32>,
        %get3A_453 = vector.shape_cast %get3A_452 : vector<1x16xi32> to vector<16xi32>
        %and3A_454 = arith.constant 65535 : i32
        %and3A_455 = vector.broadcast %and3A_454 : i32 to vector<16xi32>
        %and3A_456 = arith.andi %get3A_453, %and3A_455 : vector<16xi32>
        %add3A_457 = vector.broadcast %mul3A_0 : i32 to vector<16xi32>
        %add3A_458 = arith.addi %and3A_456, %add3A_457 : vector<16xi32>
        %swap3A_459 = arith.constant 0 : index
        %swap3A_460 = tpu.vector_load %arg7[%swap3A_459] {strides = array<i32>} : memref<80xi32, #tpu.memory_space<vmem>>, vector<16xi32>,
        %swap3A_461 = vector.shape_cast %swap3A_460 : vector<16xi32> to vector<16xi32>
        %swap3A_462 = vector.shape_cast %add3A_458 : vector<16xi32> to vector<16xi32>
        tpu.vector_store %arg7[%swap3A_459], %swap3A_462 {strides = array<i32>} : memref<80xi32, #tpu.memory_space<vmem>>, vector<16xi32>,
        %shift_right_logical3A_463 = arith.constant 16 : i32
        %shift_right_logical3A_464 = vector.broadcast %shift_right_logical3A_463 : i32 to vector<16xi32>
        %shift_right_logical3A_465 = arith.shrui %get3A_453, %shift_right_logical3A_464 : vector<16xi32>
        %swap3A_466 = arith.constant 0 : index
        %swap3A_467 = tpu.vector_load %arg10[%swap3A_466] {strides = array<i32>} : memref<80xi32, #tpu.memory_space<vmem>>, vector<16xi32>,
        %swap3A_468 = vector.shape_cast %swap3A_467 : vector<16xi32> to vector<16xi32>
        %swap3A_469 = vector.shape_cast %shift_right_logical3A_465 : vector<16xi32> to vector<16xi32>
        tpu.vector_store %arg10[%swap3A_466], %swap3A_469 {strides = array<i32>} : memref<80xi32, #tpu.memory_space<vmem>>, vector<16xi32>,
        %get3A_470 = arith.index_cast %add3A_449 : i32 to index
        %get3A_471 = arith.constant 16 : index
        %get3A_472 = tpu.vector_load %arg5[%get3A_470, %get3A_471] {strides = array<i32>} : memref<125x80xi32, #tpu.memory_space<vmem>>, vector<1x16xi32>,
        %get3A_473 = vector.shape_cast %get3A_472 : vector<1x16xi32> to vector<16xi32>
        %and3A_474 = arith.constant 65535 : i32
        %and3A_475 = vector.broadcast %and3A_474 : i32 to vector<16xi32>
        %and3A_476 = arith.andi %get3A_473, %and3A_475 : vector<16xi32>
        %add3A_477 = vector.broadcast %mul3A_0 : i32 to vector<16xi32>
        %add3A_478 = arith.addi %and3A_476, %add3A_477 : vector<16xi32>
        %swap3A_479 = arith.constant 16 : index
        %swap3A_480 = tpu.vector_load %arg7[%swap3A_479] {strides = array<i32>} : memref<80xi32, #tpu.memory_space<vmem>>, vector<16xi32>,
        %swap3A_481 = vector.shape_cast %swap3A_480 : vector<16xi32> to vector<16xi32>
        %swap3A_482 = vector.shape_cast %add3A_478 : vector<16xi32> to vector<16xi32>
        tpu.vector_store %arg7[%swap3A_479], %swap3A_482 {strides = array<i32>} : memref<80xi32, #tpu.memory_space<vmem>>, vector<16xi32>,
        %shift_right_logical3A_483 = arith.constant 16 : i32
        %shift_right_logical3A_484 = vector.broadcast %shift_right_logical3A_483 : i32 to vector<16xi32>
        %shift_right_logical3A_485 = arith.shrui %get3A_473, %shift_right_logical3A_484 : vector<16xi32>
        %swap3A_486 = arith.constant 16 : index
        %swap3A_487 = tpu.vector_load %arg10[%swap3A_486] {strides = array<i32>} : memref<80xi32, #tpu.memory_space<vmem>>, vector<16xi32>,
        %swap3A_488 = vector.shape_cast %swap3A_487 : vector<16xi32> to vector<16xi32>
        %swap3A_489 = vector.shape_cast %shift_right_logical3A_485 : vector<16xi32> to vector<16xi32>
        tpu.vector_store %arg10[%swap3A_486], %swap3A_489 {strides = array<i32>} : memref<80xi32, #tpu.memory_space<vmem>>, vector<16xi32>,
        %get3A_490 = arith.index_cast %add3A_449 : i32 to index
        %get3A_491 = arith.constant 32 : index
        %get3A_492 = tpu.vector_load %arg5[%get3A_490, %get3A_491] {strides = array<i32>} : memref<125x80xi32, #tpu.memory_space<vmem>>, vector<1x16xi32>,
        %get3A_493 = vector.shape_cast %get3A_492 : vector<1x16xi32> to vector<16xi32>
        %and3A_494 = arith.constant 65535 : i32
        %and3A_495 = vector.broadcast %and3A_494 : i32 to vector<16xi32>
        %and3A_496 = arith.andi %get3A_493, %and3A_495 : vector<16xi32>
        %add3A_497 = vector.broadcast %mul3A_0 : i32 to vector<16xi32>
        %add3A_498 = arith.addi %and3A_496, %add3A_497 : vector<16xi32>
        %swap3A_499 = arith.constant 32 : index
        %swap3A_500 = tpu.vector_load %arg7[%swap3A_499] {strides = array<i32>} : memref<80xi32, #tpu.memory_space<vmem>>, vector<16xi32>,
        %swap3A_501 = vector.shape_cast %swap3A_500 : vector<16xi32> to vector<16xi32>
        %swap3A_502 = vector.shape_cast %add3A_498 : vector<16xi32> to vector<16xi32>
        tpu.vector_store %arg7[%swap3A_499], %swap3A_502 {strides = array<i32>} : memref<80xi32, #tpu.memory_space<vmem>>, vector<16xi32>,
        %shift_right_logical3A_503 = arith.constant 16 : i32
        %shift_right_logical3A_504 = vector.broadcast %shift_right_logical3A_503 : i32 to vector<16xi32>
        %shift_right_logical3A_505 = arith.shrui %get3A_493, %shift_right_logical3A_504 : vector<16xi32>
        %swap3A_506 = arith.constant 32 : index
        %swap3A_507 = tpu.vector_load %arg10[%swap3A_506] {strides = array<i32>} : memref<80xi32, #tpu.memory_space<vmem>>, vector<16xi32>,
        %swap3A_508 = vector.shape_cast %swap3A_507 : vector<16xi32> to vector<16xi32>
        %swap3A_509 = vector.shape_cast %shift_right_logical3A_505 : vector<16xi32> to vector<16xi32>
        tpu.vector_store %arg10[%swap3A_506], %swap3A_509 {strides = array<i32>} : memref<80xi32, #tpu.memory_space<vmem>>, vector<16xi32>,
        %get3A_510 = arith.index_cast %add3A_449 : i32 to index
        %get3A_511 = arith.constant 48 : index
        %get3A_512 = tpu.vector_load %arg5[%get3A_510, %get3A_511] {strides = array<i32>} : memref<125x80xi32, #tpu.memory_space<vmem>>, vector<1x16xi32>,
        %get3A_513 = vector.shape_cast %get3A_512 : vector<1x16xi32> to vector<16xi32>
        %and3A_514 = arith.constant 65535 : i32
        %and3A_515 = vector.broadcast %and3A_514 : i32 to vector<16xi32>
        %and3A_516 = arith.andi %get3A_513, %and3A_515 : vector<16xi32>
        %add3A_517 = vector.broadcast %mul3A_0 : i32 to vector<16xi32>
        %add3A_518 = arith.addi %and3A_516, %add3A_517 : vector<16xi32>
        %swap3A_519 = arith.constant 48 : index
        %swap3A_520 = tpu.vector_load %arg7[%swap3A_519] {strides = array<i32>} : memref<80xi32, #tpu.memory_space<vmem>>, vector<16xi32>,
        %swap3A_521 = vector.shape_cast %swap3A_520 : vector<16xi32> to vector<16xi32>
        %swap3A_522 = vector.shape_cast %add3A_518 : vector<16xi32> to vector<16xi32>
        tpu.vector_store %arg7[%swap3A_519], %swap3A_522 {strides = array<i32>} : memref<80xi32, #tpu.memory_space<vmem>>, vector<16xi32>,
        %shift_right_logical3A_523 = arith.constant 16 : i32
        %shift_right_logical3A_524 = vector.broadcast %shift_right_logical3A_523 : i32 to vector<16xi32>
        %shift_right_logical3A_525 = arith.shrui %get3A_513, %shift_right_logical3A_524 : vector<16xi32>
        %swap3A_526 = arith.constant 48 : index
        %swap3A_527 = tpu.vector_load %arg10[%swap3A_526] {strides = array<i32>} : memref<80xi32, #tpu.memory_space<vmem>>, vector<16xi32>,
        %swap3A_528 = vector.shape_cast %swap3A_527 : vector<16xi32> to vector<16xi32>
        %swap3A_529 = vector.shape_cast %shift_right_logical3A_525 : vector<16xi32> to vector<16xi32>
        tpu.vector_store %arg10[%swap3A_526], %swap3A_529 {strides = array<i32>} : memref<80xi32, #tpu.memory_space<vmem>>, vector<16xi32>,
        %get3A_530 = arith.index_cast %add3A_449 : i32 to index
        %get3A_531 = arith.constant 64 : index
        %get3A_532 = tpu.vector_load %arg5[%get3A_530, %get3A_531] {strides = array<i32>} : memref<125x80xi32, #tpu.memory_space<vmem>>, vector<1x16xi32>,
        %get3A_533 = vector.shape_cast %get3A_532 : vector<1x16xi32> to vector<16xi32>
        %and3A_534 = arith.constant 65535 : i32
        %and3A_535 = vector.broadcast %and3A_534 : i32 to vector<16xi32>
        %and3A_536 = arith.andi %get3A_533, %and3A_535 : vector<16xi32>
        %add3A_537 = vector.broadcast %mul3A_0 : i32 to vector<16xi32>
        %add3A_538 = arith.addi %and3A_536, %add3A_537 : vector<16xi32>
        %swap3A_539 = arith.constant 64 : index
        %swap3A_540 = tpu.vector_load %arg7[%swap3A_539] {strides = array<i32>} : memref<80xi32, #tpu.memory_space<vmem>>, vector<16xi32>,
        %swap3A_541 = vector.shape_cast %swap3A_540 : vector<16xi32> to vector<16xi32>
        %swap3A_542 = vector.shape_cast %add3A_538 : vector<16xi32> to vector<16xi32>
        tpu.vector_store %arg7[%swap3A_539], %swap3A_542 {strides = array<i32>} : memref<80xi32, #tpu.memory_space<vmem>>, vector<16xi32>,
        %shift_right_logical3A_543 = arith.constant 16 : i32
        %shift_right_logical3A_544 = vector.broadcast %shift_right_logical3A_543 : i32 to vector<16xi32>
        %shift_right_logical3A_545 = arith.shrui %get3A_533, %shift_right_logical3A_544 : vector<16xi32>
        %swap3A_546 = arith.constant 64 : index
        %swap3A_547 = tpu.vector_load %arg10[%swap3A_546] {strides = array<i32>} : memref<80xi32, #tpu.memory_space<vmem>>, vector<16xi32>,
        %swap3A_548 = vector.shape_cast %swap3A_547 : vector<16xi32> to vector<16xi32>
        %swap3A_549 = vector.shape_cast %shift_right_logical3A_545 : vector<16xi32> to vector<16xi32>
        tpu.vector_store %arg10[%swap3A_546], %swap3A_549 {strides = array<i32>} : memref<80xi32, #tpu.memory_space<vmem>>, vector<16xi32>,
        %dma_start3A_550 = arith.constant 0 : i32
        %dma_start3A_551 = arith.constant 0 : i32
        %dma_start3A_552 = tpu.memref_slice %arg2[%dma_start3A_550, %dma_start3A_551] : memref<20480x128xf32, #tpu.memory_space<hbm>> -> memref<20480x128xf32, #tpu.memory_space<hbm>>
        tpu.enqueue_indirect_dma source(%dma_start3A_552 : memref<20480x128xf32, #tpu.memory_space<hbm>>) target(%arg13 : memref<80x128xf32, #tpu.memory_space<vmem>>) offsets(%arg7 : memref<80xi32, #tpu.memory_space<vmem>>) semaphore(%arg17 : memref<!tpu.dma_semaphore, #tpu.memory_space<semaphore_mem>>)
      } else {
      }
      %mul3A_434 = arith.constant 3 : i32
      %mul3A_435 = arith.muli %scan3A_408, %mul3A_434 : i32
      %add3A_436 = arith.constant 2 : i32
      %add3A_437 = arith.addi %mul3A_435, %add3A_436 : i32
      %dma_wait3A_438 = arith.constant 0 : i32
      %dma_wait3A_439 = arith.constant 0 : i32
      %dma_wait3A_440 = tpu.memref_slice %arg2[%dma_wait3A_438, %dma_wait3A_439] : memref<20480x128xf32, #tpu.memory_space<hbm>> -> memref<20480x128xf32, #tpu.memory_space<hbm>>
      tpu.wait_indirect_dma semaphore(%arg18 : memref<!tpu.dma_semaphore, #tpu.memory_space<semaphore_mem>>) src(%dma_wait3A_440 : memref<20480x128xf32, #tpu.memory_space<hbm>>) dst(%arg14 : memref<80x128xf32, #tpu.memory_space<vmem>>)
      "tpu.region"() ({
        %run_scoped3A = tpu.sem_alloc : memref<!tpu.dma_semaphore, #tpu.memory_space<semaphore_mem>>
        %dma_start3A_448 = arith.constant 0 : i32
        %dma_start3A_449 = arith.constant 0 : i32
        %dma_start3A_450 = tpu.memref_slice %arg15[%dma_start3A_448, %dma_start3A_449] : memref<10240x128xf32, #tpu.memory_space<vmem_shared>> -> memref<10240x128xf32, #tpu.memory_space<vmem_shared>>
        tpu.enqueue_indirect_dma source(%arg14 : memref<80x128xf32, #tpu.memory_space<vmem>>) target(%dma_start3A_450 : memref<10240x128xf32, #tpu.memory_space<vmem_shared>>) offsets(%arg11 : memref<80xi32, #tpu.memory_space<vmem>>) semaphore(%run_scoped3A : memref<!tpu.dma_semaphore, #tpu.memory_space<semaphore_mem>>) {add = true}
        %dma_wait3A_451 = arith.constant 0 : i32
        %dma_wait3A_452 = arith.constant 0 : i32
        %dma_wait3A_453 = tpu.memref_slice %arg15[%dma_wait3A_451, %dma_wait3A_452] : memref<10240x128xf32, #tpu.memory_space<vmem_shared>> -> memref<10240x128xf32, #tpu.memory_space<vmem_shared>>
        tpu.wait_indirect_dma semaphore(%run_scoped3A : memref<!tpu.dma_semaphore, #tpu.memory_space<semaphore_mem>>) src(%arg14 : memref<80x128xf32, #tpu.memory_space<vmem>>) dst(%dma_wait3A_453 : memref<10240x128xf32, #tpu.memory_space<vmem_shared>>)
        tpu.yield
      }) : () -> ()
      %add3A_441 = arith.constant 3 : i32
      %add3A_442 = arith.addi %add3A_437, %add3A_441 : i32
      %lt3A_443 = arith.constant 125 : i32
      %lt3A_444 = arith.cmpi slt, %add3A_442, %lt3A_443 : i32
      %convert_element_type3A_445 = arith.extui %lt3A_444 : i1 to i32
      %cond3A_446 = arith.constant 0 : i32
      %cond3A_447 = arith.cmpi ne, %convert_element_type3A_445, %cond3A_446 : i32
      scf.if %cond3A_447 {
        %add3A_448 = arith.constant 3 : i32
        %add3A_449 = arith.addi %add3A_437, %add3A_448 : i32
        %get3A_450 = arith.index_cast %add3A_449 : i32 to index
        %get3A_451 = arith.constant 0 : index
        %get3A_452 = tpu.vector_load %arg5[%get3A_450, %get3A_451] {strides = array<i32>} : memref<125x80xi32, #tpu.memory_space<vmem>>, vector<1x16xi32>,
        %get3A_453 = vector.shape_cast %get3A_452 : vector<1x16xi32> to vector<16xi32>
        %and3A_454 = arith.constant 65535 : i32
        %and3A_455 = vector.broadcast %and3A_454 : i32 to vector<16xi32>
        %and3A_456 = arith.andi %get3A_453, %and3A_455 : vector<16xi32>
        %add3A_457 = vector.broadcast %mul3A_0 : i32 to vector<16xi32>
        %add3A_458 = arith.addi %and3A_456, %add3A_457 : vector<16xi32>
        %swap3A_459 = arith.constant 0 : index
        %swap3A_460 = tpu.vector_load %arg8[%swap3A_459] {strides = array<i32>} : memref<80xi32, #tpu.memory_space<vmem>>, vector<16xi32>,
        %swap3A_461 = vector.shape_cast %swap3A_460 : vector<16xi32> to vector<16xi32>
        %swap3A_462 = vector.shape_cast %add3A_458 : vector<16xi32> to vector<16xi32>
        tpu.vector_store %arg8[%swap3A_459], %swap3A_462 {strides = array<i32>} : memref<80xi32, #tpu.memory_space<vmem>>, vector<16xi32>,
        %shift_right_logical3A_463 = arith.constant 16 : i32
        %shift_right_logical3A_464 = vector.broadcast %shift_right_logical3A_463 : i32 to vector<16xi32>
        %shift_right_logical3A_465 = arith.shrui %get3A_453, %shift_right_logical3A_464 : vector<16xi32>
        %swap3A_466 = arith.constant 0 : index
        %swap3A_467 = tpu.vector_load %arg11[%swap3A_466] {strides = array<i32>} : memref<80xi32, #tpu.memory_space<vmem>>, vector<16xi32>,
        %swap3A_468 = vector.shape_cast %swap3A_467 : vector<16xi32> to vector<16xi32>
        %swap3A_469 = vector.shape_cast %shift_right_logical3A_465 : vector<16xi32> to vector<16xi32>
        tpu.vector_store %arg11[%swap3A_466], %swap3A_469 {strides = array<i32>} : memref<80xi32, #tpu.memory_space<vmem>>, vector<16xi32>,
        %get3A_470 = arith.index_cast %add3A_449 : i32 to index
        %get3A_471 = arith.constant 16 : index
        %get3A_472 = tpu.vector_load %arg5[%get3A_470, %get3A_471] {strides = array<i32>} : memref<125x80xi32, #tpu.memory_space<vmem>>, vector<1x16xi32>,
        %get3A_473 = vector.shape_cast %get3A_472 : vector<1x16xi32> to vector<16xi32>
        %and3A_474 = arith.constant 65535 : i32
        %and3A_475 = vector.broadcast %and3A_474 : i32 to vector<16xi32>
        %and3A_476 = arith.andi %get3A_473, %and3A_475 : vector<16xi32>
        %add3A_477 = vector.broadcast %mul3A_0 : i32 to vector<16xi32>
        %add3A_478 = arith.addi %and3A_476, %add3A_477 : vector<16xi32>
        %swap3A_479 = arith.constant 16 : index
        %swap3A_480 = tpu.vector_load %arg8[%swap3A_479] {strides = array<i32>} : memref<80xi32, #tpu.memory_space<vmem>>, vector<16xi32>,
        %swap3A_481 = vector.shape_cast %swap3A_480 : vector<16xi32> to vector<16xi32>
        %swap3A_482 = vector.shape_cast %add3A_478 : vector<16xi32> to vector<16xi32>
        tpu.vector_store %arg8[%swap3A_479], %swap3A_482 {strides = array<i32>} : memref<80xi32, #tpu.memory_space<vmem>>, vector<16xi32>,
        %shift_right_logical3A_483 = arith.constant 16 : i32
        %shift_right_logical3A_484 = vector.broadcast %shift_right_logical3A_483 : i32 to vector<16xi32>
        %shift_right_logical3A_485 = arith.shrui %get3A_473, %shift_right_logical3A_484 : vector<16xi32>
        %swap3A_486 = arith.constant 16 : index
        %swap3A_487 = tpu.vector_load %arg11[%swap3A_486] {strides = array<i32>} : memref<80xi32, #tpu.memory_space<vmem>>, vector<16xi32>,
        %swap3A_488 = vector.shape_cast %swap3A_487 : vector<16xi32> to vector<16xi32>
        %swap3A_489 = vector.shape_cast %shift_right_logical3A_485 : vector<16xi32> to vector<16xi32>
        tpu.vector_store %arg11[%swap3A_486], %swap3A_489 {strides = array<i32>} : memref<80xi32, #tpu.memory_space<vmem>>, vector<16xi32>,
        %get3A_490 = arith.index_cast %add3A_449 : i32 to index
        %get3A_491 = arith.constant 32 : index
        %get3A_492 = tpu.vector_load %arg5[%get3A_490, %get3A_491] {strides = array<i32>} : memref<125x80xi32, #tpu.memory_space<vmem>>, vector<1x16xi32>,
        %get3A_493 = vector.shape_cast %get3A_492 : vector<1x16xi32> to vector<16xi32>
        %and3A_494 = arith.constant 65535 : i32
        %and3A_495 = vector.broadcast %and3A_494 : i32 to vector<16xi32>
        %and3A_496 = arith.andi %get3A_493, %and3A_495 : vector<16xi32>
        %add3A_497 = vector.broadcast %mul3A_0 : i32 to vector<16xi32>
        %add3A_498 = arith.addi %and3A_496, %add3A_497 : vector<16xi32>
        %swap3A_499 = arith.constant 32 : index
        %swap3A_500 = tpu.vector_load %arg8[%swap3A_499] {strides = array<i32>} : memref<80xi32, #tpu.memory_space<vmem>>, vector<16xi32>,
        %swap3A_501 = vector.shape_cast %swap3A_500 : vector<16xi32> to vector<16xi32>
        %swap3A_502 = vector.shape_cast %add3A_498 : vector<16xi32> to vector<16xi32>
        tpu.vector_store %arg8[%swap3A_499], %swap3A_502 {strides = array<i32>} : memref<80xi32, #tpu.memory_space<vmem>>, vector<16xi32>,
        %shift_right_logical3A_503 = arith.constant 16 : i32
        %shift_right_logical3A_504 = vector.broadcast %shift_right_logical3A_503 : i32 to vector<16xi32>
        %shift_right_logical3A_505 = arith.shrui %get3A_493, %shift_right_logical3A_504 : vector<16xi32>
        %swap3A_506 = arith.constant 32 : index
        %swap3A_507 = tpu.vector_load %arg11[%swap3A_506] {strides = array<i32>} : memref<80xi32, #tpu.memory_space<vmem>>, vector<16xi32>,
        %swap3A_508 = vector.shape_cast %swap3A_507 : vector<16xi32> to vector<16xi32>
        %swap3A_509 = vector.shape_cast %shift_right_logical3A_505 : vector<16xi32> to vector<16xi32>
        tpu.vector_store %arg11[%swap3A_506], %swap3A_509 {strides = array<i32>} : memref<80xi32, #tpu.memory_space<vmem>>, vector<16xi32>,
        %get3A_510 = arith.index_cast %add3A_449 : i32 to index
        %get3A_511 = arith.constant 48 : index
        %get3A_512 = tpu.vector_load %arg5[%get3A_510, %get3A_511] {strides = array<i32>} : memref<125x80xi32, #tpu.memory_space<vmem>>, vector<1x16xi32>,
        %get3A_513 = vector.shape_cast %get3A_512 : vector<1x16xi32> to vector<16xi32>
        %and3A_514 = arith.constant 65535 : i32
        %and3A_515 = vector.broadcast %and3A_514 : i32 to vector<16xi32>
        %and3A_516 = arith.andi %get3A_513, %and3A_515 : vector<16xi32>
        %add3A_517 = vector.broadcast %mul3A_0 : i32 to vector<16xi32>
        %add3A_518 = arith.addi %and3A_516, %add3A_517 : vector<16xi32>
        %swap3A_519 = arith.constant 48 : index
        %swap3A_520 = tpu.vector_load %arg8[%swap3A_519] {strides = array<i32>} : memref<80xi32, #tpu.memory_space<vmem>>, vector<16xi32>,
        %swap3A_521 = vector.shape_cast %swap3A_520 : vector<16xi32> to vector<16xi32>
        %swap3A_522 = vector.shape_cast %add3A_518 : vector<16xi32> to vector<16xi32>
        tpu.vector_store %arg8[%swap3A_519], %swap3A_522 {strides = array<i32>} : memref<80xi32, #tpu.memory_space<vmem>>, vector<16xi32>,
        %shift_right_logical3A_523 = arith.constant 16 : i32
        %shift_right_logical3A_524 = vector.broadcast %shift_right_logical3A_523 : i32 to vector<16xi32>
        %shift_right_logical3A_525 = arith.shrui %get3A_513, %shift_right_logical3A_524 : vector<16xi32>
        %swap3A_526 = arith.constant 48 : index
        %swap3A_527 = tpu.vector_load %arg11[%swap3A_526] {strides = array<i32>} : memref<80xi32, #tpu.memory_space<vmem>>, vector<16xi32>,
        %swap3A_528 = vector.shape_cast %swap3A_527 : vector<16xi32> to vector<16xi32>
        %swap3A_529 = vector.shape_cast %shift_right_logical3A_525 : vector<16xi32> to vector<16xi32>
        tpu.vector_store %arg11[%swap3A_526], %swap3A_529 {strides = array<i32>} : memref<80xi32, #tpu.memory_space<vmem>>, vector<16xi32>,
        %get3A_530 = arith.index_cast %add3A_449 : i32 to index
        %get3A_531 = arith.constant 64 : index
        %get3A_532 = tpu.vector_load %arg5[%get3A_530, %get3A_531] {strides = array<i32>} : memref<125x80xi32, #tpu.memory_space<vmem>>, vector<1x16xi32>,
        %get3A_533 = vector.shape_cast %get3A_532 : vector<1x16xi32> to vector<16xi32>
        %and3A_534 = arith.constant 65535 : i32
        %and3A_535 = vector.broadcast %and3A_534 : i32 to vector<16xi32>
        %and3A_536 = arith.andi %get3A_533, %and3A_535 : vector<16xi32>
        %add3A_537 = vector.broadcast %mul3A_0 : i32 to vector<16xi32>
        %add3A_538 = arith.addi %and3A_536, %add3A_537 : vector<16xi32>
        %swap3A_539 = arith.constant 64 : index
        %swap3A_540 = tpu.vector_load %arg8[%swap3A_539] {strides = array<i32>} : memref<80xi32, #tpu.memory_space<vmem>>, vector<16xi32>,
        %swap3A_541 = vector.shape_cast %swap3A_540 : vector<16xi32> to vector<16xi32>
        %swap3A_542 = vector.shape_cast %add3A_538 : vector<16xi32> to vector<16xi32>
        tpu.vector_store %arg8[%swap3A_539], %swap3A_542 {strides = array<i32>} : memref<80xi32, #tpu.memory_space<vmem>>, vector<16xi32>,
        %shift_right_logical3A_543 = arith.constant 16 : i32
        %shift_right_logical3A_544 = vector.broadcast %shift_right_logical3A_543 : i32 to vector<16xi32>
        %shift_right_logical3A_545 = arith.shrui %get3A_533, %shift_right_logical3A_544 : vector<16xi32>
        %swap3A_546 = arith.constant 64 : index
        %swap3A_547 = tpu.vector_load %arg11[%swap3A_546] {strides = array<i32>} : memref<80xi32, #tpu.memory_space<vmem>>, vector<16xi32>,
        %swap3A_548 = vector.shape_cast %swap3A_547 : vector<16xi32> to vector<16xi32>
        %swap3A_549 = vector.shape_cast %shift_right_logical3A_545 : vector<16xi32> to vector<16xi32>
        tpu.vector_store %arg11[%swap3A_546], %swap3A_549 {strides = array<i32>} : memref<80xi32, #tpu.memory_space<vmem>>, vector<16xi32>,
        %dma_start3A_550 = arith.constant 0 : i32
        %dma_start3A_551 = arith.constant 0 : i32
        %dma_start3A_552 = tpu.memref_slice %arg2[%dma_start3A_550, %dma_start3A_551] : memref<20480x128xf32, #tpu.memory_space<hbm>> -> memref<20480x128xf32, #tpu.memory_space<hbm>>
        tpu.enqueue_indirect_dma source(%dma_start3A_552 : memref<20480x128xf32, #tpu.memory_space<hbm>>) target(%arg14 : memref<80x128xf32, #tpu.memory_space<vmem>>) offsets(%arg8 : memref<80xi32, #tpu.memory_space<vmem>>) semaphore(%arg18 : memref<!tpu.dma_semaphore, #tpu.memory_space<semaphore_mem>>)
      } else {
      }
    }
    %scan3A_361 = arith.constant 41 : i32
    %dma_wait3A = arith.constant 0 : i32
    %dma_wait3A_362 = arith.constant 0 : i32
    %dma_wait3A_363 = tpu.memref_slice %arg2[%dma_wait3A, %dma_wait3A_362] : memref<20480x128xf32, #tpu.memory_space<hbm>> -> memref<20480x128xf32, #tpu.memory_space<hbm>>
    tpu.wait_indirect_dma semaphore(%arg16 : memref<!tpu.dma_semaphore, #tpu.memory_space<semaphore_mem>>) src(%dma_wait3A_363 : memref<20480x128xf32, #tpu.memory_space<hbm>>) dst(%arg12 : memref<80x128xf32, #tpu.memory_space<vmem>>)
    "tpu.region"() ({
      %run_scoped3A = tpu.sem_alloc : memref<!tpu.dma_semaphore, #tpu.memory_space<semaphore_mem>>
      %dma_start3A_408 = arith.constant 0 : i32
      %dma_start3A_409 = arith.constant 0 : i32
      %dma_start3A_410 = tpu.memref_slice %arg15[%dma_start3A_408, %dma_start3A_409] : memref<10240x128xf32, #tpu.memory_space<vmem_shared>> -> memref<10240x128xf32, #tpu.memory_space<vmem_shared>>
      tpu.enqueue_indirect_dma source(%arg12 : memref<80x128xf32, #tpu.memory_space<vmem>>) target(%dma_start3A_410 : memref<10240x128xf32, #tpu.memory_space<vmem_shared>>) offsets(%arg9 : memref<80xi32, #tpu.memory_space<vmem>>) semaphore(%run_scoped3A : memref<!tpu.dma_semaphore, #tpu.memory_space<semaphore_mem>>) {add = true}
      %dma_wait3A_411 = arith.constant 0 : i32
      %dma_wait3A_412 = arith.constant 0 : i32
      %dma_wait3A_413 = tpu.memref_slice %arg15[%dma_wait3A_411, %dma_wait3A_412] : memref<10240x128xf32, #tpu.memory_space<vmem_shared>> -> memref<10240x128xf32, #tpu.memory_space<vmem_shared>>
      tpu.wait_indirect_dma semaphore(%run_scoped3A : memref<!tpu.dma_semaphore, #tpu.memory_space<semaphore_mem>>) src(%arg12 : memref<80x128xf32, #tpu.memory_space<vmem>>) dst(%dma_wait3A_413 : memref<10240x128xf32, #tpu.memory_space<vmem_shared>>)
      tpu.yield
    }) : () -> ()
    %dma_wait3A_364 = arith.constant 0 : i32
    %dma_wait3A_365 = arith.constant 0 : i32
    %dma_wait3A_366 = tpu.memref_slice %arg2[%dma_wait3A_364, %dma_wait3A_365] : memref<20480x128xf32, #tpu.memory_space<hbm>> -> memref<20480x128xf32, #tpu.memory_space<hbm>>
    tpu.wait_indirect_dma semaphore(%arg17 : memref<!tpu.dma_semaphore, #tpu.memory_space<semaphore_mem>>) src(%dma_wait3A_366 : memref<20480x128xf32, #tpu.memory_space<hbm>>) dst(%arg13 : memref<80x128xf32, #tpu.memory_space<vmem>>)
    "tpu.region"() ({
      %run_scoped3A = tpu.sem_alloc : memref<!tpu.dma_semaphore, #tpu.memory_space<semaphore_mem>>
      %dma_start3A_408 = arith.constant 0 : i32
      %dma_start3A_409 = arith.constant 0 : i32
      %dma_start3A_410 = tpu.memref_slice %arg15[%dma_start3A_408, %dma_start3A_409] : memref<10240x128xf32, #tpu.memory_space<vmem_shared>> -> memref<10240x128xf32, #tpu.memory_space<vmem_shared>>
      tpu.enqueue_indirect_dma source(%arg13 : memref<80x128xf32, #tpu.memory_space<vmem>>) target(%dma_start3A_410 : memref<10240x128xf32, #tpu.memory_space<vmem_shared>>) offsets(%arg10 : memref<80xi32, #tpu.memory_space<vmem>>) semaphore(%run_scoped3A : memref<!tpu.dma_semaphore, #tpu.memory_space<semaphore_mem>>) {add = true}
      %dma_wait3A_411 = arith.constant 0 : i32
      %dma_wait3A_412 = arith.constant 0 : i32
      %dma_wait3A_413 = tpu.memref_slice %arg15[%dma_wait3A_411, %dma_wait3A_412] : memref<10240x128xf32, #tpu.memory_space<vmem_shared>> -> memref<10240x128xf32, #tpu.memory_space<vmem_shared>>
      tpu.wait_indirect_dma semaphore(%run_scoped3A : memref<!tpu.dma_semaphore, #tpu.memory_space<semaphore_mem>>) src(%arg13 : memref<80x128xf32, #tpu.memory_space<vmem>>) dst(%dma_wait3A_413 : memref<10240x128xf32, #tpu.memory_space<vmem_shared>>)
      tpu.yield
    }) : () -> ()
    %barrier3A_367 = arith.constant 0 : index
    tpu.barrier barrier_id(%barrier3A_367)
    %mul3A_368 = arith.constant 640 : i32
    %mul3A_369 = arith.muli %arg1, %mul3A_368 : i32
    %add3A_370 = arith.constant 0 : i32
    %add3A_371 = arith.addi %mul3A_369, %add3A_370 : i32
    "tpu.region"() ({
      %run_scoped3A = tpu.sem_alloc : memref<!tpu.dma_semaphore, #tpu.memory_space<semaphore_mem>>
      %dma_start3A_408 = arith.constant 0 : i32
      %dma_start3A_409 = tpu.memref_slice %arg15[%add3A_371, %dma_start3A_408] : memref<10240x128xf32, #tpu.memory_space<vmem_shared>> -> memref<80x128xf32, #tpu.memory_space<vmem_shared>>
      %dma_start3A_410 = arith.constant 0 : i32
      %dma_start3A_411 = tpu.memref_slice %arg15[%add3A_371, %dma_start3A_410] : memref<10240x128xf32, #tpu.memory_space<vmem_shared>> -> memref<80x128xf32, #tpu.memory_space<vmem_shared>>
      tpu.enqueue_dma source(%dma_start3A_411 : memref<80x128xf32, #tpu.memory_space<vmem_shared>>) target(%arg12 : memref<80x128xf32, #tpu.memory_space<vmem>>) target_semaphore(%run_scoped3A : memref<!tpu.dma_semaphore, #tpu.memory_space<semaphore_mem>>)
      %dma_wait3A_412 = arith.constant 0 : i32
      %dma_wait3A_413 = tpu.memref_slice %arg15[%add3A_371, %dma_wait3A_412] : memref<10240x128xf32, #tpu.memory_space<vmem_shared>> -> memref<80x128xf32, #tpu.memory_space<vmem_shared>>
      %dma_wait3A_414 = arith.constant 0 : i32
      %dma_wait3A_415 = tpu.memref_slice %arg15[%add3A_371, %dma_wait3A_414] : memref<10240x128xf32, #tpu.memory_space<vmem_shared>> -> memref<80x128xf32, #tpu.memory_space<vmem_shared>>
      tpu.wait_dma2 semaphore(%run_scoped3A : memref<!tpu.dma_semaphore, #tpu.memory_space<semaphore_mem>>) src(%dma_wait3A_415 : memref<80x128xf32, #tpu.memory_space<vmem_shared>>) dst(%arg12 : memref<80x128xf32, #tpu.memory_space<vmem>>)
      tpu.yield
    }) : () -> ()
    %add3A_372 = arith.addi %mul3A_0, %add3A_371 : i32
    "tpu.region"() ({
      %run_scoped3A = tpu.sem_alloc : memref<!tpu.dma_semaphore, #tpu.memory_space<semaphore_mem>>
      %dma_start3A_408 = arith.constant 0 : i32
      %dma_start3A_409 = tpu.memref_slice %arg4[%add3A_372, %dma_start3A_408] : memref<20480x128xf32, #tpu.memory_space<hbm>> -> memref<80x128xf32, #tpu.memory_space<hbm>>
      %dma_start3A_410 = arith.constant 0 : i32
      %dma_start3A_411 = tpu.memref_slice %arg4[%add3A_372, %dma_start3A_410] : memref<20480x128xf32, #tpu.memory_space<hbm>> -> memref<80x128xf32, #tpu.memory_space<hbm>>
      tpu.enqueue_dma source(%arg12 : memref<80x128xf32, #tpu.memory_space<vmem>>) target(%dma_start3A_411 : memref<80x128xf32, #tpu.memory_space<hbm>>) target_semaphore(%run_scoped3A : memref<!tpu.dma_semaphore, #tpu.memory_space<semaphore_mem>>)
      %dma_wait3A_412 = arith.constant 0 : i32
      %dma_wait3A_413 = tpu.memref_slice %arg4[%add3A_372, %dma_wait3A_412] : memref<20480x128xf32, #tpu.memory_space<hbm>> -> memref<80x128xf32, #tpu.memory_space<hbm>>
      %dma_wait3A_414 = arith.constant 0 : i32
      %dma_wait3A_415 = tpu.memref_slice %arg4[%add3A_372, %dma_wait3A_414] : memref<20480x128xf32, #tpu.memory_space<hbm>> -> memref<80x128xf32, #tpu.memory_space<hbm>>
      tpu.wait_dma2 semaphore(%run_scoped3A : memref<!tpu.dma_semaphore, #tpu.memory_space<semaphore_mem>>) src(%arg12 : memref<80x128xf32, #tpu.memory_space<vmem>>) dst(%dma_wait3A_415 : memref<80x128xf32, #tpu.memory_space<hbm>>)
      tpu.yield
    }) : () -> ()
    %mul3A_373 = arith.constant 640 : i32
    %mul3A_374 = arith.muli %arg1, %mul3A_373 : i32
    %add3A_375 = arith.constant 80 : i32
    %add3A_376 = arith.addi %mul3A_374, %add3A_375 : i32
    "tpu.region"() ({
      %run_scoped3A = tpu.sem_alloc : memref<!tpu.dma_semaphore, #tpu.memory_space<semaphore_mem>>
      %dma_start3A_408 = arith.constant 0 : i32
      %dma_start3A_409 = tpu.memref_slice %arg15[%add3A_376, %dma_start3A_408] : memref<10240x128xf32, #tpu.memory_space<vmem_shared>> -> memref<80x128xf32, #tpu.memory_space<vmem_shared>>
      %dma_start3A_410 = arith.constant 0 : i32
      %dma_start3A_411 = tpu.memref_slice %arg15[%add3A_376, %dma_start3A_410] : memref<10240x128xf32, #tpu.memory_space<vmem_shared>> -> memref<80x128xf32, #tpu.memory_space<vmem_shared>>
      tpu.enqueue_dma source(%dma_start3A_411 : memref<80x128xf32, #tpu.memory_space<vmem_shared>>) target(%arg12 : memref<80x128xf32, #tpu.memory_space<vmem>>) target_semaphore(%run_scoped3A : memref<!tpu.dma_semaphore, #tpu.memory_space<semaphore_mem>>)
      %dma_wait3A_412 = arith.constant 0 : i32
      %dma_wait3A_413 = tpu.memref_slice %arg15[%add3A_376, %dma_wait3A_412] : memref<10240x128xf32, #tpu.memory_space<vmem_shared>> -> memref<80x128xf32, #tpu.memory_space<vmem_shared>>
      %dma_wait3A_414 = arith.constant 0 : i32
      %dma_wait3A_415 = tpu.memref_slice %arg15[%add3A_376, %dma_wait3A_414] : memref<10240x128xf32, #tpu.memory_space<vmem_shared>> -> memref<80x128xf32, #tpu.memory_space<vmem_shared>>
      tpu.wait_dma2 semaphore(%run_scoped3A : memref<!tpu.dma_semaphore, #tpu.memory_space<semaphore_mem>>) src(%dma_wait3A_415 : memref<80x128xf32, #tpu.memory_space<vmem_shared>>) dst(%arg12 : memref<80x128xf32, #tpu.memory_space<vmem>>)
      tpu.yield
    }) : () -> ()
    %add3A_377 = arith.addi %mul3A_0, %add3A_376 : i32
    "tpu.region"() ({
      %run_scoped3A = tpu.sem_alloc : memref<!tpu.dma_semaphore, #tpu.memory_space<semaphore_mem>>
      %dma_start3A_408 = arith.constant 0 : i32
      %dma_start3A_409 = tpu.memref_slice %arg4[%add3A_377, %dma_start3A_408] : memref<20480x128xf32, #tpu.memory_space<hbm>> -> memref<80x128xf32, #tpu.memory_space<hbm>>
      %dma_start3A_410 = arith.constant 0 : i32
      %dma_start3A_411 = tpu.memref_slice %arg4[%add3A_377, %dma_start3A_410] : memref<20480x128xf32, #tpu.memory_space<hbm>> -> memref<80x128xf32, #tpu.memory_space<hbm>>
      tpu.enqueue_dma source(%arg12 : memref<80x128xf32, #tpu.memory_space<vmem>>) target(%dma_start3A_411 : memref<80x128xf32, #tpu.memory_space<hbm>>) target_semaphore(%run_scoped3A : memref<!tpu.dma_semaphore, #tpu.memory_space<semaphore_mem>>)
      %dma_wait3A_412 = arith.constant 0 : i32
      %dma_wait3A_413 = tpu.memref_slice %arg4[%add3A_377, %dma_wait3A_412] : memref<20480x128xf32, #tpu.memory_space<hbm>> -> memref<80x128xf32, #tpu.memory_space<hbm>>
      %dma_wait3A_414 = arith.constant 0 : i32
      %dma_wait3A_415 = tpu.memref_slice %arg4[%add3A_377, %dma_wait3A_414] : memref<20480x128xf32, #tpu.memory_space<hbm>> -> memref<80x128xf32, #tpu.memory_space<hbm>>
      tpu.wait_dma2 semaphore(%run_scoped3A : memref<!tpu.dma_semaphore, #tpu.memory_space<semaphore_mem>>) src(%arg12 : memref<80x128xf32, #tpu.memory_space<vmem>>) dst(%dma_wait3A_415 : memref<80x128xf32, #tpu.memory_space<hbm>>)
      tpu.yield
    }) : () -> ()
    %mul3A_378 = arith.constant 640 : i32
    %mul3A_379 = arith.muli %arg1, %mul3A_378 : i32
    %add3A_380 = arith.constant 160 : i32
    %add3A_381 = arith.addi %mul3A_379, %add3A_380 : i32
    "tpu.region"() ({
      %run_scoped3A = tpu.sem_alloc : memref<!tpu.dma_semaphore, #tpu.memory_space<semaphore_mem>>
      %dma_start3A_408 = arith.constant 0 : i32
      %dma_start3A_409 = tpu.memref_slice %arg15[%add3A_381, %dma_start3A_408] : memref<10240x128xf32, #tpu.memory_space<vmem_shared>> -> memref<80x128xf32, #tpu.memory_space<vmem_shared>>
      %dma_start3A_410 = arith.constant 0 : i32
      %dma_start3A_411 = tpu.memref_slice %arg15[%add3A_381, %dma_start3A_410] : memref<10240x128xf32, #tpu.memory_space<vmem_shared>> -> memref<80x128xf32, #tpu.memory_space<vmem_shared>>
      tpu.enqueue_dma source(%dma_start3A_411 : memref<80x128xf32, #tpu.memory_space<vmem_shared>>) target(%arg12 : memref<80x128xf32, #tpu.memory_space<vmem>>) target_semaphore(%run_scoped3A : memref<!tpu.dma_semaphore, #tpu.memory_space<semaphore_mem>>)
      %dma_wait3A_412 = arith.constant 0 : i32
      %dma_wait3A_413 = tpu.memref_slice %arg15[%add3A_381, %dma_wait3A_412] : memref<10240x128xf32, #tpu.memory_space<vmem_shared>> -> memref<80x128xf32, #tpu.memory_space<vmem_shared>>
      %dma_wait3A_414 = arith.constant 0 : i32
      %dma_wait3A_415 = tpu.memref_slice %arg15[%add3A_381, %dma_wait3A_414] : memref<10240x128xf32, #tpu.memory_space<vmem_shared>> -> memref<80x128xf32, #tpu.memory_space<vmem_shared>>
      tpu.wait_dma2 semaphore(%run_scoped3A : memref<!tpu.dma_semaphore, #tpu.memory_space<semaphore_mem>>) src(%dma_wait3A_415 : memref<80x128xf32, #tpu.memory_space<vmem_shared>>) dst(%arg12 : memref<80x128xf32, #tpu.memory_space<vmem>>)
      tpu.yield
    }) : () -> ()
    %add3A_382 = arith.addi %mul3A_0, %add3A_381 : i32
    "tpu.region"() ({
      %run_scoped3A = tpu.sem_alloc : memref<!tpu.dma_semaphore, #tpu.memory_space<semaphore_mem>>
      %dma_start3A_408 = arith.constant 0 : i32
      %dma_start3A_409 = tpu.memref_slice %arg4[%add3A_382, %dma_start3A_408] : memref<20480x128xf32, #tpu.memory_space<hbm>> -> memref<80x128xf32, #tpu.memory_space<hbm>>
      %dma_start3A_410 = arith.constant 0 : i32
      %dma_start3A_411 = tpu.memref_slice %arg4[%add3A_382, %dma_start3A_410] : memref<20480x128xf32, #tpu.memory_space<hbm>> -> memref<80x128xf32, #tpu.memory_space<hbm>>
      tpu.enqueue_dma source(%arg12 : memref<80x128xf32, #tpu.memory_space<vmem>>) target(%dma_start3A_411 : memref<80x128xf32, #tpu.memory_space<hbm>>) target_semaphore(%run_scoped3A : memref<!tpu.dma_semaphore, #tpu.memory_space<semaphore_mem>>)
      %dma_wait3A_412 = arith.constant 0 : i32
      %dma_wait3A_413 = tpu.memref_slice %arg4[%add3A_382, %dma_wait3A_412] : memref<20480x128xf32, #tpu.memory_space<hbm>> -> memref<80x128xf32, #tpu.memory_space<hbm>>
      %dma_wait3A_414 = arith.constant 0 : i32
      %dma_wait3A_415 = tpu.memref_slice %arg4[%add3A_382, %dma_wait3A_414] : memref<20480x128xf32, #tpu.memory_space<hbm>> -> memref<80x128xf32, #tpu.memory_space<hbm>>
      tpu.wait_dma2 semaphore(%run_scoped3A : memref<!tpu.dma_semaphore, #tpu.memory_space<semaphore_mem>>) src(%arg12 : memref<80x128xf32, #tpu.memory_space<vmem>>) dst(%dma_wait3A_415 : memref<80x128xf32, #tpu.memory_space<hbm>>)
      tpu.yield
    }) : () -> ()
    %mul3A_383 = arith.constant 640 : i32
    %mul3A_384 = arith.muli %arg1, %mul3A_383 : i32
    %add3A_385 = arith.constant 240 : i32
    %add3A_386 = arith.addi %mul3A_384, %add3A_385 : i32
    "tpu.region"() ({
      %run_scoped3A = tpu.sem_alloc : memref<!tpu.dma_semaphore, #tpu.memory_space<semaphore_mem>>
      %dma_start3A_408 = arith.constant 0 : i32
      %dma_start3A_409 = tpu.memref_slice %arg15[%add3A_386, %dma_start3A_408] : memref<10240x128xf32, #tpu.memory_space<vmem_shared>> -> memref<80x128xf32, #tpu.memory_space<vmem_shared>>
      %dma_start3A_410 = arith.constant 0 : i32
      %dma_start3A_411 = tpu.memref_slice %arg15[%add3A_386, %dma_start3A_410] : memref<10240x128xf32, #tpu.memory_space<vmem_shared>> -> memref<80x128xf32, #tpu.memory_space<vmem_shared>>
      tpu.enqueue_dma source(%dma_start3A_411 : memref<80x128xf32, #tpu.memory_space<vmem_shared>>) target(%arg12 : memref<80x128xf32, #tpu.memory_space<vmem>>) target_semaphore(%run_scoped3A : memref<!tpu.dma_semaphore, #tpu.memory_space<semaphore_mem>>)
      %dma_wait3A_412 = arith.constant 0 : i32
      %dma_wait3A_413 = tpu.memref_slice %arg15[%add3A_386, %dma_wait3A_412] : memref<10240x128xf32, #tpu.memory_space<vmem_shared>> -> memref<80x128xf32, #tpu.memory_space<vmem_shared>>
      %dma_wait3A_414 = arith.constant 0 : i32
      %dma_wait3A_415 = tpu.memref_slice %arg15[%add3A_386, %dma_wait3A_414] : memref<10240x128xf32, #tpu.memory_space<vmem_shared>> -> memref<80x128xf32, #tpu.memory_space<vmem_shared>>
      tpu.wait_dma2 semaphore(%run_scoped3A : memref<!tpu.dma_semaphore, #tpu.memory_space<semaphore_mem>>) src(%dma_wait3A_415 : memref<80x128xf32, #tpu.memory_space<vmem_shared>>) dst(%arg12 : memref<80x128xf32, #tpu.memory_space<vmem>>)
      tpu.yield
    }) : () -> ()
    %add3A_387 = arith.addi %mul3A_0, %add3A_386 : i32
    "tpu.region"() ({
      %run_scoped3A = tpu.sem_alloc : memref<!tpu.dma_semaphore, #tpu.memory_space<semaphore_mem>>
      %dma_start3A_408 = arith.constant 0 : i32
      %dma_start3A_409 = tpu.memref_slice %arg4[%add3A_387, %dma_start3A_408] : memref<20480x128xf32, #tpu.memory_space<hbm>> -> memref<80x128xf32, #tpu.memory_space<hbm>>
      %dma_start3A_410 = arith.constant 0 : i32
      %dma_start3A_411 = tpu.memref_slice %arg4[%add3A_387, %dma_start3A_410] : memref<20480x128xf32, #tpu.memory_space<hbm>> -> memref<80x128xf32, #tpu.memory_space<hbm>>
      tpu.enqueue_dma source(%arg12 : memref<80x128xf32, #tpu.memory_space<vmem>>) target(%dma_start3A_411 : memref<80x128xf32, #tpu.memory_space<hbm>>) target_semaphore(%run_scoped3A : memref<!tpu.dma_semaphore, #tpu.memory_space<semaphore_mem>>)
      %dma_wait3A_412 = arith.constant 0 : i32
      %dma_wait3A_413 = tpu.memref_slice %arg4[%add3A_387, %dma_wait3A_412] : memref<20480x128xf32, #tpu.memory_space<hbm>> -> memref<80x128xf32, #tpu.memory_space<hbm>>
      %dma_wait3A_414 = arith.constant 0 : i32
      %dma_wait3A_415 = tpu.memref_slice %arg4[%add3A_387, %dma_wait3A_414] : memref<20480x128xf32, #tpu.memory_space<hbm>> -> memref<80x128xf32, #tpu.memory_space<hbm>>
      tpu.wait_dma2 semaphore(%run_scoped3A : memref<!tpu.dma_semaphore, #tpu.memory_space<semaphore_mem>>) src(%arg12 : memref<80x128xf32, #tpu.memory_space<vmem>>) dst(%dma_wait3A_415 : memref<80x128xf32, #tpu.memory_space<hbm>>)
      tpu.yield
    }) : () -> ()
    %mul3A_388 = arith.constant 640 : i32
    %mul3A_389 = arith.muli %arg1, %mul3A_388 : i32
    %add3A_390 = arith.constant 320 : i32
    %add3A_391 = arith.addi %mul3A_389, %add3A_390 : i32
    "tpu.region"() ({
      %run_scoped3A = tpu.sem_alloc : memref<!tpu.dma_semaphore, #tpu.memory_space<semaphore_mem>>
      %dma_start3A_408 = arith.constant 0 : i32
      %dma_start3A_409 = tpu.memref_slice %arg15[%add3A_391, %dma_start3A_408] : memref<10240x128xf32, #tpu.memory_space<vmem_shared>> -> memref<80x128xf32, #tpu.memory_space<vmem_shared>>
      %dma_start3A_410 = arith.constant 0 : i32
      %dma_start3A_411 = tpu.memref_slice %arg15[%add3A_391, %dma_start3A_410] : memref<10240x128xf32, #tpu.memory_space<vmem_shared>> -> memref<80x128xf32, #tpu.memory_space<vmem_shared>>
      tpu.enqueue_dma source(%dma_start3A_411 : memref<80x128xf32, #tpu.memory_space<vmem_shared>>) target(%arg12 : memref<80x128xf32, #tpu.memory_space<vmem>>) target_semaphore(%run_scoped3A : memref<!tpu.dma_semaphore, #tpu.memory_space<semaphore_mem>>)
      %dma_wait3A_412 = arith.constant 0 : i32
      %dma_wait3A_413 = tpu.memref_slice %arg15[%add3A_391, %dma_wait3A_412] : memref<10240x128xf32, #tpu.memory_space<vmem_shared>> -> memref<80x128xf32, #tpu.memory_space<vmem_shared>>
      %dma_wait3A_414 = arith.constant 0 : i32
      %dma_wait3A_415 = tpu.memref_slice %arg15[%add3A_391, %dma_wait3A_414] : memref<10240x128xf32, #tpu.memory_space<vmem_shared>> -> memref<80x128xf32, #tpu.memory_space<vmem_shared>>
      tpu.wait_dma2 semaphore(%run_scoped3A : memref<!tpu.dma_semaphore, #tpu.memory_space<semaphore_mem>>) src(%dma_wait3A_415 : memref<80x128xf32, #tpu.memory_space<vmem_shared>>) dst(%arg12 : memref<80x128xf32, #tpu.memory_space<vmem>>)
      tpu.yield
    }) : () -> ()
    %add3A_392 = arith.addi %mul3A_0, %add3A_391 : i32
    "tpu.region"() ({
      %run_scoped3A = tpu.sem_alloc : memref<!tpu.dma_semaphore, #tpu.memory_space<semaphore_mem>>
      %dma_start3A_408 = arith.constant 0 : i32
      %dma_start3A_409 = tpu.memref_slice %arg4[%add3A_392, %dma_start3A_408] : memref<20480x128xf32, #tpu.memory_space<hbm>> -> memref<80x128xf32, #tpu.memory_space<hbm>>
      %dma_start3A_410 = arith.constant 0 : i32
      %dma_start3A_411 = tpu.memref_slice %arg4[%add3A_392, %dma_start3A_410] : memref<20480x128xf32, #tpu.memory_space<hbm>> -> memref<80x128xf32, #tpu.memory_space<hbm>>
      tpu.enqueue_dma source(%arg12 : memref<80x128xf32, #tpu.memory_space<vmem>>) target(%dma_start3A_411 : memref<80x128xf32, #tpu.memory_space<hbm>>) target_semaphore(%run_scoped3A : memref<!tpu.dma_semaphore, #tpu.memory_space<semaphore_mem>>)
      %dma_wait3A_412 = arith.constant 0 : i32
      %dma_wait3A_413 = tpu.memref_slice %arg4[%add3A_392, %dma_wait3A_412] : memref<20480x128xf32, #tpu.memory_space<hbm>> -> memref<80x128xf32, #tpu.memory_space<hbm>>
      %dma_wait3A_414 = arith.constant 0 : i32
      %dma_wait3A_415 = tpu.memref_slice %arg4[%add3A_392, %dma_wait3A_414] : memref<20480x128xf32, #tpu.memory_space<hbm>> -> memref<80x128xf32, #tpu.memory_space<hbm>>
      tpu.wait_dma2 semaphore(%run_scoped3A : memref<!tpu.dma_semaphore, #tpu.memory_space<semaphore_mem>>) src(%arg12 : memref<80x128xf32, #tpu.memory_space<vmem>>) dst(%dma_wait3A_415 : memref<80x128xf32, #tpu.memory_space<hbm>>)
      tpu.yield
    }) : () -> ()
    %mul3A_393 = arith.constant 640 : i32
    %mul3A_394 = arith.muli %arg1, %mul3A_393 : i32
    %add3A_395 = arith.constant 400 : i32
    %add3A_396 = arith.addi %mul3A_394, %add3A_395 : i32
    "tpu.region"() ({
      %run_scoped3A = tpu.sem_alloc : memref<!tpu.dma_semaphore, #tpu.memory_space<semaphore_mem>>
      %dma_start3A_408 = arith.constant 0 : i32
      %dma_start3A_409 = tpu.memref_slice %arg15[%add3A_396, %dma_start3A_408] : memref<10240x128xf32, #tpu.memory_space<vmem_shared>> -> memref<80x128xf32, #tpu.memory_space<vmem_shared>>
      %dma_start3A_410 = arith.constant 0 : i32
      %dma_start3A_411 = tpu.memref_slice %arg15[%add3A_396, %dma_start3A_410] : memref<10240x128xf32, #tpu.memory_space<vmem_shared>> -> memref<80x128xf32, #tpu.memory_space<vmem_shared>>
      tpu.enqueue_dma source(%dma_start3A_411 : memref<80x128xf32, #tpu.memory_space<vmem_shared>>) target(%arg12 : memref<80x128xf32, #tpu.memory_space<vmem>>) target_semaphore(%run_scoped3A : memref<!tpu.dma_semaphore, #tpu.memory_space<semaphore_mem>>)
      %dma_wait3A_412 = arith.constant 0 : i32
      %dma_wait3A_413 = tpu.memref_slice %arg15[%add3A_396, %dma_wait3A_412] : memref<10240x128xf32, #tpu.memory_space<vmem_shared>> -> memref<80x128xf32, #tpu.memory_space<vmem_shared>>
      %dma_wait3A_414 = arith.constant 0 : i32
      %dma_wait3A_415 = tpu.memref_slice %arg15[%add3A_396, %dma_wait3A_414] : memref<10240x128xf32, #tpu.memory_space<vmem_shared>> -> memref<80x128xf32, #tpu.memory_space<vmem_shared>>
      tpu.wait_dma2 semaphore(%run_scoped3A : memref<!tpu.dma_semaphore, #tpu.memory_space<semaphore_mem>>) src(%dma_wait3A_415 : memref<80x128xf32, #tpu.memory_space<vmem_shared>>) dst(%arg12 : memref<80x128xf32, #tpu.memory_space<vmem>>)
      tpu.yield
    }) : () -> ()
    %add3A_397 = arith.addi %mul3A_0, %add3A_396 : i32
    "tpu.region"() ({
      %run_scoped3A = tpu.sem_alloc : memref<!tpu.dma_semaphore, #tpu.memory_space<semaphore_mem>>
      %dma_start3A_408 = arith.constant 0 : i32
      %dma_start3A_409 = tpu.memref_slice %arg4[%add3A_397, %dma_start3A_408] : memref<20480x128xf32, #tpu.memory_space<hbm>> -> memref<80x128xf32, #tpu.memory_space<hbm>>
      %dma_start3A_410 = arith.constant 0 : i32
      %dma_start3A_411 = tpu.memref_slice %arg4[%add3A_397, %dma_start3A_410] : memref<20480x128xf32, #tpu.memory_space<hbm>> -> memref<80x128xf32, #tpu.memory_space<hbm>>
      tpu.enqueue_dma source(%arg12 : memref<80x128xf32, #tpu.memory_space<vmem>>) target(%dma_start3A_411 : memref<80x128xf32, #tpu.memory_space<hbm>>) target_semaphore(%run_scoped3A : memref<!tpu.dma_semaphore, #tpu.memory_space<semaphore_mem>>)
      %dma_wait3A_412 = arith.constant 0 : i32
      %dma_wait3A_413 = tpu.memref_slice %arg4[%add3A_397, %dma_wait3A_412] : memref<20480x128xf32, #tpu.memory_space<hbm>> -> memref<80x128xf32, #tpu.memory_space<hbm>>
      %dma_wait3A_414 = arith.constant 0 : i32
      %dma_wait3A_415 = tpu.memref_slice %arg4[%add3A_397, %dma_wait3A_414] : memref<20480x128xf32, #tpu.memory_space<hbm>> -> memref<80x128xf32, #tpu.memory_space<hbm>>
      tpu.wait_dma2 semaphore(%run_scoped3A : memref<!tpu.dma_semaphore, #tpu.memory_space<semaphore_mem>>) src(%arg12 : memref<80x128xf32, #tpu.memory_space<vmem>>) dst(%dma_wait3A_415 : memref<80x128xf32, #tpu.memory_space<hbm>>)
      tpu.yield
    }) : () -> ()
    %mul3A_398 = arith.constant 640 : i32
    %mul3A_399 = arith.muli %arg1, %mul3A_398 : i32
    %add3A_400 = arith.constant 480 : i32
    %add3A_401 = arith.addi %mul3A_399, %add3A_400 : i32
    "tpu.region"() ({
      %run_scoped3A = tpu.sem_alloc : memref<!tpu.dma_semaphore, #tpu.memory_space<semaphore_mem>>
      %dma_start3A_408 = arith.constant 0 : i32
      %dma_start3A_409 = tpu.memref_slice %arg15[%add3A_401, %dma_start3A_408] : memref<10240x128xf32, #tpu.memory_space<vmem_shared>> -> memref<80x128xf32, #tpu.memory_space<vmem_shared>>
      %dma_start3A_410 = arith.constant 0 : i32
      %dma_start3A_411 = tpu.memref_slice %arg15[%add3A_401, %dma_start3A_410] : memref<10240x128xf32, #tpu.memory_space<vmem_shared>> -> memref<80x128xf32, #tpu.memory_space<vmem_shared>>
      tpu.enqueue_dma source(%dma_start3A_411 : memref<80x128xf32, #tpu.memory_space<vmem_shared>>) target(%arg12 : memref<80x128xf32, #tpu.memory_space<vmem>>) target_semaphore(%run_scoped3A : memref<!tpu.dma_semaphore, #tpu.memory_space<semaphore_mem>>)
      %dma_wait3A_412 = arith.constant 0 : i32
      %dma_wait3A_413 = tpu.memref_slice %arg15[%add3A_401, %dma_wait3A_412] : memref<10240x128xf32, #tpu.memory_space<vmem_shared>> -> memref<80x128xf32, #tpu.memory_space<vmem_shared>>
      %dma_wait3A_414 = arith.constant 0 : i32
      %dma_wait3A_415 = tpu.memref_slice %arg15[%add3A_401, %dma_wait3A_414] : memref<10240x128xf32, #tpu.memory_space<vmem_shared>> -> memref<80x128xf32, #tpu.memory_space<vmem_shared>>
      tpu.wait_dma2 semaphore(%run_scoped3A : memref<!tpu.dma_semaphore, #tpu.memory_space<semaphore_mem>>) src(%dma_wait3A_415 : memref<80x128xf32, #tpu.memory_space<vmem_shared>>) dst(%arg12 : memref<80x128xf32, #tpu.memory_space<vmem>>)
      tpu.yield
    }) : () -> ()
    %add3A_402 = arith.addi %mul3A_0, %add3A_401 : i32
    "tpu.region"() ({
      %run_scoped3A = tpu.sem_alloc : memref<!tpu.dma_semaphore, #tpu.memory_space<semaphore_mem>>
      %dma_start3A_408 = arith.constant 0 : i32
      %dma_start3A_409 = tpu.memref_slice %arg4[%add3A_402, %dma_start3A_408] : memref<20480x128xf32, #tpu.memory_space<hbm>> -> memref<80x128xf32, #tpu.memory_space<hbm>>
      %dma_start3A_410 = arith.constant 0 : i32
      %dma_start3A_411 = tpu.memref_slice %arg4[%add3A_402, %dma_start3A_410] : memref<20480x128xf32, #tpu.memory_space<hbm>> -> memref<80x128xf32, #tpu.memory_space<hbm>>
      tpu.enqueue_dma source(%arg12 : memref<80x128xf32, #tpu.memory_space<vmem>>) target(%dma_start3A_411 : memref<80x128xf32, #tpu.memory_space<hbm>>) target_semaphore(%run_scoped3A : memref<!tpu.dma_semaphore, #tpu.memory_space<semaphore_mem>>)
      %dma_wait3A_412 = arith.constant 0 : i32
      %dma_wait3A_413 = tpu.memref_slice %arg4[%add3A_402, %dma_wait3A_412] : memref<20480x128xf32, #tpu.memory_space<hbm>> -> memref<80x128xf32, #tpu.memory_space<hbm>>
      %dma_wait3A_414 = arith.constant 0 : i32
      %dma_wait3A_415 = tpu.memref_slice %arg4[%add3A_402, %dma_wait3A_414] : memref<20480x128xf32, #tpu.memory_space<hbm>> -> memref<80x128xf32, #tpu.memory_space<hbm>>
      tpu.wait_dma2 semaphore(%run_scoped3A : memref<!tpu.dma_semaphore, #tpu.memory_space<semaphore_mem>>) src(%arg12 : memref<80x128xf32, #tpu.memory_space<vmem>>) dst(%dma_wait3A_415 : memref<80x128xf32, #tpu.memory_space<hbm>>)
      tpu.yield
    }) : () -> ()
    %mul3A_403 = arith.constant 640 : i32
    %mul3A_404 = arith.muli %arg1, %mul3A_403 : i32
    %add3A_405 = arith.constant 560 : i32
    %add3A_406 = arith.addi %mul3A_404, %add3A_405 : i32
    "tpu.region"() ({
      %run_scoped3A = tpu.sem_alloc : memref<!tpu.dma_semaphore, #tpu.memory_space<semaphore_mem>>
      %dma_start3A_408 = arith.constant 0 : i32
      %dma_start3A_409 = tpu.memref_slice %arg15[%add3A_406, %dma_start3A_408] : memref<10240x128xf32, #tpu.memory_space<vmem_shared>> -> memref<80x128xf32, #tpu.memory_space<vmem_shared>>
      %dma_start3A_410 = arith.constant 0 : i32
      %dma_start3A_411 = tpu.memref_slice %arg15[%add3A_406, %dma_start3A_410] : memref<10240x128xf32, #tpu.memory_space<vmem_shared>> -> memref<80x128xf32, #tpu.memory_space<vmem_shared>>
      tpu.enqueue_dma source(%dma_start3A_411 : memref<80x128xf32, #tpu.memory_space<vmem_shared>>) target(%arg12 : memref<80x128xf32, #tpu.memory_space<vmem>>) target_semaphore(%run_scoped3A : memref<!tpu.dma_semaphore, #tpu.memory_space<semaphore_mem>>)
      %dma_wait3A_412 = arith.constant 0 : i32
      %dma_wait3A_413 = tpu.memref_slice %arg15[%add3A_406, %dma_wait3A_412] : memref<10240x128xf32, #tpu.memory_space<vmem_shared>> -> memref<80x128xf32, #tpu.memory_space<vmem_shared>>
      %dma_wait3A_414 = arith.constant 0 : i32
      %dma_wait3A_415 = tpu.memref_slice %arg15[%add3A_406, %dma_wait3A_414] : memref<10240x128xf32, #tpu.memory_space<vmem_shared>> -> memref<80x128xf32, #tpu.memory_space<vmem_shared>>
      tpu.wait_dma2 semaphore(%run_scoped3A : memref<!tpu.dma_semaphore, #tpu.memory_space<semaphore_mem>>) src(%dma_wait3A_415 : memref<80x128xf32, #tpu.memory_space<vmem_shared>>) dst(%arg12 : memref<80x128xf32, #tpu.memory_space<vmem>>)
      tpu.yield
    }) : () -> ()
    %add3A_407 = arith.addi %mul3A_0, %add3A_406 : i32
    "tpu.region"() ({
      %run_scoped3A = tpu.sem_alloc : memref<!tpu.dma_semaphore, #tpu.memory_space<semaphore_mem>>
      %dma_start3A_408 = arith.constant 0 : i32
      %dma_start3A_409 = tpu.memref_slice %arg4[%add3A_407, %dma_start3A_408] : memref<20480x128xf32, #tpu.memory_space<hbm>> -> memref<80x128xf32, #tpu.memory_space<hbm>>
      %dma_start3A_410 = arith.constant 0 : i32
      %dma_start3A_411 = tpu.memref_slice %arg4[%add3A_407, %dma_start3A_410] : memref<20480x128xf32, #tpu.memory_space<hbm>> -> memref<80x128xf32, #tpu.memory_space<hbm>>
      tpu.enqueue_dma source(%arg12 : memref<80x128xf32, #tpu.memory_space<vmem>>) target(%dma_start3A_411 : memref<80x128xf32, #tpu.memory_space<hbm>>) target_semaphore(%run_scoped3A : memref<!tpu.dma_semaphore, #tpu.memory_space<semaphore_mem>>)
      %dma_wait3A_412 = arith.constant 0 : i32
      %dma_wait3A_413 = tpu.memref_slice %arg4[%add3A_407, %dma_wait3A_412] : memref<20480x128xf32, #tpu.memory_space<hbm>> -> memref<80x128xf32, #tpu.memory_space<hbm>>
      %dma_wait3A_414 = arith.constant 0 : i32
      %dma_wait3A_415 = tpu.memref_slice %arg4[%add3A_407, %dma_wait3A_414] : memref<20480x128xf32, #tpu.memory_space<hbm>> -> memref<80x128xf32, #tpu.memory_space<hbm>>
      tpu.wait_dma2 semaphore(%run_scoped3A : memref<!tpu.dma_semaphore, #tpu.memory_space<semaphore_mem>>) src(%arg12 : memref<80x128xf32, #tpu.memory_space<vmem>>) dst(%dma_wait3A_415 : memref<80x128xf32, #tpu.memory_space<hbm>>)
      tpu.yield
    }) : () -> ()
    return
  }
}

#map = affine_map<(d0, d1) -> (0, 0)>
#map1 = affine_map<(d0, d1) -> (0, 0, 0)>
module attributes {stable_mosaic.version = 14 : i64} {
  func.func @_sc_scatter_body(%arg0: i32, %arg1: i32, %arg2: memref<20480x128xf32, #tpu.memory_space<hbm>>, %arg3: memref<16x125x80xi32, #tpu.memory_space<hbm>>, %arg4: memref<20480x128xf32, #tpu.memory_space<hbm>>, %arg5: memref<125x80xi32, #tpu.memory_space<vmem>>, %arg6: memref<80xi32, #tpu.memory_space<vmem>>, %arg7: memref<80xi32, #tpu.memory_space<vmem>>, %arg8: memref<80xi32, #tpu.memory_space<vmem>>, %arg9: memref<80xi32, #tpu.memory_space<vmem>>, %arg10: memref<80xi32, #tpu.memory_space<vmem>>, %arg11: memref<80xi32, #tpu.memory_space<vmem>>, %arg12: memref<80x128xf32, #tpu.memory_space<vmem>>, %arg13: memref<80x128xf32, #tpu.memory_space<vmem>>, %arg14: memref<80x128xf32, #tpu.memory_space<vmem>>, %arg15: memref<10240x128xf32, #tpu.memory_space<vmem_shared>>, %arg16: memref<!tpu.dma_semaphore, #tpu.memory_space<semaphore_mem>>, %arg17: memref<!tpu.dma_semaphore, #tpu.memory_space<semaphore_mem>>, %arg18: memref<!tpu.dma_semaphore, #tpu.memory_space<semaphore_mem>>) attributes {dimension_semantics = [#tpu.dimension_semantics<core_parallel>, #tpu.dimension_semantics<subcore_parallel>], iteration_bounds = array<i64: 2, 16>, scalar_prefetch = 0 : i64, scratch_operands = 14 : i64, tpu.core_type = #tpu.core_type<sc_vector_subcore>, window_params = [{transform_indices = #map}, {transform_indices = #map1}, {transform_indices = #map}]} {
    %mul3A = arith.constant 10240 : i32
    %mul3A_0 = arith.muli %arg0, %mul3A : i32
    "tpu.region"() ({
      %run_scoped3A = tpu.sem_alloc : memref<!tpu.dma_semaphore, #tpu.memory_space<semaphore_mem>>
      %dma_start3A_408 = arith.constant 0 : i32
      %dma_start3A_409 = arith.constant 0 : i32
      %dma_start3A_410 = tpu.memref_slice %arg3[%arg1, %dma_start3A_408, %dma_start3A_409] : memref<16x125x80xi32, #tpu.memory_space<hbm>> -> memref<1x125x80xi32, #tpu.memory_space<hbm>>
      %dma_start3A_411 = tpu.memref_squeeze %dma_start3A_410 : memref<1x125x80xi32, #tpu.memory_space<hbm>> -> memref<125x80xi32, #tpu.memory_space<hbm>>
      %dma_start3A_412 = arith.constant 0 : i32
      %dma_start3A_413 = arith.constant 0 : i32
      %dma_start3A_414 = tpu.memref_slice %arg3[%arg1, %dma_start3A_412, %dma_start3A_413] : memref<16x125x80xi32, #tpu.memory_space<hbm>> -> memref<1x125x80xi32, #tpu.memory_space<hbm>>
      %dma_start3A_415 = tpu.memref_squeeze %dma_start3A_414 : memref<1x125x80xi32, #tpu.memory_space<hbm>> -> memref<125x80xi32, #tpu.memory_space<hbm>>
      tpu.enqueue_dma source(%dma_start3A_415 : memref<125x80xi32, #tpu.memory_space<hbm>>) target(%arg5 : memref<125x80xi32, #tpu.memory_space<vmem>>) target_semaphore(%run_scoped3A : memref<!tpu.dma_semaphore, #tpu.memory_space<semaphore_mem>>)
      %dma_wait3A_416 = arith.constant 0 : i32
      %dma_wait3A_417 = arith.constant 0 : i32
      %dma_wait3A_418 = tpu.memref_slice %arg3[%arg1, %dma_wait3A_416, %dma_wait3A_417] : memref<16x125x80xi32, #tpu.memory_space<hbm>> -> memref<1x125x80xi32, #tpu.memory_space<hbm>>
      %dma_wait3A_419 = tpu.memref_squeeze %dma_wait3A_418 : memref<1x125x80xi32, #tpu.memory_space<hbm>> -> memref<125x80xi32, #tpu.memory_space<hbm>>
      %dma_wait3A_420 = arith.constant 0 : i32
      %dma_wait3A_421 = arith.constant 0 : i32
      %dma_wait3A_422 = tpu.memref_slice %arg3[%arg1, %dma_wait3A_420, %dma_wait3A_421] : memref<16x125x80xi32, #tpu.memory_space<hbm>> -> memref<1x125x80xi32, #tpu.memory_space<hbm>>
      %dma_wait3A_423 = tpu.memref_squeeze %dma_wait3A_422 : memref<1x125x80xi32, #tpu.memory_space<hbm>> -> memref<125x80xi32, #tpu.memory_space<hbm>>
      tpu.wait_dma2 semaphore(%run_scoped3A : memref<!tpu.dma_semaphore, #tpu.memory_space<semaphore_mem>>) src(%dma_wait3A_423 : memref<125x80xi32, #tpu.memory_space<hbm>>) dst(%arg5 : memref<125x80xi32, #tpu.memory_space<vmem>>)
      tpu.yield
    }) : () -> ()
    %scan3A = arith.constant 0 : i32
    %scan3A_1 = arith.constant 0 : i32
    %scan3A_2 = arith.constant 80 : i32
    %scan3A_3 = arith.addi %scan3A_1, %scan3A_2 : i32
    %scan3A_4 = arith.constant 1 : i32
    scf.for %scan3A_408 = %scan3A_1 to %scan3A_3 step %scan3A_4  : i32 {
      %scan3A_409 = arith.constant 0 : i32
      %scan3A_410 = arith.constant 8 : i32
      %scan3A_411 = arith.addi %scan3A_409, %scan3A_410 : i32
      %scan3A_412 = arith.constant 1 : i32
      scf.for %scan3A_414 = %scan3A_409 to %scan3A_411 step %scan3A_412  : i32 {
        %broadcast_in_dim3A = arith.constant 0.000000e+00 : f32
        %broadcast_in_dim3A_415 = vector.broadcast %broadcast_in_dim3A : f32 to vector<16xf32>
        %mul3A_416 = arith.constant 16 : i32
        %mul3A_417 = arith.muli %scan3A_414, %mul3A_416 : i32
        %swap3A_418 = arith.index_cast %scan3A_408 : i32 to index
        %swap3A_419 = arith.index_cast %mul3A_417 : i32 to index
        %swap3A_420 = tpu.vector_load %arg12[%swap3A_418, %swap3A_419] {strides = array<i32>} : memref<80x128xf32, #tpu.memory_space<vmem>>, vector<1x16xf32>,
        %swap3A_421 = vector.shape_cast %swap3A_420 : vector<1x16xf32> to vector<16xf32>
        %swap3A_422 = vector.shape_cast %broadcast_in_dim3A_415 : vector<16xf32> to vector<1x16xf32>
        tpu.vector_store %arg12[%swap3A_418, %swap3A_419], %swap3A_422 {strides = array<i32>} : memref<80x128xf32, #tpu.memory_space<vmem>>, vector<1x16xf32>,
      }
      %scan3A_413 = arith.constant 8 : i32
    }
    %scan3A_5 = arith.constant 80 : i32
    %mul3A_6 = arith.constant 640 : i32
    %mul3A_7 = arith.muli %arg1, %mul3A_6 : i32
    %add3A = arith.constant 0 : i32
    %add3A_8 = arith.addi %mul3A_7, %add3A : i32
    "tpu.region"() ({
      %run_scoped3A = tpu.sem_alloc : memref<!tpu.dma_semaphore, #tpu.memory_space<semaphore_mem>>
      %dma_start3A_408 = arith.constant 0 : i32
      %dma_start3A_409 = tpu.memref_slice %arg15[%add3A_8, %dma_start3A_408] : memref<10240x128xf32, #tpu.memory_space<vmem_shared>> -> memref<80x128xf32, #tpu.memory_space<vmem_shared>>
      %dma_start3A_410 = arith.constant 0 : i32
      %dma_start3A_411 = tpu.memref_slice %arg15[%add3A_8, %dma_start3A_410] : memref<10240x128xf32, #tpu.memory_space<vmem_shared>> -> memref<80x128xf32, #tpu.memory_space<vmem_shared>>
      tpu.enqueue_dma source(%arg12 : memref<80x128xf32, #tpu.memory_space<vmem>>) target(%dma_start3A_411 : memref<80x128xf32, #tpu.memory_space<vmem_shared>>) target_semaphore(%run_scoped3A : memref<!tpu.dma_semaphore, #tpu.memory_space<semaphore_mem>>)
      %dma_wait3A_412 = arith.constant 0 : i32
      %dma_wait3A_413 = tpu.memref_slice %arg15[%add3A_8, %dma_wait3A_412] : memref<10240x128xf32, #tpu.memory_space<vmem_shared>> -> memref<80x128xf32, #tpu.memory_space<vmem_shared>>
      %dma_wait3A_414 = arith.constant 0 : i32
      %dma_wait3A_415 = tpu.memref_slice %arg15[%add3A_8, %dma_wait3A_414] : memref<10240x128xf32, #tpu.memory_space<vmem_shared>> -> memref<80x128xf32, #tpu.memory_space<vmem_shared>>
      tpu.wait_dma2 semaphore(%run_scoped3A : memref<!tpu.dma_semaphore, #tpu.memory_space<semaphore_mem>>) src(%arg12 : memref<80x128xf32, #tpu.memory_space<vmem>>) dst(%dma_wait3A_415 : memref<80x128xf32, #tpu.memory_space<vmem_shared>>)
      tpu.yield
    }) : () -> ()
    %mul3A_9 = arith.constant 640 : i32
    %mul3A_10 = arith.muli %arg1, %mul3A_9 : i32
    %add3A_11 = arith.constant 80 : i32
    %add3A_12 = arith.addi %mul3A_10, %add3A_11 : i32
    "tpu.region"() ({
      %run_scoped3A = tpu.sem_alloc : memref<!tpu.dma_semaphore, #tpu.memory_space<semaphore_mem>>
      %dma_start3A_408 = arith.constant 0 : i32
      %dma_start3A_409 = tpu.memref_slice %arg15[%add3A_12, %dma_start3A_408] : memref<10240x128xf32, #tpu.memory_space<vmem_shared>> -> memref<80x128xf32, #tpu.memory_space<vmem_shared>>
      %dma_start3A_410 = arith.constant 0 : i32
      %dma_start3A_411 = tpu.memref_slice %arg15[%add3A_12, %dma_start3A_410] : memref<10240x128xf32, #tpu.memory_space<vmem_shared>> -> memref<80x128xf32, #tpu.memory_space<vmem_shared>>
      tpu.enqueue_dma source(%arg12 : memref<80x128xf32, #tpu.memory_space<vmem>>) target(%dma_start3A_411 : memref<80x128xf32, #tpu.memory_space<vmem_shared>>) target_semaphore(%run_scoped3A : memref<!tpu.dma_semaphore, #tpu.memory_space<semaphore_mem>>)
      %dma_wait3A_412 = arith.constant 0 : i32
      %dma_wait3A_413 = tpu.memref_slice %arg15[%add3A_12, %dma_wait3A_412] : memref<10240x128xf32, #tpu.memory_space<vmem_shared>> -> memref<80x128xf32, #tpu.memory_space<vmem_shared>>
      %dma_wait3A_414 = arith.constant 0 : i32
      %dma_wait3A_415 = tpu.memref_slice %arg15[%add3A_12, %dma_wait3A_414] : memref<10240x128xf32, #tpu.memory_space<vmem_shared>> -> memref<80x128xf32, #tpu.memory_space<vmem_shared>>
      tpu.wait_dma2 semaphore(%run_scoped3A : memref<!tpu.dma_semaphore, #tpu.memory_space<semaphore_mem>>) src(%arg12 : memref<80x128xf32, #tpu.memory_space<vmem>>) dst(%dma_wait3A_415 : memref<80x128xf32, #tpu.memory_space<vmem_shared>>)
      tpu.yield
    }) : () -> ()
    %mul3A_13 = arith.constant 640 : i32
    %mul3A_14 = arith.muli %arg1, %mul3A_13 : i32
    %add3A_15 = arith.constant 160 : i32
    %add3A_16 = arith.addi %mul3A_14, %add3A_15 : i32
    "tpu.region"() ({
      %run_scoped3A = tpu.sem_alloc : memref<!tpu.dma_semaphore, #tpu.memory_space<semaphore_mem>>
      %dma_start3A_408 = arith.constant 0 : i32
      %dma_start3A_409 = tpu.memref_slice %arg15[%add3A_16, %dma_start3A_408] : memref<10240x128xf32, #tpu.memory_space<vmem_shared>> -> memref<80x128xf32, #tpu.memory_space<vmem_shared>>
      %dma_start3A_410 = arith.constant 0 : i32
      %dma_start3A_411 = tpu.memref_slice %arg15[%add3A_16, %dma_start3A_410] : memref<10240x128xf32, #tpu.memory_space<vmem_shared>> -> memref<80x128xf32, #tpu.memory_space<vmem_shared>>
      tpu.enqueue_dma source(%arg12 : memref<80x128xf32, #tpu.memory_space<vmem>>) target(%dma_start3A_411 : memref<80x128xf32, #tpu.memory_space<vmem_shared>>) target_semaphore(%run_scoped3A : memref<!tpu.dma_semaphore, #tpu.memory_space<semaphore_mem>>)
      %dma_wait3A_412 = arith.constant 0 : i32
      %dma_wait3A_413 = tpu.memref_slice %arg15[%add3A_16, %dma_wait3A_412] : memref<10240x128xf32, #tpu.memory_space<vmem_shared>> -> memref<80x128xf32, #tpu.memory_space<vmem_shared>>
      %dma_wait3A_414 = arith.constant 0 : i32
      %dma_wait3A_415 = tpu.memref_slice %arg15[%add3A_16, %dma_wait3A_414] : memref<10240x128xf32, #tpu.memory_space<vmem_shared>> -> memref<80x128xf32, #tpu.memory_space<vmem_shared>>
      tpu.wait_dma2 semaphore(%run_scoped3A : memref<!tpu.dma_semaphore, #tpu.memory_space<semaphore_mem>>) src(%arg12 : memref<80x128xf32, #tpu.memory_space<vmem>>) dst(%dma_wait3A_415 : memref<80x128xf32, #tpu.memory_space<vmem_shared>>)
      tpu.yield
    }) : () -> ()
    %mul3A_17 = arith.constant 640 : i32
    %mul3A_18 = arith.muli %arg1, %mul3A_17 : i32
    %add3A_19 = arith.constant 240 : i32
    %add3A_20 = arith.addi %mul3A_18, %add3A_19 : i32
    "tpu.region"() ({
      %run_scoped3A = tpu.sem_alloc : memref<!tpu.dma_semaphore, #tpu.memory_space<semaphore_mem>>
      %dma_start3A_408 = arith.constant 0 : i32
      %dma_start3A_409 = tpu.memref_slice %arg15[%add3A_20, %dma_start3A_408] : memref<10240x128xf32, #tpu.memory_space<vmem_shared>> -> memref<80x128xf32, #tpu.memory_space<vmem_shared>>
      %dma_start3A_410 = arith.constant 0 : i32
      %dma_start3A_411 = tpu.memref_slice %arg15[%add3A_20, %dma_start3A_410] : memref<10240x128xf32, #tpu.memory_space<vmem_shared>> -> memref<80x128xf32, #tpu.memory_space<vmem_shared>>
      tpu.enqueue_dma source(%arg12 : memref<80x128xf32, #tpu.memory_space<vmem>>) target(%dma_start3A_411 : memref<80x128xf32, #tpu.memory_space<vmem_shared>>) target_semaphore(%run_scoped3A : memref<!tpu.dma_semaphore, #tpu.memory_space<semaphore_mem>>)
      %dma_wait3A_412 = arith.constant 0 : i32
      %dma_wait3A_413 = tpu.memref_slice %arg15[%add3A_20, %dma_wait3A_412] : memref<10240x128xf32, #tpu.memory_space<vmem_shared>> -> memref<80x128xf32, #tpu.memory_space<vmem_shared>>
      %dma_wait3A_414 = arith.constant 0 : i32
      %dma_wait3A_415 = tpu.memref_slice %arg15[%add3A_20, %dma_wait3A_414] : memref<10240x128xf32, #tpu.memory_space<vmem_shared>> -> memref<80x128xf32, #tpu.memory_space<vmem_shared>>
      tpu.wait_dma2 semaphore(%run_scoped3A : memref<!tpu.dma_semaphore, #tpu.memory_space<semaphore_mem>>) src(%arg12 : memref<80x128xf32, #tpu.memory_space<vmem>>) dst(%dma_wait3A_415 : memref<80x128xf32, #tpu.memory_space<vmem_shared>>)
      tpu.yield
    }) : () -> ()
    %mul3A_21 = arith.constant 640 : i32
    %mul3A_22 = arith.muli %arg1, %mul3A_21 : i32
    %add3A_23 = arith.constant 320 : i32
    %add3A_24 = arith.addi %mul3A_22, %add3A_23 : i32
    "tpu.region"() ({
      %run_scoped3A = tpu.sem_alloc : memref<!tpu.dma_semaphore, #tpu.memory_space<semaphore_mem>>
      %dma_start3A_408 = arith.constant 0 : i32
      %dma_start3A_409 = tpu.memref_slice %arg15[%add3A_24, %dma_start3A_408] : memref<10240x128xf32, #tpu.memory_space<vmem_shared>> -> memref<80x128xf32, #tpu.memory_space<vmem_shared>>
      %dma_start3A_410 = arith.constant 0 : i32
      %dma_start3A_411 = tpu.memref_slice %arg15[%add3A_24, %dma_start3A_410] : memref<10240x128xf32, #tpu.memory_space<vmem_shared>> -> memref<80x128xf32, #tpu.memory_space<vmem_shared>>
      tpu.enqueue_dma source(%arg12 : memref<80x128xf32, #tpu.memory_space<vmem>>) target(%dma_start3A_411 : memref<80x128xf32, #tpu.memory_space<vmem_shared>>) target_semaphore(%run_scoped3A : memref<!tpu.dma_semaphore, #tpu.memory_space<semaphore_mem>>)
      %dma_wait3A_412 = arith.constant 0 : i32
      %dma_wait3A_413 = tpu.memref_slice %arg15[%add3A_24, %dma_wait3A_412] : memref<10240x128xf32, #tpu.memory_space<vmem_shared>> -> memref<80x128xf32, #tpu.memory_space<vmem_shared>>
      %dma_wait3A_414 = arith.constant 0 : i32
      %dma_wait3A_415 = tpu.memref_slice %arg15[%add3A_24, %dma_wait3A_414] : memref<10240x128xf32, #tpu.memory_space<vmem_shared>> -> memref<80x128xf32, #tpu.memory_space<vmem_shared>>
      tpu.wait_dma2 semaphore(%run_scoped3A : memref<!tpu.dma_semaphore, #tpu.memory_space<semaphore_mem>>) src(%arg12 : memref<80x128xf32, #tpu.memory_space<vmem>>) dst(%dma_wait3A_415 : memref<80x128xf32, #tpu.memory_space<vmem_shared>>)
      tpu.yield
    }) : () -> ()
    %mul3A_25 = arith.constant 640 : i32
    %mul3A_26 = arith.muli %arg1, %mul3A_25 : i32
    %add3A_27 = arith.constant 400 : i32
    %add3A_28 = arith.addi %mul3A_26, %add3A_27 : i32
    "tpu.region"() ({
      %run_scoped3A = tpu.sem_alloc : memref<!tpu.dma_semaphore, #tpu.memory_space<semaphore_mem>>
      %dma_start3A_408 = arith.constant 0 : i32
      %dma_start3A_409 = tpu.memref_slice %arg15[%add3A_28, %dma_start3A_408] : memref<10240x128xf32, #tpu.memory_space<vmem_shared>> -> memref<80x128xf32, #tpu.memory_space<vmem_shared>>
      %dma_start3A_410 = arith.constant 0 : i32
      %dma_start3A_411 = tpu.memref_slice %arg15[%add3A_28, %dma_start3A_410] : memref<10240x128xf32, #tpu.memory_space<vmem_shared>> -> memref<80x128xf32, #tpu.memory_space<vmem_shared>>
      tpu.enqueue_dma source(%arg12 : memref<80x128xf32, #tpu.memory_space<vmem>>) target(%dma_start3A_411 : memref<80x128xf32, #tpu.memory_space<vmem_shared>>) target_semaphore(%run_scoped3A : memref<!tpu.dma_semaphore, #tpu.memory_space<semaphore_mem>>)
      %dma_wait3A_412 = arith.constant 0 : i32
      %dma_wait3A_413 = tpu.memref_slice %arg15[%add3A_28, %dma_wait3A_412] : memref<10240x128xf32, #tpu.memory_space<vmem_shared>> -> memref<80x128xf32, #tpu.memory_space<vmem_shared>>
      %dma_wait3A_414 = arith.constant 0 : i32
      %dma_wait3A_415 = tpu.memref_slice %arg15[%add3A_28, %dma_wait3A_414] : memref<10240x128xf32, #tpu.memory_space<vmem_shared>> -> memref<80x128xf32, #tpu.memory_space<vmem_shared>>
      tpu.wait_dma2 semaphore(%run_scoped3A : memref<!tpu.dma_semaphore, #tpu.memory_space<semaphore_mem>>) src(%arg12 : memref<80x128xf32, #tpu.memory_space<vmem>>) dst(%dma_wait3A_415 : memref<80x128xf32, #tpu.memory_space<vmem_shared>>)
      tpu.yield
    }) : () -> ()
    %mul3A_29 = arith.constant 640 : i32
    %mul3A_30 = arith.muli %arg1, %mul3A_29 : i32
    %add3A_31 = arith.constant 480 : i32
    %add3A_32 = arith.addi %mul3A_30, %add3A_31 : i32
    "tpu.region"() ({
      %run_scoped3A = tpu.sem_alloc : memref<!tpu.dma_semaphore, #tpu.memory_space<semaphore_mem>>
      %dma_start3A_408 = arith.constant 0 : i32
      %dma_start3A_409 = tpu.memref_slice %arg15[%add3A_32, %dma_start3A_408] : memref<10240x128xf32, #tpu.memory_space<vmem_shared>> -> memref<80x128xf32, #tpu.memory_space<vmem_shared>>
      %dma_start3A_410 = arith.constant 0 : i32
      %dma_start3A_411 = tpu.memref_slice %arg15[%add3A_32, %dma_start3A_410] : memref<10240x128xf32, #tpu.memory_space<vmem_shared>> -> memref<80x128xf32, #tpu.memory_space<vmem_shared>>
      tpu.enqueue_dma source(%arg12 : memref<80x128xf32, #tpu.memory_space<vmem>>) target(%dma_start3A_411 : memref<80x128xf32, #tpu.memory_space<vmem_shared>>) target_semaphore(%run_scoped3A : memref<!tpu.dma_semaphore, #tpu.memory_space<semaphore_mem>>)
      %dma_wait3A_412 = arith.constant 0 : i32
      %dma_wait3A_413 = tpu.memref_slice %arg15[%add3A_32, %dma_wait3A_412] : memref<10240x128xf32, #tpu.memory_space<vmem_shared>> -> memref<80x128xf32, #tpu.memory_space<vmem_shared>>
      %dma_wait3A_414 = arith.constant 0 : i32
      %dma_wait3A_415 = tpu.memref_slice %arg15[%add3A_32, %dma_wait3A_414] : memref<10240x128xf32, #tpu.memory_space<vmem_shared>> -> memref<80x128xf32, #tpu.memory_space<vmem_shared>>
      tpu.wait_dma2 semaphore(%run_scoped3A : memref<!tpu.dma_semaphore, #tpu.memory_space<semaphore_mem>>) src(%arg12 : memref<80x128xf32, #tpu.memory_space<vmem>>) dst(%dma_wait3A_415 : memref<80x128xf32, #tpu.memory_space<vmem_shared>>)
      tpu.yield
    }) : () -> ()
    %mul3A_33 = arith.constant 640 : i32
    %mul3A_34 = arith.muli %arg1, %mul3A_33 : i32
    %add3A_35 = arith.constant 560 : i32
    %add3A_36 = arith.addi %mul3A_34, %add3A_35 : i32
    "tpu.region"() ({
      %run_scoped3A = tpu.sem_alloc : memref<!tpu.dma_semaphore, #tpu.memory_space<semaphore_mem>>
      %dma_start3A_408 = arith.constant 0 : i32
      %dma_start3A_409 = tpu.memref_slice %arg15[%add3A_36, %dma_start3A_408] : memref<10240x128xf32, #tpu.memory_space<vmem_shared>> -> memref<80x128xf32, #tpu.memory_space<vmem_shared>>
      %dma_start3A_410 = arith.constant 0 : i32
      %dma_start3A_411 = tpu.memref_slice %arg15[%add3A_36, %dma_start3A_410] : memref<10240x128xf32, #tpu.memory_space<vmem_shared>> -> memref<80x128xf32, #tpu.memory_space<vmem_shared>>
      tpu.enqueue_dma source(%arg12 : memref<80x128xf32, #tpu.memory_space<vmem>>) target(%dma_start3A_411 : memref<80x128xf32, #tpu.memory_space<vmem_shared>>) target_semaphore(%run_scoped3A : memref<!tpu.dma_semaphore, #tpu.memory_space<semaphore_mem>>)
      %dma_wait3A_412 = arith.constant 0 : i32
      %dma_wait3A_413 = tpu.memref_slice %arg15[%add3A_36, %dma_wait3A_412] : memref<10240x128xf32, #tpu.memory_space<vmem_shared>> -> memref<80x128xf32, #tpu.memory_space<vmem_shared>>
      %dma_wait3A_414 = arith.constant 0 : i32
      %dma_wait3A_415 = tpu.memref_slice %arg15[%add3A_36, %dma_wait3A_414] : memref<10240x128xf32, #tpu.memory_space<vmem_shared>> -> memref<80x128xf32, #tpu.memory_space<vmem_shared>>
      tpu.wait_dma2 semaphore(%run_scoped3A : memref<!tpu.dma_semaphore, #tpu.memory_space<semaphore_mem>>) src(%arg12 : memref<80x128xf32, #tpu.memory_space<vmem>>) dst(%dma_wait3A_415 : memref<80x128xf32, #tpu.memory_space<vmem_shared>>)
      tpu.yield
    }) : () -> ()
    %get3A = arith.constant 0 : i32
    %get3A_37 = arith.index_cast %get3A : i32 to index
    %get3A_38 = arith.constant 0 : index
    %get3A_39 = tpu.vector_load %arg5[%get3A_37, %get3A_38] {strides = array<i32>} : memref<125x80xi32, #tpu.memory_space<vmem>>, vector<1x16xi32>,
    %get3A_40 = vector.shape_cast %get3A_39 : vector<1x16xi32> to vector<16xi32>
    %and3A = arith.constant 65535 : i32
    %and3A_41 = vector.broadcast %and3A : i32 to vector<16xi32>
    %and3A_42 = arith.andi %get3A_40, %and3A_41 : vector<16xi32>
    %add3A_43 = vector.broadcast %mul3A_0 : i32 to vector<16xi32>
    %add3A_44 = arith.addi %and3A_42, %add3A_43 : vector<16xi32>
    %swap3A = arith.constant 0 : index
    %swap3A_45 = tpu.vector_load %arg6[%swap3A] {strides = array<i32>} : memref<80xi32, #tpu.memory_space<vmem>>, vector<16xi32>,
    %swap3A_46 = vector.shape_cast %swap3A_45 : vector<16xi32> to vector<16xi32>
    %swap3A_47 = vector.shape_cast %add3A_44 : vector<16xi32> to vector<16xi32>
    tpu.vector_store %arg6[%swap3A], %swap3A_47 {strides = array<i32>} : memref<80xi32, #tpu.memory_space<vmem>>, vector<16xi32>,
    %shift_right_logical3A = arith.constant 16 : i32
    %shift_right_logical3A_48 = vector.broadcast %shift_right_logical3A : i32 to vector<16xi32>
    %shift_right_logical3A_49 = arith.shrui %get3A_40, %shift_right_logical3A_48 : vector<16xi32>
    %swap3A_50 = arith.constant 0 : index
    %swap3A_51 = tpu.vector_load %arg9[%swap3A_50] {strides = array<i32>} : memref<80xi32, #tpu.memory_space<vmem>>, vector<16xi32>,
    %swap3A_52 = vector.shape_cast %swap3A_51 : vector<16xi32> to vector<16xi32>
    %swap3A_53 = vector.shape_cast %shift_right_logical3A_49 : vector<16xi32> to vector<16xi32>
    tpu.vector_store %arg9[%swap3A_50], %swap3A_53 {strides = array<i32>} : memref<80xi32, #tpu.memory_space<vmem>>, vector<16xi32>,
    %get3A_54 = arith.constant 0 : i32
    %get3A_55 = arith.index_cast %get3A_54 : i32 to index
    %get3A_56 = arith.constant 16 : index
    %get3A_57 = tpu.vector_load %arg5[%get3A_55, %get3A_56] {strides = array<i32>} : memref<125x80xi32, #tpu.memory_space<vmem>>, vector<1x16xi32>,
    %get3A_58 = vector.shape_cast %get3A_57 : vector<1x16xi32> to vector<16xi32>
    %and3A_59 = arith.constant 65535 : i32
    %and3A_60 = vector.broadcast %and3A_59 : i32 to vector<16xi32>
    %and3A_61 = arith.andi %get3A_58, %and3A_60 : vector<16xi32>
    %add3A_62 = vector.broadcast %mul3A_0 : i32 to vector<16xi32>
    %add3A_63 = arith.addi %and3A_61, %add3A_62 : vector<16xi32>
    %swap3A_64 = arith.constant 16 : index
    %swap3A_65 = tpu.vector_load %arg6[%swap3A_64] {strides = array<i32>} : memref<80xi32, #tpu.memory_space<vmem>>, vector<16xi32>,
    %swap3A_66 = vector.shape_cast %swap3A_65 : vector<16xi32> to vector<16xi32>
    %swap3A_67 = vector.shape_cast %add3A_63 : vector<16xi32> to vector<16xi32>
    tpu.vector_store %arg6[%swap3A_64], %swap3A_67 {strides = array<i32>} : memref<80xi32, #tpu.memory_space<vmem>>, vector<16xi32>,
    %shift_right_logical3A_68 = arith.constant 16 : i32
    %shift_right_logical3A_69 = vector.broadcast %shift_right_logical3A_68 : i32 to vector<16xi32>
    %shift_right_logical3A_70 = arith.shrui %get3A_58, %shift_right_logical3A_69 : vector<16xi32>
    %swap3A_71 = arith.constant 16 : index
    %swap3A_72 = tpu.vector_load %arg9[%swap3A_71] {strides = array<i32>} : memref<80xi32, #tpu.memory_space<vmem>>, vector<16xi32>,
    %swap3A_73 = vector.shape_cast %swap3A_72 : vector<16xi32> to vector<16xi32>
    %swap3A_74 = vector.shape_cast %shift_right_logical3A_70 : vector<16xi32> to vector<16xi32>
    tpu.vector_store %arg9[%swap3A_71], %swap3A_74 {strides = array<i32>} : memref<80xi32, #tpu.memory_space<vmem>>, vector<16xi32>,
    %get3A_75 = arith.constant 0 : i32
    %get3A_76 = arith.index_cast %get3A_75 : i32 to index
    %get3A_77 = arith.constant 32 : index
    %get3A_78 = tpu.vector_load %arg5[%get3A_76, %get3A_77] {strides = array<i32>} : memref<125x80xi32, #tpu.memory_space<vmem>>, vector<1x16xi32>,
    %get3A_79 = vector.shape_cast %get3A_78 : vector<1x16xi32> to vector<16xi32>
    %and3A_80 = arith.constant 65535 : i32
    %and3A_81 = vector.broadcast %and3A_80 : i32 to vector<16xi32>
    %and3A_82 = arith.andi %get3A_79, %and3A_81 : vector<16xi32>
    %add3A_83 = vector.broadcast %mul3A_0 : i32 to vector<16xi32>
    %add3A_84 = arith.addi %and3A_82, %add3A_83 : vector<16xi32>
    %swap3A_85 = arith.constant 32 : index
    %swap3A_86 = tpu.vector_load %arg6[%swap3A_85] {strides = array<i32>} : memref<80xi32, #tpu.memory_space<vmem>>, vector<16xi32>,
    %swap3A_87 = vector.shape_cast %swap3A_86 : vector<16xi32> to vector<16xi32>
    %swap3A_88 = vector.shape_cast %add3A_84 : vector<16xi32> to vector<16xi32>
    tpu.vector_store %arg6[%swap3A_85], %swap3A_88 {strides = array<i32>} : memref<80xi32, #tpu.memory_space<vmem>>, vector<16xi32>,
    %shift_right_logical3A_89 = arith.constant 16 : i32
    %shift_right_logical3A_90 = vector.broadcast %shift_right_logical3A_89 : i32 to vector<16xi32>
    %shift_right_logical3A_91 = arith.shrui %get3A_79, %shift_right_logical3A_90 : vector<16xi32>
    %swap3A_92 = arith.constant 32 : index
    %swap3A_93 = tpu.vector_load %arg9[%swap3A_92] {strides = array<i32>} : memref<80xi32, #tpu.memory_space<vmem>>, vector<16xi32>,
    %swap3A_94 = vector.shape_cast %swap3A_93 : vector<16xi32> to vector<16xi32>
    %swap3A_95 = vector.shape_cast %shift_right_logical3A_91 : vector<16xi32> to vector<16xi32>
    tpu.vector_store %arg9[%swap3A_92], %swap3A_95 {strides = array<i32>} : memref<80xi32, #tpu.memory_space<vmem>>, vector<16xi32>,
    %get3A_96 = arith.constant 0 : i32
    %get3A_97 = arith.index_cast %get3A_96 : i32 to index
    %get3A_98 = arith.constant 48 : index
    %get3A_99 = tpu.vector_load %arg5[%get3A_97, %get3A_98] {strides = array<i32>} : memref<125x80xi32, #tpu.memory_space<vmem>>, vector<1x16xi32>,
    %get3A_100 = vector.shape_cast %get3A_99 : vector<1x16xi32> to vector<16xi32>
    %and3A_101 = arith.constant 65535 : i32
    %and3A_102 = vector.broadcast %and3A_101 : i32 to vector<16xi32>
    %and3A_103 = arith.andi %get3A_100, %and3A_102 : vector<16xi32>
    %add3A_104 = vector.broadcast %mul3A_0 : i32 to vector<16xi32>
    %add3A_105 = arith.addi %and3A_103, %add3A_104 : vector<16xi32>
    %swap3A_106 = arith.constant 48 : index
    %swap3A_107 = tpu.vector_load %arg6[%swap3A_106] {strides = array<i32>} : memref<80xi32, #tpu.memory_space<vmem>>, vector<16xi32>,
    %swap3A_108 = vector.shape_cast %swap3A_107 : vector<16xi32> to vector<16xi32>
    %swap3A_109 = vector.shape_cast %add3A_105 : vector<16xi32> to vector<16xi32>
    tpu.vector_store %arg6[%swap3A_106], %swap3A_109 {strides = array<i32>} : memref<80xi32, #tpu.memory_space<vmem>>, vector<16xi32>,
    %shift_right_logical3A_110 = arith.constant 16 : i32
    %shift_right_logical3A_111 = vector.broadcast %shift_right_logical3A_110 : i32 to vector<16xi32>
    %shift_right_logical3A_112 = arith.shrui %get3A_100, %shift_right_logical3A_111 : vector<16xi32>
    %swap3A_113 = arith.constant 48 : index
    %swap3A_114 = tpu.vector_load %arg9[%swap3A_113] {strides = array<i32>} : memref<80xi32, #tpu.memory_space<vmem>>, vector<16xi32>,
    %swap3A_115 = vector.shape_cast %swap3A_114 : vector<16xi32> to vector<16xi32>
    %swap3A_116 = vector.shape_cast %shift_right_logical3A_112 : vector<16xi32> to vector<16xi32>
    tpu.vector_store %arg9[%swap3A_113], %swap3A_116 {strides = array<i32>} : memref<80xi32, #tpu.memory_space<vmem>>, vector<16xi32>,
    %get3A_117 = arith.constant 0 : i32
    %get3A_118 = arith.index_cast %get3A_117 : i32 to index
    %get3A_119 = arith.constant 64 : index
    %get3A_120 = tpu.vector_load %arg5[%get3A_118, %get3A_119] {strides = array<i32>} : memref<125x80xi32, #tpu.memory_space<vmem>>, vector<1x16xi32>,
    %get3A_121 = vector.shape_cast %get3A_120 : vector<1x16xi32> to vector<16xi32>
    %and3A_122 = arith.constant 65535 : i32
    %and3A_123 = vector.broadcast %and3A_122 : i32 to vector<16xi32>
    %and3A_124 = arith.andi %get3A_121, %and3A_123 : vector<16xi32>
    %add3A_125 = vector.broadcast %mul3A_0 : i32 to vector<16xi32>
    %add3A_126 = arith.addi %and3A_124, %add3A_125 : vector<16xi32>
    %swap3A_127 = arith.constant 64 : index
    %swap3A_128 = tpu.vector_load %arg6[%swap3A_127] {strides = array<i32>} : memref<80xi32, #tpu.memory_space<vmem>>, vector<16xi32>,
    %swap3A_129 = vector.shape_cast %swap3A_128 : vector<16xi32> to vector<16xi32>
    %swap3A_130 = vector.shape_cast %add3A_126 : vector<16xi32> to vector<16xi32>
    tpu.vector_store %arg6[%swap3A_127], %swap3A_130 {strides = array<i32>} : memref<80xi32, #tpu.memory_space<vmem>>, vector<16xi32>,
    %shift_right_logical3A_131 = arith.constant 16 : i32
    %shift_right_logical3A_132 = vector.broadcast %shift_right_logical3A_131 : i32 to vector<16xi32>
    %shift_right_logical3A_133 = arith.shrui %get3A_121, %shift_right_logical3A_132 : vector<16xi32>
    %swap3A_134 = arith.constant 64 : index
    %swap3A_135 = tpu.vector_load %arg9[%swap3A_134] {strides = array<i32>} : memref<80xi32, #tpu.memory_space<vmem>>, vector<16xi32>,
    %swap3A_136 = vector.shape_cast %swap3A_135 : vector<16xi32> to vector<16xi32>
    %swap3A_137 = vector.shape_cast %shift_right_logical3A_133 : vector<16xi32> to vector<16xi32>
    tpu.vector_store %arg9[%swap3A_134], %swap3A_137 {strides = array<i32>} : memref<80xi32, #tpu.memory_space<vmem>>, vector<16xi32>,
    %dma_start3A = arith.constant 0 : i32
    %dma_start3A_138 = arith.constant 0 : i32
    %dma_start3A_139 = tpu.memref_slice %arg2[%dma_start3A, %dma_start3A_138] : memref<20480x128xf32, #tpu.memory_space<hbm>> -> memref<20480x128xf32, #tpu.memory_space<hbm>>
    tpu.enqueue_indirect_dma source(%dma_start3A_139 : memref<20480x128xf32, #tpu.memory_space<hbm>>) target(%arg12 : memref<80x128xf32, #tpu.memory_space<vmem>>) offsets(%arg6 : memref<80xi32, #tpu.memory_space<vmem>>) semaphore(%arg16 : memref<!tpu.dma_semaphore, #tpu.memory_space<semaphore_mem>>)
    %get3A_140 = arith.constant 1 : i32
    %get3A_141 = arith.index_cast %get3A_140 : i32 to index
    %get3A_142 = arith.constant 0 : index
    %get3A_143 = tpu.vector_load %arg5[%get3A_141, %get3A_142] {strides = array<i32>} : memref<125x80xi32, #tpu.memory_space<vmem>>, vector<1x16xi32>,
    %get3A_144 = vector.shape_cast %get3A_143 : vector<1x16xi32> to vector<16xi32>
    %and3A_145 = arith.constant 65535 : i32
    %and3A_146 = vector.broadcast %and3A_145 : i32 to vector<16xi32>
    %and3A_147 = arith.andi %get3A_144, %and3A_146 : vector<16xi32>
    %add3A_148 = vector.broadcast %mul3A_0 : i32 to vector<16xi32>
    %add3A_149 = arith.addi %and3A_147, %add3A_148 : vector<16xi32>
    %swap3A_150 = arith.constant 0 : index
    %swap3A_151 = tpu.vector_load %arg7[%swap3A_150] {strides = array<i32>} : memref<80xi32, #tpu.memory_space<vmem>>, vector<16xi32>,
    %swap3A_152 = vector.shape_cast %swap3A_151 : vector<16xi32> to vector<16xi32>
    %swap3A_153 = vector.shape_cast %add3A_149 : vector<16xi32> to vector<16xi32>
    tpu.vector_store %arg7[%swap3A_150], %swap3A_153 {strides = array<i32>} : memref<80xi32, #tpu.memory_space<vmem>>, vector<16xi32>,
    %shift_right_logical3A_154 = arith.constant 16 : i32
    %shift_right_logical3A_155 = vector.broadcast %shift_right_logical3A_154 : i32 to vector<16xi32>
    %shift_right_logical3A_156 = arith.shrui %get3A_144, %shift_right_logical3A_155 : vector<16xi32>
    %swap3A_157 = arith.constant 0 : index
    %swap3A_158 = tpu.vector_load %arg10[%swap3A_157] {strides = array<i32>} : memref<80xi32, #tpu.memory_space<vmem>>, vector<16xi32>,
    %swap3A_159 = vector.shape_cast %swap3A_158 : vector<16xi32> to vector<16xi32>
    %swap3A_160 = vector.shape_cast %shift_right_logical3A_156 : vector<16xi32> to vector<16xi32>
    tpu.vector_store %arg10[%swap3A_157], %swap3A_160 {strides = array<i32>} : memref<80xi32, #tpu.memory_space<vmem>>, vector<16xi32>,
    %get3A_161 = arith.constant 1 : i32
    %get3A_162 = arith.index_cast %get3A_161 : i32 to index
    %get3A_163 = arith.constant 16 : index
    %get3A_164 = tpu.vector_load %arg5[%get3A_162, %get3A_163] {strides = array<i32>} : memref<125x80xi32, #tpu.memory_space<vmem>>, vector<1x16xi32>,
    %get3A_165 = vector.shape_cast %get3A_164 : vector<1x16xi32> to vector<16xi32>
    %and3A_166 = arith.constant 65535 : i32
    %and3A_167 = vector.broadcast %and3A_166 : i32 to vector<16xi32>
    %and3A_168 = arith.andi %get3A_165, %and3A_167 : vector<16xi32>
    %add3A_169 = vector.broadcast %mul3A_0 : i32 to vector<16xi32>
    %add3A_170 = arith.addi %and3A_168, %add3A_169 : vector<16xi32>
    %swap3A_171 = arith.constant 16 : index
    %swap3A_172 = tpu.vector_load %arg7[%swap3A_171] {strides = array<i32>} : memref<80xi32, #tpu.memory_space<vmem>>, vector<16xi32>,
    %swap3A_173 = vector.shape_cast %swap3A_172 : vector<16xi32> to vector<16xi32>
    %swap3A_174 = vector.shape_cast %add3A_170 : vector<16xi32> to vector<16xi32>
    tpu.vector_store %arg7[%swap3A_171], %swap3A_174 {strides = array<i32>} : memref<80xi32, #tpu.memory_space<vmem>>, vector<16xi32>,
    %shift_right_logical3A_175 = arith.constant 16 : i32
    %shift_right_logical3A_176 = vector.broadcast %shift_right_logical3A_175 : i32 to vector<16xi32>
    %shift_right_logical3A_177 = arith.shrui %get3A_165, %shift_right_logical3A_176 : vector<16xi32>
    %swap3A_178 = arith.constant 16 : index
    %swap3A_179 = tpu.vector_load %arg10[%swap3A_178] {strides = array<i32>} : memref<80xi32, #tpu.memory_space<vmem>>, vector<16xi32>,
    %swap3A_180 = vector.shape_cast %swap3A_179 : vector<16xi32> to vector<16xi32>
    %swap3A_181 = vector.shape_cast %shift_right_logical3A_177 : vector<16xi32> to vector<16xi32>
    tpu.vector_store %arg10[%swap3A_178], %swap3A_181 {strides = array<i32>} : memref<80xi32, #tpu.memory_space<vmem>>, vector<16xi32>,
    %get3A_182 = arith.constant 1 : i32
    %get3A_183 = arith.index_cast %get3A_182 : i32 to index
    %get3A_184 = arith.constant 32 : index
    %get3A_185 = tpu.vector_load %arg5[%get3A_183, %get3A_184] {strides = array<i32>} : memref<125x80xi32, #tpu.memory_space<vmem>>, vector<1x16xi32>,
    %get3A_186 = vector.shape_cast %get3A_185 : vector<1x16xi32> to vector<16xi32>
    %and3A_187 = arith.constant 65535 : i32
    %and3A_188 = vector.broadcast %and3A_187 : i32 to vector<16xi32>
    %and3A_189 = arith.andi %get3A_186, %and3A_188 : vector<16xi32>
    %add3A_190 = vector.broadcast %mul3A_0 : i32 to vector<16xi32>
    %add3A_191 = arith.addi %and3A_189, %add3A_190 : vector<16xi32>
    %swap3A_192 = arith.constant 32 : index
    %swap3A_193 = tpu.vector_load %arg7[%swap3A_192] {strides = array<i32>} : memref<80xi32, #tpu.memory_space<vmem>>, vector<16xi32>,
    %swap3A_194 = vector.shape_cast %swap3A_193 : vector<16xi32> to vector<16xi32>
    %swap3A_195 = vector.shape_cast %add3A_191 : vector<16xi32> to vector<16xi32>
    tpu.vector_store %arg7[%swap3A_192], %swap3A_195 {strides = array<i32>} : memref<80xi32, #tpu.memory_space<vmem>>, vector<16xi32>,
    %shift_right_logical3A_196 = arith.constant 16 : i32
    %shift_right_logical3A_197 = vector.broadcast %shift_right_logical3A_196 : i32 to vector<16xi32>
    %shift_right_logical3A_198 = arith.shrui %get3A_186, %shift_right_logical3A_197 : vector<16xi32>
    %swap3A_199 = arith.constant 32 : index
    %swap3A_200 = tpu.vector_load %arg10[%swap3A_199] {strides = array<i32>} : memref<80xi32, #tpu.memory_space<vmem>>, vector<16xi32>,
    %swap3A_201 = vector.shape_cast %swap3A_200 : vector<16xi32> to vector<16xi32>
    %swap3A_202 = vector.shape_cast %shift_right_logical3A_198 : vector<16xi32> to vector<16xi32>
    tpu.vector_store %arg10[%swap3A_199], %swap3A_202 {strides = array<i32>} : memref<80xi32, #tpu.memory_space<vmem>>, vector<16xi32>,
    %get3A_203 = arith.constant 1 : i32
    %get3A_204 = arith.index_cast %get3A_203 : i32 to index
    %get3A_205 = arith.constant 48 : index
    %get3A_206 = tpu.vector_load %arg5[%get3A_204, %get3A_205] {strides = array<i32>} : memref<125x80xi32, #tpu.memory_space<vmem>>, vector<1x16xi32>,
    %get3A_207 = vector.shape_cast %get3A_206 : vector<1x16xi32> to vector<16xi32>
    %and3A_208 = arith.constant 65535 : i32
    %and3A_209 = vector.broadcast %and3A_208 : i32 to vector<16xi32>
    %and3A_210 = arith.andi %get3A_207, %and3A_209 : vector<16xi32>
    %add3A_211 = vector.broadcast %mul3A_0 : i32 to vector<16xi32>
    %add3A_212 = arith.addi %and3A_210, %add3A_211 : vector<16xi32>
    %swap3A_213 = arith.constant 48 : index
    %swap3A_214 = tpu.vector_load %arg7[%swap3A_213] {strides = array<i32>} : memref<80xi32, #tpu.memory_space<vmem>>, vector<16xi32>,
    %swap3A_215 = vector.shape_cast %swap3A_214 : vector<16xi32> to vector<16xi32>
    %swap3A_216 = vector.shape_cast %add3A_212 : vector<16xi32> to vector<16xi32>
    tpu.vector_store %arg7[%swap3A_213], %swap3A_216 {strides = array<i32>} : memref<80xi32, #tpu.memory_space<vmem>>, vector<16xi32>,
    %shift_right_logical3A_217 = arith.constant 16 : i32
    %shift_right_logical3A_218 = vector.broadcast %shift_right_logical3A_217 : i32 to vector<16xi32>
    %shift_right_logical3A_219 = arith.shrui %get3A_207, %shift_right_logical3A_218 : vector<16xi32>
    %swap3A_220 = arith.constant 48 : index
    %swap3A_221 = tpu.vector_load %arg10[%swap3A_220] {strides = array<i32>} : memref<80xi32, #tpu.memory_space<vmem>>, vector<16xi32>,
    %swap3A_222 = vector.shape_cast %swap3A_221 : vector<16xi32> to vector<16xi32>
    %swap3A_223 = vector.shape_cast %shift_right_logical3A_219 : vector<16xi32> to vector<16xi32>
    tpu.vector_store %arg10[%swap3A_220], %swap3A_223 {strides = array<i32>} : memref<80xi32, #tpu.memory_space<vmem>>, vector<16xi32>,
    %get3A_224 = arith.constant 1 : i32
    %get3A_225 = arith.index_cast %get3A_224 : i32 to index
    %get3A_226 = arith.constant 64 : index
    %get3A_227 = tpu.vector_load %arg5[%get3A_225, %get3A_226] {strides = array<i32>} : memref<125x80xi32, #tpu.memory_space<vmem>>, vector<1x16xi32>,
    %get3A_228 = vector.shape_cast %get3A_227 : vector<1x16xi32> to vector<16xi32>
    %and3A_229 = arith.constant 65535 : i32
    %and3A_230 = vector.broadcast %and3A_229 : i32 to vector<16xi32>
    %and3A_231 = arith.andi %get3A_228, %and3A_230 : vector<16xi32>
    %add3A_232 = vector.broadcast %mul3A_0 : i32 to vector<16xi32>
    %add3A_233 = arith.addi %and3A_231, %add3A_232 : vector<16xi32>
    %swap3A_234 = arith.constant 64 : index
    %swap3A_235 = tpu.vector_load %arg7[%swap3A_234] {strides = array<i32>} : memref<80xi32, #tpu.memory_space<vmem>>, vector<16xi32>,
    %swap3A_236 = vector.shape_cast %swap3A_235 : vector<16xi32> to vector<16xi32>
    %swap3A_237 = vector.shape_cast %add3A_233 : vector<16xi32> to vector<16xi32>
    tpu.vector_store %arg7[%swap3A_234], %swap3A_237 {strides = array<i32>} : memref<80xi32, #tpu.memory_space<vmem>>, vector<16xi32>,
    %shift_right_logical3A_238 = arith.constant 16 : i32
    %shift_right_logical3A_239 = vector.broadcast %shift_right_logical3A_238 : i32 to vector<16xi32>
    %shift_right_logical3A_240 = arith.shrui %get3A_228, %shift_right_logical3A_239 : vector<16xi32>
    %swap3A_241 = arith.constant 64 : index
    %swap3A_242 = tpu.vector_load %arg10[%swap3A_241] {strides = array<i32>} : memref<80xi32, #tpu.memory_space<vmem>>, vector<16xi32>,
    %swap3A_243 = vector.shape_cast %swap3A_242 : vector<16xi32> to vector<16xi32>
    %swap3A_244 = vector.shape_cast %shift_right_logical3A_240 : vector<16xi32> to vector<16xi32>
    tpu.vector_store %arg10[%swap3A_241], %swap3A_244 {strides = array<i32>} : memref<80xi32, #tpu.memory_space<vmem>>, vector<16xi32>,
    %dma_start3A_245 = arith.constant 0 : i32
    %dma_start3A_246 = arith.constant 0 : i32
    %dma_start3A_247 = tpu.memref_slice %arg2[%dma_start3A_245, %dma_start3A_246] : memref<20480x128xf32, #tpu.memory_space<hbm>> -> memref<20480x128xf32, #tpu.memory_space<hbm>>
    tpu.enqueue_indirect_dma source(%dma_start3A_247 : memref<20480x128xf32, #tpu.memory_space<hbm>>) target(%arg13 : memref<80x128xf32, #tpu.memory_space<vmem>>) offsets(%arg7 : memref<80xi32, #tpu.memory_space<vmem>>) semaphore(%arg17 : memref<!tpu.dma_semaphore, #tpu.memory_space<semaphore_mem>>)
    %get3A_248 = arith.constant 2 : i32
    %get3A_249 = arith.index_cast %get3A_248 : i32 to index
    %get3A_250 = arith.constant 0 : index
    %get3A_251 = tpu.vector_load %arg5[%get3A_249, %get3A_250] {strides = array<i32>} : memref<125x80xi32, #tpu.memory_space<vmem>>, vector<1x16xi32>,
    %get3A_252 = vector.shape_cast %get3A_251 : vector<1x16xi32> to vector<16xi32>
    %and3A_253 = arith.constant 65535 : i32
    %and3A_254 = vector.broadcast %and3A_253 : i32 to vector<16xi32>
    %and3A_255 = arith.andi %get3A_252, %and3A_254 : vector<16xi32>
    %add3A_256 = vector.broadcast %mul3A_0 : i32 to vector<16xi32>
    %add3A_257 = arith.addi %and3A_255, %add3A_256 : vector<16xi32>
    %swap3A_258 = arith.constant 0 : index
    %swap3A_259 = tpu.vector_load %arg8[%swap3A_258] {strides = array<i32>} : memref<80xi32, #tpu.memory_space<vmem>>, vector<16xi32>,
    %swap3A_260 = vector.shape_cast %swap3A_259 : vector<16xi32> to vector<16xi32>
    %swap3A_261 = vector.shape_cast %add3A_257 : vector<16xi32> to vector<16xi32>
    tpu.vector_store %arg8[%swap3A_258], %swap3A_261 {strides = array<i32>} : memref<80xi32, #tpu.memory_space<vmem>>, vector<16xi32>,
    %shift_right_logical3A_262 = arith.constant 16 : i32
    %shift_right_logical3A_263 = vector.broadcast %shift_right_logical3A_262 : i32 to vector<16xi32>
    %shift_right_logical3A_264 = arith.shrui %get3A_252, %shift_right_logical3A_263 : vector<16xi32>
    %swap3A_265 = arith.constant 0 : index
    %swap3A_266 = tpu.vector_load %arg11[%swap3A_265] {strides = array<i32>} : memref<80xi32, #tpu.memory_space<vmem>>, vector<16xi32>,
    %swap3A_267 = vector.shape_cast %swap3A_266 : vector<16xi32> to vector<16xi32>
    %swap3A_268 = vector.shape_cast %shift_right_logical3A_264 : vector<16xi32> to vector<16xi32>
    tpu.vector_store %arg11[%swap3A_265], %swap3A_268 {strides = array<i32>} : memref<80xi32, #tpu.memory_space<vmem>>, vector<16xi32>,
    %get3A_269 = arith.constant 2 : i32
    %get3A_270 = arith.index_cast %get3A_269 : i32 to index
    %get3A_271 = arith.constant 16 : index
    %get3A_272 = tpu.vector_load %arg5[%get3A_270, %get3A_271] {strides = array<i32>} : memref<125x80xi32, #tpu.memory_space<vmem>>, vector<1x16xi32>,
    %get3A_273 = vector.shape_cast %get3A_272 : vector<1x16xi32> to vector<16xi32>
    %and3A_274 = arith.constant 65535 : i32
    %and3A_275 = vector.broadcast %and3A_274 : i32 to vector<16xi32>
    %and3A_276 = arith.andi %get3A_273, %and3A_275 : vector<16xi32>
    %add3A_277 = vector.broadcast %mul3A_0 : i32 to vector<16xi32>
    %add3A_278 = arith.addi %and3A_276, %add3A_277 : vector<16xi32>
    %swap3A_279 = arith.constant 16 : index
    %swap3A_280 = tpu.vector_load %arg8[%swap3A_279] {strides = array<i32>} : memref<80xi32, #tpu.memory_space<vmem>>, vector<16xi32>,
    %swap3A_281 = vector.shape_cast %swap3A_280 : vector<16xi32> to vector<16xi32>
    %swap3A_282 = vector.shape_cast %add3A_278 : vector<16xi32> to vector<16xi32>
    tpu.vector_store %arg8[%swap3A_279], %swap3A_282 {strides = array<i32>} : memref<80xi32, #tpu.memory_space<vmem>>, vector<16xi32>,
    %shift_right_logical3A_283 = arith.constant 16 : i32
    %shift_right_logical3A_284 = vector.broadcast %shift_right_logical3A_283 : i32 to vector<16xi32>
    %shift_right_logical3A_285 = arith.shrui %get3A_273, %shift_right_logical3A_284 : vector<16xi32>
    %swap3A_286 = arith.constant 16 : index
    %swap3A_287 = tpu.vector_load %arg11[%swap3A_286] {strides = array<i32>} : memref<80xi32, #tpu.memory_space<vmem>>, vector<16xi32>,
    %swap3A_288 = vector.shape_cast %swap3A_287 : vector<16xi32> to vector<16xi32>
    %swap3A_289 = vector.shape_cast %shift_right_logical3A_285 : vector<16xi32> to vector<16xi32>
    tpu.vector_store %arg11[%swap3A_286], %swap3A_289 {strides = array<i32>} : memref<80xi32, #tpu.memory_space<vmem>>, vector<16xi32>,
    %get3A_290 = arith.constant 2 : i32
    %get3A_291 = arith.index_cast %get3A_290 : i32 to index
    %get3A_292 = arith.constant 32 : index
    %get3A_293 = tpu.vector_load %arg5[%get3A_291, %get3A_292] {strides = array<i32>} : memref<125x80xi32, #tpu.memory_space<vmem>>, vector<1x16xi32>,
    %get3A_294 = vector.shape_cast %get3A_293 : vector<1x16xi32> to vector<16xi32>
    %and3A_295 = arith.constant 65535 : i32
    %and3A_296 = vector.broadcast %and3A_295 : i32 to vector<16xi32>
    %and3A_297 = arith.andi %get3A_294, %and3A_296 : vector<16xi32>
    %add3A_298 = vector.broadcast %mul3A_0 : i32 to vector<16xi32>
    %add3A_299 = arith.addi %and3A_297, %add3A_298 : vector<16xi32>
    %swap3A_300 = arith.constant 32 : index
    %swap3A_301 = tpu.vector_load %arg8[%swap3A_300] {strides = array<i32>} : memref<80xi32, #tpu.memory_space<vmem>>, vector<16xi32>,
    %swap3A_302 = vector.shape_cast %swap3A_301 : vector<16xi32> to vector<16xi32>
    %swap3A_303 = vector.shape_cast %add3A_299 : vector<16xi32> to vector<16xi32>
    tpu.vector_store %arg8[%swap3A_300], %swap3A_303 {strides = array<i32>} : memref<80xi32, #tpu.memory_space<vmem>>, vector<16xi32>,
    %shift_right_logical3A_304 = arith.constant 16 : i32
    %shift_right_logical3A_305 = vector.broadcast %shift_right_logical3A_304 : i32 to vector<16xi32>
    %shift_right_logical3A_306 = arith.shrui %get3A_294, %shift_right_logical3A_305 : vector<16xi32>
    %swap3A_307 = arith.constant 32 : index
    %swap3A_308 = tpu.vector_load %arg11[%swap3A_307] {strides = array<i32>} : memref<80xi32, #tpu.memory_space<vmem>>, vector<16xi32>,
    %swap3A_309 = vector.shape_cast %swap3A_308 : vector<16xi32> to vector<16xi32>
    %swap3A_310 = vector.shape_cast %shift_right_logical3A_306 : vector<16xi32> to vector<16xi32>
    tpu.vector_store %arg11[%swap3A_307], %swap3A_310 {strides = array<i32>} : memref<80xi32, #tpu.memory_space<vmem>>, vector<16xi32>,
    %get3A_311 = arith.constant 2 : i32
    %get3A_312 = arith.index_cast %get3A_311 : i32 to index
    %get3A_313 = arith.constant 48 : index
    %get3A_314 = tpu.vector_load %arg5[%get3A_312, %get3A_313] {strides = array<i32>} : memref<125x80xi32, #tpu.memory_space<vmem>>, vector<1x16xi32>,
    %get3A_315 = vector.shape_cast %get3A_314 : vector<1x16xi32> to vector<16xi32>
    %and3A_316 = arith.constant 65535 : i32
    %and3A_317 = vector.broadcast %and3A_316 : i32 to vector<16xi32>
    %and3A_318 = arith.andi %get3A_315, %and3A_317 : vector<16xi32>
    %add3A_319 = vector.broadcast %mul3A_0 : i32 to vector<16xi32>
    %add3A_320 = arith.addi %and3A_318, %add3A_319 : vector<16xi32>
    %swap3A_321 = arith.constant 48 : index
    %swap3A_322 = tpu.vector_load %arg8[%swap3A_321] {strides = array<i32>} : memref<80xi32, #tpu.memory_space<vmem>>, vector<16xi32>,
    %swap3A_323 = vector.shape_cast %swap3A_322 : vector<16xi32> to vector<16xi32>
    %swap3A_324 = vector.shape_cast %add3A_320 : vector<16xi32> to vector<16xi32>
    tpu.vector_store %arg8[%swap3A_321], %swap3A_324 {strides = array<i32>} : memref<80xi32, #tpu.memory_space<vmem>>, vector<16xi32>,
    %shift_right_logical3A_325 = arith.constant 16 : i32
    %shift_right_logical3A_326 = vector.broadcast %shift_right_logical3A_325 : i32 to vector<16xi32>
    %shift_right_logical3A_327 = arith.shrui %get3A_315, %shift_right_logical3A_326 : vector<16xi32>
    %swap3A_328 = arith.constant 48 : index
    %swap3A_329 = tpu.vector_load %arg11[%swap3A_328] {strides = array<i32>} : memref<80xi32, #tpu.memory_space<vmem>>, vector<16xi32>,
    %swap3A_330 = vector.shape_cast %swap3A_329 : vector<16xi32> to vector<16xi32>
    %swap3A_331 = vector.shape_cast %shift_right_logical3A_327 : vector<16xi32> to vector<16xi32>
    tpu.vector_store %arg11[%swap3A_328], %swap3A_331 {strides = array<i32>} : memref<80xi32, #tpu.memory_space<vmem>>, vector<16xi32>,
    %get3A_332 = arith.constant 2 : i32
    %get3A_333 = arith.index_cast %get3A_332 : i32 to index
    %get3A_334 = arith.constant 64 : index
    %get3A_335 = tpu.vector_load %arg5[%get3A_333, %get3A_334] {strides = array<i32>} : memref<125x80xi32, #tpu.memory_space<vmem>>, vector<1x16xi32>,
    %get3A_336 = vector.shape_cast %get3A_335 : vector<1x16xi32> to vector<16xi32>
    %and3A_337 = arith.constant 65535 : i32
    %and3A_338 = vector.broadcast %and3A_337 : i32 to vector<16xi32>
    %and3A_339 = arith.andi %get3A_336, %and3A_338 : vector<16xi32>
    %add3A_340 = vector.broadcast %mul3A_0 : i32 to vector<16xi32>
    %add3A_341 = arith.addi %and3A_339, %add3A_340 : vector<16xi32>
    %swap3A_342 = arith.constant 64 : index
    %swap3A_343 = tpu.vector_load %arg8[%swap3A_342] {strides = array<i32>} : memref<80xi32, #tpu.memory_space<vmem>>, vector<16xi32>,
    %swap3A_344 = vector.shape_cast %swap3A_343 : vector<16xi32> to vector<16xi32>
    %swap3A_345 = vector.shape_cast %add3A_341 : vector<16xi32> to vector<16xi32>
    tpu.vector_store %arg8[%swap3A_342], %swap3A_345 {strides = array<i32>} : memref<80xi32, #tpu.memory_space<vmem>>, vector<16xi32>,
    %shift_right_logical3A_346 = arith.constant 16 : i32
    %shift_right_logical3A_347 = vector.broadcast %shift_right_logical3A_346 : i32 to vector<16xi32>
    %shift_right_logical3A_348 = arith.shrui %get3A_336, %shift_right_logical3A_347 : vector<16xi32>
    %swap3A_349 = arith.constant 64 : index
    %swap3A_350 = tpu.vector_load %arg11[%swap3A_349] {strides = array<i32>} : memref<80xi32, #tpu.memory_space<vmem>>, vector<16xi32>,
    %swap3A_351 = vector.shape_cast %swap3A_350 : vector<16xi32> to vector<16xi32>
    %swap3A_352 = vector.shape_cast %shift_right_logical3A_348 : vector<16xi32> to vector<16xi32>
    tpu.vector_store %arg11[%swap3A_349], %swap3A_352 {strides = array<i32>} : memref<80xi32, #tpu.memory_space<vmem>>, vector<16xi32>,
    %dma_start3A_353 = arith.constant 0 : i32
    %dma_start3A_354 = arith.constant 0 : i32
    %dma_start3A_355 = tpu.memref_slice %arg2[%dma_start3A_353, %dma_start3A_354] : memref<20480x128xf32, #tpu.memory_space<hbm>> -> memref<20480x128xf32, #tpu.memory_space<hbm>>
    tpu.enqueue_indirect_dma source(%dma_start3A_355 : memref<20480x128xf32, #tpu.memory_space<hbm>>) target(%arg14 : memref<80x128xf32, #tpu.memory_space<vmem>>) offsets(%arg8 : memref<80xi32, #tpu.memory_space<vmem>>) semaphore(%arg18 : memref<!tpu.dma_semaphore, #tpu.memory_space<semaphore_mem>>)
    %barrier3A = arith.constant 0 : index
    tpu.barrier barrier_id(%barrier3A)
    %scan3A_356 = arith.constant 0 : i32
    %scan3A_357 = arith.constant 0 : i32
    %scan3A_358 = arith.constant 41 : i32
    %scan3A_359 = arith.addi %scan3A_357, %scan3A_358 : i32
    %scan3A_360 = arith.constant 1 : i32
    scf.for %scan3A_408 = %scan3A_357 to %scan3A_359 step %scan3A_360  : i32 {
      %mul3A_409 = arith.constant 3 : i32
      %mul3A_410 = arith.muli %scan3A_408, %mul3A_409 : i32
      %add3A_411 = arith.constant 0 : i32
      %add3A_412 = arith.addi %mul3A_410, %add3A_411 : i32
      %dma_wait3A_413 = arith.constant 0 : i32
      %dma_wait3A_414 = arith.constant 0 : i32
      %dma_wait3A_415 = tpu.memref_slice %arg2[%dma_wait3A_413, %dma_wait3A_414] : memref<20480x128xf32, #tpu.memory_space<hbm>> -> memref<20480x128xf32, #tpu.memory_space<hbm>>
      tpu.wait_indirect_dma semaphore(%arg16 : memref<!tpu.dma_semaphore, #tpu.memory_space<semaphore_mem>>) src(%dma_wait3A_415 : memref<20480x128xf32, #tpu.memory_space<hbm>>) dst(%arg12 : memref<80x128xf32, #tpu.memory_space<vmem>>)
      "tpu.region"() ({
        %run_scoped3A = tpu.sem_alloc : memref<!tpu.dma_semaphore, #tpu.memory_space<semaphore_mem>>
        %dma_start3A_448 = arith.constant 0 : i32
        %dma_start3A_449 = arith.constant 0 : i32
        %dma_start3A_450 = tpu.memref_slice %arg15[%dma_start3A_448, %dma_start3A_449] : memref<10240x128xf32, #tpu.memory_space<vmem_shared>> -> memref<10240x128xf32, #tpu.memory_space<vmem_shared>>
        tpu.enqueue_indirect_dma source(%arg12 : memref<80x128xf32, #tpu.memory_space<vmem>>) target(%dma_start3A_450 : memref<10240x128xf32, #tpu.memory_space<vmem_shared>>) offsets(%arg9 : memref<80xi32, #tpu.memory_space<vmem>>) semaphore(%run_scoped3A : memref<!tpu.dma_semaphore, #tpu.memory_space<semaphore_mem>>) {add = true}
        %dma_wait3A_451 = arith.constant 0 : i32
        %dma_wait3A_452 = arith.constant 0 : i32
        %dma_wait3A_453 = tpu.memref_slice %arg15[%dma_wait3A_451, %dma_wait3A_452] : memref<10240x128xf32, #tpu.memory_space<vmem_shared>> -> memref<10240x128xf32, #tpu.memory_space<vmem_shared>>
        tpu.wait_indirect_dma semaphore(%run_scoped3A : memref<!tpu.dma_semaphore, #tpu.memory_space<semaphore_mem>>) src(%arg12 : memref<80x128xf32, #tpu.memory_space<vmem>>) dst(%dma_wait3A_453 : memref<10240x128xf32, #tpu.memory_space<vmem_shared>>)
        tpu.yield
      }) : () -> ()
      %add3A_416 = arith.constant 3 : i32
      %add3A_417 = arith.addi %add3A_412, %add3A_416 : i32
      %lt3A = arith.constant 125 : i32
      %lt3A_418 = arith.cmpi slt, %add3A_417, %lt3A : i32
      %convert_element_type3A = arith.extui %lt3A_418 : i1 to i32
      %cond3A = arith.constant 0 : i32
      %cond3A_419 = arith.cmpi ne, %convert_element_type3A, %cond3A : i32
      scf.if %cond3A_419 {
        %add3A_448 = arith.constant 3 : i32
        %add3A_449 = arith.addi %add3A_412, %add3A_448 : i32
        %get3A_450 = arith.index_cast %add3A_449 : i32 to index
        %get3A_451 = arith.constant 0 : index
        %get3A_452 = tpu.vector_load %arg5[%get3A_450, %get3A_451] {strides = array<i32>} : memref<125x80xi32, #tpu.memory_space<vmem>>, vector<1x16xi32>,
        %get3A_453 = vector.shape_cast %get3A_452 : vector<1x16xi32> to vector<16xi32>
        %and3A_454 = arith.constant 65535 : i32
        %and3A_455 = vector.broadcast %and3A_454 : i32 to vector<16xi32>
        %and3A_456 = arith.andi %get3A_453, %and3A_455 : vector<16xi32>
        %add3A_457 = vector.broadcast %mul3A_0 : i32 to vector<16xi32>
        %add3A_458 = arith.addi %and3A_456, %add3A_457 : vector<16xi32>
        %swap3A_459 = arith.constant 0 : index
        %swap3A_460 = tpu.vector_load %arg6[%swap3A_459] {strides = array<i32>} : memref<80xi32, #tpu.memory_space<vmem>>, vector<16xi32>,
        %swap3A_461 = vector.shape_cast %swap3A_460 : vector<16xi32> to vector<16xi32>
        %swap3A_462 = vector.shape_cast %add3A_458 : vector<16xi32> to vector<16xi32>
        tpu.vector_store %arg6[%swap3A_459], %swap3A_462 {strides = array<i32>} : memref<80xi32, #tpu.memory_space<vmem>>, vector<16xi32>,
        %shift_right_logical3A_463 = arith.constant 16 : i32
        %shift_right_logical3A_464 = vector.broadcast %shift_right_logical3A_463 : i32 to vector<16xi32>
        %shift_right_logical3A_465 = arith.shrui %get3A_453, %shift_right_logical3A_464 : vector<16xi32>
        %swap3A_466 = arith.constant 0 : index
        %swap3A_467 = tpu.vector_load %arg9[%swap3A_466] {strides = array<i32>} : memref<80xi32, #tpu.memory_space<vmem>>, vector<16xi32>,
        %swap3A_468 = vector.shape_cast %swap3A_467 : vector<16xi32> to vector<16xi32>
        %swap3A_469 = vector.shape_cast %shift_right_logical3A_465 : vector<16xi32> to vector<16xi32>
        tpu.vector_store %arg9[%swap3A_466], %swap3A_469 {strides = array<i32>} : memref<80xi32, #tpu.memory_space<vmem>>, vector<16xi32>,
        %get3A_470 = arith.index_cast %add3A_449 : i32 to index
        %get3A_471 = arith.constant 16 : index
        %get3A_472 = tpu.vector_load %arg5[%get3A_470, %get3A_471] {strides = array<i32>} : memref<125x80xi32, #tpu.memory_space<vmem>>, vector<1x16xi32>,
        %get3A_473 = vector.shape_cast %get3A_472 : vector<1x16xi32> to vector<16xi32>
        %and3A_474 = arith.constant 65535 : i32
        %and3A_475 = vector.broadcast %and3A_474 : i32 to vector<16xi32>
        %and3A_476 = arith.andi %get3A_473, %and3A_475 : vector<16xi32>
        %add3A_477 = vector.broadcast %mul3A_0 : i32 to vector<16xi32>
        %add3A_478 = arith.addi %and3A_476, %add3A_477 : vector<16xi32>
        %swap3A_479 = arith.constant 16 : index
        %swap3A_480 = tpu.vector_load %arg6[%swap3A_479] {strides = array<i32>} : memref<80xi32, #tpu.memory_space<vmem>>, vector<16xi32>,
        %swap3A_481 = vector.shape_cast %swap3A_480 : vector<16xi32> to vector<16xi32>
        %swap3A_482 = vector.shape_cast %add3A_478 : vector<16xi32> to vector<16xi32>
        tpu.vector_store %arg6[%swap3A_479], %swap3A_482 {strides = array<i32>} : memref<80xi32, #tpu.memory_space<vmem>>, vector<16xi32>,
        %shift_right_logical3A_483 = arith.constant 16 : i32
        %shift_right_logical3A_484 = vector.broadcast %shift_right_logical3A_483 : i32 to vector<16xi32>
        %shift_right_logical3A_485 = arith.shrui %get3A_473, %shift_right_logical3A_484 : vector<16xi32>
        %swap3A_486 = arith.constant 16 : index
        %swap3A_487 = tpu.vector_load %arg9[%swap3A_486] {strides = array<i32>} : memref<80xi32, #tpu.memory_space<vmem>>, vector<16xi32>,
        %swap3A_488 = vector.shape_cast %swap3A_487 : vector<16xi32> to vector<16xi32>
        %swap3A_489 = vector.shape_cast %shift_right_logical3A_485 : vector<16xi32> to vector<16xi32>
        tpu.vector_store %arg9[%swap3A_486], %swap3A_489 {strides = array<i32>} : memref<80xi32, #tpu.memory_space<vmem>>, vector<16xi32>,
        %get3A_490 = arith.index_cast %add3A_449 : i32 to index
        %get3A_491 = arith.constant 32 : index
        %get3A_492 = tpu.vector_load %arg5[%get3A_490, %get3A_491] {strides = array<i32>} : memref<125x80xi32, #tpu.memory_space<vmem>>, vector<1x16xi32>,
        %get3A_493 = vector.shape_cast %get3A_492 : vector<1x16xi32> to vector<16xi32>
        %and3A_494 = arith.constant 65535 : i32
        %and3A_495 = vector.broadcast %and3A_494 : i32 to vector<16xi32>
        %and3A_496 = arith.andi %get3A_493, %and3A_495 : vector<16xi32>
        %add3A_497 = vector.broadcast %mul3A_0 : i32 to vector<16xi32>
        %add3A_498 = arith.addi %and3A_496, %add3A_497 : vector<16xi32>
        %swap3A_499 = arith.constant 32 : index
        %swap3A_500 = tpu.vector_load %arg6[%swap3A_499] {strides = array<i32>} : memref<80xi32, #tpu.memory_space<vmem>>, vector<16xi32>,
        %swap3A_501 = vector.shape_cast %swap3A_500 : vector<16xi32> to vector<16xi32>
        %swap3A_502 = vector.shape_cast %add3A_498 : vector<16xi32> to vector<16xi32>
        tpu.vector_store %arg6[%swap3A_499], %swap3A_502 {strides = array<i32>} : memref<80xi32, #tpu.memory_space<vmem>>, vector<16xi32>,
        %shift_right_logical3A_503 = arith.constant 16 : i32
        %shift_right_logical3A_504 = vector.broadcast %shift_right_logical3A_503 : i32 to vector<16xi32>
        %shift_right_logical3A_505 = arith.shrui %get3A_493, %shift_right_logical3A_504 : vector<16xi32>
        %swap3A_506 = arith.constant 32 : index
        %swap3A_507 = tpu.vector_load %arg9[%swap3A_506] {strides = array<i32>} : memref<80xi32, #tpu.memory_space<vmem>>, vector<16xi32>,
        %swap3A_508 = vector.shape_cast %swap3A_507 : vector<16xi32> to vector<16xi32>
        %swap3A_509 = vector.shape_cast %shift_right_logical3A_505 : vector<16xi32> to vector<16xi32>
        tpu.vector_store %arg9[%swap3A_506], %swap3A_509 {strides = array<i32>} : memref<80xi32, #tpu.memory_space<vmem>>, vector<16xi32>,
        %get3A_510 = arith.index_cast %add3A_449 : i32 to index
        %get3A_511 = arith.constant 48 : index
        %get3A_512 = tpu.vector_load %arg5[%get3A_510, %get3A_511] {strides = array<i32>} : memref<125x80xi32, #tpu.memory_space<vmem>>, vector<1x16xi32>,
        %get3A_513 = vector.shape_cast %get3A_512 : vector<1x16xi32> to vector<16xi32>
        %and3A_514 = arith.constant 65535 : i32
        %and3A_515 = vector.broadcast %and3A_514 : i32 to vector<16xi32>
        %and3A_516 = arith.andi %get3A_513, %and3A_515 : vector<16xi32>
        %add3A_517 = vector.broadcast %mul3A_0 : i32 to vector<16xi32>
        %add3A_518 = arith.addi %and3A_516, %add3A_517 : vector<16xi32>
        %swap3A_519 = arith.constant 48 : index
        %swap3A_520 = tpu.vector_load %arg6[%swap3A_519] {strides = array<i32>} : memref<80xi32, #tpu.memory_space<vmem>>, vector<16xi32>,
        %swap3A_521 = vector.shape_cast %swap3A_520 : vector<16xi32> to vector<16xi32>
        %swap3A_522 = vector.shape_cast %add3A_518 : vector<16xi32> to vector<16xi32>
        tpu.vector_store %arg6[%swap3A_519], %swap3A_522 {strides = array<i32>} : memref<80xi32, #tpu.memory_space<vmem>>, vector<16xi32>,
        %shift_right_logical3A_523 = arith.constant 16 : i32
        %shift_right_logical3A_524 = vector.broadcast %shift_right_logical3A_523 : i32 to vector<16xi32>
        %shift_right_logical3A_525 = arith.shrui %get3A_513, %shift_right_logical3A_524 : vector<16xi32>
        %swap3A_526 = arith.constant 48 : index
        %swap3A_527 = tpu.vector_load %arg9[%swap3A_526] {strides = array<i32>} : memref<80xi32, #tpu.memory_space<vmem>>, vector<16xi32>,
        %swap3A_528 = vector.shape_cast %swap3A_527 : vector<16xi32> to vector<16xi32>
        %swap3A_529 = vector.shape_cast %shift_right_logical3A_525 : vector<16xi32> to vector<16xi32>
        tpu.vector_store %arg9[%swap3A_526], %swap3A_529 {strides = array<i32>} : memref<80xi32, #tpu.memory_space<vmem>>, vector<16xi32>,
        %get3A_530 = arith.index_cast %add3A_449 : i32 to index
        %get3A_531 = arith.constant 64 : index
        %get3A_532 = tpu.vector_load %arg5[%get3A_530, %get3A_531] {strides = array<i32>} : memref<125x80xi32, #tpu.memory_space<vmem>>, vector<1x16xi32>,
        %get3A_533 = vector.shape_cast %get3A_532 : vector<1x16xi32> to vector<16xi32>
        %and3A_534 = arith.constant 65535 : i32
        %and3A_535 = vector.broadcast %and3A_534 : i32 to vector<16xi32>
        %and3A_536 = arith.andi %get3A_533, %and3A_535 : vector<16xi32>
        %add3A_537 = vector.broadcast %mul3A_0 : i32 to vector<16xi32>
        %add3A_538 = arith.addi %and3A_536, %add3A_537 : vector<16xi32>
        %swap3A_539 = arith.constant 64 : index
        %swap3A_540 = tpu.vector_load %arg6[%swap3A_539] {strides = array<i32>} : memref<80xi32, #tpu.memory_space<vmem>>, vector<16xi32>,
        %swap3A_541 = vector.shape_cast %swap3A_540 : vector<16xi32> to vector<16xi32>
        %swap3A_542 = vector.shape_cast %add3A_538 : vector<16xi32> to vector<16xi32>
        tpu.vector_store %arg6[%swap3A_539], %swap3A_542 {strides = array<i32>} : memref<80xi32, #tpu.memory_space<vmem>>, vector<16xi32>,
        %shift_right_logical3A_543 = arith.constant 16 : i32
        %shift_right_logical3A_544 = vector.broadcast %shift_right_logical3A_543 : i32 to vector<16xi32>
        %shift_right_logical3A_545 = arith.shrui %get3A_533, %shift_right_logical3A_544 : vector<16xi32>
        %swap3A_546 = arith.constant 64 : index
        %swap3A_547 = tpu.vector_load %arg9[%swap3A_546] {strides = array<i32>} : memref<80xi32, #tpu.memory_space<vmem>>, vector<16xi32>,
        %swap3A_548 = vector.shape_cast %swap3A_547 : vector<16xi32> to vector<16xi32>
        %swap3A_549 = vector.shape_cast %shift_right_logical3A_545 : vector<16xi32> to vector<16xi32>
        tpu.vector_store %arg9[%swap3A_546], %swap3A_549 {strides = array<i32>} : memref<80xi32, #tpu.memory_space<vmem>>, vector<16xi32>,
        %dma_start3A_550 = arith.constant 0 : i32
        %dma_start3A_551 = arith.constant 0 : i32
        %dma_start3A_552 = tpu.memref_slice %arg2[%dma_start3A_550, %dma_start3A_551] : memref<20480x128xf32, #tpu.memory_space<hbm>> -> memref<20480x128xf32, #tpu.memory_space<hbm>>
        tpu.enqueue_indirect_dma source(%dma_start3A_552 : memref<20480x128xf32, #tpu.memory_space<hbm>>) target(%arg12 : memref<80x128xf32, #tpu.memory_space<vmem>>) offsets(%arg6 : memref<80xi32, #tpu.memory_space<vmem>>) semaphore(%arg16 : memref<!tpu.dma_semaphore, #tpu.memory_space<semaphore_mem>>)
      } else {
      }
      %mul3A_420 = arith.constant 3 : i32
      %mul3A_421 = arith.muli %scan3A_408, %mul3A_420 : i32
      %add3A_422 = arith.constant 1 : i32
      %add3A_423 = arith.addi %mul3A_421, %add3A_422 : i32
      %dma_wait3A_424 = arith.constant 0 : i32
      %dma_wait3A_425 = arith.constant 0 : i32
      %dma_wait3A_426 = tpu.memref_slice %arg2[%dma_wait3A_424, %dma_wait3A_425] : memref<20480x128xf32, #tpu.memory_space<hbm>> -> memref<20480x128xf32, #tpu.memory_space<hbm>>
      tpu.wait_indirect_dma semaphore(%arg17 : memref<!tpu.dma_semaphore, #tpu.memory_space<semaphore_mem>>) src(%dma_wait3A_426 : memref<20480x128xf32, #tpu.memory_space<hbm>>) dst(%arg13 : memref<80x128xf32, #tpu.memory_space<vmem>>)
      "tpu.region"() ({
        %run_scoped3A = tpu.sem_alloc : memref<!tpu.dma_semaphore, #tpu.memory_space<semaphore_mem>>
        %dma_start3A_448 = arith.constant 0 : i32
        %dma_start3A_449 = arith.constant 0 : i32
        %dma_start3A_450 = tpu.memref_slice %arg15[%dma_start3A_448, %dma_start3A_449] : memref<10240x128xf32, #tpu.memory_space<vmem_shared>> -> memref<10240x128xf32, #tpu.memory_space<vmem_shared>>
        tpu.enqueue_indirect_dma source(%arg13 : memref<80x128xf32, #tpu.memory_space<vmem>>) target(%dma_start3A_450 : memref<10240x128xf32, #tpu.memory_space<vmem_shared>>) offsets(%arg10 : memref<80xi32, #tpu.memory_space<vmem>>) semaphore(%run_scoped3A : memref<!tpu.dma_semaphore, #tpu.memory_space<semaphore_mem>>) {add = true}
        %dma_wait3A_451 = arith.constant 0 : i32
        %dma_wait3A_452 = arith.constant 0 : i32
        %dma_wait3A_453 = tpu.memref_slice %arg15[%dma_wait3A_451, %dma_wait3A_452] : memref<10240x128xf32, #tpu.memory_space<vmem_shared>> -> memref<10240x128xf32, #tpu.memory_space<vmem_shared>>
        tpu.wait_indirect_dma semaphore(%run_scoped3A : memref<!tpu.dma_semaphore, #tpu.memory_space<semaphore_mem>>) src(%arg13 : memref<80x128xf32, #tpu.memory_space<vmem>>) dst(%dma_wait3A_453 : memref<10240x128xf32, #tpu.memory_space<vmem_shared>>)
        tpu.yield
      }) : () -> ()
      %add3A_427 = arith.constant 3 : i32
      %add3A_428 = arith.addi %add3A_423, %add3A_427 : i32
      %lt3A_429 = arith.constant 125 : i32
      %lt3A_430 = arith.cmpi slt, %add3A_428, %lt3A_429 : i32
      %convert_element_type3A_431 = arith.extui %lt3A_430 : i1 to i32
      %cond3A_432 = arith.constant 0 : i32
      %cond3A_433 = arith.cmpi ne, %convert_element_type3A_431, %cond3A_432 : i32
      scf.if %cond3A_433 {
        %add3A_448 = arith.constant 3 : i32
        %add3A_449 = arith.addi %add3A_423, %add3A_448 : i32
        %get3A_450 = arith.index_cast %add3A_449 : i32 to index
        %get3A_451 = arith.constant 0 : index
        %get3A_452 = tpu.vector_load %arg5[%get3A_450, %get3A_451] {strides = array<i32>} : memref<125x80xi32, #tpu.memory_space<vmem>>, vector<1x16xi32>,
        %get3A_453 = vector.shape_cast %get3A_452 : vector<1x16xi32> to vector<16xi32>
        %and3A_454 = arith.constant 65535 : i32
        %and3A_455 = vector.broadcast %and3A_454 : i32 to vector<16xi32>
        %and3A_456 = arith.andi %get3A_453, %and3A_455 : vector<16xi32>
        %add3A_457 = vector.broadcast %mul3A_0 : i32 to vector<16xi32>
        %add3A_458 = arith.addi %and3A_456, %add3A_457 : vector<16xi32>
        %swap3A_459 = arith.constant 0 : index
        %swap3A_460 = tpu.vector_load %arg7[%swap3A_459] {strides = array<i32>} : memref<80xi32, #tpu.memory_space<vmem>>, vector<16xi32>,
        %swap3A_461 = vector.shape_cast %swap3A_460 : vector<16xi32> to vector<16xi32>
        %swap3A_462 = vector.shape_cast %add3A_458 : vector<16xi32> to vector<16xi32>
        tpu.vector_store %arg7[%swap3A_459], %swap3A_462 {strides = array<i32>} : memref<80xi32, #tpu.memory_space<vmem>>, vector<16xi32>,
        %shift_right_logical3A_463 = arith.constant 16 : i32
        %shift_right_logical3A_464 = vector.broadcast %shift_right_logical3A_463 : i32 to vector<16xi32>
        %shift_right_logical3A_465 = arith.shrui %get3A_453, %shift_right_logical3A_464 : vector<16xi32>
        %swap3A_466 = arith.constant 0 : index
        %swap3A_467 = tpu.vector_load %arg10[%swap3A_466] {strides = array<i32>} : memref<80xi32, #tpu.memory_space<vmem>>, vector<16xi32>,
        %swap3A_468 = vector.shape_cast %swap3A_467 : vector<16xi32> to vector<16xi32>
        %swap3A_469 = vector.shape_cast %shift_right_logical3A_465 : vector<16xi32> to vector<16xi32>
        tpu.vector_store %arg10[%swap3A_466], %swap3A_469 {strides = array<i32>} : memref<80xi32, #tpu.memory_space<vmem>>, vector<16xi32>,
        %get3A_470 = arith.index_cast %add3A_449 : i32 to index
        %get3A_471 = arith.constant 16 : index
        %get3A_472 = tpu.vector_load %arg5[%get3A_470, %get3A_471] {strides = array<i32>} : memref<125x80xi32, #tpu.memory_space<vmem>>, vector<1x16xi32>,
        %get3A_473 = vector.shape_cast %get3A_472 : vector<1x16xi32> to vector<16xi32>
        %and3A_474 = arith.constant 65535 : i32
        %and3A_475 = vector.broadcast %and3A_474 : i32 to vector<16xi32>
        %and3A_476 = arith.andi %get3A_473, %and3A_475 : vector<16xi32>
        %add3A_477 = vector.broadcast %mul3A_0 : i32 to vector<16xi32>
        %add3A_478 = arith.addi %and3A_476, %add3A_477 : vector<16xi32>
        %swap3A_479 = arith.constant 16 : index
        %swap3A_480 = tpu.vector_load %arg7[%swap3A_479] {strides = array<i32>} : memref<80xi32, #tpu.memory_space<vmem>>, vector<16xi32>,
        %swap3A_481 = vector.shape_cast %swap3A_480 : vector<16xi32> to vector<16xi32>
        %swap3A_482 = vector.shape_cast %add3A_478 : vector<16xi32> to vector<16xi32>
        tpu.vector_store %arg7[%swap3A_479], %swap3A_482 {strides = array<i32>} : memref<80xi32, #tpu.memory_space<vmem>>, vector<16xi32>,
        %shift_right_logical3A_483 = arith.constant 16 : i32
        %shift_right_logical3A_484 = vector.broadcast %shift_right_logical3A_483 : i32 to vector<16xi32>
        %shift_right_logical3A_485 = arith.shrui %get3A_473, %shift_right_logical3A_484 : vector<16xi32>
        %swap3A_486 = arith.constant 16 : index
        %swap3A_487 = tpu.vector_load %arg10[%swap3A_486] {strides = array<i32>} : memref<80xi32, #tpu.memory_space<vmem>>, vector<16xi32>,
        %swap3A_488 = vector.shape_cast %swap3A_487 : vector<16xi32> to vector<16xi32>
        %swap3A_489 = vector.shape_cast %shift_right_logical3A_485 : vector<16xi32> to vector<16xi32>
        tpu.vector_store %arg10[%swap3A_486], %swap3A_489 {strides = array<i32>} : memref<80xi32, #tpu.memory_space<vmem>>, vector<16xi32>,
        %get3A_490 = arith.index_cast %add3A_449 : i32 to index
        %get3A_491 = arith.constant 32 : index
        %get3A_492 = tpu.vector_load %arg5[%get3A_490, %get3A_491] {strides = array<i32>} : memref<125x80xi32, #tpu.memory_space<vmem>>, vector<1x16xi32>,
        %get3A_493 = vector.shape_cast %get3A_492 : vector<1x16xi32> to vector<16xi32>
        %and3A_494 = arith.constant 65535 : i32
        %and3A_495 = vector.broadcast %and3A_494 : i32 to vector<16xi32>
        %and3A_496 = arith.andi %get3A_493, %and3A_495 : vector<16xi32>
        %add3A_497 = vector.broadcast %mul3A_0 : i32 to vector<16xi32>
        %add3A_498 = arith.addi %and3A_496, %add3A_497 : vector<16xi32>
        %swap3A_499 = arith.constant 32 : index
        %swap3A_500 = tpu.vector_load %arg7[%swap3A_499] {strides = array<i32>} : memref<80xi32, #tpu.memory_space<vmem>>, vector<16xi32>,
        %swap3A_501 = vector.shape_cast %swap3A_500 : vector<16xi32> to vector<16xi32>
        %swap3A_502 = vector.shape_cast %add3A_498 : vector<16xi32> to vector<16xi32>
        tpu.vector_store %arg7[%swap3A_499], %swap3A_502 {strides = array<i32>} : memref<80xi32, #tpu.memory_space<vmem>>, vector<16xi32>,
        %shift_right_logical3A_503 = arith.constant 16 : i32
        %shift_right_logical3A_504 = vector.broadcast %shift_right_logical3A_503 : i32 to vector<16xi32>
        %shift_right_logical3A_505 = arith.shrui %get3A_493, %shift_right_logical3A_504 : vector<16xi32>
        %swap3A_506 = arith.constant 32 : index
        %swap3A_507 = tpu.vector_load %arg10[%swap3A_506] {strides = array<i32>} : memref<80xi32, #tpu.memory_space<vmem>>, vector<16xi32>,
        %swap3A_508 = vector.shape_cast %swap3A_507 : vector<16xi32> to vector<16xi32>
        %swap3A_509 = vector.shape_cast %shift_right_logical3A_505 : vector<16xi32> to vector<16xi32>
        tpu.vector_store %arg10[%swap3A_506], %swap3A_509 {strides = array<i32>} : memref<80xi32, #tpu.memory_space<vmem>>, vector<16xi32>,
        %get3A_510 = arith.index_cast %add3A_449 : i32 to index
        %get3A_511 = arith.constant 48 : index
        %get3A_512 = tpu.vector_load %arg5[%get3A_510, %get3A_511] {strides = array<i32>} : memref<125x80xi32, #tpu.memory_space<vmem>>, vector<1x16xi32>,
        %get3A_513 = vector.shape_cast %get3A_512 : vector<1x16xi32> to vector<16xi32>
        %and3A_514 = arith.constant 65535 : i32
        %and3A_515 = vector.broadcast %and3A_514 : i32 to vector<16xi32>
        %and3A_516 = arith.andi %get3A_513, %and3A_515 : vector<16xi32>
        %add3A_517 = vector.broadcast %mul3A_0 : i32 to vector<16xi32>
        %add3A_518 = arith.addi %and3A_516, %add3A_517 : vector<16xi32>
        %swap3A_519 = arith.constant 48 : index
        %swap3A_520 = tpu.vector_load %arg7[%swap3A_519] {strides = array<i32>} : memref<80xi32, #tpu.memory_space<vmem>>, vector<16xi32>,
        %swap3A_521 = vector.shape_cast %swap3A_520 : vector<16xi32> to vector<16xi32>
        %swap3A_522 = vector.shape_cast %add3A_518 : vector<16xi32> to vector<16xi32>
        tpu.vector_store %arg7[%swap3A_519], %swap3A_522 {strides = array<i32>} : memref<80xi32, #tpu.memory_space<vmem>>, vector<16xi32>,
        %shift_right_logical3A_523 = arith.constant 16 : i32
        %shift_right_logical3A_524 = vector.broadcast %shift_right_logical3A_523 : i32 to vector<16xi32>
        %shift_right_logical3A_525 = arith.shrui %get3A_513, %shift_right_logical3A_524 : vector<16xi32>
        %swap3A_526 = arith.constant 48 : index
        %swap3A_527 = tpu.vector_load %arg10[%swap3A_526] {strides = array<i32>} : memref<80xi32, #tpu.memory_space<vmem>>, vector<16xi32>,
        %swap3A_528 = vector.shape_cast %swap3A_527 : vector<16xi32> to vector<16xi32>
        %swap3A_529 = vector.shape_cast %shift_right_logical3A_525 : vector<16xi32> to vector<16xi32>
        tpu.vector_store %arg10[%swap3A_526], %swap3A_529 {strides = array<i32>} : memref<80xi32, #tpu.memory_space<vmem>>, vector<16xi32>,
        %get3A_530 = arith.index_cast %add3A_449 : i32 to index
        %get3A_531 = arith.constant 64 : index
        %get3A_532 = tpu.vector_load %arg5[%get3A_530, %get3A_531] {strides = array<i32>} : memref<125x80xi32, #tpu.memory_space<vmem>>, vector<1x16xi32>,
        %get3A_533 = vector.shape_cast %get3A_532 : vector<1x16xi32> to vector<16xi32>
        %and3A_534 = arith.constant 65535 : i32
        %and3A_535 = vector.broadcast %and3A_534 : i32 to vector<16xi32>
        %and3A_536 = arith.andi %get3A_533, %and3A_535 : vector<16xi32>
        %add3A_537 = vector.broadcast %mul3A_0 : i32 to vector<16xi32>
        %add3A_538 = arith.addi %and3A_536, %add3A_537 : vector<16xi32>
        %swap3A_539 = arith.constant 64 : index
        %swap3A_540 = tpu.vector_load %arg7[%swap3A_539] {strides = array<i32>} : memref<80xi32, #tpu.memory_space<vmem>>, vector<16xi32>,
        %swap3A_541 = vector.shape_cast %swap3A_540 : vector<16xi32> to vector<16xi32>
        %swap3A_542 = vector.shape_cast %add3A_538 : vector<16xi32> to vector<16xi32>
        tpu.vector_store %arg7[%swap3A_539], %swap3A_542 {strides = array<i32>} : memref<80xi32, #tpu.memory_space<vmem>>, vector<16xi32>,
        %shift_right_logical3A_543 = arith.constant 16 : i32
        %shift_right_logical3A_544 = vector.broadcast %shift_right_logical3A_543 : i32 to vector<16xi32>
        %shift_right_logical3A_545 = arith.shrui %get3A_533, %shift_right_logical3A_544 : vector<16xi32>
        %swap3A_546 = arith.constant 64 : index
        %swap3A_547 = tpu.vector_load %arg10[%swap3A_546] {strides = array<i32>} : memref<80xi32, #tpu.memory_space<vmem>>, vector<16xi32>,
        %swap3A_548 = vector.shape_cast %swap3A_547 : vector<16xi32> to vector<16xi32>
        %swap3A_549 = vector.shape_cast %shift_right_logical3A_545 : vector<16xi32> to vector<16xi32>
        tpu.vector_store %arg10[%swap3A_546], %swap3A_549 {strides = array<i32>} : memref<80xi32, #tpu.memory_space<vmem>>, vector<16xi32>,
        %dma_start3A_550 = arith.constant 0 : i32
        %dma_start3A_551 = arith.constant 0 : i32
        %dma_start3A_552 = tpu.memref_slice %arg2[%dma_start3A_550, %dma_start3A_551] : memref<20480x128xf32, #tpu.memory_space<hbm>> -> memref<20480x128xf32, #tpu.memory_space<hbm>>
        tpu.enqueue_indirect_dma source(%dma_start3A_552 : memref<20480x128xf32, #tpu.memory_space<hbm>>) target(%arg13 : memref<80x128xf32, #tpu.memory_space<vmem>>) offsets(%arg7 : memref<80xi32, #tpu.memory_space<vmem>>) semaphore(%arg17 : memref<!tpu.dma_semaphore, #tpu.memory_space<semaphore_mem>>)
      } else {
      }
      %mul3A_434 = arith.constant 3 : i32
      %mul3A_435 = arith.muli %scan3A_408, %mul3A_434 : i32
      %add3A_436 = arith.constant 2 : i32
      %add3A_437 = arith.addi %mul3A_435, %add3A_436 : i32
      %dma_wait3A_438 = arith.constant 0 : i32
      %dma_wait3A_439 = arith.constant 0 : i32
      %dma_wait3A_440 = tpu.memref_slice %arg2[%dma_wait3A_438, %dma_wait3A_439] : memref<20480x128xf32, #tpu.memory_space<hbm>> -> memref<20480x128xf32, #tpu.memory_space<hbm>>
      tpu.wait_indirect_dma semaphore(%arg18 : memref<!tpu.dma_semaphore, #tpu.memory_space<semaphore_mem>>) src(%dma_wait3A_440 : memref<20480x128xf32, #tpu.memory_space<hbm>>) dst(%arg14 : memref<80x128xf32, #tpu.memory_space<vmem>>)
      "tpu.region"() ({
        %run_scoped3A = tpu.sem_alloc : memref<!tpu.dma_semaphore, #tpu.memory_space<semaphore_mem>>
        %dma_start3A_448 = arith.constant 0 : i32
        %dma_start3A_449 = arith.constant 0 : i32
        %dma_start3A_450 = tpu.memref_slice %arg15[%dma_start3A_448, %dma_start3A_449] : memref<10240x128xf32, #tpu.memory_space<vmem_shared>> -> memref<10240x128xf32, #tpu.memory_space<vmem_shared>>
        tpu.enqueue_indirect_dma source(%arg14 : memref<80x128xf32, #tpu.memory_space<vmem>>) target(%dma_start3A_450 : memref<10240x128xf32, #tpu.memory_space<vmem_shared>>) offsets(%arg11 : memref<80xi32, #tpu.memory_space<vmem>>) semaphore(%run_scoped3A : memref<!tpu.dma_semaphore, #tpu.memory_space<semaphore_mem>>) {add = true}
        %dma_wait3A_451 = arith.constant 0 : i32
        %dma_wait3A_452 = arith.constant 0 : i32
        %dma_wait3A_453 = tpu.memref_slice %arg15[%dma_wait3A_451, %dma_wait3A_452] : memref<10240x128xf32, #tpu.memory_space<vmem_shared>> -> memref<10240x128xf32, #tpu.memory_space<vmem_shared>>
        tpu.wait_indirect_dma semaphore(%run_scoped3A : memref<!tpu.dma_semaphore, #tpu.memory_space<semaphore_mem>>) src(%arg14 : memref<80x128xf32, #tpu.memory_space<vmem>>) dst(%dma_wait3A_453 : memref<10240x128xf32, #tpu.memory_space<vmem_shared>>)
        tpu.yield
      }) : () -> ()
      %add3A_441 = arith.constant 3 : i32
      %add3A_442 = arith.addi %add3A_437, %add3A_441 : i32
      %lt3A_443 = arith.constant 125 : i32
      %lt3A_444 = arith.cmpi slt, %add3A_442, %lt3A_443 : i32
      %convert_element_type3A_445 = arith.extui %lt3A_444 : i1 to i32
      %cond3A_446 = arith.constant 0 : i32
      %cond3A_447 = arith.cmpi ne, %convert_element_type3A_445, %cond3A_446 : i32
      scf.if %cond3A_447 {
        %add3A_448 = arith.constant 3 : i32
        %add3A_449 = arith.addi %add3A_437, %add3A_448 : i32
        %get3A_450 = arith.index_cast %add3A_449 : i32 to index
        %get3A_451 = arith.constant 0 : index
        %get3A_452 = tpu.vector_load %arg5[%get3A_450, %get3A_451] {strides = array<i32>} : memref<125x80xi32, #tpu.memory_space<vmem>>, vector<1x16xi32>,
        %get3A_453 = vector.shape_cast %get3A_452 : vector<1x16xi32> to vector<16xi32>
        %and3A_454 = arith.constant 65535 : i32
        %and3A_455 = vector.broadcast %and3A_454 : i32 to vector<16xi32>
        %and3A_456 = arith.andi %get3A_453, %and3A_455 : vector<16xi32>
        %add3A_457 = vector.broadcast %mul3A_0 : i32 to vector<16xi32>
        %add3A_458 = arith.addi %and3A_456, %add3A_457 : vector<16xi32>
        %swap3A_459 = arith.constant 0 : index
        %swap3A_460 = tpu.vector_load %arg8[%swap3A_459] {strides = array<i32>} : memref<80xi32, #tpu.memory_space<vmem>>, vector<16xi32>,
        %swap3A_461 = vector.shape_cast %swap3A_460 : vector<16xi32> to vector<16xi32>
        %swap3A_462 = vector.shape_cast %add3A_458 : vector<16xi32> to vector<16xi32>
        tpu.vector_store %arg8[%swap3A_459], %swap3A_462 {strides = array<i32>} : memref<80xi32, #tpu.memory_space<vmem>>, vector<16xi32>,
        %shift_right_logical3A_463 = arith.constant 16 : i32
        %shift_right_logical3A_464 = vector.broadcast %shift_right_logical3A_463 : i32 to vector<16xi32>
        %shift_right_logical3A_465 = arith.shrui %get3A_453, %shift_right_logical3A_464 : vector<16xi32>
        %swap3A_466 = arith.constant 0 : index
        %swap3A_467 = tpu.vector_load %arg11[%swap3A_466] {strides = array<i32>} : memref<80xi32, #tpu.memory_space<vmem>>, vector<16xi32>,
        %swap3A_468 = vector.shape_cast %swap3A_467 : vector<16xi32> to vector<16xi32>
        %swap3A_469 = vector.shape_cast %shift_right_logical3A_465 : vector<16xi32> to vector<16xi32>
        tpu.vector_store %arg11[%swap3A_466], %swap3A_469 {strides = array<i32>} : memref<80xi32, #tpu.memory_space<vmem>>, vector<16xi32>,
        %get3A_470 = arith.index_cast %add3A_449 : i32 to index
        %get3A_471 = arith.constant 16 : index
        %get3A_472 = tpu.vector_load %arg5[%get3A_470, %get3A_471] {strides = array<i32>} : memref<125x80xi32, #tpu.memory_space<vmem>>, vector<1x16xi32>,
        %get3A_473 = vector.shape_cast %get3A_472 : vector<1x16xi32> to vector<16xi32>
        %and3A_474 = arith.constant 65535 : i32
        %and3A_475 = vector.broadcast %and3A_474 : i32 to vector<16xi32>
        %and3A_476 = arith.andi %get3A_473, %and3A_475 : vector<16xi32>
        %add3A_477 = vector.broadcast %mul3A_0 : i32 to vector<16xi32>
        %add3A_478 = arith.addi %and3A_476, %add3A_477 : vector<16xi32>
        %swap3A_479 = arith.constant 16 : index
        %swap3A_480 = tpu.vector_load %arg8[%swap3A_479] {strides = array<i32>} : memref<80xi32, #tpu.memory_space<vmem>>, vector<16xi32>,
        %swap3A_481 = vector.shape_cast %swap3A_480 : vector<16xi32> to vector<16xi32>
        %swap3A_482 = vector.shape_cast %add3A_478 : vector<16xi32> to vector<16xi32>
        tpu.vector_store %arg8[%swap3A_479], %swap3A_482 {strides = array<i32>} : memref<80xi32, #tpu.memory_space<vmem>>, vector<16xi32>,
        %shift_right_logical3A_483 = arith.constant 16 : i32
        %shift_right_logical3A_484 = vector.broadcast %shift_right_logical3A_483 : i32 to vector<16xi32>
        %shift_right_logical3A_485 = arith.shrui %get3A_473, %shift_right_logical3A_484 : vector<16xi32>
        %swap3A_486 = arith.constant 16 : index
        %swap3A_487 = tpu.vector_load %arg11[%swap3A_486] {strides = array<i32>} : memref<80xi32, #tpu.memory_space<vmem>>, vector<16xi32>,
        %swap3A_488 = vector.shape_cast %swap3A_487 : vector<16xi32> to vector<16xi32>
        %swap3A_489 = vector.shape_cast %shift_right_logical3A_485 : vector<16xi32> to vector<16xi32>
        tpu.vector_store %arg11[%swap3A_486], %swap3A_489 {strides = array<i32>} : memref<80xi32, #tpu.memory_space<vmem>>, vector<16xi32>,
        %get3A_490 = arith.index_cast %add3A_449 : i32 to index
        %get3A_491 = arith.constant 32 : index
        %get3A_492 = tpu.vector_load %arg5[%get3A_490, %get3A_491] {strides = array<i32>} : memref<125x80xi32, #tpu.memory_space<vmem>>, vector<1x16xi32>,
        %get3A_493 = vector.shape_cast %get3A_492 : vector<1x16xi32> to vector<16xi32>
        %and3A_494 = arith.constant 65535 : i32
        %and3A_495 = vector.broadcast %and3A_494 : i32 to vector<16xi32>
        %and3A_496 = arith.andi %get3A_493, %and3A_495 : vector<16xi32>
        %add3A_497 = vector.broadcast %mul3A_0 : i32 to vector<16xi32>
        %add3A_498 = arith.addi %and3A_496, %add3A_497 : vector<16xi32>
        %swap3A_499 = arith.constant 32 : index
        %swap3A_500 = tpu.vector_load %arg8[%swap3A_499] {strides = array<i32>} : memref<80xi32, #tpu.memory_space<vmem>>, vector<16xi32>,
        %swap3A_501 = vector.shape_cast %swap3A_500 : vector<16xi32> to vector<16xi32>
        %swap3A_502 = vector.shape_cast %add3A_498 : vector<16xi32> to vector<16xi32>
        tpu.vector_store %arg8[%swap3A_499], %swap3A_502 {strides = array<i32>} : memref<80xi32, #tpu.memory_space<vmem>>, vector<16xi32>,
        %shift_right_logical3A_503 = arith.constant 16 : i32
        %shift_right_logical3A_504 = vector.broadcast %shift_right_logical3A_503 : i32 to vector<16xi32>
        %shift_right_logical3A_505 = arith.shrui %get3A_493, %shift_right_logical3A_504 : vector<16xi32>
        %swap3A_506 = arith.constant 32 : index
        %swap3A_507 = tpu.vector_load %arg11[%swap3A_506] {strides = array<i32>} : memref<80xi32, #tpu.memory_space<vmem>>, vector<16xi32>,
        %swap3A_508 = vector.shape_cast %swap3A_507 : vector<16xi32> to vector<16xi32>
        %swap3A_509 = vector.shape_cast %shift_right_logical3A_505 : vector<16xi32> to vector<16xi32>
        tpu.vector_store %arg11[%swap3A_506], %swap3A_509 {strides = array<i32>} : memref<80xi32, #tpu.memory_space<vmem>>, vector<16xi32>,
        %get3A_510 = arith.index_cast %add3A_449 : i32 to index
        %get3A_511 = arith.constant 48 : index
        %get3A_512 = tpu.vector_load %arg5[%get3A_510, %get3A_511] {strides = array<i32>} : memref<125x80xi32, #tpu.memory_space<vmem>>, vector<1x16xi32>,
        %get3A_513 = vector.shape_cast %get3A_512 : vector<1x16xi32> to vector<16xi32>
        %and3A_514 = arith.constant 65535 : i32
        %and3A_515 = vector.broadcast %and3A_514 : i32 to vector<16xi32>
        %and3A_516 = arith.andi %get3A_513, %and3A_515 : vector<16xi32>
        %add3A_517 = vector.broadcast %mul3A_0 : i32 to vector<16xi32>
        %add3A_518 = arith.addi %and3A_516, %add3A_517 : vector<16xi32>
        %swap3A_519 = arith.constant 48 : index
        %swap3A_520 = tpu.vector_load %arg8[%swap3A_519] {strides = array<i32>} : memref<80xi32, #tpu.memory_space<vmem>>, vector<16xi32>,
        %swap3A_521 = vector.shape_cast %swap3A_520 : vector<16xi32> to vector<16xi32>
        %swap3A_522 = vector.shape_cast %add3A_518 : vector<16xi32> to vector<16xi32>
        tpu.vector_store %arg8[%swap3A_519], %swap3A_522 {strides = array<i32>} : memref<80xi32, #tpu.memory_space<vmem>>, vector<16xi32>,
        %shift_right_logical3A_523 = arith.constant 16 : i32
        %shift_right_logical3A_524 = vector.broadcast %shift_right_logical3A_523 : i32 to vector<16xi32>
        %shift_right_logical3A_525 = arith.shrui %get3A_513, %shift_right_logical3A_524 : vector<16xi32>
        %swap3A_526 = arith.constant 48 : index
        %swap3A_527 = tpu.vector_load %arg11[%swap3A_526] {strides = array<i32>} : memref<80xi32, #tpu.memory_space<vmem>>, vector<16xi32>,
        %swap3A_528 = vector.shape_cast %swap3A_527 : vector<16xi32> to vector<16xi32>
        %swap3A_529 = vector.shape_cast %shift_right_logical3A_525 : vector<16xi32> to vector<16xi32>
        tpu.vector_store %arg11[%swap3A_526], %swap3A_529 {strides = array<i32>} : memref<80xi32, #tpu.memory_space<vmem>>, vector<16xi32>,
        %get3A_530 = arith.index_cast %add3A_449 : i32 to index
        %get3A_531 = arith.constant 64 : index
        %get3A_532 = tpu.vector_load %arg5[%get3A_530, %get3A_531] {strides = array<i32>} : memref<125x80xi32, #tpu.memory_space<vmem>>, vector<1x16xi32>,
        %get3A_533 = vector.shape_cast %get3A_532 : vector<1x16xi32> to vector<16xi32>
        %and3A_534 = arith.constant 65535 : i32
        %and3A_535 = vector.broadcast %and3A_534 : i32 to vector<16xi32>
        %and3A_536 = arith.andi %get3A_533, %and3A_535 : vector<16xi32>
        %add3A_537 = vector.broadcast %mul3A_0 : i32 to vector<16xi32>
        %add3A_538 = arith.addi %and3A_536, %add3A_537 : vector<16xi32>
        %swap3A_539 = arith.constant 64 : index
        %swap3A_540 = tpu.vector_load %arg8[%swap3A_539] {strides = array<i32>} : memref<80xi32, #tpu.memory_space<vmem>>, vector<16xi32>,
        %swap3A_541 = vector.shape_cast %swap3A_540 : vector<16xi32> to vector<16xi32>
        %swap3A_542 = vector.shape_cast %add3A_538 : vector<16xi32> to vector<16xi32>
        tpu.vector_store %arg8[%swap3A_539], %swap3A_542 {strides = array<i32>} : memref<80xi32, #tpu.memory_space<vmem>>, vector<16xi32>,
        %shift_right_logical3A_543 = arith.constant 16 : i32
        %shift_right_logical3A_544 = vector.broadcast %shift_right_logical3A_543 : i32 to vector<16xi32>
        %shift_right_logical3A_545 = arith.shrui %get3A_533, %shift_right_logical3A_544 : vector<16xi32>
        %swap3A_546 = arith.constant 64 : index
        %swap3A_547 = tpu.vector_load %arg11[%swap3A_546] {strides = array<i32>} : memref<80xi32, #tpu.memory_space<vmem>>, vector<16xi32>,
        %swap3A_548 = vector.shape_cast %swap3A_547 : vector<16xi32> to vector<16xi32>
        %swap3A_549 = vector.shape_cast %shift_right_logical3A_545 : vector<16xi32> to vector<16xi32>
        tpu.vector_store %arg11[%swap3A_546], %swap3A_549 {strides = array<i32>} : memref<80xi32, #tpu.memory_space<vmem>>, vector<16xi32>,
        %dma_start3A_550 = arith.constant 0 : i32
        %dma_start3A_551 = arith.constant 0 : i32
        %dma_start3A_552 = tpu.memref_slice %arg2[%dma_start3A_550, %dma_start3A_551] : memref<20480x128xf32, #tpu.memory_space<hbm>> -> memref<20480x128xf32, #tpu.memory_space<hbm>>
        tpu.enqueue_indirect_dma source(%dma_start3A_552 : memref<20480x128xf32, #tpu.memory_space<hbm>>) target(%arg14 : memref<80x128xf32, #tpu.memory_space<vmem>>) offsets(%arg8 : memref<80xi32, #tpu.memory_space<vmem>>) semaphore(%arg18 : memref<!tpu.dma_semaphore, #tpu.memory_space<semaphore_mem>>)
      } else {
      }
    }
    %scan3A_361 = arith.constant 41 : i32
    %dma_wait3A = arith.constant 0 : i32
    %dma_wait3A_362 = arith.constant 0 : i32
    %dma_wait3A_363 = tpu.memref_slice %arg2[%dma_wait3A, %dma_wait3A_362] : memref<20480x128xf32, #tpu.memory_space<hbm>> -> memref<20480x128xf32, #tpu.memory_space<hbm>>
    tpu.wait_indirect_dma semaphore(%arg16 : memref<!tpu.dma_semaphore, #tpu.memory_space<semaphore_mem>>) src(%dma_wait3A_363 : memref<20480x128xf32, #tpu.memory_space<hbm>>) dst(%arg12 : memref<80x128xf32, #tpu.memory_space<vmem>>)
    "tpu.region"() ({
      %run_scoped3A = tpu.sem_alloc : memref<!tpu.dma_semaphore, #tpu.memory_space<semaphore_mem>>
      %dma_start3A_408 = arith.constant 0 : i32
      %dma_start3A_409 = arith.constant 0 : i32
      %dma_start3A_410 = tpu.memref_slice %arg15[%dma_start3A_408, %dma_start3A_409] : memref<10240x128xf32, #tpu.memory_space<vmem_shared>> -> memref<10240x128xf32, #tpu.memory_space<vmem_shared>>
      tpu.enqueue_indirect_dma source(%arg12 : memref<80x128xf32, #tpu.memory_space<vmem>>) target(%dma_start3A_410 : memref<10240x128xf32, #tpu.memory_space<vmem_shared>>) offsets(%arg9 : memref<80xi32, #tpu.memory_space<vmem>>) semaphore(%run_scoped3A : memref<!tpu.dma_semaphore, #tpu.memory_space<semaphore_mem>>) {add = true}
      %dma_wait3A_411 = arith.constant 0 : i32
      %dma_wait3A_412 = arith.constant 0 : i32
      %dma_wait3A_413 = tpu.memref_slice %arg15[%dma_wait3A_411, %dma_wait3A_412] : memref<10240x128xf32, #tpu.memory_space<vmem_shared>> -> memref<10240x128xf32, #tpu.memory_space<vmem_shared>>
      tpu.wait_indirect_dma semaphore(%run_scoped3A : memref<!tpu.dma_semaphore, #tpu.memory_space<semaphore_mem>>) src(%arg12 : memref<80x128xf32, #tpu.memory_space<vmem>>) dst(%dma_wait3A_413 : memref<10240x128xf32, #tpu.memory_space<vmem_shared>>)
      tpu.yield
    }) : () -> ()
    %dma_wait3A_364 = arith.constant 0 : i32
    %dma_wait3A_365 = arith.constant 0 : i32
    %dma_wait3A_366 = tpu.memref_slice %arg2[%dma_wait3A_364, %dma_wait3A_365] : memref<20480x128xf32, #tpu.memory_space<hbm>> -> memref<20480x128xf32, #tpu.memory_space<hbm>>
    tpu.wait_indirect_dma semaphore(%arg17 : memref<!tpu.dma_semaphore, #tpu.memory_space<semaphore_mem>>) src(%dma_wait3A_366 : memref<20480x128xf32, #tpu.memory_space<hbm>>) dst(%arg13 : memref<80x128xf32, #tpu.memory_space<vmem>>)
    "tpu.region"() ({
      %run_scoped3A = tpu.sem_alloc : memref<!tpu.dma_semaphore, #tpu.memory_space<semaphore_mem>>
      %dma_start3A_408 = arith.constant 0 : i32
      %dma_start3A_409 = arith.constant 0 : i32
      %dma_start3A_410 = tpu.memref_slice %arg15[%dma_start3A_408, %dma_start3A_409] : memref<10240x128xf32, #tpu.memory_space<vmem_shared>> -> memref<10240x128xf32, #tpu.memory_space<vmem_shared>>
      tpu.enqueue_indirect_dma source(%arg13 : memref<80x128xf32, #tpu.memory_space<vmem>>) target(%dma_start3A_410 : memref<10240x128xf32, #tpu.memory_space<vmem_shared>>) offsets(%arg10 : memref<80xi32, #tpu.memory_space<vmem>>) semaphore(%run_scoped3A : memref<!tpu.dma_semaphore, #tpu.memory_space<semaphore_mem>>) {add = true}
      %dma_wait3A_411 = arith.constant 0 : i32
      %dma_wait3A_412 = arith.constant 0 : i32
      %dma_wait3A_413 = tpu.memref_slice %arg15[%dma_wait3A_411, %dma_wait3A_412] : memref<10240x128xf32, #tpu.memory_space<vmem_shared>> -> memref<10240x128xf32, #tpu.memory_space<vmem_shared>>
      tpu.wait_indirect_dma semaphore(%run_scoped3A : memref<!tpu.dma_semaphore, #tpu.memory_space<semaphore_mem>>) src(%arg13 : memref<80x128xf32, #tpu.memory_space<vmem>>) dst(%dma_wait3A_413 : memref<10240x128xf32, #tpu.memory_space<vmem_shared>>)
      tpu.yield
    }) : () -> ()
    %barrier3A_367 = arith.constant 0 : index
    tpu.barrier barrier_id(%barrier3A_367)
    %mul3A_368 = arith.constant 640 : i32
    %mul3A_369 = arith.muli %arg1, %mul3A_368 : i32
    %add3A_370 = arith.constant 0 : i32
    %add3A_371 = arith.addi %mul3A_369, %add3A_370 : i32
    "tpu.region"() ({
      %run_scoped3A = tpu.sem_alloc : memref<!tpu.dma_semaphore, #tpu.memory_space<semaphore_mem>>
      %dma_start3A_408 = arith.constant 0 : i32
      %dma_start3A_409 = tpu.memref_slice %arg15[%add3A_371, %dma_start3A_408] : memref<10240x128xf32, #tpu.memory_space<vmem_shared>> -> memref<80x128xf32, #tpu.memory_space<vmem_shared>>
      %dma_start3A_410 = arith.constant 0 : i32
      %dma_start3A_411 = tpu.memref_slice %arg15[%add3A_371, %dma_start3A_410] : memref<10240x128xf32, #tpu.memory_space<vmem_shared>> -> memref<80x128xf32, #tpu.memory_space<vmem_shared>>
      tpu.enqueue_dma source(%dma_start3A_411 : memref<80x128xf32, #tpu.memory_space<vmem_shared>>) target(%arg12 : memref<80x128xf32, #tpu.memory_space<vmem>>) target_semaphore(%run_scoped3A : memref<!tpu.dma_semaphore, #tpu.memory_space<semaphore_mem>>)
      %dma_wait3A_412 = arith.constant 0 : i32
      %dma_wait3A_413 = tpu.memref_slice %arg15[%add3A_371, %dma_wait3A_412] : memref<10240x128xf32, #tpu.memory_space<vmem_shared>> -> memref<80x128xf32, #tpu.memory_space<vmem_shared>>
      %dma_wait3A_414 = arith.constant 0 : i32
      %dma_wait3A_415 = tpu.memref_slice %arg15[%add3A_371, %dma_wait3A_414] : memref<10240x128xf32, #tpu.memory_space<vmem_shared>> -> memref<80x128xf32, #tpu.memory_space<vmem_shared>>
      tpu.wait_dma2 semaphore(%run_scoped3A : memref<!tpu.dma_semaphore, #tpu.memory_space<semaphore_mem>>) src(%dma_wait3A_415 : memref<80x128xf32, #tpu.memory_space<vmem_shared>>) dst(%arg12 : memref<80x128xf32, #tpu.memory_space<vmem>>)
      tpu.yield
    }) : () -> ()
    %add3A_372 = arith.addi %mul3A_0, %add3A_371 : i32
    "tpu.region"() ({
      %run_scoped3A = tpu.sem_alloc : memref<!tpu.dma_semaphore, #tpu.memory_space<semaphore_mem>>
      %dma_start3A_408 = arith.constant 0 : i32
      %dma_start3A_409 = tpu.memref_slice %arg4[%add3A_372, %dma_start3A_408] : memref<20480x128xf32, #tpu.memory_space<hbm>> -> memref<80x128xf32, #tpu.memory_space<hbm>>
      %dma_start3A_410 = arith.constant 0 : i32
      %dma_start3A_411 = tpu.memref_slice %arg4[%add3A_372, %dma_start3A_410] : memref<20480x128xf32, #tpu.memory_space<hbm>> -> memref<80x128xf32, #tpu.memory_space<hbm>>
      tpu.enqueue_dma source(%arg12 : memref<80x128xf32, #tpu.memory_space<vmem>>) target(%dma_start3A_411 : memref<80x128xf32, #tpu.memory_space<hbm>>) target_semaphore(%run_scoped3A : memref<!tpu.dma_semaphore, #tpu.memory_space<semaphore_mem>>)
      %dma_wait3A_412 = arith.constant 0 : i32
      %dma_wait3A_413 = tpu.memref_slice %arg4[%add3A_372, %dma_wait3A_412] : memref<20480x128xf32, #tpu.memory_space<hbm>> -> memref<80x128xf32, #tpu.memory_space<hbm>>
      %dma_wait3A_414 = arith.constant 0 : i32
      %dma_wait3A_415 = tpu.memref_slice %arg4[%add3A_372, %dma_wait3A_414] : memref<20480x128xf32, #tpu.memory_space<hbm>> -> memref<80x128xf32, #tpu.memory_space<hbm>>
      tpu.wait_dma2 semaphore(%run_scoped3A : memref<!tpu.dma_semaphore, #tpu.memory_space<semaphore_mem>>) src(%arg12 : memref<80x128xf32, #tpu.memory_space<vmem>>) dst(%dma_wait3A_415 : memref<80x128xf32, #tpu.memory_space<hbm>>)
      tpu.yield
    }) : () -> ()
    %mul3A_373 = arith.constant 640 : i32
    %mul3A_374 = arith.muli %arg1, %mul3A_373 : i32
    %add3A_375 = arith.constant 80 : i32
    %add3A_376 = arith.addi %mul3A_374, %add3A_375 : i32
    "tpu.region"() ({
      %run_scoped3A = tpu.sem_alloc : memref<!tpu.dma_semaphore, #tpu.memory_space<semaphore_mem>>
      %dma_start3A_408 = arith.constant 0 : i32
      %dma_start3A_409 = tpu.memref_slice %arg15[%add3A_376, %dma_start3A_408] : memref<10240x128xf32, #tpu.memory_space<vmem_shared>> -> memref<80x128xf32, #tpu.memory_space<vmem_shared>>
      %dma_start3A_410 = arith.constant 0 : i32
      %dma_start3A_411 = tpu.memref_slice %arg15[%add3A_376, %dma_start3A_410] : memref<10240x128xf32, #tpu.memory_space<vmem_shared>> -> memref<80x128xf32, #tpu.memory_space<vmem_shared>>
      tpu.enqueue_dma source(%dma_start3A_411 : memref<80x128xf32, #tpu.memory_space<vmem_shared>>) target(%arg12 : memref<80x128xf32, #tpu.memory_space<vmem>>) target_semaphore(%run_scoped3A : memref<!tpu.dma_semaphore, #tpu.memory_space<semaphore_mem>>)
      %dma_wait3A_412 = arith.constant 0 : i32
      %dma_wait3A_413 = tpu.memref_slice %arg15[%add3A_376, %dma_wait3A_412] : memref<10240x128xf32, #tpu.memory_space<vmem_shared>> -> memref<80x128xf32, #tpu.memory_space<vmem_shared>>
      %dma_wait3A_414 = arith.constant 0 : i32
      %dma_wait3A_415 = tpu.memref_slice %arg15[%add3A_376, %dma_wait3A_414] : memref<10240x128xf32, #tpu.memory_space<vmem_shared>> -> memref<80x128xf32, #tpu.memory_space<vmem_shared>>
      tpu.wait_dma2 semaphore(%run_scoped3A : memref<!tpu.dma_semaphore, #tpu.memory_space<semaphore_mem>>) src(%dma_wait3A_415 : memref<80x128xf32, #tpu.memory_space<vmem_shared>>) dst(%arg12 : memref<80x128xf32, #tpu.memory_space<vmem>>)
      tpu.yield
    }) : () -> ()
    %add3A_377 = arith.addi %mul3A_0, %add3A_376 : i32
    "tpu.region"() ({
      %run_scoped3A = tpu.sem_alloc : memref<!tpu.dma_semaphore, #tpu.memory_space<semaphore_mem>>
      %dma_start3A_408 = arith.constant 0 : i32
      %dma_start3A_409 = tpu.memref_slice %arg4[%add3A_377, %dma_start3A_408] : memref<20480x128xf32, #tpu.memory_space<hbm>> -> memref<80x128xf32, #tpu.memory_space<hbm>>
      %dma_start3A_410 = arith.constant 0 : i32
      %dma_start3A_411 = tpu.memref_slice %arg4[%add3A_377, %dma_start3A_410] : memref<20480x128xf32, #tpu.memory_space<hbm>> -> memref<80x128xf32, #tpu.memory_space<hbm>>
      tpu.enqueue_dma source(%arg12 : memref<80x128xf32, #tpu.memory_space<vmem>>) target(%dma_start3A_411 : memref<80x128xf32, #tpu.memory_space<hbm>>) target_semaphore(%run_scoped3A : memref<!tpu.dma_semaphore, #tpu.memory_space<semaphore_mem>>)
      %dma_wait3A_412 = arith.constant 0 : i32
      %dma_wait3A_413 = tpu.memref_slice %arg4[%add3A_377, %dma_wait3A_412] : memref<20480x128xf32, #tpu.memory_space<hbm>> -> memref<80x128xf32, #tpu.memory_space<hbm>>
      %dma_wait3A_414 = arith.constant 0 : i32
      %dma_wait3A_415 = tpu.memref_slice %arg4[%add3A_377, %dma_wait3A_414] : memref<20480x128xf32, #tpu.memory_space<hbm>> -> memref<80x128xf32, #tpu.memory_space<hbm>>
      tpu.wait_dma2 semaphore(%run_scoped3A : memref<!tpu.dma_semaphore, #tpu.memory_space<semaphore_mem>>) src(%arg12 : memref<80x128xf32, #tpu.memory_space<vmem>>) dst(%dma_wait3A_415 : memref<80x128xf32, #tpu.memory_space<hbm>>)
      tpu.yield
    }) : () -> ()
    %mul3A_378 = arith.constant 640 : i32
    %mul3A_379 = arith.muli %arg1, %mul3A_378 : i32
    %add3A_380 = arith.constant 160 : i32
    %add3A_381 = arith.addi %mul3A_379, %add3A_380 : i32
    "tpu.region"() ({
      %run_scoped3A = tpu.sem_alloc : memref<!tpu.dma_semaphore, #tpu.memory_space<semaphore_mem>>
      %dma_start3A_408 = arith.constant 0 : i32
      %dma_start3A_409 = tpu.memref_slice %arg15[%add3A_381, %dma_start3A_408] : memref<10240x128xf32, #tpu.memory_space<vmem_shared>> -> memref<80x128xf32, #tpu.memory_space<vmem_shared>>
      %dma_start3A_410 = arith.constant 0 : i32
      %dma_start3A_411 = tpu.memref_slice %arg15[%add3A_381, %dma_start3A_410] : memref<10240x128xf32, #tpu.memory_space<vmem_shared>> -> memref<80x128xf32, #tpu.memory_space<vmem_shared>>
      tpu.enqueue_dma source(%dma_start3A_411 : memref<80x128xf32, #tpu.memory_space<vmem_shared>>) target(%arg12 : memref<80x128xf32, #tpu.memory_space<vmem>>) target_semaphore(%run_scoped3A : memref<!tpu.dma_semaphore, #tpu.memory_space<semaphore_mem>>)
      %dma_wait3A_412 = arith.constant 0 : i32
      %dma_wait3A_413 = tpu.memref_slice %arg15[%add3A_381, %dma_wait3A_412] : memref<10240x128xf32, #tpu.memory_space<vmem_shared>> -> memref<80x128xf32, #tpu.memory_space<vmem_shared>>
      %dma_wait3A_414 = arith.constant 0 : i32
      %dma_wait3A_415 = tpu.memref_slice %arg15[%add3A_381, %dma_wait3A_414] : memref<10240x128xf32, #tpu.memory_space<vmem_shared>> -> memref<80x128xf32, #tpu.memory_space<vmem_shared>>
      tpu.wait_dma2 semaphore(%run_scoped3A : memref<!tpu.dma_semaphore, #tpu.memory_space<semaphore_mem>>) src(%dma_wait3A_415 : memref<80x128xf32, #tpu.memory_space<vmem_shared>>) dst(%arg12 : memref<80x128xf32, #tpu.memory_space<vmem>>)
      tpu.yield
    }) : () -> ()
    %add3A_382 = arith.addi %mul3A_0, %add3A_381 : i32
    "tpu.region"() ({
      %run_scoped3A = tpu.sem_alloc : memref<!tpu.dma_semaphore, #tpu.memory_space<semaphore_mem>>
      %dma_start3A_408 = arith.constant 0 : i32
      %dma_start3A_409 = tpu.memref_slice %arg4[%add3A_382, %dma_start3A_408] : memref<20480x128xf32, #tpu.memory_space<hbm>> -> memref<80x128xf32, #tpu.memory_space<hbm>>
      %dma_start3A_410 = arith.constant 0 : i32
      %dma_start3A_411 = tpu.memref_slice %arg4[%add3A_382, %dma_start3A_410] : memref<20480x128xf32, #tpu.memory_space<hbm>> -> memref<80x128xf32, #tpu.memory_space<hbm>>
      tpu.enqueue_dma source(%arg12 : memref<80x128xf32, #tpu.memory_space<vmem>>) target(%dma_start3A_411 : memref<80x128xf32, #tpu.memory_space<hbm>>) target_semaphore(%run_scoped3A : memref<!tpu.dma_semaphore, #tpu.memory_space<semaphore_mem>>)
      %dma_wait3A_412 = arith.constant 0 : i32
      %dma_wait3A_413 = tpu.memref_slice %arg4[%add3A_382, %dma_wait3A_412] : memref<20480x128xf32, #tpu.memory_space<hbm>> -> memref<80x128xf32, #tpu.memory_space<hbm>>
      %dma_wait3A_414 = arith.constant 0 : i32
      %dma_wait3A_415 = tpu.memref_slice %arg4[%add3A_382, %dma_wait3A_414] : memref<20480x128xf32, #tpu.memory_space<hbm>> -> memref<80x128xf32, #tpu.memory_space<hbm>>
      tpu.wait_dma2 semaphore(%run_scoped3A : memref<!tpu.dma_semaphore, #tpu.memory_space<semaphore_mem>>) src(%arg12 : memref<80x128xf32, #tpu.memory_space<vmem>>) dst(%dma_wait3A_415 : memref<80x128xf32, #tpu.memory_space<hbm>>)
      tpu.yield
    }) : () -> ()
    %mul3A_383 = arith.constant 640 : i32
    %mul3A_384 = arith.muli %arg1, %mul3A_383 : i32
    %add3A_385 = arith.constant 240 : i32
    %add3A_386 = arith.addi %mul3A_384, %add3A_385 : i32
    "tpu.region"() ({
      %run_scoped3A = tpu.sem_alloc : memref<!tpu.dma_semaphore, #tpu.memory_space<semaphore_mem>>
      %dma_start3A_408 = arith.constant 0 : i32
      %dma_start3A_409 = tpu.memref_slice %arg15[%add3A_386, %dma_start3A_408] : memref<10240x128xf32, #tpu.memory_space<vmem_shared>> -> memref<80x128xf32, #tpu.memory_space<vmem_shared>>
      %dma_start3A_410 = arith.constant 0 : i32
      %dma_start3A_411 = tpu.memref_slice %arg15[%add3A_386, %dma_start3A_410] : memref<10240x128xf32, #tpu.memory_space<vmem_shared>> -> memref<80x128xf32, #tpu.memory_space<vmem_shared>>
      tpu.enqueue_dma source(%dma_start3A_411 : memref<80x128xf32, #tpu.memory_space<vmem_shared>>) target(%arg12 : memref<80x128xf32, #tpu.memory_space<vmem>>) target_semaphore(%run_scoped3A : memref<!tpu.dma_semaphore, #tpu.memory_space<semaphore_mem>>)
      %dma_wait3A_412 = arith.constant 0 : i32
      %dma_wait3A_413 = tpu.memref_slice %arg15[%add3A_386, %dma_wait3A_412] : memref<10240x128xf32, #tpu.memory_space<vmem_shared>> -> memref<80x128xf32, #tpu.memory_space<vmem_shared>>
      %dma_wait3A_414 = arith.constant 0 : i32
      %dma_wait3A_415 = tpu.memref_slice %arg15[%add3A_386, %dma_wait3A_414] : memref<10240x128xf32, #tpu.memory_space<vmem_shared>> -> memref<80x128xf32, #tpu.memory_space<vmem_shared>>
      tpu.wait_dma2 semaphore(%run_scoped3A : memref<!tpu.dma_semaphore, #tpu.memory_space<semaphore_mem>>) src(%dma_wait3A_415 : memref<80x128xf32, #tpu.memory_space<vmem_shared>>) dst(%arg12 : memref<80x128xf32, #tpu.memory_space<vmem>>)
      tpu.yield
    }) : () -> ()
    %add3A_387 = arith.addi %mul3A_0, %add3A_386 : i32
    "tpu.region"() ({
      %run_scoped3A = tpu.sem_alloc : memref<!tpu.dma_semaphore, #tpu.memory_space<semaphore_mem>>
      %dma_start3A_408 = arith.constant 0 : i32
      %dma_start3A_409 = tpu.memref_slice %arg4[%add3A_387, %dma_start3A_408] : memref<20480x128xf32, #tpu.memory_space<hbm>> -> memref<80x128xf32, #tpu.memory_space<hbm>>
      %dma_start3A_410 = arith.constant 0 : i32
      %dma_start3A_411 = tpu.memref_slice %arg4[%add3A_387, %dma_start3A_410] : memref<20480x128xf32, #tpu.memory_space<hbm>> -> memref<80x128xf32, #tpu.memory_space<hbm>>
      tpu.enqueue_dma source(%arg12 : memref<80x128xf32, #tpu.memory_space<vmem>>) target(%dma_start3A_411 : memref<80x128xf32, #tpu.memory_space<hbm>>) target_semaphore(%run_scoped3A : memref<!tpu.dma_semaphore, #tpu.memory_space<semaphore_mem>>)
      %dma_wait3A_412 = arith.constant 0 : i32
      %dma_wait3A_413 = tpu.memref_slice %arg4[%add3A_387, %dma_wait3A_412] : memref<20480x128xf32, #tpu.memory_space<hbm>> -> memref<80x128xf32, #tpu.memory_space<hbm>>
      %dma_wait3A_414 = arith.constant 0 : i32
      %dma_wait3A_415 = tpu.memref_slice %arg4[%add3A_387, %dma_wait3A_414] : memref<20480x128xf32, #tpu.memory_space<hbm>> -> memref<80x128xf32, #tpu.memory_space<hbm>>
      tpu.wait_dma2 semaphore(%run_scoped3A : memref<!tpu.dma_semaphore, #tpu.memory_space<semaphore_mem>>) src(%arg12 : memref<80x128xf32, #tpu.memory_space<vmem>>) dst(%dma_wait3A_415 : memref<80x128xf32, #tpu.memory_space<hbm>>)
      tpu.yield
    }) : () -> ()
    %mul3A_388 = arith.constant 640 : i32
    %mul3A_389 = arith.muli %arg1, %mul3A_388 : i32
    %add3A_390 = arith.constant 320 : i32
    %add3A_391 = arith.addi %mul3A_389, %add3A_390 : i32
    "tpu.region"() ({
      %run_scoped3A = tpu.sem_alloc : memref<!tpu.dma_semaphore, #tpu.memory_space<semaphore_mem>>
      %dma_start3A_408 = arith.constant 0 : i32
      %dma_start3A_409 = tpu.memref_slice %arg15[%add3A_391, %dma_start3A_408] : memref<10240x128xf32, #tpu.memory_space<vmem_shared>> -> memref<80x128xf32, #tpu.memory_space<vmem_shared>>
      %dma_start3A_410 = arith.constant 0 : i32
      %dma_start3A_411 = tpu.memref_slice %arg15[%add3A_391, %dma_start3A_410] : memref<10240x128xf32, #tpu.memory_space<vmem_shared>> -> memref<80x128xf32, #tpu.memory_space<vmem_shared>>
      tpu.enqueue_dma source(%dma_start3A_411 : memref<80x128xf32, #tpu.memory_space<vmem_shared>>) target(%arg12 : memref<80x128xf32, #tpu.memory_space<vmem>>) target_semaphore(%run_scoped3A : memref<!tpu.dma_semaphore, #tpu.memory_space<semaphore_mem>>)
      %dma_wait3A_412 = arith.constant 0 : i32
      %dma_wait3A_413 = tpu.memref_slice %arg15[%add3A_391, %dma_wait3A_412] : memref<10240x128xf32, #tpu.memory_space<vmem_shared>> -> memref<80x128xf32, #tpu.memory_space<vmem_shared>>
      %dma_wait3A_414 = arith.constant 0 : i32
      %dma_wait3A_415 = tpu.memref_slice %arg15[%add3A_391, %dma_wait3A_414] : memref<10240x128xf32, #tpu.memory_space<vmem_shared>> -> memref<80x128xf32, #tpu.memory_space<vmem_shared>>
      tpu.wait_dma2 semaphore(%run_scoped3A : memref<!tpu.dma_semaphore, #tpu.memory_space<semaphore_mem>>) src(%dma_wait3A_415 : memref<80x128xf32, #tpu.memory_space<vmem_shared>>) dst(%arg12 : memref<80x128xf32, #tpu.memory_space<vmem>>)
      tpu.yield
    }) : () -> ()
    %add3A_392 = arith.addi %mul3A_0, %add3A_391 : i32
    "tpu.region"() ({
      %run_scoped3A = tpu.sem_alloc : memref<!tpu.dma_semaphore, #tpu.memory_space<semaphore_mem>>
      %dma_start3A_408 = arith.constant 0 : i32
      %dma_start3A_409 = tpu.memref_slice %arg4[%add3A_392, %dma_start3A_408] : memref<20480x128xf32, #tpu.memory_space<hbm>> -> memref<80x128xf32, #tpu.memory_space<hbm>>
      %dma_start3A_410 = arith.constant 0 : i32
      %dma_start3A_411 = tpu.memref_slice %arg4[%add3A_392, %dma_start3A_410] : memref<20480x128xf32, #tpu.memory_space<hbm>> -> memref<80x128xf32, #tpu.memory_space<hbm>>
      tpu.enqueue_dma source(%arg12 : memref<80x128xf32, #tpu.memory_space<vmem>>) target(%dma_start3A_411 : memref<80x128xf32, #tpu.memory_space<hbm>>) target_semaphore(%run_scoped3A : memref<!tpu.dma_semaphore, #tpu.memory_space<semaphore_mem>>)
      %dma_wait3A_412 = arith.constant 0 : i32
      %dma_wait3A_413 = tpu.memref_slice %arg4[%add3A_392, %dma_wait3A_412] : memref<20480x128xf32, #tpu.memory_space<hbm>> -> memref<80x128xf32, #tpu.memory_space<hbm>>
      %dma_wait3A_414 = arith.constant 0 : i32
      %dma_wait3A_415 = tpu.memref_slice %arg4[%add3A_392, %dma_wait3A_414] : memref<20480x128xf32, #tpu.memory_space<hbm>> -> memref<80x128xf32, #tpu.memory_space<hbm>>
      tpu.wait_dma2 semaphore(%run_scoped3A : memref<!tpu.dma_semaphore, #tpu.memory_space<semaphore_mem>>) src(%arg12 : memref<80x128xf32, #tpu.memory_space<vmem>>) dst(%dma_wait3A_415 : memref<80x128xf32, #tpu.memory_space<hbm>>)
      tpu.yield
    }) : () -> ()
    %mul3A_393 = arith.constant 640 : i32
    %mul3A_394 = arith.muli %arg1, %mul3A_393 : i32
    %add3A_395 = arith.constant 400 : i32
    %add3A_396 = arith.addi %mul3A_394, %add3A_395 : i32
    "tpu.region"() ({
      %run_scoped3A = tpu.sem_alloc : memref<!tpu.dma_semaphore, #tpu.memory_space<semaphore_mem>>
      %dma_start3A_408 = arith.constant 0 : i32
      %dma_start3A_409 = tpu.memref_slice %arg15[%add3A_396, %dma_start3A_408] : memref<10240x128xf32, #tpu.memory_space<vmem_shared>> -> memref<80x128xf32, #tpu.memory_space<vmem_shared>>
      %dma_start3A_410 = arith.constant 0 : i32
      %dma_start3A_411 = tpu.memref_slice %arg15[%add3A_396, %dma_start3A_410] : memref<10240x128xf32, #tpu.memory_space<vmem_shared>> -> memref<80x128xf32, #tpu.memory_space<vmem_shared>>
      tpu.enqueue_dma source(%dma_start3A_411 : memref<80x128xf32, #tpu.memory_space<vmem_shared>>) target(%arg12 : memref<80x128xf32, #tpu.memory_space<vmem>>) target_semaphore(%run_scoped3A : memref<!tpu.dma_semaphore, #tpu.memory_space<semaphore_mem>>)
      %dma_wait3A_412 = arith.constant 0 : i32
      %dma_wait3A_413 = tpu.memref_slice %arg15[%add3A_396, %dma_wait3A_412] : memref<10240x128xf32, #tpu.memory_space<vmem_shared>> -> memref<80x128xf32, #tpu.memory_space<vmem_shared>>
      %dma_wait3A_414 = arith.constant 0 : i32
      %dma_wait3A_415 = tpu.memref_slice %arg15[%add3A_396, %dma_wait3A_414] : memref<10240x128xf32, #tpu.memory_space<vmem_shared>> -> memref<80x128xf32, #tpu.memory_space<vmem_shared>>
      tpu.wait_dma2 semaphore(%run_scoped3A : memref<!tpu.dma_semaphore, #tpu.memory_space<semaphore_mem>>) src(%dma_wait3A_415 : memref<80x128xf32, #tpu.memory_space<vmem_shared>>) dst(%arg12 : memref<80x128xf32, #tpu.memory_space<vmem>>)
      tpu.yield
    }) : () -> ()
    %add3A_397 = arith.addi %mul3A_0, %add3A_396 : i32
    "tpu.region"() ({
      %run_scoped3A = tpu.sem_alloc : memref<!tpu.dma_semaphore, #tpu.memory_space<semaphore_mem>>
      %dma_start3A_408 = arith.constant 0 : i32
      %dma_start3A_409 = tpu.memref_slice %arg4[%add3A_397, %dma_start3A_408] : memref<20480x128xf32, #tpu.memory_space<hbm>> -> memref<80x128xf32, #tpu.memory_space<hbm>>
      %dma_start3A_410 = arith.constant 0 : i32
      %dma_start3A_411 = tpu.memref_slice %arg4[%add3A_397, %dma_start3A_410] : memref<20480x128xf32, #tpu.memory_space<hbm>> -> memref<80x128xf32, #tpu.memory_space<hbm>>
      tpu.enqueue_dma source(%arg12 : memref<80x128xf32, #tpu.memory_space<vmem>>) target(%dma_start3A_411 : memref<80x128xf32, #tpu.memory_space<hbm>>) target_semaphore(%run_scoped3A : memref<!tpu.dma_semaphore, #tpu.memory_space<semaphore_mem>>)
      %dma_wait3A_412 = arith.constant 0 : i32
      %dma_wait3A_413 = tpu.memref_slice %arg4[%add3A_397, %dma_wait3A_412] : memref<20480x128xf32, #tpu.memory_space<hbm>> -> memref<80x128xf32, #tpu.memory_space<hbm>>
      %dma_wait3A_414 = arith.constant 0 : i32
      %dma_wait3A_415 = tpu.memref_slice %arg4[%add3A_397, %dma_wait3A_414] : memref<20480x128xf32, #tpu.memory_space<hbm>> -> memref<80x128xf32, #tpu.memory_space<hbm>>
      tpu.wait_dma2 semaphore(%run_scoped3A : memref<!tpu.dma_semaphore, #tpu.memory_space<semaphore_mem>>) src(%arg12 : memref<80x128xf32, #tpu.memory_space<vmem>>) dst(%dma_wait3A_415 : memref<80x128xf32, #tpu.memory_space<hbm>>)
      tpu.yield
    }) : () -> ()
    %mul3A_398 = arith.constant 640 : i32
    %mul3A_399 = arith.muli %arg1, %mul3A_398 : i32
    %add3A_400 = arith.constant 480 : i32
    %add3A_401 = arith.addi %mul3A_399, %add3A_400 : i32
    "tpu.region"() ({
      %run_scoped3A = tpu.sem_alloc : memref<!tpu.dma_semaphore, #tpu.memory_space<semaphore_mem>>
      %dma_start3A_408 = arith.constant 0 : i32
      %dma_start3A_409 = tpu.memref_slice %arg15[%add3A_401, %dma_start3A_408] : memref<10240x128xf32, #tpu.memory_space<vmem_shared>> -> memref<80x128xf32, #tpu.memory_space<vmem_shared>>
      %dma_start3A_410 = arith.constant 0 : i32
      %dma_start3A_411 = tpu.memref_slice %arg15[%add3A_401, %dma_start3A_410] : memref<10240x128xf32, #tpu.memory_space<vmem_shared>> -> memref<80x128xf32, #tpu.memory_space<vmem_shared>>
      tpu.enqueue_dma source(%dma_start3A_411 : memref<80x128xf32, #tpu.memory_space<vmem_shared>>) target(%arg12 : memref<80x128xf32, #tpu.memory_space<vmem>>) target_semaphore(%run_scoped3A : memref<!tpu.dma_semaphore, #tpu.memory_space<semaphore_mem>>)
      %dma_wait3A_412 = arith.constant 0 : i32
      %dma_wait3A_413 = tpu.memref_slice %arg15[%add3A_401, %dma_wait3A_412] : memref<10240x128xf32, #tpu.memory_space<vmem_shared>> -> memref<80x128xf32, #tpu.memory_space<vmem_shared>>
      %dma_wait3A_414 = arith.constant 0 : i32
      %dma_wait3A_415 = tpu.memref_slice %arg15[%add3A_401, %dma_wait3A_414] : memref<10240x128xf32, #tpu.memory_space<vmem_shared>> -> memref<80x128xf32, #tpu.memory_space<vmem_shared>>
      tpu.wait_dma2 semaphore(%run_scoped3A : memref<!tpu.dma_semaphore, #tpu.memory_space<semaphore_mem>>) src(%dma_wait3A_415 : memref<80x128xf32, #tpu.memory_space<vmem_shared>>) dst(%arg12 : memref<80x128xf32, #tpu.memory_space<vmem>>)
      tpu.yield
    }) : () -> ()
    %add3A_402 = arith.addi %mul3A_0, %add3A_401 : i32
    "tpu.region"() ({
      %run_scoped3A = tpu.sem_alloc : memref<!tpu.dma_semaphore, #tpu.memory_space<semaphore_mem>>
      %dma_start3A_408 = arith.constant 0 : i32
      %dma_start3A_409 = tpu.memref_slice %arg4[%add3A_402, %dma_start3A_408] : memref<20480x128xf32, #tpu.memory_space<hbm>> -> memref<80x128xf32, #tpu.memory_space<hbm>>
      %dma_start3A_410 = arith.constant 0 : i32
      %dma_start3A_411 = tpu.memref_slice %arg4[%add3A_402, %dma_start3A_410] : memref<20480x128xf32, #tpu.memory_space<hbm>> -> memref<80x128xf32, #tpu.memory_space<hbm>>
      tpu.enqueue_dma source(%arg12 : memref<80x128xf32, #tpu.memory_space<vmem>>) target(%dma_start3A_411 : memref<80x128xf32, #tpu.memory_space<hbm>>) target_semaphore(%run_scoped3A : memref<!tpu.dma_semaphore, #tpu.memory_space<semaphore_mem>>)
      %dma_wait3A_412 = arith.constant 0 : i32
      %dma_wait3A_413 = tpu.memref_slice %arg4[%add3A_402, %dma_wait3A_412] : memref<20480x128xf32, #tpu.memory_space<hbm>> -> memref<80x128xf32, #tpu.memory_space<hbm>>
      %dma_wait3A_414 = arith.constant 0 : i32
      %dma_wait3A_415 = tpu.memref_slice %arg4[%add3A_402, %dma_wait3A_414] : memref<20480x128xf32, #tpu.memory_space<hbm>> -> memref<80x128xf32, #tpu.memory_space<hbm>>
      tpu.wait_dma2 semaphore(%run_scoped3A : memref<!tpu.dma_semaphore, #tpu.memory_space<semaphore_mem>>) src(%arg12 : memref<80x128xf32, #tpu.memory_space<vmem>>) dst(%dma_wait3A_415 : memref<80x128xf32, #tpu.memory_space<hbm>>)
      tpu.yield
    }) : () -> ()
    %mul3A_403 = arith.constant 640 : i32
    %mul3A_404 = arith.muli %arg1, %mul3A_403 : i32
    %add3A_405 = arith.constant 560 : i32
    %add3A_406 = arith.addi %mul3A_404, %add3A_405 : i32
    "tpu.region"() ({
      %run_scoped3A = tpu.sem_alloc : memref<!tpu.dma_semaphore, #tpu.memory_space<semaphore_mem>>
      %dma_start3A_408 = arith.constant 0 : i32
      %dma_start3A_409 = tpu.memref_slice %arg15[%add3A_406, %dma_start3A_408] : memref<10240x128xf32, #tpu.memory_space<vmem_shared>> -> memref<80x128xf32, #tpu.memory_space<vmem_shared>>
      %dma_start3A_410 = arith.constant 0 : i32
      %dma_start3A_411 = tpu.memref_slice %arg15[%add3A_406, %dma_start3A_410] : memref<10240x128xf32, #tpu.memory_space<vmem_shared>> -> memref<80x128xf32, #tpu.memory_space<vmem_shared>>
      tpu.enqueue_dma source(%dma_start3A_411 : memref<80x128xf32, #tpu.memory_space<vmem_shared>>) target(%arg12 : memref<80x128xf32, #tpu.memory_space<vmem>>) target_semaphore(%run_scoped3A : memref<!tpu.dma_semaphore, #tpu.memory_space<semaphore_mem>>)
      %dma_wait3A_412 = arith.constant 0 : i32
      %dma_wait3A_413 = tpu.memref_slice %arg15[%add3A_406, %dma_wait3A_412] : memref<10240x128xf32, #tpu.memory_space<vmem_shared>> -> memref<80x128xf32, #tpu.memory_space<vmem_shared>>
      %dma_wait3A_414 = arith.constant 0 : i32
      %dma_wait3A_415 = tpu.memref_slice %arg15[%add3A_406, %dma_wait3A_414] : memref<10240x128xf32, #tpu.memory_space<vmem_shared>> -> memref<80x128xf32, #tpu.memory_space<vmem_shared>>
      tpu.wait_dma2 semaphore(%run_scoped3A : memref<!tpu.dma_semaphore, #tpu.memory_space<semaphore_mem>>) src(%dma_wait3A_415 : memref<80x128xf32, #tpu.memory_space<vmem_shared>>) dst(%arg12 : memref<80x128xf32, #tpu.memory_space<vmem>>)
      tpu.yield
    }) : () -> ()
    %add3A_407 = arith.addi %mul3A_0, %add3A_406 : i32
    "tpu.region"() ({
      %run_scoped3A = tpu.sem_alloc : memref<!tpu.dma_semaphore, #tpu.memory_space<semaphore_mem>>
      %dma_start3A_408 = arith.constant 0 : i32
      %dma_start3A_409 = tpu.memref_slice %arg4[%add3A_407, %dma_start3A_408] : memref<20480x128xf32, #tpu.memory_space<hbm>> -> memref<80x128xf32, #tpu.memory_space<hbm>>
      %dma_start3A_410 = arith.constant 0 : i32
      %dma_start3A_411 = tpu.memref_slice %arg4[%add3A_407, %dma_start3A_410] : memref<20480x128xf32, #tpu.memory_space<hbm>> -> memref<80x128xf32, #tpu.memory_space<hbm>>
      tpu.enqueue_dma source(%arg12 : memref<80x128xf32, #tpu.memory_space<vmem>>) target(%dma_start3A_411 : memref<80x128xf32, #tpu.memory_space<hbm>>) target_semaphore(%run_scoped3A : memref<!tpu.dma_semaphore, #tpu.memory_space<semaphore_mem>>)
      %dma_wait3A_412 = arith.constant 0 : i32
      %dma_wait3A_413 = tpu.memref_slice %arg4[%add3A_407, %dma_wait3A_412] : memref<20480x128xf32, #tpu.memory_space<hbm>> -> memref<80x128xf32, #tpu.memory_space<hbm>>
      %dma_wait3A_414 = arith.constant 0 : i32
      %dma_wait3A_415 = tpu.memref_slice %arg4[%add3A_407, %dma_wait3A_414] : memref<20480x128xf32, #tpu.memory_space<hbm>> -> memref<80x128xf32, #tpu.memory_space<hbm>>
      tpu.wait_dma2 semaphore(%run_scoped3A : memref<!tpu.dma_semaphore, #tpu.memory_space<semaphore_mem>>) src(%arg12 : memref<80x128xf32, #tpu.memory_space<vmem>>) dst(%dma_wait3A_415 : memref<80x128xf32, #tpu.memory_space<hbm>>)
      tpu.yield
    }) : () -> ()
    return
  }
}

#map = affine_map<(d0, d1) -> (0, 0)>
#map1 = affine_map<(d0, d1) -> (0, 0, 0)>
module attributes {stable_mosaic.version = 14 : i64} {
  func.func @_sc_scatter_body(%arg0: i32, %arg1: i32, %arg2: memref<20480x128xf32, #tpu.memory_space<hbm>>, %arg3: memref<16x125x80xi32, #tpu.memory_space<hbm>>, %arg4: memref<20480x128xf32, #tpu.memory_space<hbm>>, %arg5: memref<125x80xi32, #tpu.memory_space<vmem>>, %arg6: memref<80xi32, #tpu.memory_space<vmem>>, %arg7: memref<80xi32, #tpu.memory_space<vmem>>, %arg8: memref<80xi32, #tpu.memory_space<vmem>>, %arg9: memref<80xi32, #tpu.memory_space<vmem>>, %arg10: memref<80xi32, #tpu.memory_space<vmem>>, %arg11: memref<80xi32, #tpu.memory_space<vmem>>, %arg12: memref<80x128xf32, #tpu.memory_space<vmem>>, %arg13: memref<80x128xf32, #tpu.memory_space<vmem>>, %arg14: memref<80x128xf32, #tpu.memory_space<vmem>>, %arg15: memref<10240x128xf32, #tpu.memory_space<vmem_shared>>, %arg16: memref<!tpu.dma_semaphore, #tpu.memory_space<semaphore_mem>>, %arg17: memref<!tpu.dma_semaphore, #tpu.memory_space<semaphore_mem>>, %arg18: memref<!tpu.dma_semaphore, #tpu.memory_space<semaphore_mem>>) attributes {dimension_semantics = [#tpu.dimension_semantics<core_parallel>, #tpu.dimension_semantics<subcore_parallel>], iteration_bounds = array<i64: 2, 16>, scalar_prefetch = 0 : i64, scratch_operands = 14 : i64, tpu.core_type = #tpu.core_type<sc_vector_subcore>, window_params = [{transform_indices = #map}, {transform_indices = #map1}, {transform_indices = #map}]} {
    %mul3A = arith.constant 10240 : i32
    %mul3A_0 = arith.muli %arg0, %mul3A : i32
    "tpu.region"() ({
      %run_scoped3A = tpu.sem_alloc : memref<!tpu.dma_semaphore, #tpu.memory_space<semaphore_mem>>
      %dma_start3A_408 = arith.constant 0 : i32
      %dma_start3A_409 = arith.constant 0 : i32
      %dma_start3A_410 = tpu.memref_slice %arg3[%arg1, %dma_start3A_408, %dma_start3A_409] : memref<16x125x80xi32, #tpu.memory_space<hbm>> -> memref<1x125x80xi32, #tpu.memory_space<hbm>>
      %dma_start3A_411 = tpu.memref_squeeze %dma_start3A_410 : memref<1x125x80xi32, #tpu.memory_space<hbm>> -> memref<125x80xi32, #tpu.memory_space<hbm>>
      %dma_start3A_412 = arith.constant 0 : i32
      %dma_start3A_413 = arith.constant 0 : i32
      %dma_start3A_414 = tpu.memref_slice %arg3[%arg1, %dma_start3A_412, %dma_start3A_413] : memref<16x125x80xi32, #tpu.memory_space<hbm>> -> memref<1x125x80xi32, #tpu.memory_space<hbm>>
      %dma_start3A_415 = tpu.memref_squeeze %dma_start3A_414 : memref<1x125x80xi32, #tpu.memory_space<hbm>> -> memref<125x80xi32, #tpu.memory_space<hbm>>
      tpu.enqueue_dma source(%dma_start3A_415 : memref<125x80xi32, #tpu.memory_space<hbm>>) target(%arg5 : memref<125x80xi32, #tpu.memory_space<vmem>>) target_semaphore(%run_scoped3A : memref<!tpu.dma_semaphore, #tpu.memory_space<semaphore_mem>>)
      %dma_wait3A_416 = arith.constant 0 : i32
      %dma_wait3A_417 = arith.constant 0 : i32
      %dma_wait3A_418 = tpu.memref_slice %arg3[%arg1, %dma_wait3A_416, %dma_wait3A_417] : memref<16x125x80xi32, #tpu.memory_space<hbm>> -> memref<1x125x80xi32, #tpu.memory_space<hbm>>
      %dma_wait3A_419 = tpu.memref_squeeze %dma_wait3A_418 : memref<1x125x80xi32, #tpu.memory_space<hbm>> -> memref<125x80xi32, #tpu.memory_space<hbm>>
      %dma_wait3A_420 = arith.constant 0 : i32
      %dma_wait3A_421 = arith.constant 0 : i32
      %dma_wait3A_422 = tpu.memref_slice %arg3[%arg1, %dma_wait3A_420, %dma_wait3A_421] : memref<16x125x80xi32, #tpu.memory_space<hbm>> -> memref<1x125x80xi32, #tpu.memory_space<hbm>>
      %dma_wait3A_423 = tpu.memref_squeeze %dma_wait3A_422 : memref<1x125x80xi32, #tpu.memory_space<hbm>> -> memref<125x80xi32, #tpu.memory_space<hbm>>
      tpu.wait_dma2 semaphore(%run_scoped3A : memref<!tpu.dma_semaphore, #tpu.memory_space<semaphore_mem>>) src(%dma_wait3A_423 : memref<125x80xi32, #tpu.memory_space<hbm>>) dst(%arg5 : memref<125x80xi32, #tpu.memory_space<vmem>>)
      tpu.yield
    }) : () -> ()
    %scan3A = arith.constant 0 : i32
    %scan3A_1 = arith.constant 0 : i32
    %scan3A_2 = arith.constant 80 : i32
    %scan3A_3 = arith.addi %scan3A_1, %scan3A_2 : i32
    %scan3A_4 = arith.constant 1 : i32
    scf.for %scan3A_408 = %scan3A_1 to %scan3A_3 step %scan3A_4  : i32 {
      %scan3A_409 = arith.constant 0 : i32
      %scan3A_410 = arith.constant 8 : i32
      %scan3A_411 = arith.addi %scan3A_409, %scan3A_410 : i32
      %scan3A_412 = arith.constant 1 : i32
      scf.for %scan3A_414 = %scan3A_409 to %scan3A_411 step %scan3A_412  : i32 {
        %broadcast_in_dim3A = arith.constant 0.000000e+00 : f32
        %broadcast_in_dim3A_415 = vector.broadcast %broadcast_in_dim3A : f32 to vector<16xf32>
        %mul3A_416 = arith.constant 16 : i32
        %mul3A_417 = arith.muli %scan3A_414, %mul3A_416 : i32
        %swap3A_418 = arith.index_cast %scan3A_408 : i32 to index
        %swap3A_419 = arith.index_cast %mul3A_417 : i32 to index
        %swap3A_420 = tpu.vector_load %arg12[%swap3A_418, %swap3A_419] {strides = array<i32>} : memref<80x128xf32, #tpu.memory_space<vmem>>, vector<1x16xf32>,
        %swap3A_421 = vector.shape_cast %swap3A_420 : vector<1x16xf32> to vector<16xf32>
        %swap3A_422 = vector.shape_cast %broadcast_in_dim3A_415 : vector<16xf32> to vector<1x16xf32>
        tpu.vector_store %arg12[%swap3A_418, %swap3A_419], %swap3A_422 {strides = array<i32>} : memref<80x128xf32, #tpu.memory_space<vmem>>, vector<1x16xf32>,
      }
      %scan3A_413 = arith.constant 8 : i32
    }
    %scan3A_5 = arith.constant 80 : i32
    %mul3A_6 = arith.constant 640 : i32
    %mul3A_7 = arith.muli %arg1, %mul3A_6 : i32
    %add3A = arith.constant 0 : i32
    %add3A_8 = arith.addi %mul3A_7, %add3A : i32
    "tpu.region"() ({
      %run_scoped3A = tpu.sem_alloc : memref<!tpu.dma_semaphore, #tpu.memory_space<semaphore_mem>>
      %dma_start3A_408 = arith.constant 0 : i32
      %dma_start3A_409 = tpu.memref_slice %arg15[%add3A_8, %dma_start3A_408] : memref<10240x128xf32, #tpu.memory_space<vmem_shared>> -> memref<80x128xf32, #tpu.memory_space<vmem_shared>>
      %dma_start3A_410 = arith.constant 0 : i32
      %dma_start3A_411 = tpu.memref_slice %arg15[%add3A_8, %dma_start3A_410] : memref<10240x128xf32, #tpu.memory_space<vmem_shared>> -> memref<80x128xf32, #tpu.memory_space<vmem_shared>>
      tpu.enqueue_dma source(%arg12 : memref<80x128xf32, #tpu.memory_space<vmem>>) target(%dma_start3A_411 : memref<80x128xf32, #tpu.memory_space<vmem_shared>>) target_semaphore(%run_scoped3A : memref<!tpu.dma_semaphore, #tpu.memory_space<semaphore_mem>>)
      %dma_wait3A_412 = arith.constant 0 : i32
      %dma_wait3A_413 = tpu.memref_slice %arg15[%add3A_8, %dma_wait3A_412] : memref<10240x128xf32, #tpu.memory_space<vmem_shared>> -> memref<80x128xf32, #tpu.memory_space<vmem_shared>>
      %dma_wait3A_414 = arith.constant 0 : i32
      %dma_wait3A_415 = tpu.memref_slice %arg15[%add3A_8, %dma_wait3A_414] : memref<10240x128xf32, #tpu.memory_space<vmem_shared>> -> memref<80x128xf32, #tpu.memory_space<vmem_shared>>
      tpu.wait_dma2 semaphore(%run_scoped3A : memref<!tpu.dma_semaphore, #tpu.memory_space<semaphore_mem>>) src(%arg12 : memref<80x128xf32, #tpu.memory_space<vmem>>) dst(%dma_wait3A_415 : memref<80x128xf32, #tpu.memory_space<vmem_shared>>)
      tpu.yield
    }) : () -> ()
    %mul3A_9 = arith.constant 640 : i32
    %mul3A_10 = arith.muli %arg1, %mul3A_9 : i32
    %add3A_11 = arith.constant 80 : i32
    %add3A_12 = arith.addi %mul3A_10, %add3A_11 : i32
    "tpu.region"() ({
      %run_scoped3A = tpu.sem_alloc : memref<!tpu.dma_semaphore, #tpu.memory_space<semaphore_mem>>
      %dma_start3A_408 = arith.constant 0 : i32
      %dma_start3A_409 = tpu.memref_slice %arg15[%add3A_12, %dma_start3A_408] : memref<10240x128xf32, #tpu.memory_space<vmem_shared>> -> memref<80x128xf32, #tpu.memory_space<vmem_shared>>
      %dma_start3A_410 = arith.constant 0 : i32
      %dma_start3A_411 = tpu.memref_slice %arg15[%add3A_12, %dma_start3A_410] : memref<10240x128xf32, #tpu.memory_space<vmem_shared>> -> memref<80x128xf32, #tpu.memory_space<vmem_shared>>
      tpu.enqueue_dma source(%arg12 : memref<80x128xf32, #tpu.memory_space<vmem>>) target(%dma_start3A_411 : memref<80x128xf32, #tpu.memory_space<vmem_shared>>) target_semaphore(%run_scoped3A : memref<!tpu.dma_semaphore, #tpu.memory_space<semaphore_mem>>)
      %dma_wait3A_412 = arith.constant 0 : i32
      %dma_wait3A_413 = tpu.memref_slice %arg15[%add3A_12, %dma_wait3A_412] : memref<10240x128xf32, #tpu.memory_space<vmem_shared>> -> memref<80x128xf32, #tpu.memory_space<vmem_shared>>
      %dma_wait3A_414 = arith.constant 0 : i32
      %dma_wait3A_415 = tpu.memref_slice %arg15[%add3A_12, %dma_wait3A_414] : memref<10240x128xf32, #tpu.memory_space<vmem_shared>> -> memref<80x128xf32, #tpu.memory_space<vmem_shared>>
      tpu.wait_dma2 semaphore(%run_scoped3A : memref<!tpu.dma_semaphore, #tpu.memory_space<semaphore_mem>>) src(%arg12 : memref<80x128xf32, #tpu.memory_space<vmem>>) dst(%dma_wait3A_415 : memref<80x128xf32, #tpu.memory_space<vmem_shared>>)
      tpu.yield
    }) : () -> ()
    %mul3A_13 = arith.constant 640 : i32
    %mul3A_14 = arith.muli %arg1, %mul3A_13 : i32
    %add3A_15 = arith.constant 160 : i32
    %add3A_16 = arith.addi %mul3A_14, %add3A_15 : i32
    "tpu.region"() ({
      %run_scoped3A = tpu.sem_alloc : memref<!tpu.dma_semaphore, #tpu.memory_space<semaphore_mem>>
      %dma_start3A_408 = arith.constant 0 : i32
      %dma_start3A_409 = tpu.memref_slice %arg15[%add3A_16, %dma_start3A_408] : memref<10240x128xf32, #tpu.memory_space<vmem_shared>> -> memref<80x128xf32, #tpu.memory_space<vmem_shared>>
      %dma_start3A_410 = arith.constant 0 : i32
      %dma_start3A_411 = tpu.memref_slice %arg15[%add3A_16, %dma_start3A_410] : memref<10240x128xf32, #tpu.memory_space<vmem_shared>> -> memref<80x128xf32, #tpu.memory_space<vmem_shared>>
      tpu.enqueue_dma source(%arg12 : memref<80x128xf32, #tpu.memory_space<vmem>>) target(%dma_start3A_411 : memref<80x128xf32, #tpu.memory_space<vmem_shared>>) target_semaphore(%run_scoped3A : memref<!tpu.dma_semaphore, #tpu.memory_space<semaphore_mem>>)
      %dma_wait3A_412 = arith.constant 0 : i32
      %dma_wait3A_413 = tpu.memref_slice %arg15[%add3A_16, %dma_wait3A_412] : memref<10240x128xf32, #tpu.memory_space<vmem_shared>> -> memref<80x128xf32, #tpu.memory_space<vmem_shared>>
      %dma_wait3A_414 = arith.constant 0 : i32
      %dma_wait3A_415 = tpu.memref_slice %arg15[%add3A_16, %dma_wait3A_414] : memref<10240x128xf32, #tpu.memory_space<vmem_shared>> -> memref<80x128xf32, #tpu.memory_space<vmem_shared>>
      tpu.wait_dma2 semaphore(%run_scoped3A : memref<!tpu.dma_semaphore, #tpu.memory_space<semaphore_mem>>) src(%arg12 : memref<80x128xf32, #tpu.memory_space<vmem>>) dst(%dma_wait3A_415 : memref<80x128xf32, #tpu.memory_space<vmem_shared>>)
      tpu.yield
    }) : () -> ()
    %mul3A_17 = arith.constant 640 : i32
    %mul3A_18 = arith.muli %arg1, %mul3A_17 : i32
    %add3A_19 = arith.constant 240 : i32
    %add3A_20 = arith.addi %mul3A_18, %add3A_19 : i32
    "tpu.region"() ({
      %run_scoped3A = tpu.sem_alloc : memref<!tpu.dma_semaphore, #tpu.memory_space<semaphore_mem>>
      %dma_start3A_408 = arith.constant 0 : i32
      %dma_start3A_409 = tpu.memref_slice %arg15[%add3A_20, %dma_start3A_408] : memref<10240x128xf32, #tpu.memory_space<vmem_shared>> -> memref<80x128xf32, #tpu.memory_space<vmem_shared>>
      %dma_start3A_410 = arith.constant 0 : i32
      %dma_start3A_411 = tpu.memref_slice %arg15[%add3A_20, %dma_start3A_410] : memref<10240x128xf32, #tpu.memory_space<vmem_shared>> -> memref<80x128xf32, #tpu.memory_space<vmem_shared>>
      tpu.enqueue_dma source(%arg12 : memref<80x128xf32, #tpu.memory_space<vmem>>) target(%dma_start3A_411 : memref<80x128xf32, #tpu.memory_space<vmem_shared>>) target_semaphore(%run_scoped3A : memref<!tpu.dma_semaphore, #tpu.memory_space<semaphore_mem>>)
      %dma_wait3A_412 = arith.constant 0 : i32
      %dma_wait3A_413 = tpu.memref_slice %arg15[%add3A_20, %dma_wait3A_412] : memref<10240x128xf32, #tpu.memory_space<vmem_shared>> -> memref<80x128xf32, #tpu.memory_space<vmem_shared>>
      %dma_wait3A_414 = arith.constant 0 : i32
      %dma_wait3A_415 = tpu.memref_slice %arg15[%add3A_20, %dma_wait3A_414] : memref<10240x128xf32, #tpu.memory_space<vmem_shared>> -> memref<80x128xf32, #tpu.memory_space<vmem_shared>>
      tpu.wait_dma2 semaphore(%run_scoped3A : memref<!tpu.dma_semaphore, #tpu.memory_space<semaphore_mem>>) src(%arg12 : memref<80x128xf32, #tpu.memory_space<vmem>>) dst(%dma_wait3A_415 : memref<80x128xf32, #tpu.memory_space<vmem_shared>>)
      tpu.yield
    }) : () -> ()
    %mul3A_21 = arith.constant 640 : i32
    %mul3A_22 = arith.muli %arg1, %mul3A_21 : i32
    %add3A_23 = arith.constant 320 : i32
    %add3A_24 = arith.addi %mul3A_22, %add3A_23 : i32
    "tpu.region"() ({
      %run_scoped3A = tpu.sem_alloc : memref<!tpu.dma_semaphore, #tpu.memory_space<semaphore_mem>>
      %dma_start3A_408 = arith.constant 0 : i32
      %dma_start3A_409 = tpu.memref_slice %arg15[%add3A_24, %dma_start3A_408] : memref<10240x128xf32, #tpu.memory_space<vmem_shared>> -> memref<80x128xf32, #tpu.memory_space<vmem_shared>>
      %dma_start3A_410 = arith.constant 0 : i32
      %dma_start3A_411 = tpu.memref_slice %arg15[%add3A_24, %dma_start3A_410] : memref<10240x128xf32, #tpu.memory_space<vmem_shared>> -> memref<80x128xf32, #tpu.memory_space<vmem_shared>>
      tpu.enqueue_dma source(%arg12 : memref<80x128xf32, #tpu.memory_space<vmem>>) target(%dma_start3A_411 : memref<80x128xf32, #tpu.memory_space<vmem_shared>>) target_semaphore(%run_scoped3A : memref<!tpu.dma_semaphore, #tpu.memory_space<semaphore_mem>>)
      %dma_wait3A_412 = arith.constant 0 : i32
      %dma_wait3A_413 = tpu.memref_slice %arg15[%add3A_24, %dma_wait3A_412] : memref<10240x128xf32, #tpu.memory_space<vmem_shared>> -> memref<80x128xf32, #tpu.memory_space<vmem_shared>>
      %dma_wait3A_414 = arith.constant 0 : i32
      %dma_wait3A_415 = tpu.memref_slice %arg15[%add3A_24, %dma_wait3A_414] : memref<10240x128xf32, #tpu.memory_space<vmem_shared>> -> memref<80x128xf32, #tpu.memory_space<vmem_shared>>
      tpu.wait_dma2 semaphore(%run_scoped3A : memref<!tpu.dma_semaphore, #tpu.memory_space<semaphore_mem>>) src(%arg12 : memref<80x128xf32, #tpu.memory_space<vmem>>) dst(%dma_wait3A_415 : memref<80x128xf32, #tpu.memory_space<vmem_shared>>)
      tpu.yield
    }) : () -> ()
    %mul3A_25 = arith.constant 640 : i32
    %mul3A_26 = arith.muli %arg1, %mul3A_25 : i32
    %add3A_27 = arith.constant 400 : i32
    %add3A_28 = arith.addi %mul3A_26, %add3A_27 : i32
    "tpu.region"() ({
      %run_scoped3A = tpu.sem_alloc : memref<!tpu.dma_semaphore, #tpu.memory_space<semaphore_mem>>
      %dma_start3A_408 = arith.constant 0 : i32
      %dma_start3A_409 = tpu.memref_slice %arg15[%add3A_28, %dma_start3A_408] : memref<10240x128xf32, #tpu.memory_space<vmem_shared>> -> memref<80x128xf32, #tpu.memory_space<vmem_shared>>
      %dma_start3A_410 = arith.constant 0 : i32
      %dma_start3A_411 = tpu.memref_slice %arg15[%add3A_28, %dma_start3A_410] : memref<10240x128xf32, #tpu.memory_space<vmem_shared>> -> memref<80x128xf32, #tpu.memory_space<vmem_shared>>
      tpu.enqueue_dma source(%arg12 : memref<80x128xf32, #tpu.memory_space<vmem>>) target(%dma_start3A_411 : memref<80x128xf32, #tpu.memory_space<vmem_shared>>) target_semaphore(%run_scoped3A : memref<!tpu.dma_semaphore, #tpu.memory_space<semaphore_mem>>)
      %dma_wait3A_412 = arith.constant 0 : i32
      %dma_wait3A_413 = tpu.memref_slice %arg15[%add3A_28, %dma_wait3A_412] : memref<10240x128xf32, #tpu.memory_space<vmem_shared>> -> memref<80x128xf32, #tpu.memory_space<vmem_shared>>
      %dma_wait3A_414 = arith.constant 0 : i32
      %dma_wait3A_415 = tpu.memref_slice %arg15[%add3A_28, %dma_wait3A_414] : memref<10240x128xf32, #tpu.memory_space<vmem_shared>> -> memref<80x128xf32, #tpu.memory_space<vmem_shared>>
      tpu.wait_dma2 semaphore(%run_scoped3A : memref<!tpu.dma_semaphore, #tpu.memory_space<semaphore_mem>>) src(%arg12 : memref<80x128xf32, #tpu.memory_space<vmem>>) dst(%dma_wait3A_415 : memref<80x128xf32, #tpu.memory_space<vmem_shared>>)
      tpu.yield
    }) : () -> ()
    %mul3A_29 = arith.constant 640 : i32
    %mul3A_30 = arith.muli %arg1, %mul3A_29 : i32
    %add3A_31 = arith.constant 480 : i32
    %add3A_32 = arith.addi %mul3A_30, %add3A_31 : i32
    "tpu.region"() ({
      %run_scoped3A = tpu.sem_alloc : memref<!tpu.dma_semaphore, #tpu.memory_space<semaphore_mem>>
      %dma_start3A_408 = arith.constant 0 : i32
      %dma_start3A_409 = tpu.memref_slice %arg15[%add3A_32, %dma_start3A_408] : memref<10240x128xf32, #tpu.memory_space<vmem_shared>> -> memref<80x128xf32, #tpu.memory_space<vmem_shared>>
      %dma_start3A_410 = arith.constant 0 : i32
      %dma_start3A_411 = tpu.memref_slice %arg15[%add3A_32, %dma_start3A_410] : memref<10240x128xf32, #tpu.memory_space<vmem_shared>> -> memref<80x128xf32, #tpu.memory_space<vmem_shared>>
      tpu.enqueue_dma source(%arg12 : memref<80x128xf32, #tpu.memory_space<vmem>>) target(%dma_start3A_411 : memref<80x128xf32, #tpu.memory_space<vmem_shared>>) target_semaphore(%run_scoped3A : memref<!tpu.dma_semaphore, #tpu.memory_space<semaphore_mem>>)
      %dma_wait3A_412 = arith.constant 0 : i32
      %dma_wait3A_413 = tpu.memref_slice %arg15[%add3A_32, %dma_wait3A_412] : memref<10240x128xf32, #tpu.memory_space<vmem_shared>> -> memref<80x128xf32, #tpu.memory_space<vmem_shared>>
      %dma_wait3A_414 = arith.constant 0 : i32
      %dma_wait3A_415 = tpu.memref_slice %arg15[%add3A_32, %dma_wait3A_414] : memref<10240x128xf32, #tpu.memory_space<vmem_shared>> -> memref<80x128xf32, #tpu.memory_space<vmem_shared>>
      tpu.wait_dma2 semaphore(%run_scoped3A : memref<!tpu.dma_semaphore, #tpu.memory_space<semaphore_mem>>) src(%arg12 : memref<80x128xf32, #tpu.memory_space<vmem>>) dst(%dma_wait3A_415 : memref<80x128xf32, #tpu.memory_space<vmem_shared>>)
      tpu.yield
    }) : () -> ()
    %mul3A_33 = arith.constant 640 : i32
    %mul3A_34 = arith.muli %arg1, %mul3A_33 : i32
    %add3A_35 = arith.constant 560 : i32
    %add3A_36 = arith.addi %mul3A_34, %add3A_35 : i32
    "tpu.region"() ({
      %run_scoped3A = tpu.sem_alloc : memref<!tpu.dma_semaphore, #tpu.memory_space<semaphore_mem>>
      %dma_start3A_408 = arith.constant 0 : i32
      %dma_start3A_409 = tpu.memref_slice %arg15[%add3A_36, %dma_start3A_408] : memref<10240x128xf32, #tpu.memory_space<vmem_shared>> -> memref<80x128xf32, #tpu.memory_space<vmem_shared>>
      %dma_start3A_410 = arith.constant 0 : i32
      %dma_start3A_411 = tpu.memref_slice %arg15[%add3A_36, %dma_start3A_410] : memref<10240x128xf32, #tpu.memory_space<vmem_shared>> -> memref<80x128xf32, #tpu.memory_space<vmem_shared>>
      tpu.enqueue_dma source(%arg12 : memref<80x128xf32, #tpu.memory_space<vmem>>) target(%dma_start3A_411 : memref<80x128xf32, #tpu.memory_space<vmem_shared>>) target_semaphore(%run_scoped3A : memref<!tpu.dma_semaphore, #tpu.memory_space<semaphore_mem>>)
      %dma_wait3A_412 = arith.constant 0 : i32
      %dma_wait3A_413 = tpu.memref_slice %arg15[%add3A_36, %dma_wait3A_412] : memref<10240x128xf32, #tpu.memory_space<vmem_shared>> -> memref<80x128xf32, #tpu.memory_space<vmem_shared>>
      %dma_wait3A_414 = arith.constant 0 : i32
      %dma_wait3A_415 = tpu.memref_slice %arg15[%add3A_36, %dma_wait3A_414] : memref<10240x128xf32, #tpu.memory_space<vmem_shared>> -> memref<80x128xf32, #tpu.memory_space<vmem_shared>>
      tpu.wait_dma2 semaphore(%run_scoped3A : memref<!tpu.dma_semaphore, #tpu.memory_space<semaphore_mem>>) src(%arg12 : memref<80x128xf32, #tpu.memory_space<vmem>>) dst(%dma_wait3A_415 : memref<80x128xf32, #tpu.memory_space<vmem_shared>>)
      tpu.yield
    }) : () -> ()
    %get3A = arith.constant 0 : i32
    %get3A_37 = arith.index_cast %get3A : i32 to index
    %get3A_38 = arith.constant 0 : index
    %get3A_39 = tpu.vector_load %arg5[%get3A_37, %get3A_38] {strides = array<i32>} : memref<125x80xi32, #tpu.memory_space<vmem>>, vector<1x16xi32>,
    %get3A_40 = vector.shape_cast %get3A_39 : vector<1x16xi32> to vector<16xi32>
    %and3A = arith.constant 65535 : i32
    %and3A_41 = vector.broadcast %and3A : i32 to vector<16xi32>
    %and3A_42 = arith.andi %get3A_40, %and3A_41 : vector<16xi32>
    %add3A_43 = vector.broadcast %mul3A_0 : i32 to vector<16xi32>
    %add3A_44 = arith.addi %and3A_42, %add3A_43 : vector<16xi32>
    %swap3A = arith.constant 0 : index
    %swap3A_45 = tpu.vector_load %arg6[%swap3A] {strides = array<i32>} : memref<80xi32, #tpu.memory_space<vmem>>, vector<16xi32>,
    %swap3A_46 = vector.shape_cast %swap3A_45 : vector<16xi32> to vector<16xi32>
    %swap3A_47 = vector.shape_cast %add3A_44 : vector<16xi32> to vector<16xi32>
    tpu.vector_store %arg6[%swap3A], %swap3A_47 {strides = array<i32>} : memref<80xi32, #tpu.memory_space<vmem>>, vector<16xi32>,
    %shift_right_logical3A = arith.constant 16 : i32
    %shift_right_logical3A_48 = vector.broadcast %shift_right_logical3A : i32 to vector<16xi32>
    %shift_right_logical3A_49 = arith.shrui %get3A_40, %shift_right_logical3A_48 : vector<16xi32>
    %swap3A_50 = arith.constant 0 : index
    %swap3A_51 = tpu.vector_load %arg9[%swap3A_50] {strides = array<i32>} : memref<80xi32, #tpu.memory_space<vmem>>, vector<16xi32>,
    %swap3A_52 = vector.shape_cast %swap3A_51 : vector<16xi32> to vector<16xi32>
    %swap3A_53 = vector.shape_cast %shift_right_logical3A_49 : vector<16xi32> to vector<16xi32>
    tpu.vector_store %arg9[%swap3A_50], %swap3A_53 {strides = array<i32>} : memref<80xi32, #tpu.memory_space<vmem>>, vector<16xi32>,
    %get3A_54 = arith.constant 0 : i32
    %get3A_55 = arith.index_cast %get3A_54 : i32 to index
    %get3A_56 = arith.constant 16 : index
    %get3A_57 = tpu.vector_load %arg5[%get3A_55, %get3A_56] {strides = array<i32>} : memref<125x80xi32, #tpu.memory_space<vmem>>, vector<1x16xi32>,
    %get3A_58 = vector.shape_cast %get3A_57 : vector<1x16xi32> to vector<16xi32>
    %and3A_59 = arith.constant 65535 : i32
    %and3A_60 = vector.broadcast %and3A_59 : i32 to vector<16xi32>
    %and3A_61 = arith.andi %get3A_58, %and3A_60 : vector<16xi32>
    %add3A_62 = vector.broadcast %mul3A_0 : i32 to vector<16xi32>
    %add3A_63 = arith.addi %and3A_61, %add3A_62 : vector<16xi32>
    %swap3A_64 = arith.constant 16 : index
    %swap3A_65 = tpu.vector_load %arg6[%swap3A_64] {strides = array<i32>} : memref<80xi32, #tpu.memory_space<vmem>>, vector<16xi32>,
    %swap3A_66 = vector.shape_cast %swap3A_65 : vector<16xi32> to vector<16xi32>
    %swap3A_67 = vector.shape_cast %add3A_63 : vector<16xi32> to vector<16xi32>
    tpu.vector_store %arg6[%swap3A_64], %swap3A_67 {strides = array<i32>} : memref<80xi32, #tpu.memory_space<vmem>>, vector<16xi32>,
    %shift_right_logical3A_68 = arith.constant 16 : i32
    %shift_right_logical3A_69 = vector.broadcast %shift_right_logical3A_68 : i32 to vector<16xi32>
    %shift_right_logical3A_70 = arith.shrui %get3A_58, %shift_right_logical3A_69 : vector<16xi32>
    %swap3A_71 = arith.constant 16 : index
    %swap3A_72 = tpu.vector_load %arg9[%swap3A_71] {strides = array<i32>} : memref<80xi32, #tpu.memory_space<vmem>>, vector<16xi32>,
    %swap3A_73 = vector.shape_cast %swap3A_72 : vector<16xi32> to vector<16xi32>
    %swap3A_74 = vector.shape_cast %shift_right_logical3A_70 : vector<16xi32> to vector<16xi32>
    tpu.vector_store %arg9[%swap3A_71], %swap3A_74 {strides = array<i32>} : memref<80xi32, #tpu.memory_space<vmem>>, vector<16xi32>,
    %get3A_75 = arith.constant 0 : i32
    %get3A_76 = arith.index_cast %get3A_75 : i32 to index
    %get3A_77 = arith.constant 32 : index
    %get3A_78 = tpu.vector_load %arg5[%get3A_76, %get3A_77] {strides = array<i32>} : memref<125x80xi32, #tpu.memory_space<vmem>>, vector<1x16xi32>,
    %get3A_79 = vector.shape_cast %get3A_78 : vector<1x16xi32> to vector<16xi32>
    %and3A_80 = arith.constant 65535 : i32
    %and3A_81 = vector.broadcast %and3A_80 : i32 to vector<16xi32>
    %and3A_82 = arith.andi %get3A_79, %and3A_81 : vector<16xi32>
    %add3A_83 = vector.broadcast %mul3A_0 : i32 to vector<16xi32>
    %add3A_84 = arith.addi %and3A_82, %add3A_83 : vector<16xi32>
    %swap3A_85 = arith.constant 32 : index
    %swap3A_86 = tpu.vector_load %arg6[%swap3A_85] {strides = array<i32>} : memref<80xi32, #tpu.memory_space<vmem>>, vector<16xi32>,
    %swap3A_87 = vector.shape_cast %swap3A_86 : vector<16xi32> to vector<16xi32>
    %swap3A_88 = vector.shape_cast %add3A_84 : vector<16xi32> to vector<16xi32>
    tpu.vector_store %arg6[%swap3A_85], %swap3A_88 {strides = array<i32>} : memref<80xi32, #tpu.memory_space<vmem>>, vector<16xi32>,
    %shift_right_logical3A_89 = arith.constant 16 : i32
    %shift_right_logical3A_90 = vector.broadcast %shift_right_logical3A_89 : i32 to vector<16xi32>
    %shift_right_logical3A_91 = arith.shrui %get3A_79, %shift_right_logical3A_90 : vector<16xi32>
    %swap3A_92 = arith.constant 32 : index
    %swap3A_93 = tpu.vector_load %arg9[%swap3A_92] {strides = array<i32>} : memref<80xi32, #tpu.memory_space<vmem>>, vector<16xi32>,
    %swap3A_94 = vector.shape_cast %swap3A_93 : vector<16xi32> to vector<16xi32>
    %swap3A_95 = vector.shape_cast %shift_right_logical3A_91 : vector<16xi32> to vector<16xi32>
    tpu.vector_store %arg9[%swap3A_92], %swap3A_95 {strides = array<i32>} : memref<80xi32, #tpu.memory_space<vmem>>, vector<16xi32>,
    %get3A_96 = arith.constant 0 : i32
    %get3A_97 = arith.index_cast %get3A_96 : i32 to index
    %get3A_98 = arith.constant 48 : index
    %get3A_99 = tpu.vector_load %arg5[%get3A_97, %get3A_98] {strides = array<i32>} : memref<125x80xi32, #tpu.memory_space<vmem>>, vector<1x16xi32>,
    %get3A_100 = vector.shape_cast %get3A_99 : vector<1x16xi32> to vector<16xi32>
    %and3A_101 = arith.constant 65535 : i32
    %and3A_102 = vector.broadcast %and3A_101 : i32 to vector<16xi32>
    %and3A_103 = arith.andi %get3A_100, %and3A_102 : vector<16xi32>
    %add3A_104 = vector.broadcast %mul3A_0 : i32 to vector<16xi32>
    %add3A_105 = arith.addi %and3A_103, %add3A_104 : vector<16xi32>
    %swap3A_106 = arith.constant 48 : index
    %swap3A_107 = tpu.vector_load %arg6[%swap3A_106] {strides = array<i32>} : memref<80xi32, #tpu.memory_space<vmem>>, vector<16xi32>,
    %swap3A_108 = vector.shape_cast %swap3A_107 : vector<16xi32> to vector<16xi32>
    %swap3A_109 = vector.shape_cast %add3A_105 : vector<16xi32> to vector<16xi32>
    tpu.vector_store %arg6[%swap3A_106], %swap3A_109 {strides = array<i32>} : memref<80xi32, #tpu.memory_space<vmem>>, vector<16xi32>,
    %shift_right_logical3A_110 = arith.constant 16 : i32
    %shift_right_logical3A_111 = vector.broadcast %shift_right_logical3A_110 : i32 to vector<16xi32>
    %shift_right_logical3A_112 = arith.shrui %get3A_100, %shift_right_logical3A_111 : vector<16xi32>
    %swap3A_113 = arith.constant 48 : index
    %swap3A_114 = tpu.vector_load %arg9[%swap3A_113] {strides = array<i32>} : memref<80xi32, #tpu.memory_space<vmem>>, vector<16xi32>,
    %swap3A_115 = vector.shape_cast %swap3A_114 : vector<16xi32> to vector<16xi32>
    %swap3A_116 = vector.shape_cast %shift_right_logical3A_112 : vector<16xi32> to vector<16xi32>
    tpu.vector_store %arg9[%swap3A_113], %swap3A_116 {strides = array<i32>} : memref<80xi32, #tpu.memory_space<vmem>>, vector<16xi32>,
    %get3A_117 = arith.constant 0 : i32
    %get3A_118 = arith.index_cast %get3A_117 : i32 to index
    %get3A_119 = arith.constant 64 : index
    %get3A_120 = tpu.vector_load %arg5[%get3A_118, %get3A_119] {strides = array<i32>} : memref<125x80xi32, #tpu.memory_space<vmem>>, vector<1x16xi32>,
    %get3A_121 = vector.shape_cast %get3A_120 : vector<1x16xi32> to vector<16xi32>
    %and3A_122 = arith.constant 65535 : i32
    %and3A_123 = vector.broadcast %and3A_122 : i32 to vector<16xi32>
    %and3A_124 = arith.andi %get3A_121, %and3A_123 : vector<16xi32>
    %add3A_125 = vector.broadcast %mul3A_0 : i32 to vector<16xi32>
    %add3A_126 = arith.addi %and3A_124, %add3A_125 : vector<16xi32>
    %swap3A_127 = arith.constant 64 : index
    %swap3A_128 = tpu.vector_load %arg6[%swap3A_127] {strides = array<i32>} : memref<80xi32, #tpu.memory_space<vmem>>, vector<16xi32>,
    %swap3A_129 = vector.shape_cast %swap3A_128 : vector<16xi32> to vector<16xi32>
    %swap3A_130 = vector.shape_cast %add3A_126 : vector<16xi32> to vector<16xi32>
    tpu.vector_store %arg6[%swap3A_127], %swap3A_130 {strides = array<i32>} : memref<80xi32, #tpu.memory_space<vmem>>, vector<16xi32>,
    %shift_right_logical3A_131 = arith.constant 16 : i32
    %shift_right_logical3A_132 = vector.broadcast %shift_right_logical3A_131 : i32 to vector<16xi32>
    %shift_right_logical3A_133 = arith.shrui %get3A_121, %shift_right_logical3A_132 : vector<16xi32>
    %swap3A_134 = arith.constant 64 : index
    %swap3A_135 = tpu.vector_load %arg9[%swap3A_134] {strides = array<i32>} : memref<80xi32, #tpu.memory_space<vmem>>, vector<16xi32>,
    %swap3A_136 = vector.shape_cast %swap3A_135 : vector<16xi32> to vector<16xi32>
    %swap3A_137 = vector.shape_cast %shift_right_logical3A_133 : vector<16xi32> to vector<16xi32>
    tpu.vector_store %arg9[%swap3A_134], %swap3A_137 {strides = array<i32>} : memref<80xi32, #tpu.memory_space<vmem>>, vector<16xi32>,
    %dma_start3A = arith.constant 0 : i32
    %dma_start3A_138 = arith.constant 0 : i32
    %dma_start3A_139 = tpu.memref_slice %arg2[%dma_start3A, %dma_start3A_138] : memref<20480x128xf32, #tpu.memory_space<hbm>> -> memref<20480x128xf32, #tpu.memory_space<hbm>>
    tpu.enqueue_indirect_dma source(%dma_start3A_139 : memref<20480x128xf32, #tpu.memory_space<hbm>>) target(%arg12 : memref<80x128xf32, #tpu.memory_space<vmem>>) offsets(%arg6 : memref<80xi32, #tpu.memory_space<vmem>>) semaphore(%arg16 : memref<!tpu.dma_semaphore, #tpu.memory_space<semaphore_mem>>)
    %get3A_140 = arith.constant 1 : i32
    %get3A_141 = arith.index_cast %get3A_140 : i32 to index
    %get3A_142 = arith.constant 0 : index
    %get3A_143 = tpu.vector_load %arg5[%get3A_141, %get3A_142] {strides = array<i32>} : memref<125x80xi32, #tpu.memory_space<vmem>>, vector<1x16xi32>,
    %get3A_144 = vector.shape_cast %get3A_143 : vector<1x16xi32> to vector<16xi32>
    %and3A_145 = arith.constant 65535 : i32
    %and3A_146 = vector.broadcast %and3A_145 : i32 to vector<16xi32>
    %and3A_147 = arith.andi %get3A_144, %and3A_146 : vector<16xi32>
    %add3A_148 = vector.broadcast %mul3A_0 : i32 to vector<16xi32>
    %add3A_149 = arith.addi %and3A_147, %add3A_148 : vector<16xi32>
    %swap3A_150 = arith.constant 0 : index
    %swap3A_151 = tpu.vector_load %arg7[%swap3A_150] {strides = array<i32>} : memref<80xi32, #tpu.memory_space<vmem>>, vector<16xi32>,
    %swap3A_152 = vector.shape_cast %swap3A_151 : vector<16xi32> to vector<16xi32>
    %swap3A_153 = vector.shape_cast %add3A_149 : vector<16xi32> to vector<16xi32>
    tpu.vector_store %arg7[%swap3A_150], %swap3A_153 {strides = array<i32>} : memref<80xi32, #tpu.memory_space<vmem>>, vector<16xi32>,
    %shift_right_logical3A_154 = arith.constant 16 : i32
    %shift_right_logical3A_155 = vector.broadcast %shift_right_logical3A_154 : i32 to vector<16xi32>
    %shift_right_logical3A_156 = arith.shrui %get3A_144, %shift_right_logical3A_155 : vector<16xi32>
    %swap3A_157 = arith.constant 0 : index
    %swap3A_158 = tpu.vector_load %arg10[%swap3A_157] {strides = array<i32>} : memref<80xi32, #tpu.memory_space<vmem>>, vector<16xi32>,
    %swap3A_159 = vector.shape_cast %swap3A_158 : vector<16xi32> to vector<16xi32>
    %swap3A_160 = vector.shape_cast %shift_right_logical3A_156 : vector<16xi32> to vector<16xi32>
    tpu.vector_store %arg10[%swap3A_157], %swap3A_160 {strides = array<i32>} : memref<80xi32, #tpu.memory_space<vmem>>, vector<16xi32>,
    %get3A_161 = arith.constant 1 : i32
    %get3A_162 = arith.index_cast %get3A_161 : i32 to index
    %get3A_163 = arith.constant 16 : index
    %get3A_164 = tpu.vector_load %arg5[%get3A_162, %get3A_163] {strides = array<i32>} : memref<125x80xi32, #tpu.memory_space<vmem>>, vector<1x16xi32>,
    %get3A_165 = vector.shape_cast %get3A_164 : vector<1x16xi32> to vector<16xi32>
    %and3A_166 = arith.constant 65535 : i32
    %and3A_167 = vector.broadcast %and3A_166 : i32 to vector<16xi32>
    %and3A_168 = arith.andi %get3A_165, %and3A_167 : vector<16xi32>
    %add3A_169 = vector.broadcast %mul3A_0 : i32 to vector<16xi32>
    %add3A_170 = arith.addi %and3A_168, %add3A_169 : vector<16xi32>
    %swap3A_171 = arith.constant 16 : index
    %swap3A_172 = tpu.vector_load %arg7[%swap3A_171] {strides = array<i32>} : memref<80xi32, #tpu.memory_space<vmem>>, vector<16xi32>,
    %swap3A_173 = vector.shape_cast %swap3A_172 : vector<16xi32> to vector<16xi32>
    %swap3A_174 = vector.shape_cast %add3A_170 : vector<16xi32> to vector<16xi32>
    tpu.vector_store %arg7[%swap3A_171], %swap3A_174 {strides = array<i32>} : memref<80xi32, #tpu.memory_space<vmem>>, vector<16xi32>,
    %shift_right_logical3A_175 = arith.constant 16 : i32
    %shift_right_logical3A_176 = vector.broadcast %shift_right_logical3A_175 : i32 to vector<16xi32>
    %shift_right_logical3A_177 = arith.shrui %get3A_165, %shift_right_logical3A_176 : vector<16xi32>
    %swap3A_178 = arith.constant 16 : index
    %swap3A_179 = tpu.vector_load %arg10[%swap3A_178] {strides = array<i32>} : memref<80xi32, #tpu.memory_space<vmem>>, vector<16xi32>,
    %swap3A_180 = vector.shape_cast %swap3A_179 : vector<16xi32> to vector<16xi32>
    %swap3A_181 = vector.shape_cast %shift_right_logical3A_177 : vector<16xi32> to vector<16xi32>
    tpu.vector_store %arg10[%swap3A_178], %swap3A_181 {strides = array<i32>} : memref<80xi32, #tpu.memory_space<vmem>>, vector<16xi32>,
    %get3A_182 = arith.constant 1 : i32
    %get3A_183 = arith.index_cast %get3A_182 : i32 to index
    %get3A_184 = arith.constant 32 : index
    %get3A_185 = tpu.vector_load %arg5[%get3A_183, %get3A_184] {strides = array<i32>} : memref<125x80xi32, #tpu.memory_space<vmem>>, vector<1x16xi32>,
    %get3A_186 = vector.shape_cast %get3A_185 : vector<1x16xi32> to vector<16xi32>
    %and3A_187 = arith.constant 65535 : i32
    %and3A_188 = vector.broadcast %and3A_187 : i32 to vector<16xi32>
    %and3A_189 = arith.andi %get3A_186, %and3A_188 : vector<16xi32>
    %add3A_190 = vector.broadcast %mul3A_0 : i32 to vector<16xi32>
    %add3A_191 = arith.addi %and3A_189, %add3A_190 : vector<16xi32>
    %swap3A_192 = arith.constant 32 : index
    %swap3A_193 = tpu.vector_load %arg7[%swap3A_192] {strides = array<i32>} : memref<80xi32, #tpu.memory_space<vmem>>, vector<16xi32>,
    %swap3A_194 = vector.shape_cast %swap3A_193 : vector<16xi32> to vector<16xi32>
    %swap3A_195 = vector.shape_cast %add3A_191 : vector<16xi32> to vector<16xi32>
    tpu.vector_store %arg7[%swap3A_192], %swap3A_195 {strides = array<i32>} : memref<80xi32, #tpu.memory_space<vmem>>, vector<16xi32>,
    %shift_right_logical3A_196 = arith.constant 16 : i32
    %shift_right_logical3A_197 = vector.broadcast %shift_right_logical3A_196 : i32 to vector<16xi32>
    %shift_right_logical3A_198 = arith.shrui %get3A_186, %shift_right_logical3A_197 : vector<16xi32>
    %swap3A_199 = arith.constant 32 : index
    %swap3A_200 = tpu.vector_load %arg10[%swap3A_199] {strides = array<i32>} : memref<80xi32, #tpu.memory_space<vmem>>, vector<16xi32>,
    %swap3A_201 = vector.shape_cast %swap3A_200 : vector<16xi32> to vector<16xi32>
    %swap3A_202 = vector.shape_cast %shift_right_logical3A_198 : vector<16xi32> to vector<16xi32>
    tpu.vector_store %arg10[%swap3A_199], %swap3A_202 {strides = array<i32>} : memref<80xi32, #tpu.memory_space<vmem>>, vector<16xi32>,
    %get3A_203 = arith.constant 1 : i32
    %get3A_204 = arith.index_cast %get3A_203 : i32 to index
    %get3A_205 = arith.constant 48 : index
    %get3A_206 = tpu.vector_load %arg5[%get3A_204, %get3A_205] {strides = array<i32>} : memref<125x80xi32, #tpu.memory_space<vmem>>, vector<1x16xi32>,
    %get3A_207 = vector.shape_cast %get3A_206 : vector<1x16xi32> to vector<16xi32>
    %and3A_208 = arith.constant 65535 : i32
    %and3A_209 = vector.broadcast %and3A_208 : i32 to vector<16xi32>
    %and3A_210 = arith.andi %get3A_207, %and3A_209 : vector<16xi32>
    %add3A_211 = vector.broadcast %mul3A_0 : i32 to vector<16xi32>
    %add3A_212 = arith.addi %and3A_210, %add3A_211 : vector<16xi32>
    %swap3A_213 = arith.constant 48 : index
    %swap3A_214 = tpu.vector_load %arg7[%swap3A_213] {strides = array<i32>} : memref<80xi32, #tpu.memory_space<vmem>>, vector<16xi32>,
    %swap3A_215 = vector.shape_cast %swap3A_214 : vector<16xi32> to vector<16xi32>
    %swap3A_216 = vector.shape_cast %add3A_212 : vector<16xi32> to vector<16xi32>
    tpu.vector_store %arg7[%swap3A_213], %swap3A_216 {strides = array<i32>} : memref<80xi32, #tpu.memory_space<vmem>>, vector<16xi32>,
    %shift_right_logical3A_217 = arith.constant 16 : i32
    %shift_right_logical3A_218 = vector.broadcast %shift_right_logical3A_217 : i32 to vector<16xi32>
    %shift_right_logical3A_219 = arith.shrui %get3A_207, %shift_right_logical3A_218 : vector<16xi32>
    %swap3A_220 = arith.constant 48 : index
    %swap3A_221 = tpu.vector_load %arg10[%swap3A_220] {strides = array<i32>} : memref<80xi32, #tpu.memory_space<vmem>>, vector<16xi32>,
    %swap3A_222 = vector.shape_cast %swap3A_221 : vector<16xi32> to vector<16xi32>
    %swap3A_223 = vector.shape_cast %shift_right_logical3A_219 : vector<16xi32> to vector<16xi32>
    tpu.vector_store %arg10[%swap3A_220], %swap3A_223 {strides = array<i32>} : memref<80xi32, #tpu.memory_space<vmem>>, vector<16xi32>,
    %get3A_224 = arith.constant 1 : i32
    %get3A_225 = arith.index_cast %get3A_224 : i32 to index
    %get3A_226 = arith.constant 64 : index
    %get3A_227 = tpu.vector_load %arg5[%get3A_225, %get3A_226] {strides = array<i32>} : memref<125x80xi32, #tpu.memory_space<vmem>>, vector<1x16xi32>,
    %get3A_228 = vector.shape_cast %get3A_227 : vector<1x16xi32> to vector<16xi32>
    %and3A_229 = arith.constant 65535 : i32
    %and3A_230 = vector.broadcast %and3A_229 : i32 to vector<16xi32>
    %and3A_231 = arith.andi %get3A_228, %and3A_230 : vector<16xi32>
    %add3A_232 = vector.broadcast %mul3A_0 : i32 to vector<16xi32>
    %add3A_233 = arith.addi %and3A_231, %add3A_232 : vector<16xi32>
    %swap3A_234 = arith.constant 64 : index
    %swap3A_235 = tpu.vector_load %arg7[%swap3A_234] {strides = array<i32>} : memref<80xi32, #tpu.memory_space<vmem>>, vector<16xi32>,
    %swap3A_236 = vector.shape_cast %swap3A_235 : vector<16xi32> to vector<16xi32>
    %swap3A_237 = vector.shape_cast %add3A_233 : vector<16xi32> to vector<16xi32>
    tpu.vector_store %arg7[%swap3A_234], %swap3A_237 {strides = array<i32>} : memref<80xi32, #tpu.memory_space<vmem>>, vector<16xi32>,
    %shift_right_logical3A_238 = arith.constant 16 : i32
    %shift_right_logical3A_239 = vector.broadcast %shift_right_logical3A_238 : i32 to vector<16xi32>
    %shift_right_logical3A_240 = arith.shrui %get3A_228, %shift_right_logical3A_239 : vector<16xi32>
    %swap3A_241 = arith.constant 64 : index
    %swap3A_242 = tpu.vector_load %arg10[%swap3A_241] {strides = array<i32>} : memref<80xi32, #tpu.memory_space<vmem>>, vector<16xi32>,
    %swap3A_243 = vector.shape_cast %swap3A_242 : vector<16xi32> to vector<16xi32>
    %swap3A_244 = vector.shape_cast %shift_right_logical3A_240 : vector<16xi32> to vector<16xi32>
    tpu.vector_store %arg10[%swap3A_241], %swap3A_244 {strides = array<i32>} : memref<80xi32, #tpu.memory_space<vmem>>, vector<16xi32>,
    %dma_start3A_245 = arith.constant 0 : i32
    %dma_start3A_246 = arith.constant 0 : i32
    %dma_start3A_247 = tpu.memref_slice %arg2[%dma_start3A_245, %dma_start3A_246] : memref<20480x128xf32, #tpu.memory_space<hbm>> -> memref<20480x128xf32, #tpu.memory_space<hbm>>
    tpu.enqueue_indirect_dma source(%dma_start3A_247 : memref<20480x128xf32, #tpu.memory_space<hbm>>) target(%arg13 : memref<80x128xf32, #tpu.memory_space<vmem>>) offsets(%arg7 : memref<80xi32, #tpu.memory_space<vmem>>) semaphore(%arg17 : memref<!tpu.dma_semaphore, #tpu.memory_space<semaphore_mem>>)
    %get3A_248 = arith.constant 2 : i32
    %get3A_249 = arith.index_cast %get3A_248 : i32 to index
    %get3A_250 = arith.constant 0 : index
    %get3A_251 = tpu.vector_load %arg5[%get3A_249, %get3A_250] {strides = array<i32>} : memref<125x80xi32, #tpu.memory_space<vmem>>, vector<1x16xi32>,
    %get3A_252 = vector.shape_cast %get3A_251 : vector<1x16xi32> to vector<16xi32>
    %and3A_253 = arith.constant 65535 : i32
    %and3A_254 = vector.broadcast %and3A_253 : i32 to vector<16xi32>
    %and3A_255 = arith.andi %get3A_252, %and3A_254 : vector<16xi32>
    %add3A_256 = vector.broadcast %mul3A_0 : i32 to vector<16xi32>
    %add3A_257 = arith.addi %and3A_255, %add3A_256 : vector<16xi32>
    %swap3A_258 = arith.constant 0 : index
    %swap3A_259 = tpu.vector_load %arg8[%swap3A_258] {strides = array<i32>} : memref<80xi32, #tpu.memory_space<vmem>>, vector<16xi32>,
    %swap3A_260 = vector.shape_cast %swap3A_259 : vector<16xi32> to vector<16xi32>
    %swap3A_261 = vector.shape_cast %add3A_257 : vector<16xi32> to vector<16xi32>
    tpu.vector_store %arg8[%swap3A_258], %swap3A_261 {strides = array<i32>} : memref<80xi32, #tpu.memory_space<vmem>>, vector<16xi32>,
    %shift_right_logical3A_262 = arith.constant 16 : i32
    %shift_right_logical3A_263 = vector.broadcast %shift_right_logical3A_262 : i32 to vector<16xi32>
    %shift_right_logical3A_264 = arith.shrui %get3A_252, %shift_right_logical3A_263 : vector<16xi32>
    %swap3A_265 = arith.constant 0 : index
    %swap3A_266 = tpu.vector_load %arg11[%swap3A_265] {strides = array<i32>} : memref<80xi32, #tpu.memory_space<vmem>>, vector<16xi32>,
    %swap3A_267 = vector.shape_cast %swap3A_266 : vector<16xi32> to vector<16xi32>
    %swap3A_268 = vector.shape_cast %shift_right_logical3A_264 : vector<16xi32> to vector<16xi32>
    tpu.vector_store %arg11[%swap3A_265], %swap3A_268 {strides = array<i32>} : memref<80xi32, #tpu.memory_space<vmem>>, vector<16xi32>,
    %get3A_269 = arith.constant 2 : i32
    %get3A_270 = arith.index_cast %get3A_269 : i32 to index
    %get3A_271 = arith.constant 16 : index
    %get3A_272 = tpu.vector_load %arg5[%get3A_270, %get3A_271] {strides = array<i32>} : memref<125x80xi32, #tpu.memory_space<vmem>>, vector<1x16xi32>,
    %get3A_273 = vector.shape_cast %get3A_272 : vector<1x16xi32> to vector<16xi32>
    %and3A_274 = arith.constant 65535 : i32
    %and3A_275 = vector.broadcast %and3A_274 : i32 to vector<16xi32>
    %and3A_276 = arith.andi %get3A_273, %and3A_275 : vector<16xi32>
    %add3A_277 = vector.broadcast %mul3A_0 : i32 to vector<16xi32>
    %add3A_278 = arith.addi %and3A_276, %add3A_277 : vector<16xi32>
    %swap3A_279 = arith.constant 16 : index
    %swap3A_280 = tpu.vector_load %arg8[%swap3A_279] {strides = array<i32>} : memref<80xi32, #tpu.memory_space<vmem>>, vector<16xi32>,
    %swap3A_281 = vector.shape_cast %swap3A_280 : vector<16xi32> to vector<16xi32>
    %swap3A_282 = vector.shape_cast %add3A_278 : vector<16xi32> to vector<16xi32>
    tpu.vector_store %arg8[%swap3A_279], %swap3A_282 {strides = array<i32>} : memref<80xi32, #tpu.memory_space<vmem>>, vector<16xi32>,
    %shift_right_logical3A_283 = arith.constant 16 : i32
    %shift_right_logical3A_284 = vector.broadcast %shift_right_logical3A_283 : i32 to vector<16xi32>
    %shift_right_logical3A_285 = arith.shrui %get3A_273, %shift_right_logical3A_284 : vector<16xi32>
    %swap3A_286 = arith.constant 16 : index
    %swap3A_287 = tpu.vector_load %arg11[%swap3A_286] {strides = array<i32>} : memref<80xi32, #tpu.memory_space<vmem>>, vector<16xi32>,
    %swap3A_288 = vector.shape_cast %swap3A_287 : vector<16xi32> to vector<16xi32>
    %swap3A_289 = vector.shape_cast %shift_right_logical3A_285 : vector<16xi32> to vector<16xi32>
    tpu.vector_store %arg11[%swap3A_286], %swap3A_289 {strides = array<i32>} : memref<80xi32, #tpu.memory_space<vmem>>, vector<16xi32>,
    %get3A_290 = arith.constant 2 : i32
    %get3A_291 = arith.index_cast %get3A_290 : i32 to index
    %get3A_292 = arith.constant 32 : index
    %get3A_293 = tpu.vector_load %arg5[%get3A_291, %get3A_292] {strides = array<i32>} : memref<125x80xi32, #tpu.memory_space<vmem>>, vector<1x16xi32>,
    %get3A_294 = vector.shape_cast %get3A_293 : vector<1x16xi32> to vector<16xi32>
    %and3A_295 = arith.constant 65535 : i32
    %and3A_296 = vector.broadcast %and3A_295 : i32 to vector<16xi32>
    %and3A_297 = arith.andi %get3A_294, %and3A_296 : vector<16xi32>
    %add3A_298 = vector.broadcast %mul3A_0 : i32 to vector<16xi32>
    %add3A_299 = arith.addi %and3A_297, %add3A_298 : vector<16xi32>
    %swap3A_300 = arith.constant 32 : index
    %swap3A_301 = tpu.vector_load %arg8[%swap3A_300] {strides = array<i32>} : memref<80xi32, #tpu.memory_space<vmem>>, vector<16xi32>,
    %swap3A_302 = vector.shape_cast %swap3A_301 : vector<16xi32> to vector<16xi32>
    %swap3A_303 = vector.shape_cast %add3A_299 : vector<16xi32> to vector<16xi32>
    tpu.vector_store %arg8[%swap3A_300], %swap3A_303 {strides = array<i32>} : memref<80xi32, #tpu.memory_space<vmem>>, vector<16xi32>,
    %shift_right_logical3A_304 = arith.constant 16 : i32
    %shift_right_logical3A_305 = vector.broadcast %shift_right_logical3A_304 : i32 to vector<16xi32>
    %shift_right_logical3A_306 = arith.shrui %get3A_294, %shift_right_logical3A_305 : vector<16xi32>
    %swap3A_307 = arith.constant 32 : index
    %swap3A_308 = tpu.vector_load %arg11[%swap3A_307] {strides = array<i32>} : memref<80xi32, #tpu.memory_space<vmem>>, vector<16xi32>,
    %swap3A_309 = vector.shape_cast %swap3A_308 : vector<16xi32> to vector<16xi32>
    %swap3A_310 = vector.shape_cast %shift_right_logical3A_306 : vector<16xi32> to vector<16xi32>
    tpu.vector_store %arg11[%swap3A_307], %swap3A_310 {strides = array<i32>} : memref<80xi32, #tpu.memory_space<vmem>>, vector<16xi32>,
    %get3A_311 = arith.constant 2 : i32
    %get3A_312 = arith.index_cast %get3A_311 : i32 to index
    %get3A_313 = arith.constant 48 : index
    %get3A_314 = tpu.vector_load %arg5[%get3A_312, %get3A_313] {strides = array<i32>} : memref<125x80xi32, #tpu.memory_space<vmem>>, vector<1x16xi32>,
    %get3A_315 = vector.shape_cast %get3A_314 : vector<1x16xi32> to vector<16xi32>
    %and3A_316 = arith.constant 65535 : i32
    %and3A_317 = vector.broadcast %and3A_316 : i32 to vector<16xi32>
    %and3A_318 = arith.andi %get3A_315, %and3A_317 : vector<16xi32>
    %add3A_319 = vector.broadcast %mul3A_0 : i32 to vector<16xi32>
    %add3A_320 = arith.addi %and3A_318, %add3A_319 : vector<16xi32>
    %swap3A_321 = arith.constant 48 : index
    %swap3A_322 = tpu.vector_load %arg8[%swap3A_321] {strides = array<i32>} : memref<80xi32, #tpu.memory_space<vmem>>, vector<16xi32>,
    %swap3A_323 = vector.shape_cast %swap3A_322 : vector<16xi32> to vector<16xi32>
    %swap3A_324 = vector.shape_cast %add3A_320 : vector<16xi32> to vector<16xi32>
    tpu.vector_store %arg8[%swap3A_321], %swap3A_324 {strides = array<i32>} : memref<80xi32, #tpu.memory_space<vmem>>, vector<16xi32>,
    %shift_right_logical3A_325 = arith.constant 16 : i32
    %shift_right_logical3A_326 = vector.broadcast %shift_right_logical3A_325 : i32 to vector<16xi32>
    %shift_right_logical3A_327 = arith.shrui %get3A_315, %shift_right_logical3A_326 : vector<16xi32>
    %swap3A_328 = arith.constant 48 : index
    %swap3A_329 = tpu.vector_load %arg11[%swap3A_328] {strides = array<i32>} : memref<80xi32, #tpu.memory_space<vmem>>, vector<16xi32>,
    %swap3A_330 = vector.shape_cast %swap3A_329 : vector<16xi32> to vector<16xi32>
    %swap3A_331 = vector.shape_cast %shift_right_logical3A_327 : vector<16xi32> to vector<16xi32>
    tpu.vector_store %arg11[%swap3A_328], %swap3A_331 {strides = array<i32>} : memref<80xi32, #tpu.memory_space<vmem>>, vector<16xi32>,
    %get3A_332 = arith.constant 2 : i32
    %get3A_333 = arith.index_cast %get3A_332 : i32 to index
    %get3A_334 = arith.constant 64 : index
    %get3A_335 = tpu.vector_load %arg5[%get3A_333, %get3A_334] {strides = array<i32>} : memref<125x80xi32, #tpu.memory_space<vmem>>, vector<1x16xi32>,
    %get3A_336 = vector.shape_cast %get3A_335 : vector<1x16xi32> to vector<16xi32>
    %and3A_337 = arith.constant 65535 : i32
    %and3A_338 = vector.broadcast %and3A_337 : i32 to vector<16xi32>
    %and3A_339 = arith.andi %get3A_336, %and3A_338 : vector<16xi32>
    %add3A_340 = vector.broadcast %mul3A_0 : i32 to vector<16xi32>
    %add3A_341 = arith.addi %and3A_339, %add3A_340 : vector<16xi32>
    %swap3A_342 = arith.constant 64 : index
    %swap3A_343 = tpu.vector_load %arg8[%swap3A_342] {strides = array<i32>} : memref<80xi32, #tpu.memory_space<vmem>>, vector<16xi32>,
    %swap3A_344 = vector.shape_cast %swap3A_343 : vector<16xi32> to vector<16xi32>
    %swap3A_345 = vector.shape_cast %add3A_341 : vector<16xi32> to vector<16xi32>
    tpu.vector_store %arg8[%swap3A_342], %swap3A_345 {strides = array<i32>} : memref<80xi32, #tpu.memory_space<vmem>>, vector<16xi32>,
    %shift_right_logical3A_346 = arith.constant 16 : i32
    %shift_right_logical3A_347 = vector.broadcast %shift_right_logical3A_346 : i32 to vector<16xi32>
    %shift_right_logical3A_348 = arith.shrui %get3A_336, %shift_right_logical3A_347 : vector<16xi32>
    %swap3A_349 = arith.constant 64 : index
    %swap3A_350 = tpu.vector_load %arg11[%swap3A_349] {strides = array<i32>} : memref<80xi32, #tpu.memory_space<vmem>>, vector<16xi32>,
    %swap3A_351 = vector.shape_cast %swap3A_350 : vector<16xi32> to vector<16xi32>
    %swap3A_352 = vector.shape_cast %shift_right_logical3A_348 : vector<16xi32> to vector<16xi32>
    tpu.vector_store %arg11[%swap3A_349], %swap3A_352 {strides = array<i32>} : memref<80xi32, #tpu.memory_space<vmem>>, vector<16xi32>,
    %dma_start3A_353 = arith.constant 0 : i32
    %dma_start3A_354 = arith.constant 0 : i32
    %dma_start3A_355 = tpu.memref_slice %arg2[%dma_start3A_353, %dma_start3A_354] : memref<20480x128xf32, #tpu.memory_space<hbm>> -> memref<20480x128xf32, #tpu.memory_space<hbm>>
    tpu.enqueue_indirect_dma source(%dma_start3A_355 : memref<20480x128xf32, #tpu.memory_space<hbm>>) target(%arg14 : memref<80x128xf32, #tpu.memory_space<vmem>>) offsets(%arg8 : memref<80xi32, #tpu.memory_space<vmem>>) semaphore(%arg18 : memref<!tpu.dma_semaphore, #tpu.memory_space<semaphore_mem>>)
    %barrier3A = arith.constant 0 : index
    tpu.barrier barrier_id(%barrier3A)
    %scan3A_356 = arith.constant 0 : i32
    %scan3A_357 = arith.constant 0 : i32
    %scan3A_358 = arith.constant 41 : i32
    %scan3A_359 = arith.addi %scan3A_357, %scan3A_358 : i32
    %scan3A_360 = arith.constant 1 : i32
    scf.for %scan3A_408 = %scan3A_357 to %scan3A_359 step %scan3A_360  : i32 {
      %mul3A_409 = arith.constant 3 : i32
      %mul3A_410 = arith.muli %scan3A_408, %mul3A_409 : i32
      %add3A_411 = arith.constant 0 : i32
      %add3A_412 = arith.addi %mul3A_410, %add3A_411 : i32
      %dma_wait3A_413 = arith.constant 0 : i32
      %dma_wait3A_414 = arith.constant 0 : i32
      %dma_wait3A_415 = tpu.memref_slice %arg2[%dma_wait3A_413, %dma_wait3A_414] : memref<20480x128xf32, #tpu.memory_space<hbm>> -> memref<20480x128xf32, #tpu.memory_space<hbm>>
      tpu.wait_indirect_dma semaphore(%arg16 : memref<!tpu.dma_semaphore, #tpu.memory_space<semaphore_mem>>) src(%dma_wait3A_415 : memref<20480x128xf32, #tpu.memory_space<hbm>>) dst(%arg12 : memref<80x128xf32, #tpu.memory_space<vmem>>)
      "tpu.region"() ({
        %run_scoped3A = tpu.sem_alloc : memref<!tpu.dma_semaphore, #tpu.memory_space<semaphore_mem>>
        %dma_start3A_448 = arith.constant 0 : i32
        %dma_start3A_449 = arith.constant 0 : i32
        %dma_start3A_450 = tpu.memref_slice %arg15[%dma_start3A_448, %dma_start3A_449] : memref<10240x128xf32, #tpu.memory_space<vmem_shared>> -> memref<10240x128xf32, #tpu.memory_space<vmem_shared>>
        tpu.enqueue_indirect_dma source(%arg12 : memref<80x128xf32, #tpu.memory_space<vmem>>) target(%dma_start3A_450 : memref<10240x128xf32, #tpu.memory_space<vmem_shared>>) offsets(%arg9 : memref<80xi32, #tpu.memory_space<vmem>>) semaphore(%run_scoped3A : memref<!tpu.dma_semaphore, #tpu.memory_space<semaphore_mem>>) {add = true}
        %dma_wait3A_451 = arith.constant 0 : i32
        %dma_wait3A_452 = arith.constant 0 : i32
        %dma_wait3A_453 = tpu.memref_slice %arg15[%dma_wait3A_451, %dma_wait3A_452] : memref<10240x128xf32, #tpu.memory_space<vmem_shared>> -> memref<10240x128xf32, #tpu.memory_space<vmem_shared>>
        tpu.wait_indirect_dma semaphore(%run_scoped3A : memref<!tpu.dma_semaphore, #tpu.memory_space<semaphore_mem>>) src(%arg12 : memref<80x128xf32, #tpu.memory_space<vmem>>) dst(%dma_wait3A_453 : memref<10240x128xf32, #tpu.memory_space<vmem_shared>>)
        tpu.yield
      }) : () -> ()
      %add3A_416 = arith.constant 3 : i32
      %add3A_417 = arith.addi %add3A_412, %add3A_416 : i32
      %lt3A = arith.constant 125 : i32
      %lt3A_418 = arith.cmpi slt, %add3A_417, %lt3A : i32
      %convert_element_type3A = arith.extui %lt3A_418 : i1 to i32
      %cond3A = arith.constant 0 : i32
      %cond3A_419 = arith.cmpi ne, %convert_element_type3A, %cond3A : i32
      scf.if %cond3A_419 {
        %add3A_448 = arith.constant 3 : i32
        %add3A_449 = arith.addi %add3A_412, %add3A_448 : i32
        %get3A_450 = arith.index_cast %add3A_449 : i32 to index
        %get3A_451 = arith.constant 0 : index
        %get3A_452 = tpu.vector_load %arg5[%get3A_450, %get3A_451] {strides = array<i32>} : memref<125x80xi32, #tpu.memory_space<vmem>>, vector<1x16xi32>,
        %get3A_453 = vector.shape_cast %get3A_452 : vector<1x16xi32> to vector<16xi32>
        %and3A_454 = arith.constant 65535 : i32
        %and3A_455 = vector.broadcast %and3A_454 : i32 to vector<16xi32>
        %and3A_456 = arith.andi %get3A_453, %and3A_455 : vector<16xi32>
        %add3A_457 = vector.broadcast %mul3A_0 : i32 to vector<16xi32>
        %add3A_458 = arith.addi %and3A_456, %add3A_457 : vector<16xi32>
        %swap3A_459 = arith.constant 0 : index
        %swap3A_460 = tpu.vector_load %arg6[%swap3A_459] {strides = array<i32>} : memref<80xi32, #tpu.memory_space<vmem>>, vector<16xi32>,
        %swap3A_461 = vector.shape_cast %swap3A_460 : vector<16xi32> to vector<16xi32>
        %swap3A_462 = vector.shape_cast %add3A_458 : vector<16xi32> to vector<16xi32>
        tpu.vector_store %arg6[%swap3A_459], %swap3A_462 {strides = array<i32>} : memref<80xi32, #tpu.memory_space<vmem>>, vector<16xi32>,
        %shift_right_logical3A_463 = arith.constant 16 : i32
        %shift_right_logical3A_464 = vector.broadcast %shift_right_logical3A_463 : i32 to vector<16xi32>
        %shift_right_logical3A_465 = arith.shrui %get3A_453, %shift_right_logical3A_464 : vector<16xi32>
        %swap3A_466 = arith.constant 0 : index
        %swap3A_467 = tpu.vector_load %arg9[%swap3A_466] {strides = array<i32>} : memref<80xi32, #tpu.memory_space<vmem>>, vector<16xi32>,
        %swap3A_468 = vector.shape_cast %swap3A_467 : vector<16xi32> to vector<16xi32>
        %swap3A_469 = vector.shape_cast %shift_right_logical3A_465 : vector<16xi32> to vector<16xi32>
        tpu.vector_store %arg9[%swap3A_466], %swap3A_469 {strides = array<i32>} : memref<80xi32, #tpu.memory_space<vmem>>, vector<16xi32>,
        %get3A_470 = arith.index_cast %add3A_449 : i32 to index
        %get3A_471 = arith.constant 16 : index
        %get3A_472 = tpu.vector_load %arg5[%get3A_470, %get3A_471] {strides = array<i32>} : memref<125x80xi32, #tpu.memory_space<vmem>>, vector<1x16xi32>,
        %get3A_473 = vector.shape_cast %get3A_472 : vector<1x16xi32> to vector<16xi32>
        %and3A_474 = arith.constant 65535 : i32
        %and3A_475 = vector.broadcast %and3A_474 : i32 to vector<16xi32>
        %and3A_476 = arith.andi %get3A_473, %and3A_475 : vector<16xi32>
        %add3A_477 = vector.broadcast %mul3A_0 : i32 to vector<16xi32>
        %add3A_478 = arith.addi %and3A_476, %add3A_477 : vector<16xi32>
        %swap3A_479 = arith.constant 16 : index
        %swap3A_480 = tpu.vector_load %arg6[%swap3A_479] {strides = array<i32>} : memref<80xi32, #tpu.memory_space<vmem>>, vector<16xi32>,
        %swap3A_481 = vector.shape_cast %swap3A_480 : vector<16xi32> to vector<16xi32>
        %swap3A_482 = vector.shape_cast %add3A_478 : vector<16xi32> to vector<16xi32>
        tpu.vector_store %arg6[%swap3A_479], %swap3A_482 {strides = array<i32>} : memref<80xi32, #tpu.memory_space<vmem>>, vector<16xi32>,
        %shift_right_logical3A_483 = arith.constant 16 : i32
        %shift_right_logical3A_484 = vector.broadcast %shift_right_logical3A_483 : i32 to vector<16xi32>
        %shift_right_logical3A_485 = arith.shrui %get3A_473, %shift_right_logical3A_484 : vector<16xi32>
        %swap3A_486 = arith.constant 16 : index
        %swap3A_487 = tpu.vector_load %arg9[%swap3A_486] {strides = array<i32>} : memref<80xi32, #tpu.memory_space<vmem>>, vector<16xi32>,
        %swap3A_488 = vector.shape_cast %swap3A_487 : vector<16xi32> to vector<16xi32>
        %swap3A_489 = vector.shape_cast %shift_right_logical3A_485 : vector<16xi32> to vector<16xi32>
        tpu.vector_store %arg9[%swap3A_486], %swap3A_489 {strides = array<i32>} : memref<80xi32, #tpu.memory_space<vmem>>, vector<16xi32>,
        %get3A_490 = arith.index_cast %add3A_449 : i32 to index
        %get3A_491 = arith.constant 32 : index
        %get3A_492 = tpu.vector_load %arg5[%get3A_490, %get3A_491] {strides = array<i32>} : memref<125x80xi32, #tpu.memory_space<vmem>>, vector<1x16xi32>,
        %get3A_493 = vector.shape_cast %get3A_492 : vector<1x16xi32> to vector<16xi32>
        %and3A_494 = arith.constant 65535 : i32
        %and3A_495 = vector.broadcast %and3A_494 : i32 to vector<16xi32>
        %and3A_496 = arith.andi %get3A_493, %and3A_495 : vector<16xi32>
        %add3A_497 = vector.broadcast %mul3A_0 : i32 to vector<16xi32>
        %add3A_498 = arith.addi %and3A_496, %add3A_497 : vector<16xi32>
        %swap3A_499 = arith.constant 32 : index
        %swap3A_500 = tpu.vector_load %arg6[%swap3A_499] {strides = array<i32>} : memref<80xi32, #tpu.memory_space<vmem>>, vector<16xi32>,
        %swap3A_501 = vector.shape_cast %swap3A_500 : vector<16xi32> to vector<16xi32>
        %swap3A_502 = vector.shape_cast %add3A_498 : vector<16xi32> to vector<16xi32>
        tpu.vector_store %arg6[%swap3A_499], %swap3A_502 {strides = array<i32>} : memref<80xi32, #tpu.memory_space<vmem>>, vector<16xi32>,
        %shift_right_logical3A_503 = arith.constant 16 : i32
        %shift_right_logical3A_504 = vector.broadcast %shift_right_logical3A_503 : i32 to vector<16xi32>
        %shift_right_logical3A_505 = arith.shrui %get3A_493, %shift_right_logical3A_504 : vector<16xi32>
        %swap3A_506 = arith.constant 32 : index
        %swap3A_507 = tpu.vector_load %arg9[%swap3A_506] {strides = array<i32>} : memref<80xi32, #tpu.memory_space<vmem>>, vector<16xi32>,
        %swap3A_508 = vector.shape_cast %swap3A_507 : vector<16xi32> to vector<16xi32>
        %swap3A_509 = vector.shape_cast %shift_right_logical3A_505 : vector<16xi32> to vector<16xi32>
        tpu.vector_store %arg9[%swap3A_506], %swap3A_509 {strides = array<i32>} : memref<80xi32, #tpu.memory_space<vmem>>, vector<16xi32>,
        %get3A_510 = arith.index_cast %add3A_449 : i32 to index
        %get3A_511 = arith.constant 48 : index
        %get3A_512 = tpu.vector_load %arg5[%get3A_510, %get3A_511] {strides = array<i32>} : memref<125x80xi32, #tpu.memory_space<vmem>>, vector<1x16xi32>,
        %get3A_513 = vector.shape_cast %get3A_512 : vector<1x16xi32> to vector<16xi32>
        %and3A_514 = arith.constant 65535 : i32
        %and3A_515 = vector.broadcast %and3A_514 : i32 to vector<16xi32>
        %and3A_516 = arith.andi %get3A_513, %and3A_515 : vector<16xi32>
        %add3A_517 = vector.broadcast %mul3A_0 : i32 to vector<16xi32>
        %add3A_518 = arith.addi %and3A_516, %add3A_517 : vector<16xi32>
        %swap3A_519 = arith.constant 48 : index
        %swap3A_520 = tpu.vector_load %arg6[%swap3A_519] {strides = array<i32>} : memref<80xi32, #tpu.memory_space<vmem>>, vector<16xi32>,
        %swap3A_521 = vector.shape_cast %swap3A_520 : vector<16xi32> to vector<16xi32>
        %swap3A_522 = vector.shape_cast %add3A_518 : vector<16xi32> to vector<16xi32>
        tpu.vector_store %arg6[%swap3A_519], %swap3A_522 {strides = array<i32>} : memref<80xi32, #tpu.memory_space<vmem>>, vector<16xi32>,
        %shift_right_logical3A_523 = arith.constant 16 : i32
        %shift_right_logical3A_524 = vector.broadcast %shift_right_logical3A_523 : i32 to vector<16xi32>
        %shift_right_logical3A_525 = arith.shrui %get3A_513, %shift_right_logical3A_524 : vector<16xi32>
        %swap3A_526 = arith.constant 48 : index
        %swap3A_527 = tpu.vector_load %arg9[%swap3A_526] {strides = array<i32>} : memref<80xi32, #tpu.memory_space<vmem>>, vector<16xi32>,
        %swap3A_528 = vector.shape_cast %swap3A_527 : vector<16xi32> to vector<16xi32>
        %swap3A_529 = vector.shape_cast %shift_right_logical3A_525 : vector<16xi32> to vector<16xi32>
        tpu.vector_store %arg9[%swap3A_526], %swap3A_529 {strides = array<i32>} : memref<80xi32, #tpu.memory_space<vmem>>, vector<16xi32>,
        %get3A_530 = arith.index_cast %add3A_449 : i32 to index
        %get3A_531 = arith.constant 64 : index
        %get3A_532 = tpu.vector_load %arg5[%get3A_530, %get3A_531] {strides = array<i32>} : memref<125x80xi32, #tpu.memory_space<vmem>>, vector<1x16xi32>,
        %get3A_533 = vector.shape_cast %get3A_532 : vector<1x16xi32> to vector<16xi32>
        %and3A_534 = arith.constant 65535 : i32
        %and3A_535 = vector.broadcast %and3A_534 : i32 to vector<16xi32>
        %and3A_536 = arith.andi %get3A_533, %and3A_535 : vector<16xi32>
        %add3A_537 = vector.broadcast %mul3A_0 : i32 to vector<16xi32>
        %add3A_538 = arith.addi %and3A_536, %add3A_537 : vector<16xi32>
        %swap3A_539 = arith.constant 64 : index
        %swap3A_540 = tpu.vector_load %arg6[%swap3A_539] {strides = array<i32>} : memref<80xi32, #tpu.memory_space<vmem>>, vector<16xi32>,
        %swap3A_541 = vector.shape_cast %swap3A_540 : vector<16xi32> to vector<16xi32>
        %swap3A_542 = vector.shape_cast %add3A_538 : vector<16xi32> to vector<16xi32>
        tpu.vector_store %arg6[%swap3A_539], %swap3A_542 {strides = array<i32>} : memref<80xi32, #tpu.memory_space<vmem>>, vector<16xi32>,
        %shift_right_logical3A_543 = arith.constant 16 : i32
        %shift_right_logical3A_544 = vector.broadcast %shift_right_logical3A_543 : i32 to vector<16xi32>
        %shift_right_logical3A_545 = arith.shrui %get3A_533, %shift_right_logical3A_544 : vector<16xi32>
        %swap3A_546 = arith.constant 64 : index
        %swap3A_547 = tpu.vector_load %arg9[%swap3A_546] {strides = array<i32>} : memref<80xi32, #tpu.memory_space<vmem>>, vector<16xi32>,
        %swap3A_548 = vector.shape_cast %swap3A_547 : vector<16xi32> to vector<16xi32>
        %swap3A_549 = vector.shape_cast %shift_right_logical3A_545 : vector<16xi32> to vector<16xi32>
        tpu.vector_store %arg9[%swap3A_546], %swap3A_549 {strides = array<i32>} : memref<80xi32, #tpu.memory_space<vmem>>, vector<16xi32>,
        %dma_start3A_550 = arith.constant 0 : i32
        %dma_start3A_551 = arith.constant 0 : i32
        %dma_start3A_552 = tpu.memref_slice %arg2[%dma_start3A_550, %dma_start3A_551] : memref<20480x128xf32, #tpu.memory_space<hbm>> -> memref<20480x128xf32, #tpu.memory_space<hbm>>
        tpu.enqueue_indirect_dma source(%dma_start3A_552 : memref<20480x128xf32, #tpu.memory_space<hbm>>) target(%arg12 : memref<80x128xf32, #tpu.memory_space<vmem>>) offsets(%arg6 : memref<80xi32, #tpu.memory_space<vmem>>) semaphore(%arg16 : memref<!tpu.dma_semaphore, #tpu.memory_space<semaphore_mem>>)
      } else {
      }
      %mul3A_420 = arith.constant 3 : i32
      %mul3A_421 = arith.muli %scan3A_408, %mul3A_420 : i32
      %add3A_422 = arith.constant 1 : i32
      %add3A_423 = arith.addi %mul3A_421, %add3A_422 : i32
      %dma_wait3A_424 = arith.constant 0 : i32
      %dma_wait3A_425 = arith.constant 0 : i32
      %dma_wait3A_426 = tpu.memref_slice %arg2[%dma_wait3A_424, %dma_wait3A_425] : memref<20480x128xf32, #tpu.memory_space<hbm>> -> memref<20480x128xf32, #tpu.memory_space<hbm>>
      tpu.wait_indirect_dma semaphore(%arg17 : memref<!tpu.dma_semaphore, #tpu.memory_space<semaphore_mem>>) src(%dma_wait3A_426 : memref<20480x128xf32, #tpu.memory_space<hbm>>) dst(%arg13 : memref<80x128xf32, #tpu.memory_space<vmem>>)
      "tpu.region"() ({
        %run_scoped3A = tpu.sem_alloc : memref<!tpu.dma_semaphore, #tpu.memory_space<semaphore_mem>>
        %dma_start3A_448 = arith.constant 0 : i32
        %dma_start3A_449 = arith.constant 0 : i32
        %dma_start3A_450 = tpu.memref_slice %arg15[%dma_start3A_448, %dma_start3A_449] : memref<10240x128xf32, #tpu.memory_space<vmem_shared>> -> memref<10240x128xf32, #tpu.memory_space<vmem_shared>>
        tpu.enqueue_indirect_dma source(%arg13 : memref<80x128xf32, #tpu.memory_space<vmem>>) target(%dma_start3A_450 : memref<10240x128xf32, #tpu.memory_space<vmem_shared>>) offsets(%arg10 : memref<80xi32, #tpu.memory_space<vmem>>) semaphore(%run_scoped3A : memref<!tpu.dma_semaphore, #tpu.memory_space<semaphore_mem>>) {add = true}
        %dma_wait3A_451 = arith.constant 0 : i32
        %dma_wait3A_452 = arith.constant 0 : i32
        %dma_wait3A_453 = tpu.memref_slice %arg15[%dma_wait3A_451, %dma_wait3A_452] : memref<10240x128xf32, #tpu.memory_space<vmem_shared>> -> memref<10240x128xf32, #tpu.memory_space<vmem_shared>>
        tpu.wait_indirect_dma semaphore(%run_scoped3A : memref<!tpu.dma_semaphore, #tpu.memory_space<semaphore_mem>>) src(%arg13 : memref<80x128xf32, #tpu.memory_space<vmem>>) dst(%dma_wait3A_453 : memref<10240x128xf32, #tpu.memory_space<vmem_shared>>)
        tpu.yield
      }) : () -> ()
      %add3A_427 = arith.constant 3 : i32
      %add3A_428 = arith.addi %add3A_423, %add3A_427 : i32
      %lt3A_429 = arith.constant 125 : i32
      %lt3A_430 = arith.cmpi slt, %add3A_428, %lt3A_429 : i32
      %convert_element_type3A_431 = arith.extui %lt3A_430 : i1 to i32
      %cond3A_432 = arith.constant 0 : i32
      %cond3A_433 = arith.cmpi ne, %convert_element_type3A_431, %cond3A_432 : i32
      scf.if %cond3A_433 {
        %add3A_448 = arith.constant 3 : i32
        %add3A_449 = arith.addi %add3A_423, %add3A_448 : i32
        %get3A_450 = arith.index_cast %add3A_449 : i32 to index
        %get3A_451 = arith.constant 0 : index
        %get3A_452 = tpu.vector_load %arg5[%get3A_450, %get3A_451] {strides = array<i32>} : memref<125x80xi32, #tpu.memory_space<vmem>>, vector<1x16xi32>,
        %get3A_453 = vector.shape_cast %get3A_452 : vector<1x16xi32> to vector<16xi32>
        %and3A_454 = arith.constant 65535 : i32
        %and3A_455 = vector.broadcast %and3A_454 : i32 to vector<16xi32>
        %and3A_456 = arith.andi %get3A_453, %and3A_455 : vector<16xi32>
        %add3A_457 = vector.broadcast %mul3A_0 : i32 to vector<16xi32>
        %add3A_458 = arith.addi %and3A_456, %add3A_457 : vector<16xi32>
        %swap3A_459 = arith.constant 0 : index
        %swap3A_460 = tpu.vector_load %arg7[%swap3A_459] {strides = array<i32>} : memref<80xi32, #tpu.memory_space<vmem>>, vector<16xi32>,
        %swap3A_461 = vector.shape_cast %swap3A_460 : vector<16xi32> to vector<16xi32>
        %swap3A_462 = vector.shape_cast %add3A_458 : vector<16xi32> to vector<16xi32>
        tpu.vector_store %arg7[%swap3A_459], %swap3A_462 {strides = array<i32>} : memref<80xi32, #tpu.memory_space<vmem>>, vector<16xi32>,
        %shift_right_logical3A_463 = arith.constant 16 : i32
        %shift_right_logical3A_464 = vector.broadcast %shift_right_logical3A_463 : i32 to vector<16xi32>
        %shift_right_logical3A_465 = arith.shrui %get3A_453, %shift_right_logical3A_464 : vector<16xi32>
        %swap3A_466 = arith.constant 0 : index
        %swap3A_467 = tpu.vector_load %arg10[%swap3A_466] {strides = array<i32>} : memref<80xi32, #tpu.memory_space<vmem>>, vector<16xi32>,
        %swap3A_468 = vector.shape_cast %swap3A_467 : vector<16xi32> to vector<16xi32>
        %swap3A_469 = vector.shape_cast %shift_right_logical3A_465 : vector<16xi32> to vector<16xi32>
        tpu.vector_store %arg10[%swap3A_466], %swap3A_469 {strides = array<i32>} : memref<80xi32, #tpu.memory_space<vmem>>, vector<16xi32>,
        %get3A_470 = arith.index_cast %add3A_449 : i32 to index
        %get3A_471 = arith.constant 16 : index
        %get3A_472 = tpu.vector_load %arg5[%get3A_470, %get3A_471] {strides = array<i32>} : memref<125x80xi32, #tpu.memory_space<vmem>>, vector<1x16xi32>,
        %get3A_473 = vector.shape_cast %get3A_472 : vector<1x16xi32> to vector<16xi32>
        %and3A_474 = arith.constant 65535 : i32
        %and3A_475 = vector.broadcast %and3A_474 : i32 to vector<16xi32>
        %and3A_476 = arith.andi %get3A_473, %and3A_475 : vector<16xi32>
        %add3A_477 = vector.broadcast %mul3A_0 : i32 to vector<16xi32>
        %add3A_478 = arith.addi %and3A_476, %add3A_477 : vector<16xi32>
        %swap3A_479 = arith.constant 16 : index
        %swap3A_480 = tpu.vector_load %arg7[%swap3A_479] {strides = array<i32>} : memref<80xi32, #tpu.memory_space<vmem>>, vector<16xi32>,
        %swap3A_481 = vector.shape_cast %swap3A_480 : vector<16xi32> to vector<16xi32>
        %swap3A_482 = vector.shape_cast %add3A_478 : vector<16xi32> to vector<16xi32>
        tpu.vector_store %arg7[%swap3A_479], %swap3A_482 {strides = array<i32>} : memref<80xi32, #tpu.memory_space<vmem>>, vector<16xi32>,
        %shift_right_logical3A_483 = arith.constant 16 : i32
        %shift_right_logical3A_484 = vector.broadcast %shift_right_logical3A_483 : i32 to vector<16xi32>
        %shift_right_logical3A_485 = arith.shrui %get3A_473, %shift_right_logical3A_484 : vector<16xi32>
        %swap3A_486 = arith.constant 16 : index
        %swap3A_487 = tpu.vector_load %arg10[%swap3A_486] {strides = array<i32>} : memref<80xi32, #tpu.memory_space<vmem>>, vector<16xi32>,
        %swap3A_488 = vector.shape_cast %swap3A_487 : vector<16xi32> to vector<16xi32>
        %swap3A_489 = vector.shape_cast %shift_right_logical3A_485 : vector<16xi32> to vector<16xi32>
        tpu.vector_store %arg10[%swap3A_486], %swap3A_489 {strides = array<i32>} : memref<80xi32, #tpu.memory_space<vmem>>, vector<16xi32>,
        %get3A_490 = arith.index_cast %add3A_449 : i32 to index
        %get3A_491 = arith.constant 32 : index
        %get3A_492 = tpu.vector_load %arg5[%get3A_490, %get3A_491] {strides = array<i32>} : memref<125x80xi32, #tpu.memory_space<vmem>>, vector<1x16xi32>,
        %get3A_493 = vector.shape_cast %get3A_492 : vector<1x16xi32> to vector<16xi32>
        %and3A_494 = arith.constant 65535 : i32
        %and3A_495 = vector.broadcast %and3A_494 : i32 to vector<16xi32>
        %and3A_496 = arith.andi %get3A_493, %and3A_495 : vector<16xi32>
        %add3A_497 = vector.broadcast %mul3A_0 : i32 to vector<16xi32>
        %add3A_498 = arith.addi %and3A_496, %add3A_497 : vector<16xi32>
        %swap3A_499 = arith.constant 32 : index
        %swap3A_500 = tpu.vector_load %arg7[%swap3A_499] {strides = array<i32>} : memref<80xi32, #tpu.memory_space<vmem>>, vector<16xi32>,
        %swap3A_501 = vector.shape_cast %swap3A_500 : vector<16xi32> to vector<16xi32>
        %swap3A_502 = vector.shape_cast %add3A_498 : vector<16xi32> to vector<16xi32>
        tpu.vector_store %arg7[%swap3A_499], %swap3A_502 {strides = array<i32>} : memref<80xi32, #tpu.memory_space<vmem>>, vector<16xi32>,
        %shift_right_logical3A_503 = arith.constant 16 : i32
        %shift_right_logical3A_504 = vector.broadcast %shift_right_logical3A_503 : i32 to vector<16xi32>
        %shift_right_logical3A_505 = arith.shrui %get3A_493, %shift_right_logical3A_504 : vector<16xi32>
        %swap3A_506 = arith.constant 32 : index
        %swap3A_507 = tpu.vector_load %arg10[%swap3A_506] {strides = array<i32>} : memref<80xi32, #tpu.memory_space<vmem>>, vector<16xi32>,
        %swap3A_508 = vector.shape_cast %swap3A_507 : vector<16xi32> to vector<16xi32>
        %swap3A_509 = vector.shape_cast %shift_right_logical3A_505 : vector<16xi32> to vector<16xi32>
        tpu.vector_store %arg10[%swap3A_506], %swap3A_509 {strides = array<i32>} : memref<80xi32, #tpu.memory_space<vmem>>, vector<16xi32>,
        %get3A_510 = arith.index_cast %add3A_449 : i32 to index
        %get3A_511 = arith.constant 48 : index
        %get3A_512 = tpu.vector_load %arg5[%get3A_510, %get3A_511] {strides = array<i32>} : memref<125x80xi32, #tpu.memory_space<vmem>>, vector<1x16xi32>,
        %get3A_513 = vector.shape_cast %get3A_512 : vector<1x16xi32> to vector<16xi32>
        %and3A_514 = arith.constant 65535 : i32
        %and3A_515 = vector.broadcast %and3A_514 : i32 to vector<16xi32>
        %and3A_516 = arith.andi %get3A_513, %and3A_515 : vector<16xi32>
        %add3A_517 = vector.broadcast %mul3A_0 : i32 to vector<16xi32>
        %add3A_518 = arith.addi %and3A_516, %add3A_517 : vector<16xi32>
        %swap3A_519 = arith.constant 48 : index
        %swap3A_520 = tpu.vector_load %arg7[%swap3A_519] {strides = array<i32>} : memref<80xi32, #tpu.memory_space<vmem>>, vector<16xi32>,
        %swap3A_521 = vector.shape_cast %swap3A_520 : vector<16xi32> to vector<16xi32>
        %swap3A_522 = vector.shape_cast %add3A_518 : vector<16xi32> to vector<16xi32>
        tpu.vector_store %arg7[%swap3A_519], %swap3A_522 {strides = array<i32>} : memref<80xi32, #tpu.memory_space<vmem>>, vector<16xi32>,
        %shift_right_logical3A_523 = arith.constant 16 : i32
        %shift_right_logical3A_524 = vector.broadcast %shift_right_logical3A_523 : i32 to vector<16xi32>
        %shift_right_logical3A_525 = arith.shrui %get3A_513, %shift_right_logical3A_524 : vector<16xi32>
        %swap3A_526 = arith.constant 48 : index
        %swap3A_527 = tpu.vector_load %arg10[%swap3A_526] {strides = array<i32>} : memref<80xi32, #tpu.memory_space<vmem>>, vector<16xi32>,
        %swap3A_528 = vector.shape_cast %swap3A_527 : vector<16xi32> to vector<16xi32>
        %swap3A_529 = vector.shape_cast %shift_right_logical3A_525 : vector<16xi32> to vector<16xi32>
        tpu.vector_store %arg10[%swap3A_526], %swap3A_529 {strides = array<i32>} : memref<80xi32, #tpu.memory_space<vmem>>, vector<16xi32>,
        %get3A_530 = arith.index_cast %add3A_449 : i32 to index
        %get3A_531 = arith.constant 64 : index
        %get3A_532 = tpu.vector_load %arg5[%get3A_530, %get3A_531] {strides = array<i32>} : memref<125x80xi32, #tpu.memory_space<vmem>>, vector<1x16xi32>,
        %get3A_533 = vector.shape_cast %get3A_532 : vector<1x16xi32> to vector<16xi32>
        %and3A_534 = arith.constant 65535 : i32
        %and3A_535 = vector.broadcast %and3A_534 : i32 to vector<16xi32>
        %and3A_536 = arith.andi %get3A_533, %and3A_535 : vector<16xi32>
        %add3A_537 = vector.broadcast %mul3A_0 : i32 to vector<16xi32>
        %add3A_538 = arith.addi %and3A_536, %add3A_537 : vector<16xi32>
        %swap3A_539 = arith.constant 64 : index
        %swap3A_540 = tpu.vector_load %arg7[%swap3A_539] {strides = array<i32>} : memref<80xi32, #tpu.memory_space<vmem>>, vector<16xi32>,
        %swap3A_541 = vector.shape_cast %swap3A_540 : vector<16xi32> to vector<16xi32>
        %swap3A_542 = vector.shape_cast %add3A_538 : vector<16xi32> to vector<16xi32>
        tpu.vector_store %arg7[%swap3A_539], %swap3A_542 {strides = array<i32>} : memref<80xi32, #tpu.memory_space<vmem>>, vector<16xi32>,
        %shift_right_logical3A_543 = arith.constant 16 : i32
        %shift_right_logical3A_544 = vector.broadcast %shift_right_logical3A_543 : i32 to vector<16xi32>
        %shift_right_logical3A_545 = arith.shrui %get3A_533, %shift_right_logical3A_544 : vector<16xi32>
        %swap3A_546 = arith.constant 64 : index
        %swap3A_547 = tpu.vector_load %arg10[%swap3A_546] {strides = array<i32>} : memref<80xi32, #tpu.memory_space<vmem>>, vector<16xi32>,
        %swap3A_548 = vector.shape_cast %swap3A_547 : vector<16xi32> to vector<16xi32>
        %swap3A_549 = vector.shape_cast %shift_right_logical3A_545 : vector<16xi32> to vector<16xi32>
        tpu.vector_store %arg10[%swap3A_546], %swap3A_549 {strides = array<i32>} : memref<80xi32, #tpu.memory_space<vmem>>, vector<16xi32>,
        %dma_start3A_550 = arith.constant 0 : i32
        %dma_start3A_551 = arith.constant 0 : i32
        %dma_start3A_552 = tpu.memref_slice %arg2[%dma_start3A_550, %dma_start3A_551] : memref<20480x128xf32, #tpu.memory_space<hbm>> -> memref<20480x128xf32, #tpu.memory_space<hbm>>
        tpu.enqueue_indirect_dma source(%dma_start3A_552 : memref<20480x128xf32, #tpu.memory_space<hbm>>) target(%arg13 : memref<80x128xf32, #tpu.memory_space<vmem>>) offsets(%arg7 : memref<80xi32, #tpu.memory_space<vmem>>) semaphore(%arg17 : memref<!tpu.dma_semaphore, #tpu.memory_space<semaphore_mem>>)
      } else {
      }
      %mul3A_434 = arith.constant 3 : i32
      %mul3A_435 = arith.muli %scan3A_408, %mul3A_434 : i32
      %add3A_436 = arith.constant 2 : i32
      %add3A_437 = arith.addi %mul3A_435, %add3A_436 : i32
      %dma_wait3A_438 = arith.constant 0 : i32
      %dma_wait3A_439 = arith.constant 0 : i32
      %dma_wait3A_440 = tpu.memref_slice %arg2[%dma_wait3A_438, %dma_wait3A_439] : memref<20480x128xf32, #tpu.memory_space<hbm>> -> memref<20480x128xf32, #tpu.memory_space<hbm>>
      tpu.wait_indirect_dma semaphore(%arg18 : memref<!tpu.dma_semaphore, #tpu.memory_space<semaphore_mem>>) src(%dma_wait3A_440 : memref<20480x128xf32, #tpu.memory_space<hbm>>) dst(%arg14 : memref<80x128xf32, #tpu.memory_space<vmem>>)
      "tpu.region"() ({
        %run_scoped3A = tpu.sem_alloc : memref<!tpu.dma_semaphore, #tpu.memory_space<semaphore_mem>>
        %dma_start3A_448 = arith.constant 0 : i32
        %dma_start3A_449 = arith.constant 0 : i32
        %dma_start3A_450 = tpu.memref_slice %arg15[%dma_start3A_448, %dma_start3A_449] : memref<10240x128xf32, #tpu.memory_space<vmem_shared>> -> memref<10240x128xf32, #tpu.memory_space<vmem_shared>>
        tpu.enqueue_indirect_dma source(%arg14 : memref<80x128xf32, #tpu.memory_space<vmem>>) target(%dma_start3A_450 : memref<10240x128xf32, #tpu.memory_space<vmem_shared>>) offsets(%arg11 : memref<80xi32, #tpu.memory_space<vmem>>) semaphore(%run_scoped3A : memref<!tpu.dma_semaphore, #tpu.memory_space<semaphore_mem>>) {add = true}
        %dma_wait3A_451 = arith.constant 0 : i32
        %dma_wait3A_452 = arith.constant 0 : i32
        %dma_wait3A_453 = tpu.memref_slice %arg15[%dma_wait3A_451, %dma_wait3A_452] : memref<10240x128xf32, #tpu.memory_space<vmem_shared>> -> memref<10240x128xf32, #tpu.memory_space<vmem_shared>>
        tpu.wait_indirect_dma semaphore(%run_scoped3A : memref<!tpu.dma_semaphore, #tpu.memory_space<semaphore_mem>>) src(%arg14 : memref<80x128xf32, #tpu.memory_space<vmem>>) dst(%dma_wait3A_453 : memref<10240x128xf32, #tpu.memory_space<vmem_shared>>)
        tpu.yield
      }) : () -> ()
      %add3A_441 = arith.constant 3 : i32
      %add3A_442 = arith.addi %add3A_437, %add3A_441 : i32
      %lt3A_443 = arith.constant 125 : i32
      %lt3A_444 = arith.cmpi slt, %add3A_442, %lt3A_443 : i32
      %convert_element_type3A_445 = arith.extui %lt3A_444 : i1 to i32
      %cond3A_446 = arith.constant 0 : i32
      %cond3A_447 = arith.cmpi ne, %convert_element_type3A_445, %cond3A_446 : i32
      scf.if %cond3A_447 {
        %add3A_448 = arith.constant 3 : i32
        %add3A_449 = arith.addi %add3A_437, %add3A_448 : i32
        %get3A_450 = arith.index_cast %add3A_449 : i32 to index
        %get3A_451 = arith.constant 0 : index
        %get3A_452 = tpu.vector_load %arg5[%get3A_450, %get3A_451] {strides = array<i32>} : memref<125x80xi32, #tpu.memory_space<vmem>>, vector<1x16xi32>,
        %get3A_453 = vector.shape_cast %get3A_452 : vector<1x16xi32> to vector<16xi32>
        %and3A_454 = arith.constant 65535 : i32
        %and3A_455 = vector.broadcast %and3A_454 : i32 to vector<16xi32>
        %and3A_456 = arith.andi %get3A_453, %and3A_455 : vector<16xi32>
        %add3A_457 = vector.broadcast %mul3A_0 : i32 to vector<16xi32>
        %add3A_458 = arith.addi %and3A_456, %add3A_457 : vector<16xi32>
        %swap3A_459 = arith.constant 0 : index
        %swap3A_460 = tpu.vector_load %arg8[%swap3A_459] {strides = array<i32>} : memref<80xi32, #tpu.memory_space<vmem>>, vector<16xi32>,
        %swap3A_461 = vector.shape_cast %swap3A_460 : vector<16xi32> to vector<16xi32>
        %swap3A_462 = vector.shape_cast %add3A_458 : vector<16xi32> to vector<16xi32>
        tpu.vector_store %arg8[%swap3A_459], %swap3A_462 {strides = array<i32>} : memref<80xi32, #tpu.memory_space<vmem>>, vector<16xi32>,
        %shift_right_logical3A_463 = arith.constant 16 : i32
        %shift_right_logical3A_464 = vector.broadcast %shift_right_logical3A_463 : i32 to vector<16xi32>
        %shift_right_logical3A_465 = arith.shrui %get3A_453, %shift_right_logical3A_464 : vector<16xi32>
        %swap3A_466 = arith.constant 0 : index
        %swap3A_467 = tpu.vector_load %arg11[%swap3A_466] {strides = array<i32>} : memref<80xi32, #tpu.memory_space<vmem>>, vector<16xi32>,
        %swap3A_468 = vector.shape_cast %swap3A_467 : vector<16xi32> to vector<16xi32>
        %swap3A_469 = vector.shape_cast %shift_right_logical3A_465 : vector<16xi32> to vector<16xi32>
        tpu.vector_store %arg11[%swap3A_466], %swap3A_469 {strides = array<i32>} : memref<80xi32, #tpu.memory_space<vmem>>, vector<16xi32>,
        %get3A_470 = arith.index_cast %add3A_449 : i32 to index
        %get3A_471 = arith.constant 16 : index
        %get3A_472 = tpu.vector_load %arg5[%get3A_470, %get3A_471] {strides = array<i32>} : memref<125x80xi32, #tpu.memory_space<vmem>>, vector<1x16xi32>,
        %get3A_473 = vector.shape_cast %get3A_472 : vector<1x16xi32> to vector<16xi32>
        %and3A_474 = arith.constant 65535 : i32
        %and3A_475 = vector.broadcast %and3A_474 : i32 to vector<16xi32>
        %and3A_476 = arith.andi %get3A_473, %and3A_475 : vector<16xi32>
        %add3A_477 = vector.broadcast %mul3A_0 : i32 to vector<16xi32>
        %add3A_478 = arith.addi %and3A_476, %add3A_477 : vector<16xi32>
        %swap3A_479 = arith.constant 16 : index
        %swap3A_480 = tpu.vector_load %arg8[%swap3A_479] {strides = array<i32>} : memref<80xi32, #tpu.memory_space<vmem>>, vector<16xi32>,
        %swap3A_481 = vector.shape_cast %swap3A_480 : vector<16xi32> to vector<16xi32>
        %swap3A_482 = vector.shape_cast %add3A_478 : vector<16xi32> to vector<16xi32>
        tpu.vector_store %arg8[%swap3A_479], %swap3A_482 {strides = array<i32>} : memref<80xi32, #tpu.memory_space<vmem>>, vector<16xi32>,
        %shift_right_logical3A_483 = arith.constant 16 : i32
        %shift_right_logical3A_484 = vector.broadcast %shift_right_logical3A_483 : i32 to vector<16xi32>
        %shift_right_logical3A_485 = arith.shrui %get3A_473, %shift_right_logical3A_484 : vector<16xi32>
        %swap3A_486 = arith.constant 16 : index
        %swap3A_487 = tpu.vector_load %arg11[%swap3A_486] {strides = array<i32>} : memref<80xi32, #tpu.memory_space<vmem>>, vector<16xi32>,
        %swap3A_488 = vector.shape_cast %swap3A_487 : vector<16xi32> to vector<16xi32>
        %swap3A_489 = vector.shape_cast %shift_right_logical3A_485 : vector<16xi32> to vector<16xi32>
        tpu.vector_store %arg11[%swap3A_486], %swap3A_489 {strides = array<i32>} : memref<80xi32, #tpu.memory_space<vmem>>, vector<16xi32>,
        %get3A_490 = arith.index_cast %add3A_449 : i32 to index
        %get3A_491 = arith.constant 32 : index
        %get3A_492 = tpu.vector_load %arg5[%get3A_490, %get3A_491] {strides = array<i32>} : memref<125x80xi32, #tpu.memory_space<vmem>>, vector<1x16xi32>,
        %get3A_493 = vector.shape_cast %get3A_492 : vector<1x16xi32> to vector<16xi32>
        %and3A_494 = arith.constant 65535 : i32
        %and3A_495 = vector.broadcast %and3A_494 : i32 to vector<16xi32>
        %and3A_496 = arith.andi %get3A_493, %and3A_495 : vector<16xi32>
        %add3A_497 = vector.broadcast %mul3A_0 : i32 to vector<16xi32>
        %add3A_498 = arith.addi %and3A_496, %add3A_497 : vector<16xi32>
        %swap3A_499 = arith.constant 32 : index
        %swap3A_500 = tpu.vector_load %arg8[%swap3A_499] {strides = array<i32>} : memref<80xi32, #tpu.memory_space<vmem>>, vector<16xi32>,
        %swap3A_501 = vector.shape_cast %swap3A_500 : vector<16xi32> to vector<16xi32>
        %swap3A_502 = vector.shape_cast %add3A_498 : vector<16xi32> to vector<16xi32>
        tpu.vector_store %arg8[%swap3A_499], %swap3A_502 {strides = array<i32>} : memref<80xi32, #tpu.memory_space<vmem>>, vector<16xi32>,
        %shift_right_logical3A_503 = arith.constant 16 : i32
        %shift_right_logical3A_504 = vector.broadcast %shift_right_logical3A_503 : i32 to vector<16xi32>
        %shift_right_logical3A_505 = arith.shrui %get3A_493, %shift_right_logical3A_504 : vector<16xi32>
        %swap3A_506 = arith.constant 32 : index
        %swap3A_507 = tpu.vector_load %arg11[%swap3A_506] {strides = array<i32>} : memref<80xi32, #tpu.memory_space<vmem>>, vector<16xi32>,
        %swap3A_508 = vector.shape_cast %swap3A_507 : vector<16xi32> to vector<16xi32>
        %swap3A_509 = vector.shape_cast %shift_right_logical3A_505 : vector<16xi32> to vector<16xi32>
        tpu.vector_store %arg11[%swap3A_506], %swap3A_509 {strides = array<i32>} : memref<80xi32, #tpu.memory_space<vmem>>, vector<16xi32>,
        %get3A_510 = arith.index_cast %add3A_449 : i32 to index
        %get3A_511 = arith.constant 48 : index
        %get3A_512 = tpu.vector_load %arg5[%get3A_510, %get3A_511] {strides = array<i32>} : memref<125x80xi32, #tpu.memory_space<vmem>>, vector<1x16xi32>,
        %get3A_513 = vector.shape_cast %get3A_512 : vector<1x16xi32> to vector<16xi32>
        %and3A_514 = arith.constant 65535 : i32
        %and3A_515 = vector.broadcast %and3A_514 : i32 to vector<16xi32>
        %and3A_516 = arith.andi %get3A_513, %and3A_515 : vector<16xi32>
        %add3A_517 = vector.broadcast %mul3A_0 : i32 to vector<16xi32>
        %add3A_518 = arith.addi %and3A_516, %add3A_517 : vector<16xi32>
        %swap3A_519 = arith.constant 48 : index
        %swap3A_520 = tpu.vector_load %arg8[%swap3A_519] {strides = array<i32>} : memref<80xi32, #tpu.memory_space<vmem>>, vector<16xi32>,
        %swap3A_521 = vector.shape_cast %swap3A_520 : vector<16xi32> to vector<16xi32>
        %swap3A_522 = vector.shape_cast %add3A_518 : vector<16xi32> to vector<16xi32>
        tpu.vector_store %arg8[%swap3A_519], %swap3A_522 {strides = array<i32>} : memref<80xi32, #tpu.memory_space<vmem>>, vector<16xi32>,
        %shift_right_logical3A_523 = arith.constant 16 : i32
        %shift_right_logical3A_524 = vector.broadcast %shift_right_logical3A_523 : i32 to vector<16xi32>
        %shift_right_logical3A_525 = arith.shrui %get3A_513, %shift_right_logical3A_524 : vector<16xi32>
        %swap3A_526 = arith.constant 48 : index
        %swap3A_527 = tpu.vector_load %arg11[%swap3A_526] {strides = array<i32>} : memref<80xi32, #tpu.memory_space<vmem>>, vector<16xi32>,
        %swap3A_528 = vector.shape_cast %swap3A_527 : vector<16xi32> to vector<16xi32>
        %swap3A_529 = vector.shape_cast %shift_right_logical3A_525 : vector<16xi32> to vector<16xi32>
        tpu.vector_store %arg11[%swap3A_526], %swap3A_529 {strides = array<i32>} : memref<80xi32, #tpu.memory_space<vmem>>, vector<16xi32>,
        %get3A_530 = arith.index_cast %add3A_449 : i32 to index
        %get3A_531 = arith.constant 64 : index
        %get3A_532 = tpu.vector_load %arg5[%get3A_530, %get3A_531] {strides = array<i32>} : memref<125x80xi32, #tpu.memory_space<vmem>>, vector<1x16xi32>,
        %get3A_533 = vector.shape_cast %get3A_532 : vector<1x16xi32> to vector<16xi32>
        %and3A_534 = arith.constant 65535 : i32
        %and3A_535 = vector.broadcast %and3A_534 : i32 to vector<16xi32>
        %and3A_536 = arith.andi %get3A_533, %and3A_535 : vector<16xi32>
        %add3A_537 = vector.broadcast %mul3A_0 : i32 to vector<16xi32>
        %add3A_538 = arith.addi %and3A_536, %add3A_537 : vector<16xi32>
        %swap3A_539 = arith.constant 64 : index
        %swap3A_540 = tpu.vector_load %arg8[%swap3A_539] {strides = array<i32>} : memref<80xi32, #tpu.memory_space<vmem>>, vector<16xi32>,
        %swap3A_541 = vector.shape_cast %swap3A_540 : vector<16xi32> to vector<16xi32>
        %swap3A_542 = vector.shape_cast %add3A_538 : vector<16xi32> to vector<16xi32>
        tpu.vector_store %arg8[%swap3A_539], %swap3A_542 {strides = array<i32>} : memref<80xi32, #tpu.memory_space<vmem>>, vector<16xi32>,
        %shift_right_logical3A_543 = arith.constant 16 : i32
        %shift_right_logical3A_544 = vector.broadcast %shift_right_logical3A_543 : i32 to vector<16xi32>
        %shift_right_logical3A_545 = arith.shrui %get3A_533, %shift_right_logical3A_544 : vector<16xi32>
        %swap3A_546 = arith.constant 64 : index
        %swap3A_547 = tpu.vector_load %arg11[%swap3A_546] {strides = array<i32>} : memref<80xi32, #tpu.memory_space<vmem>>, vector<16xi32>,
        %swap3A_548 = vector.shape_cast %swap3A_547 : vector<16xi32> to vector<16xi32>
        %swap3A_549 = vector.shape_cast %shift_right_logical3A_545 : vector<16xi32> to vector<16xi32>
        tpu.vector_store %arg11[%swap3A_546], %swap3A_549 {strides = array<i32>} : memref<80xi32, #tpu.memory_space<vmem>>, vector<16xi32>,
        %dma_start3A_550 = arith.constant 0 : i32
        %dma_start3A_551 = arith.constant 0 : i32
        %dma_start3A_552 = tpu.memref_slice %arg2[%dma_start3A_550, %dma_start3A_551] : memref<20480x128xf32, #tpu.memory_space<hbm>> -> memref<20480x128xf32, #tpu.memory_space<hbm>>
        tpu.enqueue_indirect_dma source(%dma_start3A_552 : memref<20480x128xf32, #tpu.memory_space<hbm>>) target(%arg14 : memref<80x128xf32, #tpu.memory_space<vmem>>) offsets(%arg8 : memref<80xi32, #tpu.memory_space<vmem>>) semaphore(%arg18 : memref<!tpu.dma_semaphore, #tpu.memory_space<semaphore_mem>>)
      } else {
      }
    }
    %scan3A_361 = arith.constant 41 : i32
    %dma_wait3A = arith.constant 0 : i32
    %dma_wait3A_362 = arith.constant 0 : i32
    %dma_wait3A_363 = tpu.memref_slice %arg2[%dma_wait3A, %dma_wait3A_362] : memref<20480x128xf32, #tpu.memory_space<hbm>> -> memref<20480x128xf32, #tpu.memory_space<hbm>>
    tpu.wait_indirect_dma semaphore(%arg16 : memref<!tpu.dma_semaphore, #tpu.memory_space<semaphore_mem>>) src(%dma_wait3A_363 : memref<20480x128xf32, #tpu.memory_space<hbm>>) dst(%arg12 : memref<80x128xf32, #tpu.memory_space<vmem>>)
    "tpu.region"() ({
      %run_scoped3A = tpu.sem_alloc : memref<!tpu.dma_semaphore, #tpu.memory_space<semaphore_mem>>
      %dma_start3A_408 = arith.constant 0 : i32
      %dma_start3A_409 = arith.constant 0 : i32
      %dma_start3A_410 = tpu.memref_slice %arg15[%dma_start3A_408, %dma_start3A_409] : memref<10240x128xf32, #tpu.memory_space<vmem_shared>> -> memref<10240x128xf32, #tpu.memory_space<vmem_shared>>
      tpu.enqueue_indirect_dma source(%arg12 : memref<80x128xf32, #tpu.memory_space<vmem>>) target(%dma_start3A_410 : memref<10240x128xf32, #tpu.memory_space<vmem_shared>>) offsets(%arg9 : memref<80xi32, #tpu.memory_space<vmem>>) semaphore(%run_scoped3A : memref<!tpu.dma_semaphore, #tpu.memory_space<semaphore_mem>>) {add = true}
      %dma_wait3A_411 = arith.constant 0 : i32
      %dma_wait3A_412 = arith.constant 0 : i32
      %dma_wait3A_413 = tpu.memref_slice %arg15[%dma_wait3A_411, %dma_wait3A_412] : memref<10240x128xf32, #tpu.memory_space<vmem_shared>> -> memref<10240x128xf32, #tpu.memory_space<vmem_shared>>
      tpu.wait_indirect_dma semaphore(%run_scoped3A : memref<!tpu.dma_semaphore, #tpu.memory_space<semaphore_mem>>) src(%arg12 : memref<80x128xf32, #tpu.memory_space<vmem>>) dst(%dma_wait3A_413 : memref<10240x128xf32, #tpu.memory_space<vmem_shared>>)
      tpu.yield
    }) : () -> ()
    %dma_wait3A_364 = arith.constant 0 : i32
    %dma_wait3A_365 = arith.constant 0 : i32
    %dma_wait3A_366 = tpu.memref_slice %arg2[%dma_wait3A_364, %dma_wait3A_365] : memref<20480x128xf32, #tpu.memory_space<hbm>> -> memref<20480x128xf32, #tpu.memory_space<hbm>>
    tpu.wait_indirect_dma semaphore(%arg17 : memref<!tpu.dma_semaphore, #tpu.memory_space<semaphore_mem>>) src(%dma_wait3A_366 : memref<20480x128xf32, #tpu.memory_space<hbm>>) dst(%arg13 : memref<80x128xf32, #tpu.memory_space<vmem>>)
    "tpu.region"() ({
      %run_scoped3A = tpu.sem_alloc : memref<!tpu.dma_semaphore, #tpu.memory_space<semaphore_mem>>
      %dma_start3A_408 = arith.constant 0 : i32
      %dma_start3A_409 = arith.constant 0 : i32
      %dma_start3A_410 = tpu.memref_slice %arg15[%dma_start3A_408, %dma_start3A_409] : memref<10240x128xf32, #tpu.memory_space<vmem_shared>> -> memref<10240x128xf32, #tpu.memory_space<vmem_shared>>
      tpu.enqueue_indirect_dma source(%arg13 : memref<80x128xf32, #tpu.memory_space<vmem>>) target(%dma_start3A_410 : memref<10240x128xf32, #tpu.memory_space<vmem_shared>>) offsets(%arg10 : memref<80xi32, #tpu.memory_space<vmem>>) semaphore(%run_scoped3A : memref<!tpu.dma_semaphore, #tpu.memory_space<semaphore_mem>>) {add = true}
      %dma_wait3A_411 = arith.constant 0 : i32
      %dma_wait3A_412 = arith.constant 0 : i32
      %dma_wait3A_413 = tpu.memref_slice %arg15[%dma_wait3A_411, %dma_wait3A_412] : memref<10240x128xf32, #tpu.memory_space<vmem_shared>> -> memref<10240x128xf32, #tpu.memory_space<vmem_shared>>
      tpu.wait_indirect_dma semaphore(%run_scoped3A : memref<!tpu.dma_semaphore, #tpu.memory_space<semaphore_mem>>) src(%arg13 : memref<80x128xf32, #tpu.memory_space<vmem>>) dst(%dma_wait3A_413 : memref<10240x128xf32, #tpu.memory_space<vmem_shared>>)
      tpu.yield
    }) : () -> ()
    %barrier3A_367 = arith.constant 0 : index
    tpu.barrier barrier_id(%barrier3A_367)
    %mul3A_368 = arith.constant 640 : i32
    %mul3A_369 = arith.muli %arg1, %mul3A_368 : i32
    %add3A_370 = arith.constant 0 : i32
    %add3A_371 = arith.addi %mul3A_369, %add3A_370 : i32
    "tpu.region"() ({
      %run_scoped3A = tpu.sem_alloc : memref<!tpu.dma_semaphore, #tpu.memory_space<semaphore_mem>>
      %dma_start3A_408 = arith.constant 0 : i32
      %dma_start3A_409 = tpu.memref_slice %arg15[%add3A_371, %dma_start3A_408] : memref<10240x128xf32, #tpu.memory_space<vmem_shared>> -> memref<80x128xf32, #tpu.memory_space<vmem_shared>>
      %dma_start3A_410 = arith.constant 0 : i32
      %dma_start3A_411 = tpu.memref_slice %arg15[%add3A_371, %dma_start3A_410] : memref<10240x128xf32, #tpu.memory_space<vmem_shared>> -> memref<80x128xf32, #tpu.memory_space<vmem_shared>>
      tpu.enqueue_dma source(%dma_start3A_411 : memref<80x128xf32, #tpu.memory_space<vmem_shared>>) target(%arg12 : memref<80x128xf32, #tpu.memory_space<vmem>>) target_semaphore(%run_scoped3A : memref<!tpu.dma_semaphore, #tpu.memory_space<semaphore_mem>>)
      %dma_wait3A_412 = arith.constant 0 : i32
      %dma_wait3A_413 = tpu.memref_slice %arg15[%add3A_371, %dma_wait3A_412] : memref<10240x128xf32, #tpu.memory_space<vmem_shared>> -> memref<80x128xf32, #tpu.memory_space<vmem_shared>>
      %dma_wait3A_414 = arith.constant 0 : i32
      %dma_wait3A_415 = tpu.memref_slice %arg15[%add3A_371, %dma_wait3A_414] : memref<10240x128xf32, #tpu.memory_space<vmem_shared>> -> memref<80x128xf32, #tpu.memory_space<vmem_shared>>
      tpu.wait_dma2 semaphore(%run_scoped3A : memref<!tpu.dma_semaphore, #tpu.memory_space<semaphore_mem>>) src(%dma_wait3A_415 : memref<80x128xf32, #tpu.memory_space<vmem_shared>>) dst(%arg12 : memref<80x128xf32, #tpu.memory_space<vmem>>)
      tpu.yield
    }) : () -> ()
    %add3A_372 = arith.addi %mul3A_0, %add3A_371 : i32
    "tpu.region"() ({
      %run_scoped3A = tpu.sem_alloc : memref<!tpu.dma_semaphore, #tpu.memory_space<semaphore_mem>>
      %dma_start3A_408 = arith.constant 0 : i32
      %dma_start3A_409 = tpu.memref_slice %arg4[%add3A_372, %dma_start3A_408] : memref<20480x128xf32, #tpu.memory_space<hbm>> -> memref<80x128xf32, #tpu.memory_space<hbm>>
      %dma_start3A_410 = arith.constant 0 : i32
      %dma_start3A_411 = tpu.memref_slice %arg4[%add3A_372, %dma_start3A_410] : memref<20480x128xf32, #tpu.memory_space<hbm>> -> memref<80x128xf32, #tpu.memory_space<hbm>>
      tpu.enqueue_dma source(%arg12 : memref<80x128xf32, #tpu.memory_space<vmem>>) target(%dma_start3A_411 : memref<80x128xf32, #tpu.memory_space<hbm>>) target_semaphore(%run_scoped3A : memref<!tpu.dma_semaphore, #tpu.memory_space<semaphore_mem>>)
      %dma_wait3A_412 = arith.constant 0 : i32
      %dma_wait3A_413 = tpu.memref_slice %arg4[%add3A_372, %dma_wait3A_412] : memref<20480x128xf32, #tpu.memory_space<hbm>> -> memref<80x128xf32, #tpu.memory_space<hbm>>
      %dma_wait3A_414 = arith.constant 0 : i32
      %dma_wait3A_415 = tpu.memref_slice %arg4[%add3A_372, %dma_wait3A_414] : memref<20480x128xf32, #tpu.memory_space<hbm>> -> memref<80x128xf32, #tpu.memory_space<hbm>>
      tpu.wait_dma2 semaphore(%run_scoped3A : memref<!tpu.dma_semaphore, #tpu.memory_space<semaphore_mem>>) src(%arg12 : memref<80x128xf32, #tpu.memory_space<vmem>>) dst(%dma_wait3A_415 : memref<80x128xf32, #tpu.memory_space<hbm>>)
      tpu.yield
    }) : () -> ()
    %mul3A_373 = arith.constant 640 : i32
    %mul3A_374 = arith.muli %arg1, %mul3A_373 : i32
    %add3A_375 = arith.constant 80 : i32
    %add3A_376 = arith.addi %mul3A_374, %add3A_375 : i32
    "tpu.region"() ({
      %run_scoped3A = tpu.sem_alloc : memref<!tpu.dma_semaphore, #tpu.memory_space<semaphore_mem>>
      %dma_start3A_408 = arith.constant 0 : i32
      %dma_start3A_409 = tpu.memref_slice %arg15[%add3A_376, %dma_start3A_408] : memref<10240x128xf32, #tpu.memory_space<vmem_shared>> -> memref<80x128xf32, #tpu.memory_space<vmem_shared>>
      %dma_start3A_410 = arith.constant 0 : i32
      %dma_start3A_411 = tpu.memref_slice %arg15[%add3A_376, %dma_start3A_410] : memref<10240x128xf32, #tpu.memory_space<vmem_shared>> -> memref<80x128xf32, #tpu.memory_space<vmem_shared>>
      tpu.enqueue_dma source(%dma_start3A_411 : memref<80x128xf32, #tpu.memory_space<vmem_shared>>) target(%arg12 : memref<80x128xf32, #tpu.memory_space<vmem>>) target_semaphore(%run_scoped3A : memref<!tpu.dma_semaphore, #tpu.memory_space<semaphore_mem>>)
      %dma_wait3A_412 = arith.constant 0 : i32
      %dma_wait3A_413 = tpu.memref_slice %arg15[%add3A_376, %dma_wait3A_412] : memref<10240x128xf32, #tpu.memory_space<vmem_shared>> -> memref<80x128xf32, #tpu.memory_space<vmem_shared>>
      %dma_wait3A_414 = arith.constant 0 : i32
      %dma_wait3A_415 = tpu.memref_slice %arg15[%add3A_376, %dma_wait3A_414] : memref<10240x128xf32, #tpu.memory_space<vmem_shared>> -> memref<80x128xf32, #tpu.memory_space<vmem_shared>>
      tpu.wait_dma2 semaphore(%run_scoped3A : memref<!tpu.dma_semaphore, #tpu.memory_space<semaphore_mem>>) src(%dma_wait3A_415 : memref<80x128xf32, #tpu.memory_space<vmem_shared>>) dst(%arg12 : memref<80x128xf32, #tpu.memory_space<vmem>>)
      tpu.yield
    }) : () -> ()
    %add3A_377 = arith.addi %mul3A_0, %add3A_376 : i32
    "tpu.region"() ({
      %run_scoped3A = tpu.sem_alloc : memref<!tpu.dma_semaphore, #tpu.memory_space<semaphore_mem>>
      %dma_start3A_408 = arith.constant 0 : i32
      %dma_start3A_409 = tpu.memref_slice %arg4[%add3A_377, %dma_start3A_408] : memref<20480x128xf32, #tpu.memory_space<hbm>> -> memref<80x128xf32, #tpu.memory_space<hbm>>
      %dma_start3A_410 = arith.constant 0 : i32
      %dma_start3A_411 = tpu.memref_slice %arg4[%add3A_377, %dma_start3A_410] : memref<20480x128xf32, #tpu.memory_space<hbm>> -> memref<80x128xf32, #tpu.memory_space<hbm>>
      tpu.enqueue_dma source(%arg12 : memref<80x128xf32, #tpu.memory_space<vmem>>) target(%dma_start3A_411 : memref<80x128xf32, #tpu.memory_space<hbm>>) target_semaphore(%run_scoped3A : memref<!tpu.dma_semaphore, #tpu.memory_space<semaphore_mem>>)
      %dma_wait3A_412 = arith.constant 0 : i32
      %dma_wait3A_413 = tpu.memref_slice %arg4[%add3A_377, %dma_wait3A_412] : memref<20480x128xf32, #tpu.memory_space<hbm>> -> memref<80x128xf32, #tpu.memory_space<hbm>>
      %dma_wait3A_414 = arith.constant 0 : i32
      %dma_wait3A_415 = tpu.memref_slice %arg4[%add3A_377, %dma_wait3A_414] : memref<20480x128xf32, #tpu.memory_space<hbm>> -> memref<80x128xf32, #tpu.memory_space<hbm>>
      tpu.wait_dma2 semaphore(%run_scoped3A : memref<!tpu.dma_semaphore, #tpu.memory_space<semaphore_mem>>) src(%arg12 : memref<80x128xf32, #tpu.memory_space<vmem>>) dst(%dma_wait3A_415 : memref<80x128xf32, #tpu.memory_space<hbm>>)
      tpu.yield
    }) : () -> ()
    %mul3A_378 = arith.constant 640 : i32
    %mul3A_379 = arith.muli %arg1, %mul3A_378 : i32
    %add3A_380 = arith.constant 160 : i32
    %add3A_381 = arith.addi %mul3A_379, %add3A_380 : i32
    "tpu.region"() ({
      %run_scoped3A = tpu.sem_alloc : memref<!tpu.dma_semaphore, #tpu.memory_space<semaphore_mem>>
      %dma_start3A_408 = arith.constant 0 : i32
      %dma_start3A_409 = tpu.memref_slice %arg15[%add3A_381, %dma_start3A_408] : memref<10240x128xf32, #tpu.memory_space<vmem_shared>> -> memref<80x128xf32, #tpu.memory_space<vmem_shared>>
      %dma_start3A_410 = arith.constant 0 : i32
      %dma_start3A_411 = tpu.memref_slice %arg15[%add3A_381, %dma_start3A_410] : memref<10240x128xf32, #tpu.memory_space<vmem_shared>> -> memref<80x128xf32, #tpu.memory_space<vmem_shared>>
      tpu.enqueue_dma source(%dma_start3A_411 : memref<80x128xf32, #tpu.memory_space<vmem_shared>>) target(%arg12 : memref<80x128xf32, #tpu.memory_space<vmem>>) target_semaphore(%run_scoped3A : memref<!tpu.dma_semaphore, #tpu.memory_space<semaphore_mem>>)
      %dma_wait3A_412 = arith.constant 0 : i32
      %dma_wait3A_413 = tpu.memref_slice %arg15[%add3A_381, %dma_wait3A_412] : memref<10240x128xf32, #tpu.memory_space<vmem_shared>> -> memref<80x128xf32, #tpu.memory_space<vmem_shared>>
      %dma_wait3A_414 = arith.constant 0 : i32
      %dma_wait3A_415 = tpu.memref_slice %arg15[%add3A_381, %dma_wait3A_414] : memref<10240x128xf32, #tpu.memory_space<vmem_shared>> -> memref<80x128xf32, #tpu.memory_space<vmem_shared>>
      tpu.wait_dma2 semaphore(%run_scoped3A : memref<!tpu.dma_semaphore, #tpu.memory_space<semaphore_mem>>) src(%dma_wait3A_415 : memref<80x128xf32, #tpu.memory_space<vmem_shared>>) dst(%arg12 : memref<80x128xf32, #tpu.memory_space<vmem>>)
      tpu.yield
    }) : () -> ()
    %add3A_382 = arith.addi %mul3A_0, %add3A_381 : i32
    "tpu.region"() ({
      %run_scoped3A = tpu.sem_alloc : memref<!tpu.dma_semaphore, #tpu.memory_space<semaphore_mem>>
      %dma_start3A_408 = arith.constant 0 : i32
      %dma_start3A_409 = tpu.memref_slice %arg4[%add3A_382, %dma_start3A_408] : memref<20480x128xf32, #tpu.memory_space<hbm>> -> memref<80x128xf32, #tpu.memory_space<hbm>>
      %dma_start3A_410 = arith.constant 0 : i32
      %dma_start3A_411 = tpu.memref_slice %arg4[%add3A_382, %dma_start3A_410] : memref<20480x128xf32, #tpu.memory_space<hbm>> -> memref<80x128xf32, #tpu.memory_space<hbm>>
      tpu.enqueue_dma source(%arg12 : memref<80x128xf32, #tpu.memory_space<vmem>>) target(%dma_start3A_411 : memref<80x128xf32, #tpu.memory_space<hbm>>) target_semaphore(%run_scoped3A : memref<!tpu.dma_semaphore, #tpu.memory_space<semaphore_mem>>)
      %dma_wait3A_412 = arith.constant 0 : i32
      %dma_wait3A_413 = tpu.memref_slice %arg4[%add3A_382, %dma_wait3A_412] : memref<20480x128xf32, #tpu.memory_space<hbm>> -> memref<80x128xf32, #tpu.memory_space<hbm>>
      %dma_wait3A_414 = arith.constant 0 : i32
      %dma_wait3A_415 = tpu.memref_slice %arg4[%add3A_382, %dma_wait3A_414] : memref<20480x128xf32, #tpu.memory_space<hbm>> -> memref<80x128xf32, #tpu.memory_space<hbm>>
      tpu.wait_dma2 semaphore(%run_scoped3A : memref<!tpu.dma_semaphore, #tpu.memory_space<semaphore_mem>>) src(%arg12 : memref<80x128xf32, #tpu.memory_space<vmem>>) dst(%dma_wait3A_415 : memref<80x128xf32, #tpu.memory_space<hbm>>)
      tpu.yield
    }) : () -> ()
    %mul3A_383 = arith.constant 640 : i32
    %mul3A_384 = arith.muli %arg1, %mul3A_383 : i32
    %add3A_385 = arith.constant 240 : i32
    %add3A_386 = arith.addi %mul3A_384, %add3A_385 : i32
    "tpu.region"() ({
      %run_scoped3A = tpu.sem_alloc : memref<!tpu.dma_semaphore, #tpu.memory_space<semaphore_mem>>
      %dma_start3A_408 = arith.constant 0 : i32
      %dma_start3A_409 = tpu.memref_slice %arg15[%add3A_386, %dma_start3A_408] : memref<10240x128xf32, #tpu.memory_space<vmem_shared>> -> memref<80x128xf32, #tpu.memory_space<vmem_shared>>
      %dma_start3A_410 = arith.constant 0 : i32
      %dma_start3A_411 = tpu.memref_slice %arg15[%add3A_386, %dma_start3A_410] : memref<10240x128xf32, #tpu.memory_space<vmem_shared>> -> memref<80x128xf32, #tpu.memory_space<vmem_shared>>
      tpu.enqueue_dma source(%dma_start3A_411 : memref<80x128xf32, #tpu.memory_space<vmem_shared>>) target(%arg12 : memref<80x128xf32, #tpu.memory_space<vmem>>) target_semaphore(%run_scoped3A : memref<!tpu.dma_semaphore, #tpu.memory_space<semaphore_mem>>)
      %dma_wait3A_412 = arith.constant 0 : i32
      %dma_wait3A_413 = tpu.memref_slice %arg15[%add3A_386, %dma_wait3A_412] : memref<10240x128xf32, #tpu.memory_space<vmem_shared>> -> memref<80x128xf32, #tpu.memory_space<vmem_shared>>
      %dma_wait3A_414 = arith.constant 0 : i32
      %dma_wait3A_415 = tpu.memref_slice %arg15[%add3A_386, %dma_wait3A_414] : memref<10240x128xf32, #tpu.memory_space<vmem_shared>> -> memref<80x128xf32, #tpu.memory_space<vmem_shared>>
      tpu.wait_dma2 semaphore(%run_scoped3A : memref<!tpu.dma_semaphore, #tpu.memory_space<semaphore_mem>>) src(%dma_wait3A_415 : memref<80x128xf32, #tpu.memory_space<vmem_shared>>) dst(%arg12 : memref<80x128xf32, #tpu.memory_space<vmem>>)
      tpu.yield
    }) : () -> ()
    %add3A_387 = arith.addi %mul3A_0, %add3A_386 : i32
    "tpu.region"() ({
      %run_scoped3A = tpu.sem_alloc : memref<!tpu.dma_semaphore, #tpu.memory_space<semaphore_mem>>
      %dma_start3A_408 = arith.constant 0 : i32
      %dma_start3A_409 = tpu.memref_slice %arg4[%add3A_387, %dma_start3A_408] : memref<20480x128xf32, #tpu.memory_space<hbm>> -> memref<80x128xf32, #tpu.memory_space<hbm>>
      %dma_start3A_410 = arith.constant 0 : i32
      %dma_start3A_411 = tpu.memref_slice %arg4[%add3A_387, %dma_start3A_410] : memref<20480x128xf32, #tpu.memory_space<hbm>> -> memref<80x128xf32, #tpu.memory_space<hbm>>
      tpu.enqueue_dma source(%arg12 : memref<80x128xf32, #tpu.memory_space<vmem>>) target(%dma_start3A_411 : memref<80x128xf32, #tpu.memory_space<hbm>>) target_semaphore(%run_scoped3A : memref<!tpu.dma_semaphore, #tpu.memory_space<semaphore_mem>>)
      %dma_wait3A_412 = arith.constant 0 : i32
      %dma_wait3A_413 = tpu.memref_slice %arg4[%add3A_387, %dma_wait3A_412] : memref<20480x128xf32, #tpu.memory_space<hbm>> -> memref<80x128xf32, #tpu.memory_space<hbm>>
      %dma_wait3A_414 = arith.constant 0 : i32
      %dma_wait3A_415 = tpu.memref_slice %arg4[%add3A_387, %dma_wait3A_414] : memref<20480x128xf32, #tpu.memory_space<hbm>> -> memref<80x128xf32, #tpu.memory_space<hbm>>
      tpu.wait_dma2 semaphore(%run_scoped3A : memref<!tpu.dma_semaphore, #tpu.memory_space<semaphore_mem>>) src(%arg12 : memref<80x128xf32, #tpu.memory_space<vmem>>) dst(%dma_wait3A_415 : memref<80x128xf32, #tpu.memory_space<hbm>>)
      tpu.yield
    }) : () -> ()
    %mul3A_388 = arith.constant 640 : i32
    %mul3A_389 = arith.muli %arg1, %mul3A_388 : i32
    %add3A_390 = arith.constant 320 : i32
    %add3A_391 = arith.addi %mul3A_389, %add3A_390 : i32
    "tpu.region"() ({
      %run_scoped3A = tpu.sem_alloc : memref<!tpu.dma_semaphore, #tpu.memory_space<semaphore_mem>>
      %dma_start3A_408 = arith.constant 0 : i32
      %dma_start3A_409 = tpu.memref_slice %arg15[%add3A_391, %dma_start3A_408] : memref<10240x128xf32, #tpu.memory_space<vmem_shared>> -> memref<80x128xf32, #tpu.memory_space<vmem_shared>>
      %dma_start3A_410 = arith.constant 0 : i32
      %dma_start3A_411 = tpu.memref_slice %arg15[%add3A_391, %dma_start3A_410] : memref<10240x128xf32, #tpu.memory_space<vmem_shared>> -> memref<80x128xf32, #tpu.memory_space<vmem_shared>>
      tpu.enqueue_dma source(%dma_start3A_411 : memref<80x128xf32, #tpu.memory_space<vmem_shared>>) target(%arg12 : memref<80x128xf32, #tpu.memory_space<vmem>>) target_semaphore(%run_scoped3A : memref<!tpu.dma_semaphore, #tpu.memory_space<semaphore_mem>>)
      %dma_wait3A_412 = arith.constant 0 : i32
      %dma_wait3A_413 = tpu.memref_slice %arg15[%add3A_391, %dma_wait3A_412] : memref<10240x128xf32, #tpu.memory_space<vmem_shared>> -> memref<80x128xf32, #tpu.memory_space<vmem_shared>>
      %dma_wait3A_414 = arith.constant 0 : i32
      %dma_wait3A_415 = tpu.memref_slice %arg15[%add3A_391, %dma_wait3A_414] : memref<10240x128xf32, #tpu.memory_space<vmem_shared>> -> memref<80x128xf32, #tpu.memory_space<vmem_shared>>
      tpu.wait_dma2 semaphore(%run_scoped3A : memref<!tpu.dma_semaphore, #tpu.memory_space<semaphore_mem>>) src(%dma_wait3A_415 : memref<80x128xf32, #tpu.memory_space<vmem_shared>>) dst(%arg12 : memref<80x128xf32, #tpu.memory_space<vmem>>)
      tpu.yield
    }) : () -> ()
    %add3A_392 = arith.addi %mul3A_0, %add3A_391 : i32
    "tpu.region"() ({
      %run_scoped3A = tpu.sem_alloc : memref<!tpu.dma_semaphore, #tpu.memory_space<semaphore_mem>>
      %dma_start3A_408 = arith.constant 0 : i32
      %dma_start3A_409 = tpu.memref_slice %arg4[%add3A_392, %dma_start3A_408] : memref<20480x128xf32, #tpu.memory_space<hbm>> -> memref<80x128xf32, #tpu.memory_space<hbm>>
      %dma_start3A_410 = arith.constant 0 : i32
      %dma_start3A_411 = tpu.memref_slice %arg4[%add3A_392, %dma_start3A_410] : memref<20480x128xf32, #tpu.memory_space<hbm>> -> memref<80x128xf32, #tpu.memory_space<hbm>>
      tpu.enqueue_dma source(%arg12 : memref<80x128xf32, #tpu.memory_space<vmem>>) target(%dma_start3A_411 : memref<80x128xf32, #tpu.memory_space<hbm>>) target_semaphore(%run_scoped3A : memref<!tpu.dma_semaphore, #tpu.memory_space<semaphore_mem>>)
      %dma_wait3A_412 = arith.constant 0 : i32
      %dma_wait3A_413 = tpu.memref_slice %arg4[%add3A_392, %dma_wait3A_412] : memref<20480x128xf32, #tpu.memory_space<hbm>> -> memref<80x128xf32, #tpu.memory_space<hbm>>
      %dma_wait3A_414 = arith.constant 0 : i32
      %dma_wait3A_415 = tpu.memref_slice %arg4[%add3A_392, %dma_wait3A_414] : memref<20480x128xf32, #tpu.memory_space<hbm>> -> memref<80x128xf32, #tpu.memory_space<hbm>>
      tpu.wait_dma2 semaphore(%run_scoped3A : memref<!tpu.dma_semaphore, #tpu.memory_space<semaphore_mem>>) src(%arg12 : memref<80x128xf32, #tpu.memory_space<vmem>>) dst(%dma_wait3A_415 : memref<80x128xf32, #tpu.memory_space<hbm>>)
      tpu.yield
    }) : () -> ()
    %mul3A_393 = arith.constant 640 : i32
    %mul3A_394 = arith.muli %arg1, %mul3A_393 : i32
    %add3A_395 = arith.constant 400 : i32
    %add3A_396 = arith.addi %mul3A_394, %add3A_395 : i32
    "tpu.region"() ({
      %run_scoped3A = tpu.sem_alloc : memref<!tpu.dma_semaphore, #tpu.memory_space<semaphore_mem>>
      %dma_start3A_408 = arith.constant 0 : i32
      %dma_start3A_409 = tpu.memref_slice %arg15[%add3A_396, %dma_start3A_408] : memref<10240x128xf32, #tpu.memory_space<vmem_shared>> -> memref<80x128xf32, #tpu.memory_space<vmem_shared>>
      %dma_start3A_410 = arith.constant 0 : i32
      %dma_start3A_411 = tpu.memref_slice %arg15[%add3A_396, %dma_start3A_410] : memref<10240x128xf32, #tpu.memory_space<vmem_shared>> -> memref<80x128xf32, #tpu.memory_space<vmem_shared>>
      tpu.enqueue_dma source(%dma_start3A_411 : memref<80x128xf32, #tpu.memory_space<vmem_shared>>) target(%arg12 : memref<80x128xf32, #tpu.memory_space<vmem>>) target_semaphore(%run_scoped3A : memref<!tpu.dma_semaphore, #tpu.memory_space<semaphore_mem>>)
      %dma_wait3A_412 = arith.constant 0 : i32
      %dma_wait3A_413 = tpu.memref_slice %arg15[%add3A_396, %dma_wait3A_412] : memref<10240x128xf32, #tpu.memory_space<vmem_shared>> -> memref<80x128xf32, #tpu.memory_space<vmem_shared>>
      %dma_wait3A_414 = arith.constant 0 : i32
      %dma_wait3A_415 = tpu.memref_slice %arg15[%add3A_396, %dma_wait3A_414] : memref<10240x128xf32, #tpu.memory_space<vmem_shared>> -> memref<80x128xf32, #tpu.memory_space<vmem_shared>>
      tpu.wait_dma2 semaphore(%run_scoped3A : memref<!tpu.dma_semaphore, #tpu.memory_space<semaphore_mem>>) src(%dma_wait3A_415 : memref<80x128xf32, #tpu.memory_space<vmem_shared>>) dst(%arg12 : memref<80x128xf32, #tpu.memory_space<vmem>>)
      tpu.yield
    }) : () -> ()
    %add3A_397 = arith.addi %mul3A_0, %add3A_396 : i32
    "tpu.region"() ({
      %run_scoped3A = tpu.sem_alloc : memref<!tpu.dma_semaphore, #tpu.memory_space<semaphore_mem>>
      %dma_start3A_408 = arith.constant 0 : i32
      %dma_start3A_409 = tpu.memref_slice %arg4[%add3A_397, %dma_start3A_408] : memref<20480x128xf32, #tpu.memory_space<hbm>> -> memref<80x128xf32, #tpu.memory_space<hbm>>
      %dma_start3A_410 = arith.constant 0 : i32
      %dma_start3A_411 = tpu.memref_slice %arg4[%add3A_397, %dma_start3A_410] : memref<20480x128xf32, #tpu.memory_space<hbm>> -> memref<80x128xf32, #tpu.memory_space<hbm>>
      tpu.enqueue_dma source(%arg12 : memref<80x128xf32, #tpu.memory_space<vmem>>) target(%dma_start3A_411 : memref<80x128xf32, #tpu.memory_space<hbm>>) target_semaphore(%run_scoped3A : memref<!tpu.dma_semaphore, #tpu.memory_space<semaphore_mem>>)
      %dma_wait3A_412 = arith.constant 0 : i32
      %dma_wait3A_413 = tpu.memref_slice %arg4[%add3A_397, %dma_wait3A_412] : memref<20480x128xf32, #tpu.memory_space<hbm>> -> memref<80x128xf32, #tpu.memory_space<hbm>>
      %dma_wait3A_414 = arith.constant 0 : i32
      %dma_wait3A_415 = tpu.memref_slice %arg4[%add3A_397, %dma_wait3A_414] : memref<20480x128xf32, #tpu.memory_space<hbm>> -> memref<80x128xf32, #tpu.memory_space<hbm>>
      tpu.wait_dma2 semaphore(%run_scoped3A : memref<!tpu.dma_semaphore, #tpu.memory_space<semaphore_mem>>) src(%arg12 : memref<80x128xf32, #tpu.memory_space<vmem>>) dst(%dma_wait3A_415 : memref<80x128xf32, #tpu.memory_space<hbm>>)
      tpu.yield
    }) : () -> ()
    %mul3A_398 = arith.constant 640 : i32
    %mul3A_399 = arith.muli %arg1, %mul3A_398 : i32
    %add3A_400 = arith.constant 480 : i32
    %add3A_401 = arith.addi %mul3A_399, %add3A_400 : i32
    "tpu.region"() ({
      %run_scoped3A = tpu.sem_alloc : memref<!tpu.dma_semaphore, #tpu.memory_space<semaphore_mem>>
      %dma_start3A_408 = arith.constant 0 : i32
      %dma_start3A_409 = tpu.memref_slice %arg15[%add3A_401, %dma_start3A_408] : memref<10240x128xf32, #tpu.memory_space<vmem_shared>> -> memref<80x128xf32, #tpu.memory_space<vmem_shared>>
      %dma_start3A_410 = arith.constant 0 : i32
      %dma_start3A_411 = tpu.memref_slice %arg15[%add3A_401, %dma_start3A_410] : memref<10240x128xf32, #tpu.memory_space<vmem_shared>> -> memref<80x128xf32, #tpu.memory_space<vmem_shared>>
      tpu.enqueue_dma source(%dma_start3A_411 : memref<80x128xf32, #tpu.memory_space<vmem_shared>>) target(%arg12 : memref<80x128xf32, #tpu.memory_space<vmem>>) target_semaphore(%run_scoped3A : memref<!tpu.dma_semaphore, #tpu.memory_space<semaphore_mem>>)
      %dma_wait3A_412 = arith.constant 0 : i32
      %dma_wait3A_413 = tpu.memref_slice %arg15[%add3A_401, %dma_wait3A_412] : memref<10240x128xf32, #tpu.memory_space<vmem_shared>> -> memref<80x128xf32, #tpu.memory_space<vmem_shared>>
      %dma_wait3A_414 = arith.constant 0 : i32
      %dma_wait3A_415 = tpu.memref_slice %arg15[%add3A_401, %dma_wait3A_414] : memref<10240x128xf32, #tpu.memory_space<vmem_shared>> -> memref<80x128xf32, #tpu.memory_space<vmem_shared>>
      tpu.wait_dma2 semaphore(%run_scoped3A : memref<!tpu.dma_semaphore, #tpu.memory_space<semaphore_mem>>) src(%dma_wait3A_415 : memref<80x128xf32, #tpu.memory_space<vmem_shared>>) dst(%arg12 : memref<80x128xf32, #tpu.memory_space<vmem>>)
      tpu.yield
    }) : () -> ()
    %add3A_402 = arith.addi %mul3A_0, %add3A_401 : i32
    "tpu.region"() ({
      %run_scoped3A = tpu.sem_alloc : memref<!tpu.dma_semaphore, #tpu.memory_space<semaphore_mem>>
      %dma_start3A_408 = arith.constant 0 : i32
      %dma_start3A_409 = tpu.memref_slice %arg4[%add3A_402, %dma_start3A_408] : memref<20480x128xf32, #tpu.memory_space<hbm>> -> memref<80x128xf32, #tpu.memory_space<hbm>>
      %dma_start3A_410 = arith.constant 0 : i32
      %dma_start3A_411 = tpu.memref_slice %arg4[%add3A_402, %dma_start3A_410] : memref<20480x128xf32, #tpu.memory_space<hbm>> -> memref<80x128xf32, #tpu.memory_space<hbm>>
      tpu.enqueue_dma source(%arg12 : memref<80x128xf32, #tpu.memory_space<vmem>>) target(%dma_start3A_411 : memref<80x128xf32, #tpu.memory_space<hbm>>) target_semaphore(%run_scoped3A : memref<!tpu.dma_semaphore, #tpu.memory_space<semaphore_mem>>)
      %dma_wait3A_412 = arith.constant 0 : i32
      %dma_wait3A_413 = tpu.memref_slice %arg4[%add3A_402, %dma_wait3A_412] : memref<20480x128xf32, #tpu.memory_space<hbm>> -> memref<80x128xf32, #tpu.memory_space<hbm>>
      %dma_wait3A_414 = arith.constant 0 : i32
      %dma_wait3A_415 = tpu.memref_slice %arg4[%add3A_402, %dma_wait3A_414] : memref<20480x128xf32, #tpu.memory_space<hbm>> -> memref<80x128xf32, #tpu.memory_space<hbm>>
      tpu.wait_dma2 semaphore(%run_scoped3A : memref<!tpu.dma_semaphore, #tpu.memory_space<semaphore_mem>>) src(%arg12 : memref<80x128xf32, #tpu.memory_space<vmem>>) dst(%dma_wait3A_415 : memref<80x128xf32, #tpu.memory_space<hbm>>)
      tpu.yield
    }) : () -> ()
    %mul3A_403 = arith.constant 640 : i32
    %mul3A_404 = arith.muli %arg1, %mul3A_403 : i32
    %add3A_405 = arith.constant 560 : i32
    %add3A_406 = arith.addi %mul3A_404, %add3A_405 : i32
    "tpu.region"() ({
      %run_scoped3A = tpu.sem_alloc : memref<!tpu.dma_semaphore, #tpu.memory_space<semaphore_mem>>
      %dma_start3A_408 = arith.constant 0 : i32
      %dma_start3A_409 = tpu.memref_slice %arg15[%add3A_406, %dma_start3A_408] : memref<10240x128xf32, #tpu.memory_space<vmem_shared>> -> memref<80x128xf32, #tpu.memory_space<vmem_shared>>
      %dma_start3A_410 = arith.constant 0 : i32
      %dma_start3A_411 = tpu.memref_slice %arg15[%add3A_406, %dma_start3A_410] : memref<10240x128xf32, #tpu.memory_space<vmem_shared>> -> memref<80x128xf32, #tpu.memory_space<vmem_shared>>
      tpu.enqueue_dma source(%dma_start3A_411 : memref<80x128xf32, #tpu.memory_space<vmem_shared>>) target(%arg12 : memref<80x128xf32, #tpu.memory_space<vmem>>) target_semaphore(%run_scoped3A : memref<!tpu.dma_semaphore, #tpu.memory_space<semaphore_mem>>)
      %dma_wait3A_412 = arith.constant 0 : i32
      %dma_wait3A_413 = tpu.memref_slice %arg15[%add3A_406, %dma_wait3A_412] : memref<10240x128xf32, #tpu.memory_space<vmem_shared>> -> memref<80x128xf32, #tpu.memory_space<vmem_shared>>
      %dma_wait3A_414 = arith.constant 0 : i32
      %dma_wait3A_415 = tpu.memref_slice %arg15[%add3A_406, %dma_wait3A_414] : memref<10240x128xf32, #tpu.memory_space<vmem_shared>> -> memref<80x128xf32, #tpu.memory_space<vmem_shared>>
      tpu.wait_dma2 semaphore(%run_scoped3A : memref<!tpu.dma_semaphore, #tpu.memory_space<semaphore_mem>>) src(%dma_wait3A_415 : memref<80x128xf32, #tpu.memory_space<vmem_shared>>) dst(%arg12 : memref<80x128xf32, #tpu.memory_space<vmem>>)
      tpu.yield
    }) : () -> ()
    %add3A_407 = arith.addi %mul3A_0, %add3A_406 : i32
    "tpu.region"() ({
      %run_scoped3A = tpu.sem_alloc : memref<!tpu.dma_semaphore, #tpu.memory_space<semaphore_mem>>
      %dma_start3A_408 = arith.constant 0 : i32
      %dma_start3A_409 = tpu.memref_slice %arg4[%add3A_407, %dma_start3A_408] : memref<20480x128xf32, #tpu.memory_space<hbm>> -> memref<80x128xf32, #tpu.memory_space<hbm>>
      %dma_start3A_410 = arith.constant 0 : i32
      %dma_start3A_411 = tpu.memref_slice %arg4[%add3A_407, %dma_start3A_410] : memref<20480x128xf32, #tpu.memory_space<hbm>> -> memref<80x128xf32, #tpu.memory_space<hbm>>
      tpu.enqueue_dma source(%arg12 : memref<80x128xf32, #tpu.memory_space<vmem>>) target(%dma_start3A_411 : memref<80x128xf32, #tpu.memory_space<hbm>>) target_semaphore(%run_scoped3A : memref<!tpu.dma_semaphore, #tpu.memory_space<semaphore_mem>>)
      %dma_wait3A_412 = arith.constant 0 : i32
      %dma_wait3A_413 = tpu.memref_slice %arg4[%add3A_407, %dma_wait3A_412] : memref<20480x128xf32, #tpu.memory_space<hbm>> -> memref<80x128xf32, #tpu.memory_space<hbm>>
      %dma_wait3A_414 = arith.constant 0 : i32
      %dma_wait3A_415 = tpu.memref_slice %arg4[%add3A_407, %dma_wait3A_414] : memref<20480x128xf32, #tpu.memory_space<hbm>> -> memref<80x128xf32, #tpu.memory_space<hbm>>
      tpu.wait_dma2 semaphore(%run_scoped3A : memref<!tpu.dma_semaphore, #tpu.memory_space<semaphore_mem>>) src(%arg12 : memref<80x128xf32, #tpu.memory_space<vmem>>) dst(%dma_wait3A_415 : memref<80x128xf32, #tpu.memory_space<hbm>>)
      tpu.yield
    }) : () -> ()
    return
  }
}

module attributes {stable_mosaic.version = 14 : i64} {
  func.func @_linmsg_body(%arg0: i32, %arg1: memref<2000x256xf32, #tpu.memory_space<vmem>>, %arg2: memref<256x256xf32, #tpu.memory_space<vmem>>, %arg3: memref<1x256xf32, #tpu.memory_space<vmem>>, %arg4: memref<256x256xf32, #tpu.memory_space<vmem>>, %arg5: memref<2000x256xf32, #tpu.memory_space<vmem>>, %arg6: memref<2x2000x128xf32, #tpu.memory_space<vmem>>) attributes {dimension_semantics = [#tpu.dimension_semantics<arbitrary>], iteration_bounds = array<i64: 5>, scalar_prefetch = 0 : i64, scratch_operands = 0 : i64, tpu.core_type = #tpu.core_type<tc>, window_params = [{transform_indices = @transform_0, window_bounds = array<i64: 2000, 256>}, {pipeline_mode = #tpu.pipeline_mode<synchronous>, transform_indices = @transform_1, window_bounds = array<i64: 256, 256>}, {pipeline_mode = #tpu.pipeline_mode<synchronous>, transform_indices = @transform_2, window_bounds = array<i64: 1, 256>}, {pipeline_mode = #tpu.pipeline_mode<synchronous>, transform_indices = @transform_3, window_bounds = array<i64: 256, 256>}, {transform_indices = @transform_4, window_bounds = array<i64: 2000, 256>}, {transform_indices = @transform_5, window_bounds = array<i64: 2, 2000, 128>}]} {
    %get3A = arith.constant 0 : index
    %get3A_0 = arith.constant 0 : index
    %get3A_1 = vector.load %arg1[%get3A, %get3A_0] : memref<2000x256xf32, #tpu.memory_space<vmem>>, vector<2000x256xf32>
    %convert_element_type3A = arith.truncf %get3A_1 : vector<2000x256xf32> to vector<2000x256xbf16>
    %get3A_2 = arith.constant 0 : index
    %get3A_3 = arith.constant 0 : index
    %get3A_4 = vector.load %arg2[%get3A_2, %get3A_3] : memref<256x256xf32, #tpu.memory_space<vmem>>, vector<256x256xf32>
    %convert_element_type3A_5 = arith.truncf %get3A_4 : vector<256x256xf32> to vector<256x256xbf16>
    %dot_general3A = arith.constant dense<0.000000e+00> : vector<2000x256xf32>
    %dot_general3A_6 = tpu.matmul %convert_element_type3A, %convert_element_type3A_5, %dot_general3A {dimension_numbers = #tpu.dot_dimension_numbers<[1], [0], [0], [1], [0, 0, 1, 1], [], []>, transpose_lhs_hint = false} : vector<2000x256xbf16>, vector<256x256xbf16>, vector<2000x256xf32> -> vector<2000x256xf32>
    %get3A_7 = arith.constant 0 : index
    %get3A_8 = arith.constant 0 : index
    %get3A_9 = vector.load %arg3[%get3A_7, %get3A_8] : memref<1x256xf32, #tpu.memory_space<vmem>>, vector<1x256xf32>
    %add3A = vector.broadcast %get3A_9 : vector<1x256xf32> to vector<2000x256xf32>
    %add3A_10 = arith.addf %dot_general3A_6, %add3A : vector<2000x256xf32>
    %swap3A = arith.constant 0 : index
    %swap3A_11 = arith.constant 0 : index
    %swap3A_12 = vector.load %arg5[%swap3A, %swap3A_11] : memref<2000x256xf32, #tpu.memory_space<vmem>>, vector<2000x256xf32>
    tpu.vector_store %arg5[%swap3A, %swap3A_11], %add3A_10 {strides = array<i32>} : memref<2000x256xf32, #tpu.memory_space<vmem>>, vector<2000x256xf32>,
    %convert_element_type3A_13 = arith.truncf %add3A_10 : vector<2000x256xf32> to vector<2000x256xbf16>
    %get3A_14 = arith.constant 0 : index
    %get3A_15 = arith.constant 0 : index
    %get3A_16 = vector.load %arg4[%get3A_14, %get3A_15] : memref<256x256xf32, #tpu.memory_space<vmem>>, vector<256x256xf32>
    %convert_element_type3A_17 = arith.truncf %get3A_16 : vector<256x256xf32> to vector<256x256xbf16>
    %dot_general3A_18 = arith.constant dense<0.000000e+00> : vector<2000x256xf32>
    %dot_general3A_19 = tpu.matmul %convert_element_type3A_13, %convert_element_type3A_17, %dot_general3A_18 {dimension_numbers = #tpu.dot_dimension_numbers<[1], [0], [0], [1], [0, 0, 1, 1], [], []>, transpose_lhs_hint = false} : vector<2000x256xbf16>, vector<256x256xbf16>, vector<2000x256xf32> -> vector<2000x256xf32>
    %slice3A = vector.extract_strided_slice %dot_general3A_19 {offsets = [0, 0], sizes = [2000, 128], strides = [1, 1]} : vector<2000x256xf32> to vector<2000x128xf32>
    %swap3A_20 = arith.constant 0 : index
    %swap3A_21 = arith.constant 0 : index
    %swap3A_22 = arith.constant 0 : index
    %swap3A_23 = vector.load %arg6[%swap3A_20, %swap3A_21, %swap3A_22] : memref<2x2000x128xf32, #tpu.memory_space<vmem>>, vector<1x2000x128xf32>
    %swap3A_24 = vector.shape_cast %swap3A_23 : vector<1x2000x128xf32> to vector<2000x128xf32>
    %swap3A_25 = vector.shape_cast %slice3A : vector<2000x128xf32> to vector<1x2000x128xf32>
    tpu.vector_store %arg6[%swap3A_20, %swap3A_21, %swap3A_22], %swap3A_25 {strides = array<i32>} : memref<2x2000x128xf32, #tpu.memory_space<vmem>>, vector<1x2000x128xf32>,
    %slice3A_26 = vector.extract_strided_slice %dot_general3A_19 {offsets = [0, 128], sizes = [2000, 128], strides = [1, 1]} : vector<2000x256xf32> to vector<2000x128xf32>
    %swap3A_27 = arith.constant 1 : index
    %swap3A_28 = arith.constant 0 : index
    %swap3A_29 = arith.constant 0 : index
    %swap3A_30 = vector.load %arg6[%swap3A_27, %swap3A_28, %swap3A_29] : memref<2x2000x128xf32, #tpu.memory_space<vmem>>, vector<1x2000x128xf32>
    %swap3A_31 = vector.shape_cast %swap3A_30 : vector<1x2000x128xf32> to vector<2000x128xf32>
    %swap3A_32 = vector.shape_cast %slice3A_26 : vector<2000x128xf32> to vector<1x2000x128xf32>
    tpu.vector_store %arg6[%swap3A_27, %swap3A_28, %swap3A_29], %swap3A_32 {strides = array<i32>} : memref<2x2000x128xf32, #tpu.memory_space<vmem>>, vector<1x2000x128xf32>,
    return
  }
  func.func @transform_0(%arg0: i32) -> (i32, i32) {
    %c0_i32 = arith.constant 0 : i32
    %c0_i32_0 = arith.constant 0 : i32
    return %arg0, %c0_i32 : i32, i32
  }
  func.func @transform_1(%arg0: i32) -> (i32, i32) {
    %c0_i32 = arith.constant 0 : i32
    %c0_i32_0 = arith.constant 0 : i32
    %c0_i32_1 = arith.constant 0 : i32
    return %c0_i32, %c0_i32_0 : i32, i32
  }
  func.func @transform_2(%arg0: i32) -> (i32, i32) {
    %c0_i32 = arith.constant 0 : i32
    %c0_i32_0 = arith.constant 0 : i32
    %c0_i32_1 = arith.constant 0 : i32
    return %c0_i32, %c0_i32_0 : i32, i32
  }
  func.func @transform_3(%arg0: i32) -> (i32, i32) {
    %c0_i32 = arith.constant 0 : i32
    %c0_i32_0 = arith.constant 0 : i32
    %c0_i32_1 = arith.constant 0 : i32
    return %c0_i32, %c0_i32_0 : i32, i32
  }
  func.func @transform_4(%arg0: i32) -> (i32, i32) {
    %c0_i32 = arith.constant 0 : i32
    %c0_i32_0 = arith.constant 0 : i32
    return %arg0, %c0_i32 : i32, i32
  }
  func.func @transform_5(%arg0: i32) -> (i32, i32, i32) {
    %c0_i32 = arith.constant 0 : i32
    %c0_i32_0 = arith.constant 0 : i32
    %c0_i32_1 = arith.constant 0 : i32
    return %c0_i32, %arg0, %c0_i32_0 : i32, i32, i32
  }
}

module attributes {stable_mosaic.version = 14 : i64} {
  func.func @_gh_body(%arg0: i32, %arg1: memref<2000x256xf32, #tpu.memory_space<vmem>>, %arg2: memref<256x768xf32, #tpu.memory_space<vmem>>, %arg3: memref<1x768xf32, #tpu.memory_space<vmem>>, %arg4: memref<2000x768xf32, #tpu.memory_space<vmem>>) attributes {dimension_semantics = [#tpu.dimension_semantics<arbitrary>], iteration_bounds = array<i64: 5>, scalar_prefetch = 0 : i64, scratch_operands = 0 : i64, tpu.core_type = #tpu.core_type<tc>, window_params = [{transform_indices = @transform_0, window_bounds = array<i64: 2000, 256>}, {pipeline_mode = #tpu.pipeline_mode<synchronous>, transform_indices = @transform_1, window_bounds = array<i64: 256, 768>}, {pipeline_mode = #tpu.pipeline_mode<synchronous>, transform_indices = @transform_2, window_bounds = array<i64: 1, 768>}, {transform_indices = @transform_3, window_bounds = array<i64: 2000, 768>}]} {
    %get3A = arith.constant 0 : index
    %get3A_0 = arith.constant 0 : index
    %get3A_1 = vector.load %arg1[%get3A, %get3A_0] : memref<2000x256xf32, #tpu.memory_space<vmem>>, vector<2000x256xf32>
    %convert_element_type3A = arith.truncf %get3A_1 : vector<2000x256xf32> to vector<2000x256xbf16>
    %get3A_2 = arith.constant 0 : index
    %get3A_3 = arith.constant 0 : index
    %get3A_4 = vector.load %arg2[%get3A_2, %get3A_3] : memref<256x768xf32, #tpu.memory_space<vmem>>, vector<256x768xf32>
    %convert_element_type3A_5 = arith.truncf %get3A_4 : vector<256x768xf32> to vector<256x768xbf16>
    %dot_general3A = arith.constant dense<0.000000e+00> : vector<2000x768xf32>
    %dot_general3A_6 = tpu.matmul %convert_element_type3A, %convert_element_type3A_5, %dot_general3A {dimension_numbers = #tpu.dot_dimension_numbers<[1], [0], [0], [1], [0, 0, 1, 1], [], []>, transpose_lhs_hint = false} : vector<2000x256xbf16>, vector<256x768xbf16>, vector<2000x768xf32> -> vector<2000x768xf32>
    %get3A_7 = arith.constant 0 : index
    %get3A_8 = arith.constant 0 : index
    %get3A_9 = vector.load %arg3[%get3A_7, %get3A_8] : memref<1x768xf32, #tpu.memory_space<vmem>>, vector<1x768xf32>
    %add3A = vector.broadcast %get3A_9 : vector<1x768xf32> to vector<2000x768xf32>
    %add3A_10 = arith.addf %dot_general3A_6, %add3A : vector<2000x768xf32>
    %swap3A = arith.constant 0 : index
    %swap3A_11 = arith.constant 0 : index
    %swap3A_12 = vector.load %arg4[%swap3A, %swap3A_11] : memref<2000x768xf32, #tpu.memory_space<vmem>>, vector<2000x768xf32>
    tpu.vector_store %arg4[%swap3A, %swap3A_11], %add3A_10 {strides = array<i32>} : memref<2000x768xf32, #tpu.memory_space<vmem>>, vector<2000x768xf32>,
    return
  }
  func.func @transform_0(%arg0: i32) -> (i32, i32) {
    %c0_i32 = arith.constant 0 : i32
    %c0_i32_0 = arith.constant 0 : i32
    return %arg0, %c0_i32 : i32, i32
  }
  func.func @transform_1(%arg0: i32) -> (i32, i32) {
    %c0_i32 = arith.constant 0 : i32
    %c0_i32_0 = arith.constant 0 : i32
    %c0_i32_1 = arith.constant 0 : i32
    return %c0_i32, %c0_i32_0 : i32, i32
  }
  func.func @transform_2(%arg0: i32) -> (i32, i32) {
    %c0_i32 = arith.constant 0 : i32
    %c0_i32_0 = arith.constant 0 : i32
    %c0_i32_1 = arith.constant 0 : i32
    return %c0_i32, %c0_i32_0 : i32, i32
  }
  func.func @transform_3(%arg0: i32) -> (i32, i32) {
    %c0_i32 = arith.constant 0 : i32
    %c0_i32_0 = arith.constant 0 : i32
    return %arg0, %c0_i32 : i32, i32
  }
}

module attributes {stable_mosaic.version = 14 : i64} {
  func.func @_grumsg_body(%arg0: i32, %arg1: memref<2x2000x128xf32, #tpu.memory_space<vmem>>, %arg2: memref<2000x768xf32, #tpu.memory_space<vmem>>, %arg3: memref<2000x256xf32, #tpu.memory_space<vmem>>, %arg4: memref<256x768xf32, #tpu.memory_space<vmem>>, %arg5: memref<1x768xf32, #tpu.memory_space<vmem>>, %arg6: memref<256x256xf32, #tpu.memory_space<vmem>>, %arg7: memref<2000x256xf32, #tpu.memory_space<vmem>>, %arg8: memref<2x2000x128xf32, #tpu.memory_space<vmem>>) attributes {dimension_semantics = [#tpu.dimension_semantics<arbitrary>], iteration_bounds = array<i64: 5>, scalar_prefetch = 0 : i64, scratch_operands = 0 : i64, tpu.core_type = #tpu.core_type<tc>, window_params = [{transform_indices = @transform_0, window_bounds = array<i64: 2, 2000, 128>}, {transform_indices = @transform_1, window_bounds = array<i64: 2000, 768>}, {transform_indices = @transform_2, window_bounds = array<i64: 2000, 256>}, {pipeline_mode = #tpu.pipeline_mode<synchronous>, transform_indices = @transform_3, window_bounds = array<i64: 256, 768>}, {pipeline_mode = #tpu.pipeline_mode<synchronous>, transform_indices = @transform_4, window_bounds = array<i64: 1, 768>}, {pipeline_mode = #tpu.pipeline_mode<synchronous>, transform_indices = @transform_5, window_bounds = array<i64: 256, 256>}, {transform_indices = @transform_6, window_bounds = array<i64: 2000, 256>}, {transform_indices = @transform_7, window_bounds = array<i64: 2, 2000, 128>}]} {
    %get3A = arith.constant 0 : index
    %get3A_0 = arith.constant 0 : index
    %get3A_1 = arith.constant 0 : index
    %get3A_2 = vector.load %arg1[%get3A, %get3A_0, %get3A_1] : memref<2x2000x128xf32, #tpu.memory_space<vmem>>, vector<1x2000x128xf32>
    %get3A_3 = vector.shape_cast %get3A_2 : vector<1x2000x128xf32> to vector<2000x128xf32>
    %convert_element_type3A = arith.truncf %get3A_3 : vector<2000x128xf32> to vector<2000x128xbf16>
    %get3A_4 = arith.constant 0 : index
    %get3A_5 = arith.constant 0 : index
    %get3A_6 = vector.load %arg4[%get3A_4, %get3A_5] : memref<256x768xf32, #tpu.memory_space<vmem>>, vector<128x768xf32>
    %convert_element_type3A_7 = arith.truncf %get3A_6 : vector<128x768xf32> to vector<128x768xbf16>
    %dot_general3A = arith.constant dense<0.000000e+00> : vector<2000x768xf32>
    %dot_general3A_8 = tpu.matmul %convert_element_type3A, %convert_element_type3A_7, %dot_general3A {dimension_numbers = #tpu.dot_dimension_numbers<[1], [0], [0], [1], [0, 0, 1, 1], [], []>, transpose_lhs_hint = false} : vector<2000x128xbf16>, vector<128x768xbf16>, vector<2000x768xf32> -> vector<2000x768xf32>
    %get3A_9 = arith.constant 1 : index
    %get3A_10 = arith.constant 0 : index
    %get3A_11 = arith.constant 0 : index
    %get3A_12 = vector.load %arg1[%get3A_9, %get3A_10, %get3A_11] : memref<2x2000x128xf32, #tpu.memory_space<vmem>>, vector<1x2000x128xf32>
    %get3A_13 = vector.shape_cast %get3A_12 : vector<1x2000x128xf32> to vector<2000x128xf32>
    %convert_element_type3A_14 = arith.truncf %get3A_13 : vector<2000x128xf32> to vector<2000x128xbf16>
    %get3A_15 = arith.constant 128 : index
    %get3A_16 = arith.constant 0 : index
    %get3A_17 = vector.load %arg4[%get3A_15, %get3A_16] : memref<256x768xf32, #tpu.memory_space<vmem>>, vector<128x768xf32>
    %convert_element_type3A_18 = arith.truncf %get3A_17 : vector<128x768xf32> to vector<128x768xbf16>
    %dot_general3A_19 = arith.constant dense<0.000000e+00> : vector<2000x768xf32>
    %dot_general3A_20 = tpu.matmul %convert_element_type3A_14, %convert_element_type3A_18, %dot_general3A_19 {dimension_numbers = #tpu.dot_dimension_numbers<[1], [0], [0], [1], [0, 0, 1, 1], [], []>, transpose_lhs_hint = false} : vector<2000x128xbf16>, vector<128x768xbf16>, vector<2000x768xf32> -> vector<2000x768xf32>
    %add3A = arith.addf %dot_general3A_8, %dot_general3A_20 : vector<2000x768xf32>
    %get3A_21 = arith.constant 0 : index
    %get3A_22 = arith.constant 0 : index
    %get3A_23 = vector.load %arg5[%get3A_21, %get3A_22] : memref<1x768xf32, #tpu.memory_space<vmem>>, vector<1x768xf32>
    %add3A_24 = vector.broadcast %get3A_23 : vector<1x768xf32> to vector<2000x768xf32>
    %add3A_25 = arith.addf %add3A, %add3A_24 : vector<2000x768xf32>
    %get3A_26 = arith.constant 0 : index
    %get3A_27 = arith.constant 0 : index
    %get3A_28 = vector.load %arg2[%get3A_26, %get3A_27] : memref<2000x768xf32, #tpu.memory_space<vmem>>, vector<2000x768xf32>
    %get3A_29 = arith.constant 0 : index
    %get3A_30 = arith.constant 0 : index
    %get3A_31 = vector.load %arg3[%get3A_29, %get3A_30] : memref<2000x256xf32, #tpu.memory_space<vmem>>, vector<2000x256xf32>
    %slice3A = vector.extract_strided_slice %add3A_25 {offsets = [0, 0], sizes = [2000, 256], strides = [1, 1]} : vector<2000x768xf32> to vector<2000x256xf32>
    %slice3A_32 = vector.extract_strided_slice %get3A_28 {offsets = [0, 0], sizes = [2000, 256], strides = [1, 1]} : vector<2000x768xf32> to vector<2000x256xf32>
    %add3A_33 = arith.addf %slice3A, %slice3A_32 : vector<2000x256xf32>
    %logistic3A = arith.negf %add3A_33 : vector<2000x256xf32>
    %logistic3A_34 = math.exp %logistic3A : vector<2000x256xf32>
    %logistic3A_35 = arith.constant 1.000000e+00 : f32
    %logistic3A_36 = vector.broadcast %logistic3A_35 : f32 to vector<2000x256xf32>
    %logistic3A_37 = arith.addf %logistic3A_36, %logistic3A_34 : vector<2000x256xf32>
    %logistic3A_38 = arith.divf %logistic3A_36, %logistic3A_37 : vector<2000x256xf32>
    %slice3A_39 = vector.extract_strided_slice %add3A_25 {offsets = [0, 256], sizes = [2000, 256], strides = [1, 1]} : vector<2000x768xf32> to vector<2000x256xf32>
    %slice3A_40 = vector.extract_strided_slice %get3A_28 {offsets = [0, 256], sizes = [2000, 256], strides = [1, 1]} : vector<2000x768xf32> to vector<2000x256xf32>
    %add3A_41 = arith.addf %slice3A_39, %slice3A_40 : vector<2000x256xf32>
    %logistic3A_42 = arith.negf %add3A_41 : vector<2000x256xf32>
    %logistic3A_43 = math.exp %logistic3A_42 : vector<2000x256xf32>
    %logistic3A_44 = arith.constant 1.000000e+00 : f32
    %logistic3A_45 = vector.broadcast %logistic3A_44 : f32 to vector<2000x256xf32>
    %logistic3A_46 = arith.addf %logistic3A_45, %logistic3A_43 : vector<2000x256xf32>
    %logistic3A_47 = arith.divf %logistic3A_45, %logistic3A_46 : vector<2000x256xf32>
    %slice3A_48 = vector.extract_strided_slice %add3A_25 {offsets = [0, 512], sizes = [2000, 256], strides = [1, 1]} : vector<2000x768xf32> to vector<2000x256xf32>
    %slice3A_49 = vector.extract_strided_slice %get3A_28 {offsets = [0, 512], sizes = [2000, 256], strides = [1, 1]} : vector<2000x768xf32> to vector<2000x256xf32>
    %mul3A = arith.mulf %logistic3A_38, %slice3A_49 : vector<2000x256xf32>
    %add3A_50 = arith.addf %slice3A_48, %mul3A : vector<2000x256xf32>
    %tanh3A = math.tanh %add3A_50 : vector<2000x256xf32>
    %sub3A = arith.constant 1.000000e+00 : f32
    %sub3A_51 = vector.broadcast %sub3A : f32 to vector<2000x256xf32>
    %sub3A_52 = arith.subf %sub3A_51, %logistic3A_47 : vector<2000x256xf32>
    %mul3A_53 = arith.mulf %sub3A_52, %tanh3A : vector<2000x256xf32>
    %mul3A_54 = arith.mulf %logistic3A_47, %get3A_31 : vector<2000x256xf32>
    %add3A_55 = arith.addf %mul3A_53, %mul3A_54 : vector<2000x256xf32>
    %swap3A = arith.constant 0 : index
    %swap3A_56 = arith.constant 0 : index
    %swap3A_57 = vector.load %arg7[%swap3A, %swap3A_56] : memref<2000x256xf32, #tpu.memory_space<vmem>>, vector<2000x256xf32>
    tpu.vector_store %arg7[%swap3A, %swap3A_56], %add3A_55 {strides = array<i32>} : memref<2000x256xf32, #tpu.memory_space<vmem>>, vector<2000x256xf32>,
    %convert_element_type3A_58 = arith.truncf %add3A_55 : vector<2000x256xf32> to vector<2000x256xbf16>
    %get3A_59 = arith.constant 0 : index
    %get3A_60 = arith.constant 0 : index
    %get3A_61 = vector.load %arg6[%get3A_59, %get3A_60] : memref<256x256xf32, #tpu.memory_space<vmem>>, vector<256x256xf32>
    %convert_element_type3A_62 = arith.truncf %get3A_61 : vector<256x256xf32> to vector<256x256xbf16>
    %dot_general3A_63 = arith.constant dense<0.000000e+00> : vector<2000x256xf32>
    %dot_general3A_64 = tpu.matmul %convert_element_type3A_58, %convert_element_type3A_62, %dot_general3A_63 {dimension_numbers = #tpu.dot_dimension_numbers<[1], [0], [0], [1], [0, 0, 1, 1], [], []>, transpose_lhs_hint = false} : vector<2000x256xbf16>, vector<256x256xbf16>, vector<2000x256xf32> -> vector<2000x256xf32>
    %slice3A_65 = vector.extract_strided_slice %dot_general3A_64 {offsets = [0, 0], sizes = [2000, 128], strides = [1, 1]} : vector<2000x256xf32> to vector<2000x128xf32>
    %swap3A_66 = arith.constant 0 : index
    %swap3A_67 = arith.constant 0 : index
    %swap3A_68 = arith.constant 0 : index
    %swap3A_69 = vector.load %arg8[%swap3A_66, %swap3A_67, %swap3A_68] : memref<2x2000x128xf32, #tpu.memory_space<vmem>>, vector<1x2000x128xf32>
    %swap3A_70 = vector.shape_cast %swap3A_69 : vector<1x2000x128xf32> to vector<2000x128xf32>
    %swap3A_71 = vector.shape_cast %slice3A_65 : vector<2000x128xf32> to vector<1x2000x128xf32>
    tpu.vector_store %arg8[%swap3A_66, %swap3A_67, %swap3A_68], %swap3A_71 {strides = array<i32>} : memref<2x2000x128xf32, #tpu.memory_space<vmem>>, vector<1x2000x128xf32>,
    %slice3A_72 = vector.extract_strided_slice %dot_general3A_64 {offsets = [0, 128], sizes = [2000, 128], strides = [1, 1]} : vector<2000x256xf32> to vector<2000x128xf32>
    %swap3A_73 = arith.constant 1 : index
    %swap3A_74 = arith.constant 0 : index
    %swap3A_75 = arith.constant 0 : index
    %swap3A_76 = vector.load %arg8[%swap3A_73, %swap3A_74, %swap3A_75] : memref<2x2000x128xf32, #tpu.memory_space<vmem>>, vector<1x2000x128xf32>
    %swap3A_77 = vector.shape_cast %swap3A_76 : vector<1x2000x128xf32> to vector<2000x128xf32>
    %swap3A_78 = vector.shape_cast %slice3A_72 : vector<2000x128xf32> to vector<1x2000x128xf32>
    tpu.vector_store %arg8[%swap3A_73, %swap3A_74, %swap3A_75], %swap3A_78 {strides = array<i32>} : memref<2x2000x128xf32, #tpu.memory_space<vmem>>, vector<1x2000x128xf32>,
    return
  }
  func.func @transform_0(%arg0: i32) -> (i32, i32, i32) {
    %c0_i32 = arith.constant 0 : i32
    %c0_i32_0 = arith.constant 0 : i32
    %c0_i32_1 = arith.constant 0 : i32
    return %c0_i32, %arg0, %c0_i32_0 : i32, i32, i32
  }
  func.func @transform_1(%arg0: i32) -> (i32, i32) {
    %c0_i32 = arith.constant 0 : i32
    %c0_i32_0 = arith.constant 0 : i32
    return %arg0, %c0_i32 : i32, i32
  }
  func.func @transform_2(%arg0: i32) -> (i32, i32) {
    %c0_i32 = arith.constant 0 : i32
    %c0_i32_0 = arith.constant 0 : i32
    return %arg0, %c0_i32 : i32, i32
  }
  func.func @transform_3(%arg0: i32) -> (i32, i32) {
    %c0_i32 = arith.constant 0 : i32
    %c0_i32_0 = arith.constant 0 : i32
    %c0_i32_1 = arith.constant 0 : i32
    return %c0_i32, %c0_i32_0 : i32, i32
  }
  func.func @transform_4(%arg0: i32) -> (i32, i32) {
    %c0_i32 = arith.constant 0 : i32
    %c0_i32_0 = arith.constant 0 : i32
    %c0_i32_1 = arith.constant 0 : i32
    return %c0_i32, %c0_i32_0 : i32, i32
  }
  func.func @transform_5(%arg0: i32) -> (i32, i32) {
    %c0_i32 = arith.constant 0 : i32
    %c0_i32_0 = arith.constant 0 : i32
    %c0_i32_1 = arith.constant 0 : i32
    return %c0_i32, %c0_i32_0 : i32, i32
  }
  func.func @transform_6(%arg0: i32) -> (i32, i32) {
    %c0_i32 = arith.constant 0 : i32
    %c0_i32_0 = arith.constant 0 : i32
    return %arg0, %c0_i32 : i32, i32
  }
  func.func @transform_7(%arg0: i32) -> (i32, i32, i32) {
    %c0_i32 = arith.constant 0 : i32
    %c0_i32_0 = arith.constant 0 : i32
    %c0_i32_1 = arith.constant 0 : i32
    return %c0_i32, %arg0, %c0_i32_0 : i32, i32, i32
  }
}

module attributes {stable_mosaic.version = 14 : i64} {
  func.func @_gru_body(%arg0: i32, %arg1: memref<2x2000x128xf32, #tpu.memory_space<vmem>>, %arg2: memref<2000x768xf32, #tpu.memory_space<vmem>>, %arg3: memref<2000x256xf32, #tpu.memory_space<vmem>>, %arg4: memref<256x768xf32, #tpu.memory_space<vmem>>, %arg5: memref<1x768xf32, #tpu.memory_space<vmem>>, %arg6: memref<2000x256xf32, #tpu.memory_space<vmem>>) attributes {dimension_semantics = [#tpu.dimension_semantics<arbitrary>], iteration_bounds = array<i64: 5>, scalar_prefetch = 0 : i64, scratch_operands = 0 : i64, tpu.core_type = #tpu.core_type<tc>, window_params = [{transform_indices = @transform_0, window_bounds = array<i64: 2, 2000, 128>}, {transform_indices = @transform_1, window_bounds = array<i64: 2000, 768>}, {transform_indices = @transform_2, window_bounds = array<i64: 2000, 256>}, {pipeline_mode = #tpu.pipeline_mode<synchronous>, transform_indices = @transform_3, window_bounds = array<i64: 256, 768>}, {pipeline_mode = #tpu.pipeline_mode<synchronous>, transform_indices = @transform_4, window_bounds = array<i64: 1, 768>}, {transform_indices = @transform_5, window_bounds = array<i64: 2000, 256>}]} {
    %get3A = arith.constant 0 : index
    %get3A_0 = arith.constant 0 : index
    %get3A_1 = arith.constant 0 : index
    %get3A_2 = vector.load %arg1[%get3A, %get3A_0, %get3A_1] : memref<2x2000x128xf32, #tpu.memory_space<vmem>>, vector<1x2000x128xf32>
    %get3A_3 = vector.shape_cast %get3A_2 : vector<1x2000x128xf32> to vector<2000x128xf32>
    %convert_element_type3A = arith.truncf %get3A_3 : vector<2000x128xf32> to vector<2000x128xbf16>
    %get3A_4 = arith.constant 0 : index
    %get3A_5 = arith.constant 0 : index
    %get3A_6 = vector.load %arg4[%get3A_4, %get3A_5] : memref<256x768xf32, #tpu.memory_space<vmem>>, vector<128x768xf32>
    %convert_element_type3A_7 = arith.truncf %get3A_6 : vector<128x768xf32> to vector<128x768xbf16>
    %dot_general3A = arith.constant dense<0.000000e+00> : vector<2000x768xf32>
    %dot_general3A_8 = tpu.matmul %convert_element_type3A, %convert_element_type3A_7, %dot_general3A {dimension_numbers = #tpu.dot_dimension_numbers<[1], [0], [0], [1], [0, 0, 1, 1], [], []>, transpose_lhs_hint = false} : vector<2000x128xbf16>, vector<128x768xbf16>, vector<2000x768xf32> -> vector<2000x768xf32>
    %get3A_9 = arith.constant 1 : index
    %get3A_10 = arith.constant 0 : index
    %get3A_11 = arith.constant 0 : index
    %get3A_12 = vector.load %arg1[%get3A_9, %get3A_10, %get3A_11] : memref<2x2000x128xf32, #tpu.memory_space<vmem>>, vector<1x2000x128xf32>
    %get3A_13 = vector.shape_cast %get3A_12 : vector<1x2000x128xf32> to vector<2000x128xf32>
    %convert_element_type3A_14 = arith.truncf %get3A_13 : vector<2000x128xf32> to vector<2000x128xbf16>
    %get3A_15 = arith.constant 128 : index
    %get3A_16 = arith.constant 0 : index
    %get3A_17 = vector.load %arg4[%get3A_15, %get3A_16] : memref<256x768xf32, #tpu.memory_space<vmem>>, vector<128x768xf32>
    %convert_element_type3A_18 = arith.truncf %get3A_17 : vector<128x768xf32> to vector<128x768xbf16>
    %dot_general3A_19 = arith.constant dense<0.000000e+00> : vector<2000x768xf32>
    %dot_general3A_20 = tpu.matmul %convert_element_type3A_14, %convert_element_type3A_18, %dot_general3A_19 {dimension_numbers = #tpu.dot_dimension_numbers<[1], [0], [0], [1], [0, 0, 1, 1], [], []>, transpose_lhs_hint = false} : vector<2000x128xbf16>, vector<128x768xbf16>, vector<2000x768xf32> -> vector<2000x768xf32>
    %add3A = arith.addf %dot_general3A_8, %dot_general3A_20 : vector<2000x768xf32>
    %get3A_21 = arith.constant 0 : index
    %get3A_22 = arith.constant 0 : index
    %get3A_23 = vector.load %arg5[%get3A_21, %get3A_22] : memref<1x768xf32, #tpu.memory_space<vmem>>, vector<1x768xf32>
    %add3A_24 = vector.broadcast %get3A_23 : vector<1x768xf32> to vector<2000x768xf32>
    %add3A_25 = arith.addf %add3A, %add3A_24 : vector<2000x768xf32>
    %get3A_26 = arith.constant 0 : index
    %get3A_27 = arith.constant 0 : index
    %get3A_28 = vector.load %arg2[%get3A_26, %get3A_27] : memref<2000x768xf32, #tpu.memory_space<vmem>>, vector<2000x768xf32>
    %get3A_29 = arith.constant 0 : index
    %get3A_30 = arith.constant 0 : index
    %get3A_31 = vector.load %arg3[%get3A_29, %get3A_30] : memref<2000x256xf32, #tpu.memory_space<vmem>>, vector<2000x256xf32>
    %slice3A = vector.extract_strided_slice %add3A_25 {offsets = [0, 0], sizes = [2000, 256], strides = [1, 1]} : vector<2000x768xf32> to vector<2000x256xf32>
    %slice3A_32 = vector.extract_strided_slice %get3A_28 {offsets = [0, 0], sizes = [2000, 256], strides = [1, 1]} : vector<2000x768xf32> to vector<2000x256xf32>
    %add3A_33 = arith.addf %slice3A, %slice3A_32 : vector<2000x256xf32>
    %logistic3A = arith.negf %add3A_33 : vector<2000x256xf32>
    %logistic3A_34 = math.exp %logistic3A : vector<2000x256xf32>
    %logistic3A_35 = arith.constant 1.000000e+00 : f32
    %logistic3A_36 = vector.broadcast %logistic3A_35 : f32 to vector<2000x256xf32>
    %logistic3A_37 = arith.addf %logistic3A_36, %logistic3A_34 : vector<2000x256xf32>
    %logistic3A_38 = arith.divf %logistic3A_36, %logistic3A_37 : vector<2000x256xf32>
    %slice3A_39 = vector.extract_strided_slice %add3A_25 {offsets = [0, 256], sizes = [2000, 256], strides = [1, 1]} : vector<2000x768xf32> to vector<2000x256xf32>
    %slice3A_40 = vector.extract_strided_slice %get3A_28 {offsets = [0, 256], sizes = [2000, 256], strides = [1, 1]} : vector<2000x768xf32> to vector<2000x256xf32>
    %add3A_41 = arith.addf %slice3A_39, %slice3A_40 : vector<2000x256xf32>
    %logistic3A_42 = arith.negf %add3A_41 : vector<2000x256xf32>
    %logistic3A_43 = math.exp %logistic3A_42 : vector<2000x256xf32>
    %logistic3A_44 = arith.constant 1.000000e+00 : f32
    %logistic3A_45 = vector.broadcast %logistic3A_44 : f32 to vector<2000x256xf32>
    %logistic3A_46 = arith.addf %logistic3A_45, %logistic3A_43 : vector<2000x256xf32>
    %logistic3A_47 = arith.divf %logistic3A_45, %logistic3A_46 : vector<2000x256xf32>
    %slice3A_48 = vector.extract_strided_slice %add3A_25 {offsets = [0, 512], sizes = [2000, 256], strides = [1, 1]} : vector<2000x768xf32> to vector<2000x256xf32>
    %slice3A_49 = vector.extract_strided_slice %get3A_28 {offsets = [0, 512], sizes = [2000, 256], strides = [1, 1]} : vector<2000x768xf32> to vector<2000x256xf32>
    %mul3A = arith.mulf %logistic3A_38, %slice3A_49 : vector<2000x256xf32>
    %add3A_50 = arith.addf %slice3A_48, %mul3A : vector<2000x256xf32>
    %tanh3A = math.tanh %add3A_50 : vector<2000x256xf32>
    %sub3A = arith.constant 1.000000e+00 : f32
    %sub3A_51 = vector.broadcast %sub3A : f32 to vector<2000x256xf32>
    %sub3A_52 = arith.subf %sub3A_51, %logistic3A_47 : vector<2000x256xf32>
    %mul3A_53 = arith.mulf %sub3A_52, %tanh3A : vector<2000x256xf32>
    %mul3A_54 = arith.mulf %logistic3A_47, %get3A_31 : vector<2000x256xf32>
    %add3A_55 = arith.addf %mul3A_53, %mul3A_54 : vector<2000x256xf32>
    %swap3A = arith.constant 0 : index
    %swap3A_56 = arith.constant 0 : index
    %swap3A_57 = vector.load %arg6[%swap3A, %swap3A_56] : memref<2000x256xf32, #tpu.memory_space<vmem>>, vector<2000x256xf32>
    tpu.vector_store %arg6[%swap3A, %swap3A_56], %add3A_55 {strides = array<i32>} : memref<2000x256xf32, #tpu.memory_space<vmem>>, vector<2000x256xf32>,
    return
  }
  func.func @transform_0(%arg0: i32) -> (i32, i32, i32) {
    %c0_i32 = arith.constant 0 : i32
    %c0_i32_0 = arith.constant 0 : i32
    %c0_i32_1 = arith.constant 0 : i32
    return %c0_i32, %arg0, %c0_i32_0 : i32, i32, i32
  }
  func.func @transform_1(%arg0: i32) -> (i32, i32) {
    %c0_i32 = arith.constant 0 : i32
    %c0_i32_0 = arith.constant 0 : i32
    return %arg0, %c0_i32 : i32, i32
  }
  func.func @transform_2(%arg0: i32) -> (i32, i32) {
    %c0_i32 = arith.constant 0 : i32
    %c0_i32_0 = arith.constant 0 : i32
    return %arg0, %c0_i32 : i32, i32
  }
  func.func @transform_3(%arg0: i32) -> (i32, i32) {
    %c0_i32 = arith.constant 0 : i32
    %c0_i32_0 = arith.constant 0 : i32
    %c0_i32_1 = arith.constant 0 : i32
    return %c0_i32, %c0_i32_0 : i32, i32
  }
  func.func @transform_4(%arg0: i32) -> (i32, i32) {
    %c0_i32 = arith.constant 0 : i32
    %c0_i32_0 = arith.constant 0 : i32
    %c0_i32_1 = arith.constant 0 : i32
    return %c0_i32, %c0_i32_0 : i32, i32
  }
  func.func @transform_5(%arg0: i32) -> (i32, i32) {
    %c0_i32 = arith.constant 0 : i32
    %c0_i32_0 = arith.constant 0 : i32
    return %arg0, %c0_i32 : i32, i32
  }
}

</mosaic_0001>

<sc_bundles>
// kernel: kernel.12.cloned.1.call-start
scs
__scs_entry_jumppad:
0x0: {  	(pc) =	sbr.rel $0x88, $3  }
0x1: {  	(tag) =	ssettag $0x0;
	lr =	simm.s32 $0x1  }
0x2: {  	[smem:$0x3F98] =	sst lr;
	_ =	strace $0xD0000000  }
0x3: {  	_ = 	snop  }
0x4: {  	_ = 	snop  }
0x5: {  	_ = 	snop  }
0x6: {  	_ = 	snop  }
0x7: {  	_ = 	snop  }
__scs_overlays_trampoline_lowered:
0x8: {  	[smem:$0x3FA7] =	sst s0  }
0x9: {  	[smem:$0x3FA8] =	sst s1  }
0xa: {  	[smem:$0x3FA9] =	sst s2  }
0xb: {  	[smem:$0x3FAA] =	sst s3  }
0xc: {  	[smem:$0x3FAB] =	sst s4  }
0xd: {  	[smem:$0x3FAC] =	sst s5  }
0xe: {  	[smem:$0x3FAD] =	sst s6  }
0xf: {  	[smem:$0x3FAE] =	sst s7  }
0x10: {  	[smem:$0x3FAF] =	sst s8  }
0x11: {  	[smem:$0x3FB0] =	sst s9;
	s0 =	simm.s32 @!p0 $0x0  }
0x12: {  	s1 =	sld [smem:$0x3F96];
	s0 =	simm.s32 @p0 $0x1  }
0x13: {  	[smem:$0x3FB1] =	sst s0;
	s0 =	simm.s32 @!p1 $0x0  }
0x14: {  	s2 =	sld [smem:$0x3F95];
	s0 =	simm.s32 @p1 $0x1  }
0x15: {  	[smem:$0x3FB2] =	sst s0;
	s0 =	simm.s32 @!p2 $0x0  }
0x16: {  	s3 =	sld [smem:$0x3FDB];
	s0 =	simm.s32 @p2 $0x1  }
0x17: {  	s4 =	simm.s32 $0x1BF5;
	[smem:$0x3FB4] =	sst s0  }
0x18: {  	s0 =	sld [smem:$0x3F97];
	_ =	swait.ge [sflag:s4], $0x0  }
0x19: {  	s7 =	sld [smem:$0x3F98]  }
0x1a: {  	s8 =	sadd.s32 $0xFFFFE003, lr  }
0x1b: {  	s9 =	sadd.s32 $0xFFFFFEF7, lr;
	s5 =	simm.s32 $0xFFFFFFFF;
	p2 =	slt.u32 s8, $0xFFFFF086  }
0x1c: {  	p1 =	slt.u32 s9, $0xF7A;
	s5 =	simm.s32 @!p2 $0x0  }
0x1d: {  	s5 =	simm.s32 @p1 $0x1;
	p0 =	seq.s32 s7, s2  }
0x1e: {  	s7 =	smul.u32 @!p0 $0xF7A, s2;
	p2 =	seq.s32 @!p0 s5, $0x0  }
0x1f: {  	s9 =	smul.u32 $0xF7A, s1;
	s8 =	simm.s32 @!p0 $0x1BF5;
	p2 =	por !p2, p0  }
0x20: {  	[sflag:s8] =	ssyncset.s32 @!p0 $0xFFFFF086;
	s6 =	sadd.s32 @!p0 s3, s7;
	s7 =	simm.s32 @!p0 $0x108  }
0x21: {  	s3 =	sadd.s32 s3, s9;
	s6 =	sadd.s32 @!p0 $0x88, s6;
	s7 =	simm.s32 @p2 $0x1082  }
0x22: {  	[simem:s7], [sflag:s8] =	dma.local @!p0 [hbm:s6], $0xF7A  }
0x23: {  	s9 =	sor.u32 $0xD0000000, s2;
	s6 =	simm.s32 $0x108;
	_ =	swait.ge @!p0 [sflag:s8], $0x0  }
0x24: {  	s3 =	sadd.s32 $0x88, s3;
	s6 =	simm.s32 @!p1 $0x1082;
	[sflag:s4] =	ssyncset.s32 $0xFFFFF086  }
0x25: {  	[simem:s6], [sflag:s4] =	dma.local [hbm:s3], $0xF7A  }
0x26: {  	[smem:$0x3F98] =	sst s1;
	(tag) =	ssettag s2;
	_ =	strace s9  }
0x27: {  	s1 =	sld [smem:$0x3FA8]  }
0x28: {  	s2 =	sld [smem:$0x3FA9]  }
0x29: {  	s4 =	sld [smem:$0x3FAB]  }
0x2a: {  	p0 =	seq.s32 s5, $0x0;
	s5 =	sld [smem:$0x3FAC]  }
0x2b: {  	s6 =	sld [smem:$0x3FAD]  }
0x2c: {  	s7 =	sld [smem:$0x3FAE]  }
0x2d: {  	s3 =	simm.s32 $0x108;
	s8 =	sld [smem:$0x3FAF]  }
0x2e: {  	s3 =	simm.s32 @!p0 $0x1082;
	s9 =	sld [smem:$0x3FB0]  }
0x2f: {  	lr =	sadd.s32 s0, s3;
	s0 =	sld [smem:$0x3FA7]  }
0x30: {  	s3 =	sld [smem:$0x3FAA]  }
0x31: {  	[smem:$0x3FB3] =	sst s10  }
0x32: {  	s10 =	sld [smem:$0x3FB1];
	_ =	sdelay $0x3  }
0x33: {  	p0 =	seq.s32 s10, $0x1;
	s10 =	sld [smem:$0x3FB3];
	_ =	sdelay $0x3  }
0x34: {  	[smem:$0x3FB3] =	sst s10  }
0x35: {  	s10 =	sld [smem:$0x3FB2];
	_ =	sdelay $0x3  }
0x36: {  	p1 =	seq.s32 s10, $0x1;
	s10 =	sld [smem:$0x3FB3];
	_ =	sdelay $0x3  }
0x37: {  	[smem:$0x3FB3] =	sst s10  }
0x38: {  	s10 =	sld [smem:$0x3FB4]  }
0x39: {  	_ = 	snop;
	(pc) =	sbr.ind lr, $3  }
0x3a: {  	_ = 	snop  }
0x3b: {  	_ = 	snop  }
0x3c: {  	p2 =	seq.s32 s10, $0x1;
	s10 =	sld [smem:$0x3FB3]  }
0x3d: {  	_ =	shalt  }
0x3e: {  	_ =	shalt  }
0x3f: {  	_ =	shalt  }
0x40: {  	_ =	shalt  }
0x41: {  	_ =	shalt  }
0x42: {  	_ =	shalt  }
0x43: {  	_ =	shalt  }
0x44: {  	_ =	shalt  }
0x45: {  	_ =	shalt  }
0x46: {  	_ =	shalt  }
0x47: {  	_ =	shalt  }
0x48: {  	_ =	shalt  }
0x49: {  	_ =	shalt  }
0x4a: {  	_ =	shalt  }
0x4b: {  	_ =	shalt  }
0x4c: {  	_ =	shalt  }
0x4d: {  	_ =	shalt  }
0x4e: {  	_ =	shalt  }
0x4f: {  	_ =	shalt  }
0x50: {  	_ =	shalt  }
0x51: {  	_ =	shalt  }
0x52: {  	_ =	shalt  }
0x53: {  	_ =	shalt  }
0x54: {  	_ =	shalt  }
0x55: {  	_ =	shalt  }
0x56: {  	_ =	shalt  }
0x57: {  	_ =	shalt  }
0x58: {  	_ =	shalt  }
0x59: {  	_ =	shalt  }
0x5a: {  	_ =	shalt  }
0x5b: {  	_ =	shalt  }
0x5c: {  	_ =	shalt  }
0x5d: {  	_ =	shalt  }
0x5e: {  	_ =	shalt  }
0x5f: {  	_ =	shalt  }
0x60: {  	_ =	shalt  }
0x61: {  	_ =	shalt  }
0x62: {  	_ =	shalt  }
0x63: {  	_ =	shalt  }
0x64: {  	_ =	shalt  }
0x65: {  	_ =	shalt  }
0x66: {  	_ =	shalt  }
0x67: {  	_ =	shalt  }
0x68: {  	_ =	shalt  }
0x69: {  	_ =	shalt  }
0x6a: {  	_ =	shalt  }
0x6b: {  	_ =	shalt  }
0x6c: {  	_ =	shalt  }
0x6d: {  	_ =	shalt  }
0x6e: {  	_ =	shalt  }
0x6f: {  	_ =	shalt  }
0x70: {  	_ =	shalt  }
0x71: {  	_ =	shalt  }
0x72: {  	_ =	shalt  }
0x73: {  	_ =	shalt  }
0x74: {  	_ =	shalt  }
0x75: {  	_ =	shalt  }
0x76: {  	_ =	shalt  }
0x77: {  	_ =	shalt  }
0x78: {  	_ =	shalt  }
0x79: {  	_ =	shalt  }
0x7a: {  	_ =	shalt  }
0x7b: {  	_ =	shalt  }
0x7c: {  	_ =	shalt  }
0x7d: {  	_ =	shalt  }
0x7e: {  	_ =	shalt  }
0x7f: {  	_ =	shalt  }
0x80: {  	_ =	shalt  }
0x81: {  	_ =	shalt  }
0x82: {  	_ =	shalt  }
0x83: {  	_ =	shalt  }
0x84: {  	_ =	shalt  }
0x85: {  	_ =	shalt  }
0x86: {  	_ =	shalt  }
0x87: {  	_ =	shalt  }
.Lfunc_end0:
.L_simem_size_0:
called_computation_lowered:
.L_overlay_start_0:
0x88: {  	s2 =	sld [smem:$0x3FD9]  }
0x89: {  	s3 =	sld [smem:$0x3FFE];
	_ =	sdelay $0x1  }
0x8a: {  	s1 =	srdreg.scid  }
0x8b: {  	s0 =	sand.u32 $0x1, s1  }
0x8c: {  	s16 =	sshll.u32 s0, $0xA;
	s2 =	sadd.s32 s3, s2  }
0x8d: {  	s2 =	sadd.s32 s2, s16  }
0x8e: {  	[smem:$0x3FBF] =	sst s2  }
0x8f: {  	_ = 	snop  }
0x90: {  	(tm) =	ssettm $0x1  }
0x91: {  	s17 =	sld [smem:$0x3FFB];
	_ =	sdelay $0x3  }
0x92: {  	_ =	strace s17  }
0x93: {  	s2 =	sld [smem:$0x3FFC];
	_ =	sdelay $0x3  }
0x94: {  	_ =	strace s2  }
0x95: {  	s2 =	sld [smem:$0x3FFD];
	_ =	sdelay $0x3  }
0x96: {  	_ =	strace s2  }
0x97: {  	_ =	strace $0x8FFFFFFF  }
0x98: {  	s18 =	sld [smem:$0x3FDB];
	_ =	sdelay $0x1  }
0x99: {  	s19 =	simm.s32 $_scs_section_size  }
0x9a: {  	s4 =	simm.s32 $_size__tile_overlayer_lowered;
	s5 =	simm.s32 $_tile_overlayer_lowered  }
0x9b: {  	s22 =	simm.s32 $0x1BFF;
	s21 =	sshll.u32 s5, $0x1;
	s2 =	sadd.s32 s19, s18  }
0x9c: {  	s6 =	simm.s32 $0x0;
	s20 =	sshll.u32 s4, $0x1;
	s4 =	sadd.s32 s21, s2  }
0x9d: {  	[timem:s6], [sflag:s22] =	dma.local [hbm:s4], s20  }
0x9e: {  	_ =	swait.ge [sflag:s22], s20  }
0x9f: {  	s3 =	ssub.s32 $0x0, s20;
	[sflag:s22] =	ssyncset.done $0x0  }
0xa0: {  	[sflag:s22] =	ssyncadd.s32 s3;
	_ =	sdelay $0x1  }
0xa1: {  	s23 =	simm.s32 $0x1B8B  }
0xa2: {  	_ =	swait.ge [sflag:s23], $0x1  }
0xa3: {  	[sflag:s23] =	ssyncset.done $0x0  }
0xa4: {  	s25 =	simm.s32 $0x1B8E;
	s24 =	sld [smem:$0x3FFE];
	[sflag:s23] =	ssyncadd.s32 $0xFFFFFFFF  }
0xa5: {  	s26 =	simm.s32 $execute0_lowered;
	[smem:$0x3FD2] =	sst s25  }
0xa6: {  	s4 =	sshll.u32 s26, $0x1;
	_ =	strace $0x80000046;
	[dreg:$0x1] =	wrdreg $0xFFFFFFFF  }
0xa7: {  	s28 =	simm.s32 $_size_execute0_lowered;
	s2 =	sadd.s32 s2, s4;
	[dreg:$0x0] =	wrdreg $0x0  }
0xa8: {  	s4 =	sshll.u32 s28, $0x1;
	[dreg:$0x2] =	wrdreg s2  }
0xa9: {  	[dreg:$0x3] =	wrdreg s4  }
0xaa: {  	[dreg:$0x4] =	wrdreg $0xC0  }
0xab: {  	_ =	task [dreg:s6], $0x5FFFF  }
0xac: {  	[dreg:$0x1] =	wrdreg $0xFFFFFFFF  }
0xad: {  	[dreg:$0x0] =	wrdreg $0x60  }
0xae: {  	[dreg:$0x2] =	wrdreg s24  }
0xaf: {  	[dreg:$0x3] =	wrdreg $0xBB000  }
0xb0: {  	[dreg:$0x4] =	wrdreg $0x9  }
0xb1: {  	_ =	task.clear_ibuf [dreg:s6], $0x5FFFF;
	_ =	strace $0x90000046  }
0xb2: {  	s29 =	simm.s32 $0x9;
	_ =	strace $0x80000048  }
0xb3: {  	_ =	swait.ge [sflag:s29], $0x1  }
0xb4: {  	[sflag:s29] =	ssyncadd.s32 $0xFFFFFFFF  }
0xb5: {  	_ =	strace $0x90000048  }
0xb6: {  	_ =	sfence  }
0xb7: {  	s30 =	sld [smem:$0x0];
	_ =	sdelay $0x2  }
0xb8: {  	s31 =	sshll.u32 s1, $0xD;
	s1 =	sshrl.u32 s1, $0x2  }
0xb9: {  	s3 =	sand.u32 $0x4000, s31;
	s1 =	sadd.s32 s1, s30  }
0xba: {  	s0 =	sor.u32 s3, s0;
	s1 =	sshll.u32 s1, $0x11  }
0xbb: {  	s0 =	sor.u32 s1, s0  }
0xbc: {  	s0 =	sadd.s32 $0x8F2B, s0  }
0xbd: {  	[sflag:s0] =	ssyncadd.remote.s32 $0x1  }
0xbe: {  	_ =	sfence.sel $0xFFFF  }
0xbf: {  	[dreg:$0x0] =	wrdreg $0xFFFFFFFF;
	(pc) =	sbr.abs _section_cstart, $3  }
0xc0: {  	[dreg:$0x1] =	wrdreg $0xFFFFFFFF  }
0xc1: {  	_ =	task.clear_ibuf [dreg:s6], $0x2FFFF;
	_ =	strace $0x9FFFFFFF  }
0xc2: {  	(tm) =	ssettm $0x7FFFFFFF  }
0xc3: {  	_ =	shalt  }
tec
execute0_lowered:
.L_overlay_start_1:
0x0: {  	(tag) =	ssettag $0x1  }
0x1: {  	s0 =	rddreg [dreg:$0x0]  }
0x2: {  	s1 =	rddreg [dreg:$0x1];
	s3 =	simm.s32 $0x0  }
0x3: {  	s9 =	stileid.u32;
	s2 =	srdreg.scid;
	s28 =	simm.s32 $0x4080  }
0x4: {  	s29 =	simm.s32 $0x6B00;
	s30 =	simm.s32 $0x4100;
	s31 =	simm.s32 $0x9300  }
0x5: {  	[smem:$0x7FF] =	sst s3;
	s4 =	sadd.s32 $0xC400, s0;
	s7 =	smul.u32 $0x50000, s9  }
0x6: {  	s5 =	sshll.u32 s9, $0xB;
	s2 =	sand.u32 $0x1, s2;
	s13 =	smul.u32 $0x280, s9  }
0x7: {  	_ =	strace $0x80000047;
	s5 =	sadd.s32 s5, s0;
	s6 =	ssub.s32 $0x2, s2  }
0x8: {  	s0 =	sadd.s32 $0x5C400, s0;
	s15 =	smul.u32 $0x2800, s2;
	s8 =	sshrl.u32 s6, $0x1  }
0x9: {  	s25 =	sshrl.u32 s7, $0x2;
	s5 =	sadd.s32 $0x2400, s5;
	s26 =	sor.u32 $0x50, s13  }
0xa: {  	s16 =	sadd.s32 $0xA0, s13;
	s17 =	sadd.s32 $0xF0, s13;
	s23 =	sadd.s32 $0x140, s13  }
0xb: {  	s18 =	sadd.s32 $0x190, s13;
	s19 =	sadd.s32 $0x1E0, s13;
	s14 =	ssub.s32 s6, s8  }
0xc: {  	[dreg:$0x3] =	wrdreg s5;
	s6 =	sadd.s32 s25, s1;
	s20 =	sshll.u32 s26, $0x7  }
0xd: {  	s21 =	sshll.u32 s16, $0x7;
	s22 =	sshll.u32 s17, $0x7;
	s10 =	sshll.u32 s23, $0x7  }
0xe: {  	s11 =	sshll.u32 s18, $0x7;
	s12 =	sshll.u32 s19, $0x7;
	s2 =	sadd.s32 s15, s26  }
0xf: {  	s25 =	sadd.s32 s15, s16;
	s26 =	sadd.s32 s15, s17;
	s5 =	sadd.s32 s15, s23  }
0x10: {  	s23 =	sadd.s32 s15, s19;
	s16 =	simm.s32 $0x4280;
	s7 =	sadd.s32 s20, s1  }
0x11: {  	s8 =	sadd.s32 s21, s1;
	s9 =	sadd.s32 s22, s1;
	s10 =	sadd.s32 s10, s1  }
0x12: {  	s11 =	sadd.s32 s11, s1;
	s12 =	sadd.s32 s12, s1;
	s20 =	sadd.s32 $0x230, s13  }
0x13: {  	s22 =	sadd.s32 s13, s15;
	s2 =	sshll.u32 s2, $0x4;
	s17 =	sshll.u32 s26, $0x4  }
0x14: {  	s5 =	sshll.u32 s5, $0x4;
	s21 =	sshll.u32 s20, $0x7;
	s24 =	sshll.u32 s22, $0x4  }
0x15: {  	s2 =	sadd.s32 s0, s2;
	s22 =	sadd.s32 s15, s18;
	s13 =	sadd.s32 s21, s1  }
0x16: {  	s21 =	sadd.s32 s0, s24;
	[dreg:$0x5] =	wrdreg s2;
	s2 =	sshll.u32 s25, $0x4  }
0x17: {  	s24 =	sadd.s32 s15, s20;
	s25 =	sshll.u32 s23, $0x4;
	s23 =	simm.s32 $0x4  }
0x18: {  	v0 =	vmov s15;
	s15 =	simm.s32 $0x3;
	[dreg:$0x4] =	wrdreg s21;
	s2 =	sadd.s32 s0, s2  }
0x19: {  	s21 =	sadd.s32 s0, s5;
	s26 =	sshll.u32 s24, $0x4;
	s20 =	sadd.s32 s0, s25  }
0x1a: {  	s24 =	simm.s32 $0x4300;
	s25 =	simm.s32 $0x50;
	s5 =	simm.s32 $0x2  }
.Ltmp0:
0x1b: {  	[dreg:$0x6] =	wrdreg s2;
	s2 =	sadd.s32 s0, s17;
	(pc) =	sbr.rel .LBB2_1-.Ltmp0, $4  }
0x1c: {  	[dreg:$0x8] =	wrdreg s21;
	s21 =	sadd.s32 s0, s26;
	s26 =	simm.s32 $0x4000  }
0x1d: {  	s17 =	simm.s32 $0x0;
	[dreg:$0x7] =	wrdreg s2;
	s2 =	sshll.u32 s22, $0x4  }
0x1e: {  	s22 =	smax.u32 s14, $0x1;
	s14 =	simm.s32 $0x4200;
	s2 =	sadd.s32 s0, s2  }
0x1f: {  	v1 =	vimm.f32 $0.0e+00;
	s0 =	simm.s32 $0x1;
	[dreg:$0x9] =	wrdreg s2;
	s2 =	simm.s32 $0x4180  }
.LBB2_6:
0x20: {  	_ =	swait.ge [sflag:s0], $0x2800  }
0x21: {  	[sflag:s0] =	ssyncset.done $0x0  }
0x22: {  	[sflag:s0] =	ssyncadd.s32 $0xFFFFD800  }
0x23: {  	[spmem:s1] =	stream.indirect.scatter.add.f32 [tilespmem:s24], [sflag:$0x4], $0x80, s2, s25, $0xb8;
	[tilespmem:$0x1FB00] =	vst v63  }
0x24: {  	_ =	swait.ge [sflag:s23], $0x2800  }
0x25: {  	[sflag:s23] =	ssyncset.done $0x0  }
0x26: {  	[sflag:s23] =	ssyncadd.s32 $0xFFFFD800  }
0x27: {  	_ =	swait.ge [sflag:s5], $0x2800  }
0x28: {  	[sflag:s5] =	ssyncset.done $0x0  }
0x29: {  	[sflag:s5] =	ssyncadd.s32 $0xFFFFD800  }
0x2a: {  	[spmem:s1] =	stream.indirect.scatter.add.f32 [tilespmem:s29], [sflag:$0x4], $0x80, s14, s25, $0xb8;
	[tilespmem:$0x1FB00] =	vst v63  }
0x2b: {  	_ =	swait.ge [sflag:s23], $0x2800  }
0x2c: {  	[sflag:s23] =	ssyncset.done $0x0  }
0x2d: {  	[sflag:s23] =	ssyncadd.s32 $0xFFFFD800  }
0x2e: {  	[bflag:$0x0] =	sbarrier.arrive $0xFFFF  }
0x2f: {  	[tilespmem:s24], [sflag:$0x4] =	stream.linear.gather [spmem:s6], $0x2800, $0x38;
	[tilespmem:$0x1FB00] =	vst v63  }
0x30: {  	_ =	swait.ge [sflag:s23], $0x2800  }
0x31: {  	[sflag:s23] =	ssyncset.done $0x0  }
0x32: {  	s18 =	rddreg [dreg:$0x4];
	[sflag:s23] =	ssyncadd.s32 $0xFFFFD800  }
0x33: {  	[hbm4b:s18+s3] =	stream.linear.scatter [tilespmem:s24], [sflag:$0x4], $0x2800, $0x38;
	[tilespmem:$0x1FB00] =	vst v63  }
0x34: {  	_ =	swait.ge [sflag:s23], $0x2800  }
0x35: {  	[sflag:s23] =	ssyncset.done $0x0  }
0x36: {  	[sflag:s23] =	ssyncadd.s32 $0xFFFFD800  }
0x37: {  	[tilespmem:s24], [sflag:$0x4] =	stream.linear.gather [spmem:s7], $0x2800, $0x38;
	[tilespmem:$0x1FB00] =	vst v63  }
0x38: {  	_ =	swait.ge [sflag:s23], $0x2800  }
0x39: {  	[sflag:s23] =	ssyncset.done $0x0  }
0x3a: {  	s19 =	rddreg [dreg:$0x5];
	[sflag:s23] =	ssyncadd.s32 $0xFFFFD800  }
0x3b: {  	[hbm4b:s19+s3] =	stream.linear.scatter [tilespmem:s24], [sflag:$0x4], $0x2800, $0x38;
	[tilespmem:$0x1FB00] =	vst v63  }
0x3c: {  	_ =	swait.ge [sflag:s23], $0x2800  }
0x3d: {  	[sflag:s23] =	ssyncset.done $0x0  }
0x3e: {  	[sflag:s23] =	ssyncadd.s32 $0xFFFFD800  }
0x3f: {  	[tilespmem:s24], [sflag:$0x4] =	stream.linear.gather [spmem:s8], $0x2800, $0x38;
	[tilespmem:$0x1FB00] =	vst v63  }
0x40: {  	_ =	swait.ge [sflag:s23], $0x2800  }
0x41: {  	[sflag:s23] =	ssyncset.done $0x0  }
0x42: {  	s19 =	rddreg [dreg:$0x6];
	[sflag:s23] =	ssyncadd.s32 $0xFFFFD800  }
0x43: {  	[hbm4b:s19+s3] =	stream.linear.scatter [tilespmem:s24], [sflag:$0x4], $0x2800, $0x38;
	[tilespmem:$0x1FB00] =	vst v63  }
0x44: {  	_ =	swait.ge [sflag:s23], $0x2800  }
0x45: {  	[sflag:s23] =	ssyncset.done $0x0  }
0x46: {  	[sflag:s23] =	ssyncadd.s32 $0xFFFFD800  }
0x47: {  	[tilespmem:s24], [sflag:$0x4] =	stream.linear.gather [spmem:s9], $0x2800, $0x38;
	[tilespmem:$0x1FB00] =	vst v63  }
0x48: {  	_ =	swait.ge [sflag:s23], $0x2800  }
0x49: {  	[sflag:s23] =	ssyncset.done $0x0  }
0x4a: {  	s19 =	rddreg [dreg:$0x7];
	[sflag:s23] =	ssyncadd.s32 $0xFFFFD800  }
0x4b: {  	[hbm4b:s19+s3] =	stream.linear.scatter [tilespmem:s24], [sflag:$0x4], $0x2800, $0x38;
	[tilespmem:$0x1FB00] =	vst v63  }
0x4c: {  	_ =	swait.ge [sflag:s23], $0x2800  }
0x4d: {  	[sflag:s23] =	ssyncset.done $0x0  }
0x4e: {  	[sflag:s23] =	ssyncadd.s32 $0xFFFFD800  }
0x4f: {  	[tilespmem:s24], [sflag:$0x4] =	stream.linear.gather [spmem:s10], $0x2800, $0x38;
	[tilespmem:$0x1FB00] =	vst v63  }
0x50: {  	_ =	swait.ge [sflag:s23], $0x2800  }
0x51: {  	[sflag:s23] =	ssyncset.done $0x0  }
0x52: {  	s19 =	rddreg [dreg:$0x8];
	[sflag:s23] =	ssyncadd.s32 $0xFFFFD800  }
0x53: {  	[hbm4b:s19+s3] =	stream.linear.scatter [tilespmem:s24], [sflag:$0x4], $0x2800, $0x38;
	[tilespmem:$0x1FB00] =	vst v63  }
0x54: {  	_ =	swait.ge [sflag:s23], $0x2800  }
0x55: {  	[sflag:s23] =	ssyncset.done $0x0  }
0x56: {  	[sflag:s23] =	ssyncadd.s32 $0xFFFFD800  }
0x57: {  	[tilespmem:s24], [sflag:$0x4] =	stream.linear.gather [spmem:s11], $0x2800, $0x38;
	[tilespmem:$0x1FB00] =	vst v63  }
0x58: {  	_ =	swait.ge [sflag:s23], $0x2800  }
0x59: {  	[sflag:s23] =	ssyncset.done $0x0  }
0x5a: {  	s19 =	rddreg [dreg:$0x9];
	[sflag:s23] =	ssyncadd.s32 $0xFFFFD800  }
0x5b: {  	[hbm4b:s19+s3] =	stream.linear.scatter [tilespmem:s24], [sflag:$0x4], $0x2800, $0x38;
	[tilespmem:$0x1FB00] =	vst v63  }
0x5c: {  	_ =	swait.ge [sflag:s23], $0x2800  }
0x5d: {  	[sflag:s23] =	ssyncset.done $0x0  }
0x5e: {  	[sflag:s23] =	ssyncadd.s32 $0xFFFFD800  }
0x5f: {  	[tilespmem:s24], [sflag:$0x4] =	stream.linear.gather [spmem:s12], $0x2800, $0x38;
	[tilespmem:$0x1FB00] =	vst v63  }
0x60: {  	_ =	swait.ge [sflag:s23], $0x2800  }
0x61: {  	[sflag:s23] =	ssyncset.done $0x0  }
0x62: {  	[sflag:s23] =	ssyncadd.s32 $0xFFFFD800  }
0x63: {  	[hbm4b:s20+s3] =	stream.linear.scatter [tilespmem:s24], [sflag:$0x4], $0x2800, $0x38;
	[tilespmem:$0x1FB00] =	vst v63  }
0x64: {  	_ =	swait.ge [sflag:s23], $0x2800  }
0x65: {  	[sflag:s23] =	ssyncset.done $0x0  }
0x66: {  	[sflag:s23] =	ssyncadd.s32 $0xFFFFD800  }
0x67: {  	[tilespmem:s24], [sflag:$0x4] =	stream.linear.gather [spmem:s13], $0x2800, $0x38;
	[tilespmem:$0x1FB00] =	vst v63  }
0x68: {  	s17 =	sadd.s32 $0x1, s17;
	_ =	swait.ge [sflag:s23], $0x2800  }
0x69: {  	p0 =	sne.s32 s17, s22;
	[sflag:s23] =	ssyncset.done $0x0  }
.Ltmp1:
0x6a: {  	[sflag:s23] =	ssyncadd.s32 $0xFFFFD800;
	(pc) =	sbr.rel @!p0 .LBB2_7-.Ltmp1, $4  }
0x6b: {  	[hbm4b:s21+s3] =	stream.linear.scatter [tilespmem:s24], [sflag:$0x4], $0x2800, $0x38;
	[tilespmem:$0x1FB00] =	vst v63  }
0x6c: {  	_ =	swait.ge [sflag:s23], $0x2800  }
0x6d: {  	[sflag:s23] =	ssyncset.done $0x0  }
0x6e: {  	[sflag:s23] =	ssyncadd.s32 $0xFFFFD800  }
.LBB2_1:
0x6f: {  	s18 =	rddreg [dreg:$0x3]  }
0x70: {  	[tilespmem:s3], [sflag:$0x4] =	stream.linear.gather [hbm4b:s18+s3], $0x3E80, $0x38;
	[tilespmem:$0x1FB00] =	vst v63  }
0x71: {  	_ =	swait.ge [sflag:s23], $0x3E80  }
0x72: {  	[sflag:s23] =	ssyncset.done $0x0  }
0x73: {  	s19 =	simm.s32 $0x3C0;
	s18 =	simm.s32 $0x70;
	[sflag:s23] =	ssyncadd.s32 $0xFFFFC180  }
.LBB2_2:
0x74: {  	p0 =	sne.s32 s19, $0x9FC0;
	[tilespmem:s18+$0x4300] =	vst v1  }
0x75: {  	[tilespmem:s18+$0x4290] =	vst v1  }
0x76: {  	[tilespmem:s18+$0x42A0] =	vst v1  }
.Ltmp2:
0x77: {  	[tilespmem:s18+$0x42B0] =	vst v1;
	(pc) =	sbr.rel @p0 .LBB2_2-.Ltmp2, $4  }
0x78: {  	[tilespmem:s18+$0x42C0] =	vst v1  }
0x79: {  	[tilespmem:s18+$0x42D0] =	vst v1  }
0x7a: {  	[tilespmem:s18+$0x42E0] =	vst v1  }
0x7b: {  	[tilespmem:s18+$0x42F0] =	vst v1;
	s18 =	sshra.s32 s19, $0x2;
	s19 =	sadd.s32 $0x200, s19  }
0x7c: {  	[tilespmem:s18+$0x4300] =	vst v1  }
0x7d: {  	[tilespmem:s18+$0x4290] =	vst v1  }
0x7e: {  	[tilespmem:s18+$0x42A0] =	vst v1  }
0x7f: {  	[tilespmem:s18+$0x42B0] =	vst v1  }
0x80: {  	[tilespmem:s18+$0x42C0] =	vst v1  }
0x81: {  	[tilespmem:s18+$0x42D0] =	vst v1  }
0x82: {  	[tilespmem:s18+$0x42E0] =	vst v1  }
0x83: {  	[tilespmem:s18+$0x42F0] =	vst v1  }
0x84: {  	[spmem:s6] =	stream.linear.scatter [tilespmem:s24], [sflag:$0x4], $0x2800, $0x38;
	[tilespmem:$0x1FB00] =	vst v63  }
0x85: {  	_ =	swait.ge [sflag:s23], $0x2800  }
0x86: {  	[sflag:s23] =	ssyncset.done $0x0  }
0x87: {  	[sflag:s23] =	ssyncadd.s32 $0xFFFFD800  }
0x88: {  	[spmem:s7] =	stream.linear.scatter [tilespmem:s24], [sflag:$0x4], $0x2800, $0x38;
	[tilespmem:$0x1FB00] =	vst v63  }
0x89: {  	_ =	swait.ge [sflag:s23], $0x2800  }
0x8a: {  	[sflag:s23] =	ssyncset.done $0x0  }
0x8b: {  	[sflag:s23] =	ssyncadd.s32 $0xFFFFD800  }
0x8c: {  	[spmem:s8] =	stream.linear.scatter [tilespmem:s24], [sflag:$0x4], $0x2800, $0x38;
	[tilespmem:$0x1FB00] =	vst v63  }
0x8d: {  	_ =	swait.ge [sflag:s23], $0x2800  }
0x8e: {  	[sflag:s23] =	ssyncset.done $0x0  }
0x8f: {  	[sflag:s23] =	ssyncadd.s32 $0xFFFFD800  }
0x90: {  	[spmem:s9] =	stream.linear.scatter [tilespmem:s24], [sflag:$0x4], $0x2800, $0x38;
	[tilespmem:$0x1FB00] =	vst v63  }
0x91: {  	_ =	swait.ge [sflag:s23], $0x2800  }
0x92: {  	[sflag:s23] =	ssyncset.done $0x0  }
0x93: {  	[sflag:s23] =	ssyncadd.s32 $0xFFFFD800  }
0x94: {  	[spmem:s10] =	stream.linear.scatter [tilespmem:s24], [sflag:$0x4], $0x2800, $0x38;
	[tilespmem:$0x1FB00] =	vst v63  }
0x95: {  	_ =	swait.ge [sflag:s23], $0x2800  }
0x96: {  	[sflag:s23] =	ssyncset.done $0x0  }
0x97: {  	[sflag:s23] =	ssyncadd.s32 $0xFFFFD800  }
0x98: {  	[spmem:s11] =	stream.linear.scatter [tilespmem:s24], [sflag:$0x4], $0x2800, $0x38;
	[tilespmem:$0x1FB00] =	vst v63  }
0x99: {  	_ =	swait.ge [sflag:s23], $0x2800  }
0x9a: {  	[sflag:s23] =	ssyncset.done $0x0  }
0x9b: {  	[sflag:s23] =	ssyncadd.s32 $0xFFFFD800  }
0x9c: {  	[spmem:s12] =	stream.linear.scatter [tilespmem:s24], [sflag:$0x4], $0x2800, $0x38;
	[tilespmem:$0x1FB00] =	vst v63  }
0x9d: {  	_ =	swait.ge [sflag:s23], $0x2800  }
0x9e: {  	[sflag:s23] =	ssyncset.done $0x0  }
0x9f: {  	[sflag:s23] =	ssyncadd.s32 $0xFFFFD800  }
0xa0: {  	[spmem:s13] =	stream.linear.scatter [tilespmem:s24], [sflag:$0x4], $0x2800, $0x38;
	[tilespmem:$0x1FB00] =	vst v63  }
0xa1: {  	_ =	swait.ge [sflag:s23], $0x2800  }
0xa2: {  	[sflag:s23] =	ssyncset.done $0x0  }
0xa3: {  	[sflag:s23] =	ssyncadd.s32 $0xFFFFD800  }
0xa4: {  	v2 =	vld [tilespmem:$0x0]  }
0xa5: {  	v3 =	vld [tilespmem:$0x10];
	_ =	sdelay $0x1  }
0xa6: {  	v4 =	vld [tilespmem:$0x20];
	_ =	sdelay $0x1  }
0xa7: {  	v6 =	vld [tilespmem:$0x30];
	v5 =	vand.u32 $0xFFFF, v2;
	v2 =	vshrl.u32 v2, $0x10  }
0xa8: {  	v52 =	vand.u32 $0xFFFF, v3;
	v5 =	vadd.s32 v0, v5;
	[tilespmem:$0x4180] =	vst v2  }
0xa9: {  	v53 =	vld [tilespmem:$0x40];
	v2 =	vadd.s32 v0, v52;
	[tilespmem:$0x4000] =	vst v5  }
0xaa: {  	[tilespmem:$0x4010] =	vst v2;
	v2 =	vshrl.u32 v3, $0x10;
	v3 =	vand.u32 $0xFFFF, v4  }
0xab: {  	[tilespmem:$0x4190] =	vst v2;
	v2 =	vadd.s32 v0, v3  }
0xac: {  	v3 =	vand.u32 $0xFFFF, v6;
	[tilespmem:$0x4020] =	vst v2;
	v2 =	vshrl.u32 v4, $0x10  }
0xad: {  	[tilespmem:$0x41A0] =	vst v2;
	v2 =	vadd.s32 v0, v3  }
0xae: {  	v3 =	vand.u32 $0xFFFF, v53;
	[tilespmem:$0x4030] =	vst v2;
	v2 =	vshrl.u32 v6, $0x10  }
0xaf: {  	[tilespmem:$0x41B0] =	vst v2;
	v2 =	vadd.s32 v0, v3  }
0xb0: {  	[tilespmem:$0x4040] =	vst v2;
	v2 =	vshrl.u32 v53, $0x10  }
0xb1: {  	[tilespmem:$0x41C0] =	vst v2  }
0xb2: {  	[tilespmem:s24], [sflag:$0x1] =	stream.indirect.gather [hbm4b:s4+s25], $0x80, s26, s25, $0xb8;
	[tilespmem:$0x1FB00] =	vst v63  }
0xb3: {  	v2 =	vld [tilespmem:$0x80]  }
0xb4: {  	v3 =	vld [tilespmem:$0x90];
	_ =	sdelay $0x1  }
0xb5: {  	v54 =	vld [tilespmem:$0xA0];
	_ =	sdelay $0x1  }
0xb6: {  	v56 =	vld [tilespmem:$0xB0];
	v55 =	vand.u32 $0xFFFF, v2;
	v2 =	vshrl.u32 v2, $0x10  }
0xb7: {  	v57 =	vand.u32 $0xFFFF, v3;
	v5 =	vadd.s32 v0, v55;
	[tilespmem:$0x4200] =	vst v2  }
0xb8: {  	v58 =	vld [tilespmem:$0xC0];
	v2 =	vadd.s32 v0, v57;
	[tilespmem:$0x4080] =	vst v5  }
0xb9: {  	[tilespmem:$0x4090] =	vst v2;
	v2 =	vshrl.u32 v3, $0x10;
	v3 =	vand.u32 $0xFFFF, v54  }
0xba: {  	[tilespmem:$0x4210] =	vst v2;
	v2 =	vadd.s32 v0, v3  }
0xbb: {  	v3 =	vand.u32 $0xFFFF, v56;
	[tilespmem:$0x40A0] =	vst v2;
	v2 =	vshrl.u32 v54, $0x10  }
0xbc: {  	[tilespmem:$0x4220] =	vst v2;
	v2 =	vadd.s32 v0, v3  }
0xbd: {  	v3 =	vand.u32 $0xFFFF, v58;
	[tilespmem:$0x40B0] =	vst v2;
	v2 =	vshrl.u32 v56, $0x10  }
0xbe: {  	[tilespmem:$0x4230] =	vst v2;
	v2 =	vadd.s32 v0, v3  }
0xbf: {  	[tilespmem:$0x40C0] =	vst v2;
	v2 =	vshrl.u32 v58, $0x10  }
0xc0: {  	[tilespmem:$0x4240] =	vst v2  }
0xc1: {  	[tilespmem:s29], [sflag:$0x2] =	stream.indirect.gather [hbm4b:s4+s25], $0x80, s28, s25, $0xb8;
	[tilespmem:$0x1FB00] =	vst v63  }
0xc2: {  	v2 =	vld [tilespmem:$0x100]  }
0xc3: {  	v3 =	vld [tilespmem:$0x110];
	_ =	sdelay $0x1  }
0xc4: {  	v59 =	vld [tilespmem:$0x120];
	_ =	sdelay $0x1  }
0xc5: {  	v61 =	vld [tilespmem:$0x130];
	v60 =	vand.u32 $0xFFFF, v2;
	v2 =	vshrl.u32 v2, $0x10  }
0xc6: {  	v62 =	vand.u32 $0xFFFF, v3;
	v5 =	vadd.s32 v0, v60;
	[tilespmem:$0x4280] =	vst v2  }
0xc7: {  	v63 =	vld [tilespmem:$0x140];
	v2 =	vadd.s32 v0, v62;
	[tilespmem:$0x4100] =	vst v5  }
0xc8: {  	[tilespmem:$0x4110] =	vst v2;
	v2 =	vshrl.u32 v3, $0x10;
	v3 =	vand.u32 $0xFFFF, v59  }
0xc9: {  	[tilespmem:$0x4290] =	vst v2;
	v2 =	vadd.s32 v0, v3  }
0xca: {  	v3 =	vand.u32 $0xFFFF, v61;
	[tilespmem:$0x4120] =	vst v2;
	v2 =	vshrl.u32 v59, $0x10  }
0xcb: {  	[tilespmem:$0x42A0] =	vst v2;
	v2 =	vadd.s32 v0, v3  }
0xcc: {  	v3 =	vand.u32 $0xFFFF, v63;
	[tilespmem:$0x4130] =	vst v2;
	v2 =	vshrl.u32 v61, $0x10  }
0xcd: {  	[tilespmem:$0x42B0] =	vst v2;
	v2 =	vadd.s32 v0, v3  }
0xce: {  	[tilespmem:$0x4140] =	vst v2;
	v2 =	vshrl.u32 v63, $0x10  }
0xcf: {  	[tilespmem:$0x42C0] =	vst v2  }
0xd0: {  	[tilespmem:s31], [sflag:$0x3] =	stream.indirect.gather [hbm4b:s4+s25], $0x80, s30, s25, $0xb8;
	[tilespmem:$0x1FB00] =	vst v63  }
0xd1: {  	s18 =	simm.s32 $0xB00;
	[bflag:$0x0] =	sbarrier.arrive $0xFFFF  }
.LBB2_4:
0xd2: {  	_ =	swait.ge [sflag:s0], $0x2800  }
0xd3: {  	[sflag:s0] =	ssyncset.done $0x0  }
0xd4: {  	[sflag:s0] =	ssyncadd.s32 $0xFFFFD800  }
0xd5: {  	[spmem:s1] =	stream.indirect.scatter.add.f32 [tilespmem:s24], [sflag:$0x4], $0x80, s2, s25, $0xb8;
	[tilespmem:$0x1FB00] =	vst v63  }
0xd6: {  	_ =	swait.ge [sflag:s23], $0x2800  }
0xd7: {  	[sflag:s23] =	ssyncset.done $0x0  }
0xd8: {  	s19 =	sshra.s32 s18, $0x2;
	[sflag:s23] =	ssyncadd.s32 $0xFFFFD800  }
0xd9: {  	v2 =	vld [tilespmem:s19+$0xFFFFFEC0];
	_ =	sdelay $0x4  }
0xda: {  	v3 =	vand.u32 $0xFFFF, v2;
	v2 =	vshrl.u32 v2, $0x10  }
0xdb: {  	v3 =	vadd.s32 v0, v3;
	[tilespmem:$0x4180] =	vst v2  }
0xdc: {  	[tilespmem:$0x4000] =	vst v3  }
0xdd: {  	v2 =	vld [tilespmem:s19+$0xFFFFFED0];
	_ =	sdelay $0x4  }
0xde: {  	v3 =	vand.u32 $0xFFFF, v2;
	v2 =	vshrl.u32 v2, $0x10  }
0xdf: {  	v3 =	vadd.s32 v0, v3;
	[tilespmem:$0x4190] =	vst v2  }
0xe0: {  	[tilespmem:$0x4010] =	vst v3  }
0xe1: {  	v2 =	vld [tilespmem:s19+$0xFFFFFEE0];
	_ =	sdelay $0x4  }
0xe2: {  	v3 =	vand.u32 $0xFFFF, v2;
	v2 =	vshrl.u32 v2, $0x10  }
0xe3: {  	v3 =	vadd.s32 v0, v3;
	[tilespmem:$0x41A0] =	vst v2  }
0xe4: {  	[tilespmem:$0x4020] =	vst v3  }
0xe5: {  	v2 =	vld [tilespmem:s19+$0xFFFFFEF0];
	_ =	sdelay $0x4  }
0xe6: {  	v3 =	vand.u32 $0xFFFF, v2;
	v2 =	vshrl.u32 v2, $0x10  }
0xe7: {  	v3 =	vadd.s32 v0, v3;
	[tilespmem:$0x41B0] =	vst v2  }
0xe8: {  	[tilespmem:$0x4030] =	vst v3  }
0xe9: {  	v2 =	vld [tilespmem:s19+$0xFFFFFF00];
	_ =	sdelay $0x4  }
0xea: {  	v3 =	vand.u32 $0xFFFF, v2;
	v2 =	vshrl.u32 v2, $0x10  }
0xeb: {  	v3 =	vadd.s32 v0, v3;
	[tilespmem:$0x41C0] =	vst v2  }
0xec: {  	[tilespmem:$0x4040] =	vst v3  }
0xed: {  	[tilespmem:s24], [sflag:$0x1] =	stream.indirect.gather [hbm4b:s4+s25], $0x80, s26, s25, $0xb8;
	[tilespmem:$0x1FB00] =	vst v63  }
0xee: {  	_ =	swait.ge [sflag:s5], $0x2800  }
0xef: {  	[sflag:s5] =	ssyncset.done $0x0  }
0xf0: {  	[sflag:s5] =	ssyncadd.s32 $0xFFFFD800  }
0xf1: {  	[spmem:s1] =	stream.indirect.scatter.add.f32 [tilespmem:s29], [sflag:$0x4], $0x80, s14, s25, $0xb8;
	[tilespmem:$0x1FB00] =	vst v63  }
0xf2: {  	_ =	swait.ge [sflag:s23], $0x2800  }
0xf3: {  	[sflag:s23] =	ssyncset.done $0x0  }
0xf4: {  	[sflag:s23] =	ssyncadd.s32 $0xFFFFD800  }
0xf5: {  	v2 =	vld [tilespmem:s19+$0xFFFFFF40];
	_ =	sdelay $0x4  }
0xf6: {  	v3 =	vand.u32 $0xFFFF, v2;
	v2 =	vshrl.u32 v2, $0x10  }
0xf7: {  	v3 =	vadd.s32 v0, v3;
	[tilespmem:$0x4200] =	vst v2  }
0xf8: {  	[tilespmem:$0x4080] =	vst v3  }
0xf9: {  	v2 =	vld [tilespmem:s19+$0xFFFFFF50];
	_ =	sdelay $0x4  }
0xfa: {  	v3 =	vand.u32 $0xFFFF, v2;
	v2 =	vshrl.u32 v2, $0x10  }
0xfb: {  	v3 =	vadd.s32 v0, v3;
	[tilespmem:$0x4210] =	vst v2  }
0xfc: {  	[tilespmem:$0x4090] =	vst v3  }
0xfd: {  	v2 =	vld [tilespmem:s19+$0xFFFFFF60];
	_ =	sdelay $0x4  }
0xfe: {  	v3 =	vand.u32 $0xFFFF, v2;
	v2 =	vshrl.u32 v2, $0x10  }
0xff: {  	v3 =	vadd.s32 v0, v3;
	[tilespmem:$0x4220] =	vst v2  }
0x100: {  	[tilespmem:$0x40A0] =	vst v3  }
0x101: {  	v2 =	vld [tilespmem:s19+$0xFFFFFF70];
	_ =	sdelay $0x4  }
0x102: {  	v3 =	vand.u32 $0xFFFF, v2;
	v2 =	vshrl.u32 v2, $0x10  }
0x103: {  	v3 =	vadd.s32 v0, v3;
	[tilespmem:$0x4230] =	vst v2  }
0x104: {  	[tilespmem:$0x40B0] =	vst v3  }
0x105: {  	v2 =	vld [tilespmem:s19+$0xFFFFFF80];
	_ =	sdelay $0x4  }
0x106: {  	v3 =	vand.u32 $0xFFFF, v2;
	v2 =	vshrl.u32 v2, $0x10  }
0x107: {  	v3 =	vadd.s32 v0, v3;
	[tilespmem:$0x4240] =	vst v2  }
0x108: {  	[tilespmem:$0x40C0] =	vst v3  }
0x109: {  	[tilespmem:s29], [sflag:$0x2] =	stream.indirect.gather [hbm4b:s4+s25], $0x80, s28, s25, $0xb8;
	[tilespmem:$0x1FB00] =	vst v63  }
0x10a: {  	_ =	swait.ge [sflag:s15], $0x2800  }
0x10b: {  	p0 =	seq.s32 s18, $0xFB00;
	[sflag:s15] =	ssyncset.done $0x0  }
.Ltmp3:
0x10c: {  	[sflag:s15] =	ssyncadd.s32 $0xFFFFD800;
	(pc) =	sbr.rel @p0 .LBB2_6-.Ltmp3, $4  }
0x10d: {  	[spmem:s1] =	stream.indirect.scatter.add.f32 [tilespmem:s31], [sflag:$0x4], $0x80, s16, s25, $0xb8;
	[tilespmem:$0x1FB00] =	vst v63  }
0x10e: {  	_ =	swait.ge [sflag:s23], $0x2800  }
0x10f: {  	[sflag:s23] =	ssyncset.done $0x0  }
0x110: {  	[sflag:s23] =	ssyncadd.s32 $0xFFFFD800  }
0x111: {  	v2 =	vld [tilespmem:s19+$0xFFFFFFC0];
	_ =	sdelay $0x4  }
0x112: {  	v3 =	vand.u32 $0xFFFF, v2;
	v2 =	vshrl.u32 v2, $0x10  }
0x113: {  	v3 =	vadd.s32 v0, v3;
	[tilespmem:$0x4280] =	vst v2  }
0x114: {  	[tilespmem:$0x4100] =	vst v3  }
0x115: {  	v2 =	vld [tilespmem:s19+$0xFFFFFFD0];
	_ =	sdelay $0x4  }
0x116: {  	v3 =	vand.u32 $0xFFFF, v2;
	v2 =	vshrl.u32 v2, $0x10  }
0x117: {  	v3 =	vadd.s32 v0, v3;
	[tilespmem:$0x4290] =	vst v2  }
0x118: {  	[tilespmem:$0x4110] =	vst v3  }
0x119: {  	v2 =	vld [tilespmem:s19+$0xFFFFFFE0];
	_ =	sdelay $0x4  }
0x11a: {  	v3 =	vand.u32 $0xFFFF, v2;
	v2 =	vshrl.u32 v2, $0x10  }
0x11b: {  	v3 =	vadd.s32 v0, v3;
	[tilespmem:$0x42A0] =	vst v2  }
0x11c: {  	[tilespmem:$0x4120] =	vst v3  }
0x11d: {  	v2 =	vld [tilespmem:s19+$0xFFFFFFF0];
	_ =	sdelay $0x4  }
0x11e: {  	v3 =	vand.u32 $0xFFFF, v2;
	v2 =	vshrl.u32 v2, $0x10  }
0x11f: {  	v3 =	vadd.s32 v0, v3;
	[tilespmem:$0x42B0] =	vst v2  }
0x120: {  	[tilespmem:$0x4130] =	vst v3  }
0x121: {  	v2 =	vld [tilespmem:s19+$0x0];
	_ =	sdelay $0x3  }
.Ltmp4:
0x122: {  	_ = 	snop;
	(pc) =	sbr.rel .LBB2_4-.Ltmp4, $4  }
0x123: {  	v3 =	vand.u32 $0xFFFF, v2;
	v2 =	vshrl.u32 v2, $0x10  }
0x124: {  	v3 =	vadd.s32 v0, v3;
	[tilespmem:$0x42C0] =	vst v2  }
0x125: {  	s18 =	sadd.s32 $0x600, s18;
	[tilespmem:$0x4140] =	vst v3  }
0x126: {  	[tilespmem:s31], [sflag:$0x3] =	stream.indirect.gather [hbm4b:s4+s25], $0x80, s30, s25, $0xb8;
	[tilespmem:$0x1FB00] =	vst v63  }
.LBB2_7:
0x127: {  	_ =	sfence.sel $0x180000  }
0x128: {  	[bflag:$0x0] =	sbarrier.arrive $0xFFFF  }
0x129: {  	_ =	strace $0x90000047  }
0x12a: {  	s0 =	stileid.u32;
	[bflag:$0x2] =	sbarrier.arrive $0xFFFF  }
0x12b: {  	p0 =	sne.s32 s0, $0x0;
	s0 =	rddreg [dreg:$0x2]  }
0x12c: {  	s0 =	sadd.s32 @!p0 $0x100000, s0  }
0x12d: {  	[sflag:s0] =	ssyncadd.tile.s32 @!p0 $0x1;
	_ =	shalt  }
.Lfunc_end2:
_tile_overlayer_lowered:
.L_overlay_start_2:
0x12e: {  	(tag) =	ssettag $0x2  }
0x12f: {  	s0 =	rddreg [dreg:$0x0];
	s2 =	stileid.u32  }
0x130: {  	s1 =	rddreg [dreg:$0x1];
	p0 =	sne.s32 s2, $0x0  }
0x131: {  	s3 =	rddreg [dreg:$0x2];
	[bflag:$0x3] =	sbarrier.arrive $0xFFFF;
	s2 =	simm.s32 @!p0 $0x1C04  }
0x132: {  	[timem:s3], [sflag:s2] =	dma.local @!p0 [hbm:s0], s1  }
0x133: {  	s0 =	simm.s32 @!p0 $0x4  }
0x134: {  	_ =	swait.ge @!p0 [sflag:s0], s1  }
0x135: {  	s1 =	ssub.s32 @!p0 $0x0, s1;
	[sflag:s0] =	ssyncset.done @!p0 $0x0  }
0x136: {  	[sflag:s0] =	ssyncadd.s32 @!p0 s1  }
0x137: {  	[bflag:$0x3] =	sbarrier.arrive $0xFFFF  }
0x138: {  	_ =	shalt  }

// kernel: kernel.15.cloned.1.call-start
scs
__scs_entry_jumppad:
0x0: {  	(pc) =	sbr.rel $0x88, $3  }
0x1: {  	(tag) =	ssettag $0x0;
	lr =	simm.s32 $0x1  }
0x2: {  	[smem:$0x3F98] =	sst lr;
	_ =	strace $0xD0000000  }
0x3: {  	_ = 	snop  }
0x4: {  	_ = 	snop  }
0x5: {  	_ = 	snop  }
0x6: {  	_ = 	snop  }
0x7: {  	_ = 	snop  }
__scs_overlays_trampoline_lowered:
0x8: {  	[smem:$0x3FA7] =	sst s0  }
0x9: {  	[smem:$0x3FA8] =	sst s1  }
0xa: {  	[smem:$0x3FA9] =	sst s2  }
0xb: {  	[smem:$0x3FAA] =	sst s3  }
0xc: {  	[smem:$0x3FAB] =	sst s4  }
0xd: {  	[smem:$0x3FAC] =	sst s5  }
0xe: {  	[smem:$0x3FAD] =	sst s6  }
0xf: {  	[smem:$0x3FAE] =	sst s7  }
0x10: {  	[smem:$0x3FAF] =	sst s8  }
0x11: {  	[smem:$0x3FB0] =	sst s9;
	s0 =	simm.s32 @!p0 $0x0  }
0x12: {  	s1 =	sld [smem:$0x3F96];
	s0 =	simm.s32 @p0 $0x1  }
0x13: {  	[smem:$0x3FB1] =	sst s0;
	s0 =	simm.s32 @!p1 $0x0  }
0x14: {  	s2 =	sld [smem:$0x3F95];
	s0 =	simm.s32 @p1 $0x1  }
0x15: {  	[smem:$0x3FB2] =	sst s0;
	s0 =	simm.s32 @!p2 $0x0  }
0x16: {  	s3 =	sld [smem:$0x3FDB];
	s0 =	simm.s32 @p2 $0x1  }
0x17: {  	s4 =	simm.s32 $0x1BF5;
	[smem:$0x3FB4] =	sst s0  }
0x18: {  	s0 =	sld [smem:$0x3F97];
	_ =	swait.ge [sflag:s4], $0x0  }
0x19: {  	s7 =	sld [smem:$0x3F98]  }
0x1a: {  	s8 =	sadd.s32 $0xFFFFE003, lr  }
0x1b: {  	s9 =	sadd.s32 $0xFFFFFEF7, lr;
	s5 =	simm.s32 $0xFFFFFFFF;
	p2 =	slt.u32 s8, $0xFFFFF086  }
0x1c: {  	p1 =	slt.u32 s9, $0xF7A;
	s5 =	simm.s32 @!p2 $0x0  }
0x1d: {  	s5 =	simm.s32 @p1 $0x1;
	p0 =	seq.s32 s7, s2  }
0x1e: {  	s7 =	smul.u32 @!p0 $0xF7A, s2;
	p2 =	seq.s32 @!p0 s5, $0x0  }
0x1f: {  	s9 =	smul.u32 $0xF7A, s1;
	s8 =	simm.s32 @!p0 $0x1BF5;
	p2 =	por !p2, p0  }
0x20: {  	[sflag:s8] =	ssyncset.s32 @!p0 $0xFFFFF086;
	s6 =	sadd.s32 @!p0 s3, s7;
	s7 =	simm.s32 @!p0 $0x108  }
0x21: {  	s3 =	sadd.s32 s3, s9;
	s6 =	sadd.s32 @!p0 $0x88, s6;
	s7 =	simm.s32 @p2 $0x1082  }
0x22: {  	[simem:s7], [sflag:s8] =	dma.local @!p0 [hbm:s6], $0xF7A  }
0x23: {  	s9 =	sor.u32 $0xD0000000, s2;
	s6 =	simm.s32 $0x108;
	_ =	swait.ge @!p0 [sflag:s8], $0x0  }
0x24: {  	s3 =	sadd.s32 $0x88, s3;
	s6 =	simm.s32 @!p1 $0x1082;
	[sflag:s4] =	ssyncset.s32 $0xFFFFF086  }
0x25: {  	[simem:s6], [sflag:s4] =	dma.local [hbm:s3], $0xF7A  }
0x26: {  	[smem:$0x3F98] =	sst s1;
	(tag) =	ssettag s2;
	_ =	strace s9  }
0x27: {  	s1 =	sld [smem:$0x3FA8]  }
0x28: {  	s2 =	sld [smem:$0x3FA9]  }
0x29: {  	s4 =	sld [smem:$0x3FAB]  }
0x2a: {  	p0 =	seq.s32 s5, $0x0;
	s5 =	sld [smem:$0x3FAC]  }
0x2b: {  	s6 =	sld [smem:$0x3FAD]  }
0x2c: {  	s7 =	sld [smem:$0x3FAE]  }
0x2d: {  	s3 =	simm.s32 $0x108;
	s8 =	sld [smem:$0x3FAF]  }
0x2e: {  	s3 =	simm.s32 @!p0 $0x1082;
	s9 =	sld [smem:$0x3FB0]  }
0x2f: {  	lr =	sadd.s32 s0, s3;
	s0 =	sld [smem:$0x3FA7]  }
0x30: {  	s3 =	sld [smem:$0x3FAA]  }
0x31: {  	[smem:$0x3FB3] =	sst s10  }
0x32: {  	s10 =	sld [smem:$0x3FB1];
	_ =	sdelay $0x3  }
0x33: {  	p0 =	seq.s32 s10, $0x1;
	s10 =	sld [smem:$0x3FB3];
	_ =	sdelay $0x3  }
0x34: {  	[smem:$0x3FB3] =	sst s10  }
0x35: {  	s10 =	sld [smem:$0x3FB2];
	_ =	sdelay $0x3  }
0x36: {  	p1 =	seq.s32 s10, $0x1;
	s10 =	sld [smem:$0x3FB3];
	_ =	sdelay $0x3  }
0x37: {  	[smem:$0x3FB3] =	sst s10  }
0x38: {  	s10 =	sld [smem:$0x3FB4]  }
0x39: {  	_ = 	snop;
	(pc) =	sbr.ind lr, $3  }
0x3a: {  	_ = 	snop  }
0x3b: {  	_ = 	snop  }
0x3c: {  	p2 =	seq.s32 s10, $0x1;
	s10 =	sld [smem:$0x3FB3]  }
0x3d: {  	_ =	shalt  }
0x3e: {  	_ =	shalt  }
0x3f: {  	_ =	shalt  }
0x40: {  	_ =	shalt  }
0x41: {  	_ =	shalt  }
0x42: {  	_ =	shalt  }
0x43: {  	_ =	shalt  }
0x44: {  	_ =	shalt  }
0x45: {  	_ =	shalt  }
0x46: {  	_ =	shalt  }
0x47: {  	_ =	shalt  }
0x48: {  	_ =	shalt  }
0x49: {  	_ =	shalt  }
0x4a: {  	_ =	shalt  }
0x4b: {  	_ =	shalt  }
0x4c: {  	_ =	shalt  }
0x4d: {  	_ =	shalt  }
0x4e: {  	_ =	shalt  }
0x4f: {  	_ =	shalt  }
0x50: {  	_ =	shalt  }
0x51: {  	_ =	shalt  }
0x52: {  	_ =	shalt  }
0x53: {  	_ =	shalt  }
0x54: {  	_ =	shalt  }
0x55: {  	_ =	shalt  }
0x56: {  	_ =	shalt  }
0x57: {  	_ =	shalt  }
0x58: {  	_ =	shalt  }
0x59: {  	_ =	shalt  }
0x5a: {  	_ =	shalt  }
0x5b: {  	_ =	shalt  }
0x5c: {  	_ =	shalt  }
0x5d: {  	_ =	shalt  }
0x5e: {  	_ =	shalt  }
0x5f: {  	_ =	shalt  }
0x60: {  	_ =	shalt  }
0x61: {  	_ =	shalt  }
0x62: {  	_ =	shalt  }
0x63: {  	_ =	shalt  }
0x64: {  	_ =	shalt  }
0x65: {  	_ =	shalt  }
0x66: {  	_ =	shalt  }
0x67: {  	_ =	shalt  }
0x68: {  	_ =	shalt  }
0x69: {  	_ =	shalt  }
0x6a: {  	_ =	shalt  }
0x6b: {  	_ =	shalt  }
0x6c: {  	_ =	shalt  }
0x6d: {  	_ =	shalt  }
0x6e: {  	_ =	shalt  }
0x6f: {  	_ =	shalt  }
0x70: {  	_ =	shalt  }
0x71: {  	_ =	shalt  }
0x72: {  	_ =	shalt  }
0x73: {  	_ =	shalt  }
0x74: {  	_ =	shalt  }
0x75: {  	_ =	shalt  }
0x76: {  	_ =	shalt  }
0x77: {  	_ =	shalt  }
0x78: {  	_ =	shalt  }
0x79: {  	_ =	shalt  }
0x7a: {  	_ =	shalt  }
0x7b: {  	_ =	shalt  }
0x7c: {  	_ =	shalt  }
0x7d: {  	_ =	shalt  }
0x7e: {  	_ =	shalt  }
0x7f: {  	_ =	shalt  }
0x80: {  	_ =	shalt  }
0x81: {  	_ =	shalt  }
0x82: {  	_ =	shalt  }
0x83: {  	_ =	shalt  }
0x84: {  	_ =	shalt  }
0x85: {  	_ =	shalt  }
0x86: {  	_ =	shalt  }
0x87: {  	_ =	shalt  }
.Lfunc_end0:
.L_simem_size_0:
called_computation.1_lowered:
.L_overlay_start_0:
0x88: {  	s2 =	sld [smem:$0x3FD9]  }
0x89: {  	s3 =	sld [smem:$0x3FFE];
	_ =	sdelay $0x1  }
0x8a: {  	s1 =	srdreg.scid  }
0x8b: {  	s0 =	sand.u32 $0x1, s1  }
0x8c: {  	s16 =	sshll.u32 s0, $0xA;
	s2 =	sadd.s32 s3, s2  }
0x8d: {  	s2 =	sadd.s32 s2, s16  }
0x8e: {  	[smem:$0x3FBF] =	sst s2  }
0x8f: {  	_ = 	snop  }
0x90: {  	(tm) =	ssettm $0x1  }
0x91: {  	s17 =	sld [smem:$0x3FFB];
	_ =	sdelay $0x3  }
0x92: {  	_ =	strace s17  }
0x93: {  	s2 =	sld [smem:$0x3FFC];
	_ =	sdelay $0x3  }
0x94: {  	_ =	strace s2  }
0x95: {  	s2 =	sld [smem:$0x3FFD];
	_ =	sdelay $0x3  }
0x96: {  	_ =	strace s2  }
0x97: {  	_ =	strace $0x8FFFFFFF  }
0x98: {  	s18 =	sld [smem:$0x3FDB];
	_ =	sdelay $0x1  }
0x99: {  	s19 =	simm.s32 $_scs_section_size  }
0x9a: {  	s4 =	simm.s32 $_size__tile_overlayer_lowered;
	s5 =	simm.s32 $_tile_overlayer_lowered  }
0x9b: {  	s22 =	simm.s32 $0x1BFF;
	s21 =	sshll.u32 s5, $0x1;
	s2 =	sadd.s32 s19, s18  }
0x9c: {  	s6 =	simm.s32 $0x0;
	s20 =	sshll.u32 s4, $0x1;
	s4 =	sadd.s32 s21, s2  }
0x9d: {  	[timem:s6], [sflag:s22] =	dma.local [hbm:s4], s20  }
0x9e: {  	_ =	swait.ge [sflag:s22], s20  }
0x9f: {  	s3 =	ssub.s32 $0x0, s20;
	[sflag:s22] =	ssyncset.done $0x0  }
0xa0: {  	[sflag:s22] =	ssyncadd.s32 s3;
	_ =	sdelay $0x1  }
0xa1: {  	s23 =	simm.s32 $0x1B8B  }
0xa2: {  	_ =	swait.ge [sflag:s23], $0x1  }
0xa3: {  	[sflag:s23] =	ssyncset.done $0x0  }
0xa4: {  	s25 =	simm.s32 $0x1B8E;
	s24 =	sld [smem:$0x3FFE];
	[sflag:s23] =	ssyncadd.s32 $0xFFFFFFFF  }
0xa5: {  	s26 =	simm.s32 $execute0_lowered;
	[smem:$0x3FD2] =	sst s25  }
0xa6: {  	s4 =	sshll.u32 s26, $0x1;
	_ =	strace $0x80000049;
	[dreg:$0x1] =	wrdreg $0xFFFFFFFF  }
0xa7: {  	s28 =	simm.s32 $_size_execute0_lowered;
	s2 =	sadd.s32 s2, s4;
	[dreg:$0x0] =	wrdreg $0x0  }
0xa8: {  	s4 =	sshll.u32 s28, $0x1;
	[dreg:$0x2] =	wrdreg s2  }
0xa9: {  	[dreg:$0x3] =	wrdreg s4  }
0xaa: {  	[dreg:$0x4] =	wrdreg $0xC0  }
0xab: {  	_ =	task [dreg:s6], $0x5FFFF  }
0xac: {  	[dreg:$0x1] =	wrdreg $0xFFFFFFFF  }
0xad: {  	[dreg:$0x0] =	wrdreg $0x60  }
0xae: {  	[dreg:$0x2] =	wrdreg s24  }
0xaf: {  	[dreg:$0x3] =	wrdreg $0xBB000  }
0xb0: {  	[dreg:$0x4] =	wrdreg $0x9  }
0xb1: {  	_ =	task.clear_ibuf [dreg:s6], $0x5FFFF;
	_ =	strace $0x90000049  }
0xb2: {  	s29 =	simm.s32 $0x9;
	_ =	strace $0x8000004B  }
0xb3: {  	_ =	swait.ge [sflag:s29], $0x1  }
0xb4: {  	[sflag:s29] =	ssyncadd.s32 $0xFFFFFFFF  }
0xb5: {  	_ =	strace $0x9000004B  }
0xb6: {  	_ =	sfence  }
0xb7: {  	s30 =	sld [smem:$0x0];
	_ =	sdelay $0x2  }
0xb8: {  	s31 =	sshll.u32 s1, $0xD;
	s1 =	sshrl.u32 s1, $0x2  }
0xb9: {  	s3 =	sand.u32 $0x4000, s31;
	s1 =	sadd.s32 s1, s30  }
0xba: {  	s0 =	sor.u32 s3, s0;
	s1 =	sshll.u32 s1, $0x11  }
0xbb: {  	s0 =	sor.u32 s1, s0  }
0xbc: {  	s0 =	sadd.s32 $0x8F2B, s0  }
0xbd: {  	[sflag:s0] =	ssyncadd.remote.s32 $0x1  }
0xbe: {  	_ =	sfence.sel $0xFFFF  }
0xbf: {  	[dreg:$0x0] =	wrdreg $0xFFFFFFFF;
	(pc) =	sbr.abs _section_cstart, $3  }
0xc0: {  	[dreg:$0x1] =	wrdreg $0xFFFFFFFF  }
0xc1: {  	_ =	task.clear_ibuf [dreg:s6], $0x2FFFF;
	_ =	strace $0x9FFFFFFF  }
0xc2: {  	(tm) =	ssettm $0x7FFFFFFF  }
0xc3: {  	_ =	shalt  }
tec
execute0_lowered:
.L_overlay_start_1:
0x0: {  	(tag) =	ssettag $0x1  }
0x1: {  	s0 =	rddreg [dreg:$0x0]  }
0x2: {  	s1 =	rddreg [dreg:$0x1];
	s3 =	simm.s32 $0x0  }
0x3: {  	s9 =	stileid.u32;
	s2 =	srdreg.scid;
	s28 =	simm.s32 $0x4080  }
0x4: {  	s29 =	simm.s32 $0x6B00;
	s30 =	simm.s32 $0x4100;
	s31 =	simm.s32 $0x9300  }
0x5: {  	[smem:$0x7FF] =	sst s3;
	s4 =	sadd.s32 $0xC400, s0;
	s7 =	smul.u32 $0x50000, s9  }
0x6: {  	s5 =	sshll.u32 s9, $0xB;
	s2 =	sand.u32 $0x1, s2;
	s13 =	smul.u32 $0x280, s9  }
0x7: {  	_ =	strace $0x8000004A;
	s5 =	sadd.s32 s5, s0;
	s6 =	ssub.s32 $0x2, s2  }
0x8: {  	s0 =	sadd.s32 $0x5C400, s0;
	s15 =	smul.u32 $0x2800, s2;
	s8 =	sshrl.u32 s6, $0x1  }
0x9: {  	s25 =	sshrl.u32 s7, $0x2;
	s5 =	sadd.s32 $0x2400, s5;
	s26 =	sor.u32 $0x50, s13  }
0xa: {  	s16 =	sadd.s32 $0xA0, s13;
	s17 =	sadd.s32 $0xF0, s13;
	s23 =	sadd.s32 $0x140, s13  }
0xb: {  	s18 =	sadd.s32 $0x190, s13;
	s19 =	sadd.s32 $0x1E0, s13;
	s14 =	ssub.s32 s6, s8  }
0xc: {  	[dreg:$0x3] =	wrdreg s5;
	s6 =	sadd.s32 s25, s1;
	s20 =	sshll.u32 s26, $0x7  }
0xd: {  	s21 =	sshll.u32 s16, $0x7;
	s22 =	sshll.u32 s17, $0x7;
	s10 =	sshll.u32 s23, $0x7  }
0xe: {  	s11 =	sshll.u32 s18, $0x7;
	s12 =	sshll.u32 s19, $0x7;
	s2 =	sadd.s32 s15, s26  }
0xf: {  	s25 =	sadd.s32 s15, s16;
	s26 =	sadd.s32 s15, s17;
	s5 =	sadd.s32 s15, s23  }
0x10: {  	s23 =	sadd.s32 s15, s19;
	s16 =	simm.s32 $0x4280;
	s7 =	sadd.s32 s20, s1  }
0x11: {  	s8 =	sadd.s32 s21, s1;
	s9 =	sadd.s32 s22, s1;
	s10 =	sadd.s32 s10, s1  }
0x12: {  	s11 =	sadd.s32 s11, s1;
	s12 =	sadd.s32 s12, s1;
	s20 =	sadd.s32 $0x230, s13  }
0x13: {  	s22 =	sadd.s32 s13, s15;
	s2 =	sshll.u32 s2, $0x4;
	s17 =	sshll.u32 s26, $0x4  }
0x14: {  	s5 =	sshll.u32 s5, $0x4;
	s21 =	sshll.u32 s20, $0x7;
	s24 =	sshll.u32 s22, $0x4  }
0x15: {  	s2 =	sadd.s32 s0, s2;
	s22 =	sadd.s32 s15, s18;
	s13 =	sadd.s32 s21, s1  }
0x16: {  	s21 =	sadd.s32 s0, s24;
	[dreg:$0x5] =	wrdreg s2;
	s2 =	sshll.u32 s25, $0x4  }
0x17: {  	s24 =	sadd.s32 s15, s20;
	s25 =	sshll.u32 s23, $0x4;
	s23 =	simm.s32 $0x4  }
0x18: {  	v0 =	vmov s15;
	s15 =	simm.s32 $0x3;
	[dreg:$0x4] =	wrdreg s21;
	s2 =	sadd.s32 s0, s2  }
0x19: {  	s21 =	sadd.s32 s0, s5;
	s26 =	sshll.u32 s24, $0x4;
	s20 =	sadd.s32 s0, s25  }
0x1a: {  	s24 =	simm.s32 $0x4300;
	s25 =	simm.s32 $0x50;
	s5 =	simm.s32 $0x2  }
.Ltmp0:
0x1b: {  	[dreg:$0x6] =	wrdreg s2;
	s2 =	sadd.s32 s0, s17;
	(pc) =	sbr.rel .LBB2_1-.Ltmp0, $4  }
0x1c: {  	[dreg:$0x8] =	wrdreg s21;
	s21 =	sadd.s32 s0, s26;
	s26 =	simm.s32 $0x4000  }
0x1d: {  	s17 =	simm.s32 $0x0;
	[dreg:$0x7] =	wrdreg s2;
	s2 =	sshll.u32 s22, $0x4  }
0x1e: {  	s22 =	smax.u32 s14, $0x1;
	s14 =	simm.s32 $0x4200;
	s2 =	sadd.s32 s0, s2  }
0x1f: {  	v1 =	vimm.f32 $0.0e+00;
	s0 =	simm.s32 $0x1;
	[dreg:$0x9] =	wrdreg s2;
	s2 =	simm.s32 $0x4180  }
.LBB2_6:
0x20: {  	_ =	swait.ge [sflag:s0], $0x2800  }
0x21: {  	[sflag:s0] =	ssyncset.done $0x0  }
0x22: {  	[sflag:s0] =	ssyncadd.s32 $0xFFFFD800  }
0x23: {  	[spmem:s1] =	stream.indirect.scatter.add.f32 [tilespmem:s24], [sflag:$0x4], $0x80, s2, s25, $0xb8;
	[tilespmem:$0x1FB00] =	vst v63  }
0x24: {  	_ =	swait.ge [sflag:s23], $0x2800  }
0x25: {  	[sflag:s23] =	ssyncset.done $0x0  }
0x26: {  	[sflag:s23] =	ssyncadd.s32 $0xFFFFD800  }
0x27: {  	_ =	swait.ge [sflag:s5], $0x2800  }
0x28: {  	[sflag:s5] =	ssyncset.done $0x0  }
0x29: {  	[sflag:s5] =	ssyncadd.s32 $0xFFFFD800  }
0x2a: {  	[spmem:s1] =	stream.indirect.scatter.add.f32 [tilespmem:s29], [sflag:$0x4], $0x80, s14, s25, $0xb8;
	[tilespmem:$0x1FB00] =	vst v63  }
0x2b: {  	_ =	swait.ge [sflag:s23], $0x2800  }
0x2c: {  	[sflag:s23] =	ssyncset.done $0x0  }
0x2d: {  	[sflag:s23] =	ssyncadd.s32 $0xFFFFD800  }
0x2e: {  	[bflag:$0x0] =	sbarrier.arrive $0xFFFF  }
0x2f: {  	[tilespmem:s24], [sflag:$0x4] =	stream.linear.gather [spmem:s6], $0x2800, $0x38;
	[tilespmem:$0x1FB00] =	vst v63  }
0x30: {  	_ =	swait.ge [sflag:s23], $0x2800  }
0x31: {  	[sflag:s23] =	ssyncset.done $0x0  }
0x32: {  	s18 =	rddreg [dreg:$0x4];
	[sflag:s23] =	ssyncadd.s32 $0xFFFFD800  }
0x33: {  	[hbm4b:s18+s3] =	stream.linear.scatter [tilespmem:s24], [sflag:$0x4], $0x2800, $0x38;
	[tilespmem:$0x1FB00] =	vst v63  }
0x34: {  	_ =	swait.ge [sflag:s23], $0x2800  }
0x35: {  	[sflag:s23] =	ssyncset.done $0x0  }
0x36: {  	[sflag:s23] =	ssyncadd.s32 $0xFFFFD800  }
0x37: {  	[tilespmem:s24], [sflag:$0x4] =	stream.linear.gather [spmem:s7], $0x2800, $0x38;
	[tilespmem:$0x1FB00] =	vst v63  }
0x38: {  	_ =	swait.ge [sflag:s23], $0x2800  }
0x39: {  	[sflag:s23] =	ssyncset.done $0x0  }
0x3a: {  	s19 =	rddreg [dreg:$0x5];
	[sflag:s23] =	ssyncadd.s32 $0xFFFFD800  }
0x3b: {  	[hbm4b:s19+s3] =	stream.linear.scatter [tilespmem:s24], [sflag:$0x4], $0x2800, $0x38;
	[tilespmem:$0x1FB00] =	vst v63  }
0x3c: {  	_ =	swait.ge [sflag:s23], $0x2800  }
0x3d: {  	[sflag:s23] =	ssyncset.done $0x0  }
0x3e: {  	[sflag:s23] =	ssyncadd.s32 $0xFFFFD800  }
0x3f: {  	[tilespmem:s24], [sflag:$0x4] =	stream.linear.gather [spmem:s8], $0x2800, $0x38;
	[tilespmem:$0x1FB00] =	vst v63  }
0x40: {  	_ =	swait.ge [sflag:s23], $0x2800  }
0x41: {  	[sflag:s23] =	ssyncset.done $0x0  }
0x42: {  	s19 =	rddreg [dreg:$0x6];
	[sflag:s23] =	ssyncadd.s32 $0xFFFFD800  }
0x43: {  	[hbm4b:s19+s3] =	stream.linear.scatter [tilespmem:s24], [sflag:$0x4], $0x2800, $0x38;
	[tilespmem:$0x1FB00] =	vst v63  }
0x44: {  	_ =	swait.ge [sflag:s23], $0x2800  }
0x45: {  	[sflag:s23] =	ssyncset.done $0x0  }
0x46: {  	[sflag:s23] =	ssyncadd.s32 $0xFFFFD800  }
0x47: {  	[tilespmem:s24], [sflag:$0x4] =	stream.linear.gather [spmem:s9], $0x2800, $0x38;
	[tilespmem:$0x1FB00] =	vst v63  }
0x48: {  	_ =	swait.ge [sflag:s23], $0x2800  }
0x49: {  	[sflag:s23] =	ssyncset.done $0x0  }
0x4a: {  	s19 =	rddreg [dreg:$0x7];
	[sflag:s23] =	ssyncadd.s32 $0xFFFFD800  }
0x4b: {  	[hbm4b:s19+s3] =	stream.linear.scatter [tilespmem:s24], [sflag:$0x4], $0x2800, $0x38;
	[tilespmem:$0x1FB00] =	vst v63  }
0x4c: {  	_ =	swait.ge [sflag:s23], $0x2800  }
0x4d: {  	[sflag:s23] =	ssyncset.done $0x0  }
0x4e: {  	[sflag:s23] =	ssyncadd.s32 $0xFFFFD800  }
0x4f: {  	[tilespmem:s24], [sflag:$0x4] =	stream.linear.gather [spmem:s10], $0x2800, $0x38;
	[tilespmem:$0x1FB00] =	vst v63  }
0x50: {  	_ =	swait.ge [sflag:s23], $0x2800  }
0x51: {  	[sflag:s23] =	ssyncset.done $0x0  }
0x52: {  	s19 =	rddreg [dreg:$0x8];
	[sflag:s23] =	ssyncadd.s32 $0xFFFFD800  }
0x53: {  	[hbm4b:s19+s3] =	stream.linear.scatter [tilespmem:s24], [sflag:$0x4], $0x2800, $0x38;
	[tilespmem:$0x1FB00] =	vst v63  }
0x54: {  	_ =	swait.ge [sflag:s23], $0x2800  }
0x55: {  	[sflag:s23] =	ssyncset.done $0x0  }
0x56: {  	[sflag:s23] =	ssyncadd.s32 $0xFFFFD800  }
0x57: {  	[tilespmem:s24], [sflag:$0x4] =	stream.linear.gather [spmem:s11], $0x2800, $0x38;
	[tilespmem:$0x1FB00] =	vst v63  }
0x58: {  	_ =	swait.ge [sflag:s23], $0x2800  }
0x59: {  	[sflag:s23] =	ssyncset.done $0x0  }
0x5a: {  	s19 =	rddreg [dreg:$0x9];
	[sflag:s23] =	ssyncadd.s32 $0xFFFFD800  }
0x5b: {  	[hbm4b:s19+s3] =	stream.linear.scatter [tilespmem:s24], [sflag:$0x4], $0x2800, $0x38;
	[tilespmem:$0x1FB00] =	vst v63  }
0x5c: {  	_ =	swait.ge [sflag:s23], $0x2800  }
0x5d: {  	[sflag:s23] =	ssyncset.done $0x0  }
0x5e: {  	[sflag:s23] =	ssyncadd.s32 $0xFFFFD800  }
0x5f: {  	[tilespmem:s24], [sflag:$0x4] =	stream.linear.gather [spmem:s12], $0x2800, $0x38;
	[tilespmem:$0x1FB00] =	vst v63  }
0x60: {  	_ =	swait.ge [sflag:s23], $0x2800  }
0x61: {  	[sflag:s23] =	ssyncset.done $0x0  }
0x62: {  	[sflag:s23] =	ssyncadd.s32 $0xFFFFD800  }
0x63: {  	[hbm4b:s20+s3] =	stream.linear.scatter [tilespmem:s24], [sflag:$0x4], $0x2800, $0x38;
	[tilespmem:$0x1FB00] =	vst v63  }
0x64: {  	_ =	swait.ge [sflag:s23], $0x2800  }
0x65: {  	[sflag:s23] =	ssyncset.done $0x0  }
0x66: {  	[sflag:s23] =	ssyncadd.s32 $0xFFFFD800  }
0x67: {  	[tilespmem:s24], [sflag:$0x4] =	stream.linear.gather [spmem:s13], $0x2800, $0x38;
	[tilespmem:$0x1FB00] =	vst v63  }
0x68: {  	s17 =	sadd.s32 $0x1, s17;
	_ =	swait.ge [sflag:s23], $0x2800  }
0x69: {  	p0 =	sne.s32 s17, s22;
	[sflag:s23] =	ssyncset.done $0x0  }
.Ltmp1:
0x6a: {  	[sflag:s23] =	ssyncadd.s32 $0xFFFFD800;
	(pc) =	sbr.rel @!p0 .LBB2_7-.Ltmp1, $4  }
0x6b: {  	[hbm4b:s21+s3] =	stream.linear.scatter [tilespmem:s24], [sflag:$0x4], $0x2800, $0x38;
	[tilespmem:$0x1FB00] =	vst v63  }
0x6c: {  	_ =	swait.ge [sflag:s23], $0x2800  }
0x6d: {  	[sflag:s23] =	ssyncset.done $0x0  }
0x6e: {  	[sflag:s23] =	ssyncadd.s32 $0xFFFFD800  }
.LBB2_1:
0x6f: {  	s18 =	rddreg [dreg:$0x3]  }
0x70: {  	[tilespmem:s3], [sflag:$0x4] =	stream.linear.gather [hbm4b:s18+s3], $0x3E80, $0x38;
	[tilespmem:$0x1FB00] =	vst v63  }
0x71: {  	_ =	swait.ge [sflag:s23], $0x3E80  }
0x72: {  	[sflag:s23] =	ssyncset.done $0x0  }
0x73: {  	s19 =	simm.s32 $0x3C0;
	s18 =	simm.s32 $0x70;
	[sflag:s23] =	ssyncadd.s32 $0xFFFFC180  }
.LBB2_2:
0x74: {  	p0 =	sne.s32 s19, $0x9FC0;
	[tilespmem:s18+$0x4300] =	vst v1  }
0x75: {  	[tilespmem:s18+$0x4290] =	vst v1  }
0x76: {  	[tilespmem:s18+$0x42A0] =	vst v1  }
.Ltmp2:
0x77: {  	[tilespmem:s18+$0x42B0] =	vst v1;
	(pc) =	sbr.rel @p0 .LBB2_2-.Ltmp2, $4  }
0x78: {  	[tilespmem:s18+$0x42C0] =	vst v1  }
0x79: {  	[tilespmem:s18+$0x42D0] =	vst v1  }
0x7a: {  	[tilespmem:s18+$0x42E0] =	vst v1  }
0x7b: {  	[tilespmem:s18+$0x42F0] =	vst v1;
	s18 =	sshra.s32 s19, $0x2;
	s19 =	sadd.s32 $0x200, s19  }
0x7c: {  	[tilespmem:s18+$0x4300] =	vst v1  }
0x7d: {  	[tilespmem:s18+$0x4290] =	vst v1  }
0x7e: {  	[tilespmem:s18+$0x42A0] =	vst v1  }
0x7f: {  	[tilespmem:s18+$0x42B0] =	vst v1  }
0x80: {  	[tilespmem:s18+$0x42C0] =	vst v1  }
0x81: {  	[tilespmem:s18+$0x42D0] =	vst v1  }
0x82: {  	[tilespmem:s18+$0x42E0] =	vst v1  }
0x83: {  	[tilespmem:s18+$0x42F0] =	vst v1  }
0x84: {  	[spmem:s6] =	stream.linear.scatter [tilespmem:s24], [sflag:$0x4], $0x2800, $0x38;
	[tilespmem:$0x1FB00] =	vst v63  }
0x85: {  	_ =	swait.ge [sflag:s23], $0x2800  }
0x86: {  	[sflag:s23] =	ssyncset.done $0x0  }
0x87: {  	[sflag:s23] =	ssyncadd.s32 $0xFFFFD800  }
0x88: {  	[spmem:s7] =	stream.linear.scatter [tilespmem:s24], [sflag:$0x4], $0x2800, $0x38;
	[tilespmem:$0x1FB00] =	vst v63  }
0x89: {  	_ =	swait.ge [sflag:s23], $0x2800  }
0x8a: {  	[sflag:s23] =	ssyncset.done $0x0  }
0x8b: {  	[sflag:s23] =	ssyncadd.s32 $0xFFFFD800  }
0x8c: {  	[spmem:s8] =	stream.linear.scatter [tilespmem:s24], [sflag:$0x4], $0x2800, $0x38;
	[tilespmem:$0x1FB00] =	vst v63  }
0x8d: {  	_ =	swait.ge [sflag:s23], $0x2800  }
0x8e: {  	[sflag:s23] =	ssyncset.done $0x0  }
0x8f: {  	[sflag:s23] =	ssyncadd.s32 $0xFFFFD800  }
0x90: {  	[spmem:s9] =	stream.linear.scatter [tilespmem:s24], [sflag:$0x4], $0x2800, $0x38;
	[tilespmem:$0x1FB00] =	vst v63  }
0x91: {  	_ =	swait.ge [sflag:s23], $0x2800  }
0x92: {  	[sflag:s23] =	ssyncset.done $0x0  }
0x93: {  	[sflag:s23] =	ssyncadd.s32 $0xFFFFD800  }
0x94: {  	[spmem:s10] =	stream.linear.scatter [tilespmem:s24], [sflag:$0x4], $0x2800, $0x38;
	[tilespmem:$0x1FB00] =	vst v63  }
0x95: {  	_ =	swait.ge [sflag:s23], $0x2800  }
0x96: {  	[sflag:s23] =	ssyncset.done $0x0  }
0x97: {  	[sflag:s23] =	ssyncadd.s32 $0xFFFFD800  }
0x98: {  	[spmem:s11] =	stream.linear.scatter [tilespmem:s24], [sflag:$0x4], $0x2800, $0x38;
	[tilespmem:$0x1FB00] =	vst v63  }
0x99: {  	_ =	swait.ge [sflag:s23], $0x2800  }
0x9a: {  	[sflag:s23] =	ssyncset.done $0x0  }
0x9b: {  	[sflag:s23] =	ssyncadd.s32 $0xFFFFD800  }
0x9c: {  	[spmem:s12] =	stream.linear.scatter [tilespmem:s24], [sflag:$0x4], $0x2800, $0x38;
	[tilespmem:$0x1FB00] =	vst v63  }
0x9d: {  	_ =	swait.ge [sflag:s23], $0x2800  }
0x9e: {  	[sflag:s23] =	ssyncset.done $0x0  }
0x9f: {  	[sflag:s23] =	ssyncadd.s32 $0xFFFFD800  }
0xa0: {  	[spmem:s13] =	stream.linear.scatter [tilespmem:s24], [sflag:$0x4], $0x2800, $0x38;
	[tilespmem:$0x1FB00] =	vst v63  }
0xa1: {  	_ =	swait.ge [sflag:s23], $0x2800  }
0xa2: {  	[sflag:s23] =	ssyncset.done $0x0  }
0xa3: {  	[sflag:s23] =	ssyncadd.s32 $0xFFFFD800  }
0xa4: {  	v2 =	vld [tilespmem:$0x0]  }
0xa5: {  	v3 =	vld [tilespmem:$0x10];
	_ =	sdelay $0x1  }
0xa6: {  	v4 =	vld [tilespmem:$0x20];
	_ =	sdelay $0x1  }
0xa7: {  	v6 =	vld [tilespmem:$0x30];
	v5 =	vand.u32 $0xFFFF, v2;
	v2 =	vshrl.u32 v2, $0x10  }
0xa8: {  	v52 =	vand.u32 $0xFFFF, v3;
	v5 =	vadd.s32 v0, v5;
	[tilespmem:$0x4180] =	vst v2  }
0xa9: {  	v53 =	vld [tilespmem:$0x40];
	v2 =	vadd.s32 v0, v52;
	[tilespmem:$0x4000] =	vst v5  }
0xaa: {  	[tilespmem:$0x4010] =	vst v2;
	v2 =	vshrl.u32 v3, $0x10;
	v3 =	vand.u32 $0xFFFF, v4  }
0xab: {  	[tilespmem:$0x4190] =	vst v2;
	v2 =	vadd.s32 v0, v3  }
0xac: {  	v3 =	vand.u32 $0xFFFF, v6;
	[tilespmem:$0x4020] =	vst v2;
	v2 =	vshrl.u32 v4, $0x10  }
0xad: {  	[tilespmem:$0x41A0] =	vst v2;
	v2 =	vadd.s32 v0, v3  }
0xae: {  	v3 =	vand.u32 $0xFFFF, v53;
	[tilespmem:$0x4030] =	vst v2;
	v2 =	vshrl.u32 v6, $0x10  }
0xaf: {  	[tilespmem:$0x41B0] =	vst v2;
	v2 =	vadd.s32 v0, v3  }
0xb0: {  	[tilespmem:$0x4040] =	vst v2;
	v2 =	vshrl.u32 v53, $0x10  }
0xb1: {  	[tilespmem:$0x41C0] =	vst v2  }
0xb2: {  	[tilespmem:s24], [sflag:$0x1] =	stream.indirect.gather [hbm4b:s4+s25], $0x80, s26, s25, $0xb8;
	[tilespmem:$0x1FB00] =	vst v63  }
0xb3: {  	v2 =	vld [tilespmem:$0x80]  }
0xb4: {  	v3 =	vld [tilespmem:$0x90];
	_ =	sdelay $0x1  }
0xb5: {  	v54 =	vld [tilespmem:$0xA0];
	_ =	sdelay $0x1  }
0xb6: {  	v56 =	vld [tilespmem:$0xB0];
	v55 =	vand.u32 $0xFFFF, v2;
	v2 =	vshrl.u32 v2, $0x10  }
0xb7: {  	v57 =	vand.u32 $0xFFFF, v3;
	v5 =	vadd.s32 v0, v55;
	[tilespmem:$0x4200] =	vst v2  }
0xb8: {  	v58 =	vld [tilespmem:$0xC0];
	v2 =	vadd.s32 v0, v57;
	[tilespmem:$0x4080] =	vst v5  }
0xb9: {  	[tilespmem:$0x4090] =	vst v2;
	v2 =	vshrl.u32 v3, $0x10;
	v3 =	vand.u32 $0xFFFF, v54  }
0xba: {  	[tilespmem:$0x4210] =	vst v2;
	v2 =	vadd.s32 v0, v3  }
0xbb: {  	v3 =	vand.u32 $0xFFFF, v56;
	[tilespmem:$0x40A0] =	vst v2;
	v2 =	vshrl.u32 v54, $0x10  }
0xbc: {  	[tilespmem:$0x4220] =	vst v2;
	v2 =	vadd.s32 v0, v3  }
0xbd: {  	v3 =	vand.u32 $0xFFFF, v58;
	[tilespmem:$0x40B0] =	vst v2;
	v2 =	vshrl.u32 v56, $0x10  }
0xbe: {  	[tilespmem:$0x4230] =	vst v2;
	v2 =	vadd.s32 v0, v3  }
0xbf: {  	[tilespmem:$0x40C0] =	vst v2;
	v2 =	vshrl.u32 v58, $0x10  }
0xc0: {  	[tilespmem:$0x4240] =	vst v2  }
0xc1: {  	[tilespmem:s29], [sflag:$0x2] =	stream.indirect.gather [hbm4b:s4+s25], $0x80, s28, s25, $0xb8;
	[tilespmem:$0x1FB00] =	vst v63  }
0xc2: {  	v2 =	vld [tilespmem:$0x100]  }
0xc3: {  	v3 =	vld [tilespmem:$0x110];
	_ =	sdelay $0x1  }
0xc4: {  	v59 =	vld [tilespmem:$0x120];
	_ =	sdelay $0x1  }
0xc5: {  	v61 =	vld [tilespmem:$0x130];
	v60 =	vand.u32 $0xFFFF, v2;
	v2 =	vshrl.u32 v2, $0x10  }
0xc6: {  	v62 =	vand.u32 $0xFFFF, v3;
	v5 =	vadd.s32 v0, v60;
	[tilespmem:$0x4280] =	vst v2  }
0xc7: {  	v63 =	vld [tilespmem:$0x140];
	v2 =	vadd.s32 v0, v62;
	[tilespmem:$0x4100] =	vst v5  }
0xc8: {  	[tilespmem:$0x4110] =	vst v2;
	v2 =	vshrl.u32 v3, $0x10;
	v3 =	vand.u32 $0xFFFF, v59  }
0xc9: {  	[tilespmem:$0x4290] =	vst v2;
	v2 =	vadd.s32 v0, v3  }
0xca: {  	v3 =	vand.u32 $0xFFFF, v61;
	[tilespmem:$0x4120] =	vst v2;
	v2 =	vshrl.u32 v59, $0x10  }
0xcb: {  	[tilespmem:$0x42A0] =	vst v2;
	v2 =	vadd.s32 v0, v3  }
0xcc: {  	v3 =	vand.u32 $0xFFFF, v63;
	[tilespmem:$0x4130] =	vst v2;
	v2 =	vshrl.u32 v61, $0x10  }
0xcd: {  	[tilespmem:$0x42B0] =	vst v2;
	v2 =	vadd.s32 v0, v3  }
0xce: {  	[tilespmem:$0x4140] =	vst v2;
	v2 =	vshrl.u32 v63, $0x10  }
0xcf: {  	[tilespmem:$0x42C0] =	vst v2  }
0xd0: {  	[tilespmem:s31], [sflag:$0x3] =	stream.indirect.gather [hbm4b:s4+s25], $0x80, s30, s25, $0xb8;
	[tilespmem:$0x1FB00] =	vst v63  }
0xd1: {  	s18 =	simm.s32 $0xB00;
	[bflag:$0x0] =	sbarrier.arrive $0xFFFF  }
.LBB2_4:
0xd2: {  	_ =	swait.ge [sflag:s0], $0x2800  }
0xd3: {  	[sflag:s0] =	ssyncset.done $0x0  }
0xd4: {  	[sflag:s0] =	ssyncadd.s32 $0xFFFFD800  }
0xd5: {  	[spmem:s1] =	stream.indirect.scatter.add.f32 [tilespmem:s24], [sflag:$0x4], $0x80, s2, s25, $0xb8;
	[tilespmem:$0x1FB00] =	vst v63  }
0xd6: {  	_ =	swait.ge [sflag:s23], $0x2800  }
0xd7: {  	[sflag:s23] =	ssyncset.done $0x0  }
0xd8: {  	s19 =	sshra.s32 s18, $0x2;
	[sflag:s23] =	ssyncadd.s32 $0xFFFFD800  }
0xd9: {  	v2 =	vld [tilespmem:s19+$0xFFFFFEC0];
	_ =	sdelay $0x4  }
0xda: {  	v3 =	vand.u32 $0xFFFF, v2;
	v2 =	vshrl.u32 v2, $0x10  }
0xdb: {  	v3 =	vadd.s32 v0, v3;
	[tilespmem:$0x4180] =	vst v2  }
0xdc: {  	[tilespmem:$0x4000] =	vst v3  }
0xdd: {  	v2 =	vld [tilespmem:s19+$0xFFFFFED0];
	_ =	sdelay $0x4  }
0xde: {  	v3 =	vand.u32 $0xFFFF, v2;
	v2 =	vshrl.u32 v2, $0x10  }
0xdf: {  	v3 =	vadd.s32 v0, v3;
	[tilespmem:$0x4190] =	vst v2  }
0xe0: {  	[tilespmem:$0x4010] =	vst v3  }
0xe1: {  	v2 =	vld [tilespmem:s19+$0xFFFFFEE0];
	_ =	sdelay $0x4  }
0xe2: {  	v3 =	vand.u32 $0xFFFF, v2;
	v2 =	vshrl.u32 v2, $0x10  }
0xe3: {  	v3 =	vadd.s32 v0, v3;
	[tilespmem:$0x41A0] =	vst v2  }
0xe4: {  	[tilespmem:$0x4020] =	vst v3  }
0xe5: {  	v2 =	vld [tilespmem:s19+$0xFFFFFEF0];
	_ =	sdelay $0x4  }
0xe6: {  	v3 =	vand.u32 $0xFFFF, v2;
	v2 =	vshrl.u32 v2, $0x10  }
0xe7: {  	v3 =	vadd.s32 v0, v3;
	[tilespmem:$0x41B0] =	vst v2  }
0xe8: {  	[tilespmem:$0x4030] =	vst v3  }
0xe9: {  	v2 =	vld [tilespmem:s19+$0xFFFFFF00];
	_ =	sdelay $0x4  }
0xea: {  	v3 =	vand.u32 $0xFFFF, v2;
	v2 =	vshrl.u32 v2, $0x10  }
0xeb: {  	v3 =	vadd.s32 v0, v3;
	[tilespmem:$0x41C0] =	vst v2  }
0xec: {  	[tilespmem:$0x4040] =	vst v3  }
0xed: {  	[tilespmem:s24], [sflag:$0x1] =	stream.indirect.gather [hbm4b:s4+s25], $0x80, s26, s25, $0xb8;
	[tilespmem:$0x1FB00] =	vst v63  }
0xee: {  	_ =	swait.ge [sflag:s5], $0x2800  }
0xef: {  	[sflag:s5] =	ssyncset.done $0x0  }
0xf0: {  	[sflag:s5] =	ssyncadd.s32 $0xFFFFD800  }
0xf1: {  	[spmem:s1] =	stream.indirect.scatter.add.f32 [tilespmem:s29], [sflag:$0x4], $0x80, s14, s25, $0xb8;
	[tilespmem:$0x1FB00] =	vst v63  }
0xf2: {  	_ =	swait.ge [sflag:s23], $0x2800  }
0xf3: {  	[sflag:s23] =	ssyncset.done $0x0  }
0xf4: {  	[sflag:s23] =	ssyncadd.s32 $0xFFFFD800  }
0xf5: {  	v2 =	vld [tilespmem:s19+$0xFFFFFF40];
	_ =	sdelay $0x4  }
0xf6: {  	v3 =	vand.u32 $0xFFFF, v2;
	v2 =	vshrl.u32 v2, $0x10  }
0xf7: {  	v3 =	vadd.s32 v0, v3;
	[tilespmem:$0x4200] =	vst v2  }
0xf8: {  	[tilespmem:$0x4080] =	vst v3  }
0xf9: {  	v2 =	vld [tilespmem:s19+$0xFFFFFF50];
	_ =	sdelay $0x4  }
0xfa: {  	v3 =	vand.u32 $0xFFFF, v2;
	v2 =	vshrl.u32 v2, $0x10  }
0xfb: {  	v3 =	vadd.s32 v0, v3;
	[tilespmem:$0x4210] =	vst v2  }
0xfc: {  	[tilespmem:$0x4090] =	vst v3  }
0xfd: {  	v2 =	vld [tilespmem:s19+$0xFFFFFF60];
	_ =	sdelay $0x4  }
0xfe: {  	v3 =	vand.u32 $0xFFFF, v2;
	v2 =	vshrl.u32 v2, $0x10  }
0xff: {  	v3 =	vadd.s32 v0, v3;
	[tilespmem:$0x4220] =	vst v2  }
0x100: {  	[tilespmem:$0x40A0] =	vst v3  }
0x101: {  	v2 =	vld [tilespmem:s19+$0xFFFFFF70];
	_ =	sdelay $0x4  }
0x102: {  	v3 =	vand.u32 $0xFFFF, v2;
	v2 =	vshrl.u32 v2, $0x10  }
0x103: {  	v3 =	vadd.s32 v0, v3;
	[tilespmem:$0x4230] =	vst v2  }
0x104: {  	[tilespmem:$0x40B0] =	vst v3  }
0x105: {  	v2 =	vld [tilespmem:s19+$0xFFFFFF80];
	_ =	sdelay $0x4  }
0x106: {  	v3 =	vand.u32 $0xFFFF, v2;
	v2 =	vshrl.u32 v2, $0x10  }
0x107: {  	v3 =	vadd.s32 v0, v3;
	[tilespmem:$0x4240] =	vst v2  }
0x108: {  	[tilespmem:$0x40C0] =	vst v3  }
0x109: {  	[tilespmem:s29], [sflag:$0x2] =	stream.indirect.gather [hbm4b:s4+s25], $0x80, s28, s25, $0xb8;
	[tilespmem:$0x1FB00] =	vst v63  }
0x10a: {  	_ =	swait.ge [sflag:s15], $0x2800  }
0x10b: {  	p0 =	seq.s32 s18, $0xFB00;
	[sflag:s15] =	ssyncset.done $0x0  }
.Ltmp3:
0x10c: {  	[sflag:s15] =	ssyncadd.s32 $0xFFFFD800;
	(pc) =	sbr.rel @p0 .LBB2_6-.Ltmp3, $4  }
0x10d: {  	[spmem:s1] =	stream.indirect.scatter.add.f32 [tilespmem:s31], [sflag:$0x4], $0x80, s16, s25, $0xb8;
	[tilespmem:$0x1FB00] =	vst v63  }
0x10e: {  	_ =	swait.ge [sflag:s23], $0x2800  }
0x10f: {  	[sflag:s23] =	ssyncset.done $0x0  }
0x110: {  	[sflag:s23] =	ssyncadd.s32 $0xFFFFD800  }
0x111: {  	v2 =	vld [tilespmem:s19+$0xFFFFFFC0];
	_ =	sdelay $0x4  }
0x112: {  	v3 =	vand.u32 $0xFFFF, v2;
	v2 =	vshrl.u32 v2, $0x10  }
0x113: {  	v3 =	vadd.s32 v0, v3;
	[tilespmem:$0x4280] =	vst v2  }
0x114: {  	[tilespmem:$0x4100] =	vst v3  }
0x115: {  	v2 =	vld [tilespmem:s19+$0xFFFFFFD0];
	_ =	sdelay $0x4  }
0x116: {  	v3 =	vand.u32 $0xFFFF, v2;
	v2 =	vshrl.u32 v2, $0x10  }
0x117: {  	v3 =	vadd.s32 v0, v3;
	[tilespmem:$0x4290] =	vst v2  }
0x118: {  	[tilespmem:$0x4110] =	vst v3  }
0x119: {  	v2 =	vld [tilespmem:s19+$0xFFFFFFE0];
	_ =	sdelay $0x4  }
0x11a: {  	v3 =	vand.u32 $0xFFFF, v2;
	v2 =	vshrl.u32 v2, $0x10  }
0x11b: {  	v3 =	vadd.s32 v0, v3;
	[tilespmem:$0x42A0] =	vst v2  }
0x11c: {  	[tilespmem:$0x4120] =	vst v3  }
0x11d: {  	v2 =	vld [tilespmem:s19+$0xFFFFFFF0];
	_ =	sdelay $0x4  }
0x11e: {  	v3 =	vand.u32 $0xFFFF, v2;
	v2 =	vshrl.u32 v2, $0x10  }
0x11f: {  	v3 =	vadd.s32 v0, v3;
	[tilespmem:$0x42B0] =	vst v2  }
0x120: {  	[tilespmem:$0x4130] =	vst v3  }
0x121: {  	v2 =	vld [tilespmem:s19+$0x0];
	_ =	sdelay $0x3  }
.Ltmp4:
0x122: {  	_ = 	snop;
	(pc) =	sbr.rel .LBB2_4-.Ltmp4, $4  }
0x123: {  	v3 =	vand.u32 $0xFFFF, v2;
	v2 =	vshrl.u32 v2, $0x10  }
0x124: {  	v3 =	vadd.s32 v0, v3;
	[tilespmem:$0x42C0] =	vst v2  }
0x125: {  	s18 =	sadd.s32 $0x600, s18;
	[tilespmem:$0x4140] =	vst v3  }
0x126: {  	[tilespmem:s31], [sflag:$0x3] =	stream.indirect.gather [hbm4b:s4+s25], $0x80, s30, s25, $0xb8;
	[tilespmem:$0x1FB00] =	vst v63  }
.LBB2_7:
0x127: {  	_ =	sfence.sel $0x180000  }
0x128: {  	[bflag:$0x0] =	sbarrier.arrive $0xFFFF  }
0x129: {  	_ =	strace $0x9000004A  }
0x12a: {  	s0 =	stileid.u32;
	[bflag:$0x2] =	sbarrier.arrive $0xFFFF  }
0x12b: {  	p0 =	sne.s32 s0, $0x0;
	s0 =	rddreg [dreg:$0x2]  }
0x12c: {  	s0 =	sadd.s32 @!p0 $0x100000, s0  }
0x12d: {  	[sflag:s0] =	ssyncadd.tile.s32 @!p0 $0x1;
	_ =	shalt  }
.Lfunc_end2:
_tile_overlayer_lowered:
.L_overlay_start_2:
0x12e: {  	(tag) =	ssettag $0x2  }
0x12f: {  	s0 =	rddreg [dreg:$0x0];
	s2 =	stileid.u32  }
0x130: {  	s1 =	rddreg [dreg:$0x1];
	p0 =	sne.s32 s2, $0x0  }
0x131: {  	s3 =	rddreg [dreg:$0x2];
	[bflag:$0x3] =	sbarrier.arrive $0xFFFF;
	s2 =	simm.s32 @!p0 $0x1C04  }
0x132: {  	[timem:s3], [sflag:s2] =	dma.local @!p0 [hbm:s0], s1  }
0x133: {  	s0 =	simm.s32 @!p0 $0x4  }
0x134: {  	_ =	swait.ge @!p0 [sflag:s0], s1  }
0x135: {  	s1 =	ssub.s32 @!p0 $0x0, s1;
	[sflag:s0] =	ssyncset.done @!p0 $0x0  }
0x136: {  	[sflag:s0] =	ssyncadd.s32 @!p0 s1  }
0x137: {  	[bflag:$0x3] =	sbarrier.arrive $0xFFFF  }
0x138: {  	_ =	shalt  }

// kernel: kernel.18.cloned.1.call-start
scs
__scs_entry_jumppad:
0x0: {  	(pc) =	sbr.rel $0x88, $3  }
0x1: {  	(tag) =	ssettag $0x0;
	lr =	simm.s32 $0x1  }
0x2: {  	[smem:$0x3F98] =	sst lr;
	_ =	strace $0xD0000000  }
0x3: {  	_ = 	snop  }
0x4: {  	_ = 	snop  }
0x5: {  	_ = 	snop  }
0x6: {  	_ = 	snop  }
0x7: {  	_ = 	snop  }
__scs_overlays_trampoline_lowered:
0x8: {  	[smem:$0x3FA7] =	sst s0  }
0x9: {  	[smem:$0x3FA8] =	sst s1  }
0xa: {  	[smem:$0x3FA9] =	sst s2  }
0xb: {  	[smem:$0x3FAA] =	sst s3  }
0xc: {  	[smem:$0x3FAB] =	sst s4  }
0xd: {  	[smem:$0x3FAC] =	sst s5  }
0xe: {  	[smem:$0x3FAD] =	sst s6  }
0xf: {  	[smem:$0x3FAE] =	sst s7  }
0x10: {  	[smem:$0x3FAF] =	sst s8  }
0x11: {  	[smem:$0x3FB0] =	sst s9;
	s0 =	simm.s32 @!p0 $0x0  }
0x12: {  	s1 =	sld [smem:$0x3F96];
	s0 =	simm.s32 @p0 $0x1  }
0x13: {  	[smem:$0x3FB1] =	sst s0;
	s0 =	simm.s32 @!p1 $0x0  }
0x14: {  	s2 =	sld [smem:$0x3F95];
	s0 =	simm.s32 @p1 $0x1  }
0x15: {  	[smem:$0x3FB2] =	sst s0;
	s0 =	simm.s32 @!p2 $0x0  }
0x16: {  	s3 =	sld [smem:$0x3FDB];
	s0 =	simm.s32 @p2 $0x1  }
0x17: {  	s4 =	simm.s32 $0x1BF5;
	[smem:$0x3FB4] =	sst s0  }
0x18: {  	s0 =	sld [smem:$0x3F97];
	_ =	swait.ge [sflag:s4], $0x0  }
0x19: {  	s7 =	sld [smem:$0x3F98]  }
0x1a: {  	s8 =	sadd.s32 $0xFFFFE003, lr  }
0x1b: {  	s9 =	sadd.s32 $0xFFFFFEF7, lr;
	s5 =	simm.s32 $0xFFFFFFFF;
	p2 =	slt.u32 s8, $0xFFFFF086  }
0x1c: {  	p1 =	slt.u32 s9, $0xF7A;
	s5 =	simm.s32 @!p2 $0x0  }
0x1d: {  	s5 =	simm.s32 @p1 $0x1;
	p0 =	seq.s32 s7, s2  }
0x1e: {  	s7 =	smul.u32 @!p0 $0xF7A, s2;
	p2 =	seq.s32 @!p0 s5, $0x0  }
0x1f: {  	s9 =	smul.u32 $0xF7A, s1;
	s8 =	simm.s32 @!p0 $0x1BF5;
	p2 =	por !p2, p0  }
0x20: {  	[sflag:s8] =	ssyncset.s32 @!p0 $0xFFFFF086;
	s6 =	sadd.s32 @!p0 s3, s7;
	s7 =	simm.s32 @!p0 $0x108  }
0x21: {  	s3 =	sadd.s32 s3, s9;
	s6 =	sadd.s32 @!p0 $0x88, s6;
	s7 =	simm.s32 @p2 $0x1082  }
0x22: {  	[simem:s7], [sflag:s8] =	dma.local @!p0 [hbm:s6], $0xF7A  }
0x23: {  	s9 =	sor.u32 $0xD0000000, s2;
	s6 =	simm.s32 $0x108;
	_ =	swait.ge @!p0 [sflag:s8], $0x0  }
0x24: {  	s3 =	sadd.s32 $0x88, s3;
	s6 =	simm.s32 @!p1 $0x1082;
	[sflag:s4] =	ssyncset.s32 $0xFFFFF086  }
0x25: {  	[simem:s6], [sflag:s4] =	dma.local [hbm:s3], $0xF7A  }
0x26: {  	[smem:$0x3F98] =	sst s1;
	(tag) =	ssettag s2;
	_ =	strace s9  }
0x27: {  	s1 =	sld [smem:$0x3FA8]  }
0x28: {  	s2 =	sld [smem:$0x3FA9]  }
0x29: {  	s4 =	sld [smem:$0x3FAB]  }
0x2a: {  	p0 =	seq.s32 s5, $0x0;
	s5 =	sld [smem:$0x3FAC]  }
0x2b: {  	s6 =	sld [smem:$0x3FAD]  }
0x2c: {  	s7 =	sld [smem:$0x3FAE]  }
0x2d: {  	s3 =	simm.s32 $0x108;
	s8 =	sld [smem:$0x3FAF]  }
0x2e: {  	s3 =	simm.s32 @!p0 $0x1082;
	s9 =	sld [smem:$0x3FB0]  }
0x2f: {  	lr =	sadd.s32 s0, s3;
	s0 =	sld [smem:$0x3FA7]  }
0x30: {  	s3 =	sld [smem:$0x3FAA]  }
0x31: {  	[smem:$0x3FB3] =	sst s10  }
0x32: {  	s10 =	sld [smem:$0x3FB1];
	_ =	sdelay $0x3  }
0x33: {  	p0 =	seq.s32 s10, $0x1;
	s10 =	sld [smem:$0x3FB3];
	_ =	sdelay $0x3  }
0x34: {  	[smem:$0x3FB3] =	sst s10  }
0x35: {  	s10 =	sld [smem:$0x3FB2];
	_ =	sdelay $0x3  }
0x36: {  	p1 =	seq.s32 s10, $0x1;
	s10 =	sld [smem:$0x3FB3];
	_ =	sdelay $0x3  }
0x37: {  	[smem:$0x3FB3] =	sst s10  }
0x38: {  	s10 =	sld [smem:$0x3FB4]  }
0x39: {  	_ = 	snop;
	(pc) =	sbr.ind lr, $3  }
0x3a: {  	_ = 	snop  }
0x3b: {  	_ = 	snop  }
0x3c: {  	p2 =	seq.s32 s10, $0x1;
	s10 =	sld [smem:$0x3FB3]  }
0x3d: {  	_ =	shalt  }
0x3e: {  	_ =	shalt  }
0x3f: {  	_ =	shalt  }
0x40: {  	_ =	shalt  }
0x41: {  	_ =	shalt  }
0x42: {  	_ =	shalt  }
0x43: {  	_ =	shalt  }
0x44: {  	_ =	shalt  }
0x45: {  	_ =	shalt  }
0x46: {  	_ =	shalt  }
0x47: {  	_ =	shalt  }
0x48: {  	_ =	shalt  }
0x49: {  	_ =	shalt  }
0x4a: {  	_ =	shalt  }
0x4b: {  	_ =	shalt  }
0x4c: {  	_ =	shalt  }
0x4d: {  	_ =	shalt  }
0x4e: {  	_ =	shalt  }
0x4f: {  	_ =	shalt  }
0x50: {  	_ =	shalt  }
0x51: {  	_ =	shalt  }
0x52: {  	_ =	shalt  }
0x53: {  	_ =	shalt  }
0x54: {  	_ =	shalt  }
0x55: {  	_ =	shalt  }
0x56: {  	_ =	shalt  }
0x57: {  	_ =	shalt  }
0x58: {  	_ =	shalt  }
0x59: {  	_ =	shalt  }
0x5a: {  	_ =	shalt  }
0x5b: {  	_ =	shalt  }
0x5c: {  	_ =	shalt  }
0x5d: {  	_ =	shalt  }
0x5e: {  	_ =	shalt  }
0x5f: {  	_ =	shalt  }
0x60: {  	_ =	shalt  }
0x61: {  	_ =	shalt  }
0x62: {  	_ =	shalt  }
0x63: {  	_ =	shalt  }
0x64: {  	_ =	shalt  }
0x65: {  	_ =	shalt  }
0x66: {  	_ =	shalt  }
0x67: {  	_ =	shalt  }
0x68: {  	_ =	shalt  }
0x69: {  	_ =	shalt  }
0x6a: {  	_ =	shalt  }
0x6b: {  	_ =	shalt  }
0x6c: {  	_ =	shalt  }
0x6d: {  	_ =	shalt  }
0x6e: {  	_ =	shalt  }
0x6f: {  	_ =	shalt  }
0x70: {  	_ =	shalt  }
0x71: {  	_ =	shalt  }
0x72: {  	_ =	shalt  }
0x73: {  	_ =	shalt  }
0x74: {  	_ =	shalt  }
0x75: {  	_ =	shalt  }
0x76: {  	_ =	shalt  }
0x77: {  	_ =	shalt  }
0x78: {  	_ =	shalt  }
0x79: {  	_ =	shalt  }
0x7a: {  	_ =	shalt  }
0x7b: {  	_ =	shalt  }
0x7c: {  	_ =	shalt  }
0x7d: {  	_ =	shalt  }
0x7e: {  	_ =	shalt  }
0x7f: {  	_ =	shalt  }
0x80: {  	_ =	shalt  }
0x81: {  	_ =	shalt  }
0x82: {  	_ =	shalt  }
0x83: {  	_ =	shalt  }
0x84: {  	_ =	shalt  }
0x85: {  	_ =	shalt  }
0x86: {  	_ =	shalt  }
0x87: {  	_ =	shalt  }
.Lfunc_end0:
.L_simem_size_0:
called_computation.2_lowered:
.L_overlay_start_0:
0x88: {  	s2 =	sld [smem:$0x3FD9]  }
0x89: {  	s3 =	sld [smem:$0x3FFE];
	_ =	sdelay $0x1  }
0x8a: {  	s1 =	srdreg.scid  }
0x8b: {  	s0 =	sand.u32 $0x1, s1  }
0x8c: {  	s16 =	sshll.u32 s0, $0xA;
	s2 =	sadd.s32 s3, s2  }
0x8d: {  	s2 =	sadd.s32 s2, s16  }
0x8e: {  	[smem:$0x3FBF] =	sst s2  }
0x8f: {  	_ = 	snop  }
0x90: {  	(tm) =	ssettm $0x1  }
0x91: {  	s17 =	sld [smem:$0x3FFB];
	_ =	sdelay $0x3  }
0x92: {  	_ =	strace s17  }
0x93: {  	s2 =	sld [smem:$0x3FFC];
	_ =	sdelay $0x3  }
0x94: {  	_ =	strace s2  }
0x95: {  	s2 =	sld [smem:$0x3FFD];
	_ =	sdelay $0x3  }
0x96: {  	_ =	strace s2  }
0x97: {  	_ =	strace $0x8FFFFFFF  }
0x98: {  	s18 =	sld [smem:$0x3FDB];
	_ =	sdelay $0x1  }
0x99: {  	s19 =	simm.s32 $_scs_section_size  }
0x9a: {  	s4 =	simm.s32 $_size__tile_overlayer_lowered;
	s5 =	simm.s32 $_tile_overlayer_lowered  }
0x9b: {  	s22 =	simm.s32 $0x1BFF;
	s21 =	sshll.u32 s5, $0x1;
	s2 =	sadd.s32 s19, s18  }
0x9c: {  	s6 =	simm.s32 $0x0;
	s20 =	sshll.u32 s4, $0x1;
	s4 =	sadd.s32 s21, s2  }
0x9d: {  	[timem:s6], [sflag:s22] =	dma.local [hbm:s4], s20  }
0x9e: {  	_ =	swait.ge [sflag:s22], s20  }
0x9f: {  	s3 =	ssub.s32 $0x0, s20;
	[sflag:s22] =	ssyncset.done $0x0  }
0xa0: {  	[sflag:s22] =	ssyncadd.s32 s3;
	_ =	sdelay $0x1  }
0xa1: {  	s23 =	simm.s32 $0x1B8B  }
0xa2: {  	_ =	swait.ge [sflag:s23], $0x1  }
0xa3: {  	[sflag:s23] =	ssyncset.done $0x0  }
0xa4: {  	s25 =	simm.s32 $0x1B8E;
	s24 =	sld [smem:$0x3FFE];
	[sflag:s23] =	ssyncadd.s32 $0xFFFFFFFF  }
0xa5: {  	s26 =	simm.s32 $execute0_lowered;
	[smem:$0x3FD2] =	sst s25  }
0xa6: {  	s4 =	sshll.u32 s26, $0x1;
	_ =	strace $0x8000004C;
	[dreg:$0x1] =	wrdreg $0xFFFFFFFF  }
0xa7: {  	s28 =	simm.s32 $_size_execute0_lowered;
	s2 =	sadd.s32 s2, s4;
	[dreg:$0x0] =	wrdreg $0x0  }
0xa8: {  	s4 =	sshll.u32 s28, $0x1;
	[dreg:$0x2] =	wrdreg s2  }
0xa9: {  	[dreg:$0x3] =	wrdreg s4  }
0xaa: {  	[dreg:$0x4] =	wrdreg $0xC0  }
0xab: {  	_ =	task [dreg:s6], $0x5FFFF  }
0xac: {  	[dreg:$0x1] =	wrdreg $0xFFFFFFFF  }
0xad: {  	[dreg:$0x0] =	wrdreg $0x60  }
0xae: {  	[dreg:$0x2] =	wrdreg s24  }
0xaf: {  	[dreg:$0x3] =	wrdreg $0xBB000  }
0xb0: {  	[dreg:$0x4] =	wrdreg $0x9  }
0xb1: {  	_ =	task.clear_ibuf [dreg:s6], $0x5FFFF;
	_ =	strace $0x9000004C  }
0xb2: {  	s29 =	simm.s32 $0x9;
	_ =	strace $0x8000004E  }
0xb3: {  	_ =	swait.ge [sflag:s29], $0x1  }
0xb4: {  	[sflag:s29] =	ssyncadd.s32 $0xFFFFFFFF  }
0xb5: {  	_ =	strace $0x9000004E  }
0xb6: {  	_ =	sfence  }
0xb7: {  	s30 =	sld [smem:$0x0];
	_ =	sdelay $0x2  }
0xb8: {  	s31 =	sshll.u32 s1, $0xD;
	s1 =	sshrl.u32 s1, $0x2  }
0xb9: {  	s3 =	sand.u32 $0x4000, s31;
	s1 =	sadd.s32 s1, s30  }
0xba: {  	s0 =	sor.u32 s3, s0;
	s1 =	sshll.u32 s1, $0x11  }
0xbb: {  	s0 =	sor.u32 s1, s0  }
0xbc: {  	s0 =	sadd.s32 $0x8F2B, s0  }
0xbd: {  	[sflag:s0] =	ssyncadd.remote.s32 $0x1  }
0xbe: {  	_ =	sfence.sel $0xFFFF  }
0xbf: {  	[dreg:$0x0] =	wrdreg $0xFFFFFFFF;
	(pc) =	sbr.abs _section_cstart, $3  }
0xc0: {  	[dreg:$0x1] =	wrdreg $0xFFFFFFFF  }
0xc1: {  	_ =	task.clear_ibuf [dreg:s6], $0x2FFFF;
	_ =	strace $0x9FFFFFFF  }
0xc2: {  	(tm) =	ssettm $0x7FFFFFFF  }
0xc3: {  	_ =	shalt  }
tec
execute0_lowered:
.L_overlay_start_1:
0x0: {  	(tag) =	ssettag $0x1  }
0x1: {  	s0 =	rddreg [dreg:$0x0]  }
0x2: {  	s1 =	rddreg [dreg:$0x1];
	s3 =	simm.s32 $0x0  }
0x3: {  	s9 =	stileid.u32;
	s2 =	srdreg.scid;
	s28 =	simm.s32 $0x4080  }
0x4: {  	s29 =	simm.s32 $0x6B00;
	s30 =	simm.s32 $0x4100;
	s31 =	simm.s32 $0x9300  }
0x5: {  	[smem:$0x7FF] =	sst s3;
	s4 =	sadd.s32 $0xA400, s0;
	s7 =	smul.u32 $0x50000, s9  }
0x6: {  	s5 =	sshll.u32 s9, $0xB;
	s2 =	sand.u32 $0x1, s2;
	s13 =	smul.u32 $0x280, s9  }
0x7: {  	_ =	strace $0x8000004D;
	s5 =	sadd.s32 s5, s0;
	s6 =	ssub.s32 $0x2, s2  }
0x8: {  	s0 =	sadd.s32 $0x5A400, s0;
	s15 =	smul.u32 $0x2800, s2;
	s8 =	sshrl.u32 s6, $0x1  }
0x9: {  	s25 =	sshrl.u32 s7, $0x2;
	s5 =	sadd.s32 $0x2400, s5;
	s26 =	sor.u32 $0x50, s13  }
0xa: {  	s16 =	sadd.s32 $0xA0, s13;
	s17 =	sadd.s32 $0xF0, s13;
	s23 =	sadd.s32 $0x140, s13  }
0xb: {  	s18 =	sadd.s32 $0x190, s13;
	s19 =	sadd.s32 $0x1E0, s13;
	s14 =	ssub.s32 s6, s8  }
0xc: {  	[dreg:$0x3] =	wrdreg s5;
	s6 =	sadd.s32 s25, s1;
	s20 =	sshll.u32 s26, $0x7  }
0xd: {  	s21 =	sshll.u32 s16, $0x7;
	s22 =	sshll.u32 s17, $0x7;
	s10 =	sshll.u32 s23, $0x7  }
0xe: {  	s11 =	sshll.u32 s18, $0x7;
	s12 =	sshll.u32 s19, $0x7;
	s2 =	sadd.s32 s15, s26  }
0xf: {  	s25 =	sadd.s32 s15, s16;
	s26 =	sadd.s32 s15, s17;
	s5 =	sadd.s32 s15, s23  }
0x10: {  	s23 =	sadd.s32 s15, s19;
	s16 =	simm.s32 $0x4280;
	s7 =	sadd.s32 s20, s1  }
0x11: {  	s8 =	sadd.s32 s21, s1;
	s9 =	sadd.s32 s22, s1;
	s10 =	sadd.s32 s10, s1  }
0x12: {  	s11 =	sadd.s32 s11, s1;
	s12 =	sadd.s32 s12, s1;
	s20 =	sadd.s32 $0x230, s13  }
0x13: {  	s22 =	sadd.s32 s13, s15;
	s2 =	sshll.u32 s2, $0x4;
	s17 =	sshll.u32 s26, $0x4  }
0x14: {  	s5 =	sshll.u32 s5, $0x4;
	s21 =	sshll.u32 s20, $0x7;
	s24 =	sshll.u32 s22, $0x4  }
0x15: {  	s2 =	sadd.s32 s0, s2;
	s22 =	sadd.s32 s15, s18;
	s13 =	sadd.s32 s21, s1  }
0x16: {  	s21 =	sadd.s32 s0, s24;
	[dreg:$0x5] =	wrdreg s2;
	s2 =	sshll.u32 s25, $0x4  }
0x17: {  	s24 =	sadd.s32 s15, s20;
	s25 =	sshll.u32 s23, $0x4;
	s23 =	simm.s32 $0x4  }
0x18: {  	v0 =	vmov s15;
	s15 =	simm.s32 $0x3;
	[dreg:$0x4] =	wrdreg s21;
	s2 =	sadd.s32 s0, s2  }
0x19: {  	s21 =	sadd.s32 s0, s5;
	s26 =	sshll.u32 s24, $0x4;
	s20 =	sadd.s32 s0, s25  }
0x1a: {  	s24 =	simm.s32 $0x4300;
	s25 =	simm.s32 $0x50;
	s5 =	simm.s32 $0x2  }
.Ltmp0:
0x1b: {  	[dreg:$0x6] =	wrdreg s2;
	s2 =	sadd.s32 s0, s17;
	(pc) =	sbr.rel .LBB2_1-.Ltmp0, $4  }
0x1c: {  	[dreg:$0x8] =	wrdreg s21;
	s21 =	sadd.s32 s0, s26;
	s26 =	simm.s32 $0x4000  }
0x1d: {  	s17 =	simm.s32 $0x0;
	[dreg:$0x7] =	wrdreg s2;
	s2 =	sshll.u32 s22, $0x4  }
0x1e: {  	s22 =	smax.u32 s14, $0x1;
	s14 =	simm.s32 $0x4200;
	s2 =	sadd.s32 s0, s2  }
0x1f: {  	v1 =	vimm.f32 $0.0e+00;
	s0 =	simm.s32 $0x1;
	[dreg:$0x9] =	wrdreg s2;
	s2 =	simm.s32 $0x4180  }
.LBB2_6:
0x20: {  	_ =	swait.ge [sflag:s0], $0x2800  }
0x21: {  	[sflag:s0] =	ssyncset.done $0x0  }
0x22: {  	[sflag:s0] =	ssyncadd.s32 $0xFFFFD800  }
0x23: {  	[spmem:s1] =	stream.indirect.scatter.add.f32 [tilespmem:s24], [sflag:$0x4], $0x80, s2, s25, $0xb8;
	[tilespmem:$0x1FB00] =	vst v63  }
0x24: {  	_ =	swait.ge [sflag:s23], $0x2800  }
0x25: {  	[sflag:s23] =	ssyncset.done $0x0  }
0x26: {  	[sflag:s23] =	ssyncadd.s32 $0xFFFFD800  }
0x27: {  	_ =	swait.ge [sflag:s5], $0x2800  }
0x28: {  	[sflag:s5] =	ssyncset.done $0x0  }
0x29: {  	[sflag:s5] =	ssyncadd.s32 $0xFFFFD800  }
0x2a: {  	[spmem:s1] =	stream.indirect.scatter.add.f32 [tilespmem:s29], [sflag:$0x4], $0x80, s14, s25, $0xb8;
	[tilespmem:$0x1FB00] =	vst v63  }
0x2b: {  	_ =	swait.ge [sflag:s23], $0x2800  }
0x2c: {  	[sflag:s23] =	ssyncset.done $0x0  }
0x2d: {  	[sflag:s23] =	ssyncadd.s32 $0xFFFFD800  }
0x2e: {  	[bflag:$0x0] =	sbarrier.arrive $0xFFFF  }
0x2f: {  	[tilespmem:s24], [sflag:$0x4] =	stream.linear.gather [spmem:s6], $0x2800, $0x38;
	[tilespmem:$0x1FB00] =	vst v63  }
0x30: {  	_ =	swait.ge [sflag:s23], $0x2800  }
0x31: {  	[sflag:s23] =	ssyncset.done $0x0  }
0x32: {  	s18 =	rddreg [dreg:$0x4];
	[sflag:s23] =	ssyncadd.s32 $0xFFFFD800  }
0x33: {  	[hbm4b:s18+s3] =	stream.linear.scatter [tilespmem:s24], [sflag:$0x4], $0x2800, $0x38;
	[tilespmem:$0x1FB00] =	vst v63  }
0x34: {  	_ =	swait.ge [sflag:s23], $0x2800  }
0x35: {  	[sflag:s23] =	ssyncset.done $0x0  }
0x36: {  	[sflag:s23] =	ssyncadd.s32 $0xFFFFD800  }
0x37: {  	[tilespmem:s24], [sflag:$0x4] =	stream.linear.gather [spmem:s7], $0x2800, $0x38;
	[tilespmem:$0x1FB00] =	vst v63  }
0x38: {  	_ =	swait.ge [sflag:s23], $0x2800  }
0x39: {  	[sflag:s23] =	ssyncset.done $0x0  }
0x3a: {  	s19 =	rddreg [dreg:$0x5];
	[sflag:s23] =	ssyncadd.s32 $0xFFFFD800  }
0x3b: {  	[hbm4b:s19+s3] =	stream.linear.scatter [tilespmem:s24], [sflag:$0x4], $0x2800, $0x38;
	[tilespmem:$0x1FB00] =	vst v63  }
0x3c: {  	_ =	swait.ge [sflag:s23], $0x2800  }
0x3d: {  	[sflag:s23] =	ssyncset.done $0x0  }
0x3e: {  	[sflag:s23] =	ssyncadd.s32 $0xFFFFD800  }
0x3f: {  	[tilespmem:s24], [sflag:$0x4] =	stream.linear.gather [spmem:s8], $0x2800, $0x38;
	[tilespmem:$0x1FB00] =	vst v63  }
0x40: {  	_ =	swait.ge [sflag:s23], $0x2800  }
0x41: {  	[sflag:s23] =	ssyncset.done $0x0  }
0x42: {  	s19 =	rddreg [dreg:$0x6];
	[sflag:s23] =	ssyncadd.s32 $0xFFFFD800  }
0x43: {  	[hbm4b:s19+s3] =	stream.linear.scatter [tilespmem:s24], [sflag:$0x4], $0x2800, $0x38;
	[tilespmem:$0x1FB00] =	vst v63  }
0x44: {  	_ =	swait.ge [sflag:s23], $0x2800  }
0x45: {  	[sflag:s23] =	ssyncset.done $0x0  }
0x46: {  	[sflag:s23] =	ssyncadd.s32 $0xFFFFD800  }
0x47: {  	[tilespmem:s24], [sflag:$0x4] =	stream.linear.gather [spmem:s9], $0x2800, $0x38;
	[tilespmem:$0x1FB00] =	vst v63  }
0x48: {  	_ =	swait.ge [sflag:s23], $0x2800  }
0x49: {  	[sflag:s23] =	ssyncset.done $0x0  }
0x4a: {  	s19 =	rddreg [dreg:$0x7];
	[sflag:s23] =	ssyncadd.s32 $0xFFFFD800  }
0x4b: {  	[hbm4b:s19+s3] =	stream.linear.scatter [tilespmem:s24], [sflag:$0x4], $0x2800, $0x38;
	[tilespmem:$0x1FB00] =	vst v63  }
0x4c: {  	_ =	swait.ge [sflag:s23], $0x2800  }
0x4d: {  	[sflag:s23] =	ssyncset.done $0x0  }
0x4e: {  	[sflag:s23] =	ssyncadd.s32 $0xFFFFD800  }
0x4f: {  	[tilespmem:s24], [sflag:$0x4] =	stream.linear.gather [spmem:s10], $0x2800, $0x38;
	[tilespmem:$0x1FB00] =	vst v63  }
0x50: {  	_ =	swait.ge [sflag:s23], $0x2800  }
0x51: {  	[sflag:s23] =	ssyncset.done $0x0  }
0x52: {  	s19 =	rddreg [dreg:$0x8];
	[sflag:s23] =	ssyncadd.s32 $0xFFFFD800  }
0x53: {  	[hbm4b:s19+s3] =	stream.linear.scatter [tilespmem:s24], [sflag:$0x4], $0x2800, $0x38;
	[tilespmem:$0x1FB00] =	vst v63  }
0x54: {  	_ =	swait.ge [sflag:s23], $0x2800  }
0x55: {  	[sflag:s23] =	ssyncset.done $0x0  }
0x56: {  	[sflag:s23] =	ssyncadd.s32 $0xFFFFD800  }
0x57: {  	[tilespmem:s24], [sflag:$0x4] =	stream.linear.gather [spmem:s11], $0x2800, $0x38;
	[tilespmem:$0x1FB00] =	vst v63  }
0x58: {  	_ =	swait.ge [sflag:s23], $0x2800  }
0x59: {  	[sflag:s23] =	ssyncset.done $0x0  }
0x5a: {  	s19 =	rddreg [dreg:$0x9];
	[sflag:s23] =	ssyncadd.s32 $0xFFFFD800  }
0x5b: {  	[hbm4b:s19+s3] =	stream.linear.scatter [tilespmem:s24], [sflag:$0x4], $0x2800, $0x38;
	[tilespmem:$0x1FB00] =	vst v63  }
0x5c: {  	_ =	swait.ge [sflag:s23], $0x2800  }
0x5d: {  	[sflag:s23] =	ssyncset.done $0x0  }
0x5e: {  	[sflag:s23] =	ssyncadd.s32 $0xFFFFD800  }
0x5f: {  	[tilespmem:s24], [sflag:$0x4] =	stream.linear.gather [spmem:s12], $0x2800, $0x38;
	[tilespmem:$0x1FB00] =	vst v63  }
0x60: {  	_ =	swait.ge [sflag:s23], $0x2800  }
0x61: {  	[sflag:s23] =	ssyncset.done $0x0  }
0x62: {  	[sflag:s23] =	ssyncadd.s32 $0xFFFFD800  }
0x63: {  	[hbm4b:s20+s3] =	stream.linear.scatter [tilespmem:s24], [sflag:$0x4], $0x2800, $0x38;
	[tilespmem:$0x1FB00] =	vst v63  }
0x64: {  	_ =	swait.ge [sflag:s23], $0x2800  }
0x65: {  	[sflag:s23] =	ssyncset.done $0x0  }
0x66: {  	[sflag:s23] =	ssyncadd.s32 $0xFFFFD800  }
0x67: {  	[tilespmem:s24], [sflag:$0x4] =	stream.linear.gather [spmem:s13], $0x2800, $0x38;
	[tilespmem:$0x1FB00] =	vst v63  }
0x68: {  	s17 =	sadd.s32 $0x1, s17;
	_ =	swait.ge [sflag:s23], $0x2800  }
0x69: {  	p0 =	sne.s32 s17, s22;
	[sflag:s23] =	ssyncset.done $0x0  }
.Ltmp1:
0x6a: {  	[sflag:s23] =	ssyncadd.s32 $0xFFFFD800;
	(pc) =	sbr.rel @!p0 .LBB2_7-.Ltmp1, $4  }
0x6b: {  	[hbm4b:s21+s3] =	stream.linear.scatter [tilespmem:s24], [sflag:$0x4], $0x2800, $0x38;
	[tilespmem:$0x1FB00] =	vst v63  }
0x6c: {  	_ =	swait.ge [sflag:s23], $0x2800  }
0x6d: {  	[sflag:s23] =	ssyncset.done $0x0  }
0x6e: {  	[sflag:s23] =	ssyncadd.s32 $0xFFFFD800  }
.LBB2_1:
0x6f: {  	s18 =	rddreg [dreg:$0x3]  }
0x70: {  	[tilespmem:s3], [sflag:$0x4] =	stream.linear.gather [hbm4b:s18+s3], $0x3E80, $0x38;
	[tilespmem:$0x1FB00] =	vst v63  }
0x71: {  	_ =	swait.ge [sflag:s23], $0x3E80  }
0x72: {  	[sflag:s23] =	ssyncset.done $0x0  }
0x73: {  	s19 =	simm.s32 $0x3C0;
	s18 =	simm.s32 $0x70;
	[sflag:s23] =	ssyncadd.s32 $0xFFFFC180  }
.LBB2_2:
0x74: {  	p0 =	sne.s32 s19, $0x9FC0;
	[tilespmem:s18+$0x4300] =	vst v1  }
0x75: {  	[tilespmem:s18+$0x4290] =	vst v1  }
0x76: {  	[tilespmem:s18+$0x42A0] =	vst v1  }
.Ltmp2:
0x77: {  	[tilespmem:s18+$0x42B0] =	vst v1;
	(pc) =	sbr.rel @p0 .LBB2_2-.Ltmp2, $4  }
0x78: {  	[tilespmem:s18+$0x42C0] =	vst v1  }
0x79: {  	[tilespmem:s18+$0x42D0] =	vst v1  }
0x7a: {  	[tilespmem:s18+$0x42E0] =	vst v1  }
0x7b: {  	[tilespmem:s18+$0x42F0] =	vst v1;
	s18 =	sshra.s32 s19, $0x2;
	s19 =	sadd.s32 $0x200, s19  }
0x7c: {  	[tilespmem:s18+$0x4300] =	vst v1  }
0x7d: {  	[tilespmem:s18+$0x4290] =	vst v1  }
0x7e: {  	[tilespmem:s18+$0x42A0] =	vst v1  }
0x7f: {  	[tilespmem:s18+$0x42B0] =	vst v1  }
0x80: {  	[tilespmem:s18+$0x42C0] =	vst v1  }
0x81: {  	[tilespmem:s18+$0x42D0] =	vst v1  }
0x82: {  	[tilespmem:s18+$0x42E0] =	vst v1  }
0x83: {  	[tilespmem:s18+$0x42F0] =	vst v1  }
0x84: {  	[spmem:s6] =	stream.linear.scatter [tilespmem:s24], [sflag:$0x4], $0x2800, $0x38;
	[tilespmem:$0x1FB00] =	vst v63  }
0x85: {  	_ =	swait.ge [sflag:s23], $0x2800  }
0x86: {  	[sflag:s23] =	ssyncset.done $0x0  }
0x87: {  	[sflag:s23] =	ssyncadd.s32 $0xFFFFD800  }
0x88: {  	[spmem:s7] =	stream.linear.scatter [tilespmem:s24], [sflag:$0x4], $0x2800, $0x38;
	[tilespmem:$0x1FB00] =	vst v63  }
0x89: {  	_ =	swait.ge [sflag:s23], $0x2800  }
0x8a: {  	[sflag:s23] =	ssyncset.done $0x0  }
0x8b: {  	[sflag:s23] =	ssyncadd.s32 $0xFFFFD800  }
0x8c: {  	[spmem:s8] =	stream.linear.scatter [tilespmem:s24], [sflag:$0x4], $0x2800, $0x38;
	[tilespmem:$0x1FB00] =	vst v63  }
0x8d: {  	_ =	swait.ge [sflag:s23], $0x2800  }
0x8e: {  	[sflag:s23] =	ssyncset.done $0x0  }
0x8f: {  	[sflag:s23] =	ssyncadd.s32 $0xFFFFD800  }
0x90: {  	[spmem:s9] =	stream.linear.scatter [tilespmem:s24], [sflag:$0x4], $0x2800, $0x38;
	[tilespmem:$0x1FB00] =	vst v63  }
0x91: {  	_ =	swait.ge [sflag:s23], $0x2800  }
0x92: {  	[sflag:s23] =	ssyncset.done $0x0  }
0x93: {  	[sflag:s23] =	ssyncadd.s32 $0xFFFFD800  }
0x94: {  	[spmem:s10] =	stream.linear.scatter [tilespmem:s24], [sflag:$0x4], $0x2800, $0x38;
	[tilespmem:$0x1FB00] =	vst v63  }
0x95: {  	_ =	swait.ge [sflag:s23], $0x2800  }
0x96: {  	[sflag:s23] =	ssyncset.done $0x0  }
0x97: {  	[sflag:s23] =	ssyncadd.s32 $0xFFFFD800  }
0x98: {  	[spmem:s11] =	stream.linear.scatter [tilespmem:s24], [sflag:$0x4], $0x2800, $0x38;
	[tilespmem:$0x1FB00] =	vst v63  }
0x99: {  	_ =	swait.ge [sflag:s23], $0x2800  }
0x9a: {  	[sflag:s23] =	ssyncset.done $0x0  }
0x9b: {  	[sflag:s23] =	ssyncadd.s32 $0xFFFFD800  }
0x9c: {  	[spmem:s12] =	stream.linear.scatter [tilespmem:s24], [sflag:$0x4], $0x2800, $0x38;
	[tilespmem:$0x1FB00] =	vst v63  }
0x9d: {  	_ =	swait.ge [sflag:s23], $0x2800  }
0x9e: {  	[sflag:s23] =	ssyncset.done $0x0  }
0x9f: {  	[sflag:s23] =	ssyncadd.s32 $0xFFFFD800  }
0xa0: {  	[spmem:s13] =	stream.linear.scatter [tilespmem:s24], [sflag:$0x4], $0x2800, $0x38;
	[tilespmem:$0x1FB00] =	vst v63  }
0xa1: {  	_ =	swait.ge [sflag:s23], $0x2800  }
0xa2: {  	[sflag:s23] =	ssyncset.done $0x0  }
0xa3: {  	[sflag:s23] =	ssyncadd.s32 $0xFFFFD800  }
0xa4: {  	v2 =	vld [tilespmem:$0x0]  }
0xa5: {  	v3 =	vld [tilespmem:$0x10];
	_ =	sdelay $0x1  }
0xa6: {  	v4 =	vld [tilespmem:$0x20];
	_ =	sdelay $0x1  }
0xa7: {  	v6 =	vld [tilespmem:$0x30];
	v5 =	vand.u32 $0xFFFF, v2;
	v2 =	vshrl.u32 v2, $0x10  }
0xa8: {  	v52 =	vand.u32 $0xFFFF, v3;
	v5 =	vadd.s32 v0, v5;
	[tilespmem:$0x4180] =	vst v2  }
0xa9: {  	v53 =	vld [tilespmem:$0x40];
	v2 =	vadd.s32 v0, v52;
	[tilespmem:$0x4000] =	vst v5  }
0xaa: {  	[tilespmem:$0x4010] =	vst v2;
	v2 =	vshrl.u32 v3, $0x10;
	v3 =	vand.u32 $0xFFFF, v4  }
0xab: {  	[tilespmem:$0x4190] =	vst v2;
	v2 =	vadd.s32 v0, v3  }
0xac: {  	v3 =	vand.u32 $0xFFFF, v6;
	[tilespmem:$0x4020] =	vst v2;
	v2 =	vshrl.u32 v4, $0x10  }
0xad: {  	[tilespmem:$0x41A0] =	vst v2;
	v2 =	vadd.s32 v0, v3  }
0xae: {  	v3 =	vand.u32 $0xFFFF, v53;
	[tilespmem:$0x4030] =	vst v2;
	v2 =	vshrl.u32 v6, $0x10  }
0xaf: {  	[tilespmem:$0x41B0] =	vst v2;
	v2 =	vadd.s32 v0, v3  }
0xb0: {  	[tilespmem:$0x4040] =	vst v2;
	v2 =	vshrl.u32 v53, $0x10  }
0xb1: {  	[tilespmem:$0x41C0] =	vst v2  }
0xb2: {  	[tilespmem:s24], [sflag:$0x1] =	stream.indirect.gather [hbm4b:s4+s25], $0x80, s26, s25, $0xb8;
	[tilespmem:$0x1FB00] =	vst v63  }
0xb3: {  	v2 =	vld [tilespmem:$0x80]  }
0xb4: {  	v3 =	vld [tilespmem:$0x90];
	_ =	sdelay $0x1  }
0xb5: {  	v54 =	vld [tilespmem:$0xA0];
	_ =	sdelay $0x1  }
0xb6: {  	v56 =	vld [tilespmem:$0xB0];
	v55 =	vand.u32 $0xFFFF, v2;
	v2 =	vshrl.u32 v2, $0x10  }
0xb7: {  	v57 =	vand.u32 $0xFFFF, v3;
	v5 =	vadd.s32 v0, v55;
	[tilespmem:$0x4200] =	vst v2  }
0xb8: {  	v58 =	vld [tilespmem:$0xC0];
	v2 =	vadd.s32 v0, v57;
	[tilespmem:$0x4080] =	vst v5  }
0xb9: {  	[tilespmem:$0x4090] =	vst v2;
	v2 =	vshrl.u32 v3, $0x10;
	v3 =	vand.u32 $0xFFFF, v54  }
0xba: {  	[tilespmem:$0x4210] =	vst v2;
	v2 =	vadd.s32 v0, v3  }
0xbb: {  	v3 =	vand.u32 $0xFFFF, v56;
	[tilespmem:$0x40A0] =	vst v2;
	v2 =	vshrl.u32 v54, $0x10  }
0xbc: {  	[tilespmem:$0x4220] =	vst v2;
	v2 =	vadd.s32 v0, v3  }
0xbd: {  	v3 =	vand.u32 $0xFFFF, v58;
	[tilespmem:$0x40B0] =	vst v2;
	v2 =	vshrl.u32 v56, $0x10  }
0xbe: {  	[tilespmem:$0x4230] =	vst v2;
	v2 =	vadd.s32 v0, v3  }
0xbf: {  	[tilespmem:$0x40C0] =	vst v2;
	v2 =	vshrl.u32 v58, $0x10  }
0xc0: {  	[tilespmem:$0x4240] =	vst v2  }
0xc1: {  	[tilespmem:s29], [sflag:$0x2] =	stream.indirect.gather [hbm4b:s4+s25], $0x80, s28, s25, $0xb8;
	[tilespmem:$0x1FB00] =	vst v63  }
0xc2: {  	v2 =	vld [tilespmem:$0x100]  }
0xc3: {  	v3 =	vld [tilespmem:$0x110];
	_ =	sdelay $0x1  }
0xc4: {  	v59 =	vld [tilespmem:$0x120];
	_ =	sdelay $0x1  }
0xc5: {  	v61 =	vld [tilespmem:$0x130];
	v60 =	vand.u32 $0xFFFF, v2;
	v2 =	vshrl.u32 v2, $0x10  }
0xc6: {  	v62 =	vand.u32 $0xFFFF, v3;
	v5 =	vadd.s32 v0, v60;
	[tilespmem:$0x4280] =	vst v2  }
0xc7: {  	v63 =	vld [tilespmem:$0x140];
	v2 =	vadd.s32 v0, v62;
	[tilespmem:$0x4100] =	vst v5  }
0xc8: {  	[tilespmem:$0x4110] =	vst v2;
	v2 =	vshrl.u32 v3, $0x10;
	v3 =	vand.u32 $0xFFFF, v59  }
0xc9: {  	[tilespmem:$0x4290] =	vst v2;
	v2 =	vadd.s32 v0, v3  }
0xca: {  	v3 =	vand.u32 $0xFFFF, v61;
	[tilespmem:$0x4120] =	vst v2;
	v2 =	vshrl.u32 v59, $0x10  }
0xcb: {  	[tilespmem:$0x42A0] =	vst v2;
	v2 =	vadd.s32 v0, v3  }
0xcc: {  	v3 =	vand.u32 $0xFFFF, v63;
	[tilespmem:$0x4130] =	vst v2;
	v2 =	vshrl.u32 v61, $0x10  }
0xcd: {  	[tilespmem:$0x42B0] =	vst v2;
	v2 =	vadd.s32 v0, v3  }
0xce: {  	[tilespmem:$0x4140] =	vst v2;
	v2 =	vshrl.u32 v63, $0x10  }
0xcf: {  	[tilespmem:$0x42C0] =	vst v2  }
0xd0: {  	[tilespmem:s31], [sflag:$0x3] =	stream.indirect.gather [hbm4b:s4+s25], $0x80, s30, s25, $0xb8;
	[tilespmem:$0x1FB00] =	vst v63  }
0xd1: {  	s18 =	simm.s32 $0xB00;
	[bflag:$0x0] =	sbarrier.arrive $0xFFFF  }
.LBB2_4:
0xd2: {  	_ =	swait.ge [sflag:s0], $0x2800  }
0xd3: {  	[sflag:s0] =	ssyncset.done $0x0  }
0xd4: {  	[sflag:s0] =	ssyncadd.s32 $0xFFFFD800  }
0xd5: {  	[spmem:s1] =	stream.indirect.scatter.add.f32 [tilespmem:s24], [sflag:$0x4], $0x80, s2, s25, $0xb8;
	[tilespmem:$0x1FB00] =	vst v63  }
0xd6: {  	_ =	swait.ge [sflag:s23], $0x2800  }
0xd7: {  	[sflag:s23] =	ssyncset.done $0x0  }
0xd8: {  	s19 =	sshra.s32 s18, $0x2;
	[sflag:s23] =	ssyncadd.s32 $0xFFFFD800  }
0xd9: {  	v2 =	vld [tilespmem:s19+$0xFFFFFEC0];
	_ =	sdelay $0x4  }
0xda: {  	v3 =	vand.u32 $0xFFFF, v2;
	v2 =	vshrl.u32 v2, $0x10  }
0xdb: {  	v3 =	vadd.s32 v0, v3;
	[tilespmem:$0x4180] =	vst v2  }
0xdc: {  	[tilespmem:$0x4000] =	vst v3  }
0xdd: {  	v2 =	vld [tilespmem:s19+$0xFFFFFED0];
	_ =	sdelay $0x4  }
0xde: {  	v3 =	vand.u32 $0xFFFF, v2;
	v2 =	vshrl.u32 v2, $0x10  }
0xdf: {  	v3 =	vadd.s32 v0, v3;
	[tilespmem:$0x4190] =	vst v2  }
0xe0: {  	[tilespmem:$0x4010] =	vst v3  }
0xe1: {  	v2 =	vld [tilespmem:s19+$0xFFFFFEE0];
	_ =	sdelay $0x4  }
0xe2: {  	v3 =	vand.u32 $0xFFFF, v2;
	v2 =	vshrl.u32 v2, $0x10  }
0xe3: {  	v3 =	vadd.s32 v0, v3;
	[tilespmem:$0x41A0] =	vst v2  }
0xe4: {  	[tilespmem:$0x4020] =	vst v3  }
0xe5: {  	v2 =	vld [tilespmem:s19+$0xFFFFFEF0];
	_ =	sdelay $0x4  }
0xe6: {  	v3 =	vand.u32 $0xFFFF, v2;
	v2 =	vshrl.u32 v2, $0x10  }
0xe7: {  	v3 =	vadd.s32 v0, v3;
	[tilespmem:$0x41B0] =	vst v2  }
0xe8: {  	[tilespmem:$0x4030] =	vst v3  }
0xe9: {  	v2 =	vld [tilespmem:s19+$0xFFFFFF00];
	_ =	sdelay $0x4  }
0xea: {  	v3 =	vand.u32 $0xFFFF, v2;
	v2 =	vshrl.u32 v2, $0x10  }
0xeb: {  	v3 =	vadd.s32 v0, v3;
	[tilespmem:$0x41C0] =	vst v2  }
0xec: {  	[tilespmem:$0x4040] =	vst v3  }
0xed: {  	[tilespmem:s24], [sflag:$0x1] =	stream.indirect.gather [hbm4b:s4+s25], $0x80, s26, s25, $0xb8;
	[tilespmem:$0x1FB00] =	vst v63  }
0xee: {  	_ =	swait.ge [sflag:s5], $0x2800  }
0xef: {  	[sflag:s5] =	ssyncset.done $0x0  }
0xf0: {  	[sflag:s5] =	ssyncadd.s32 $0xFFFFD800  }
0xf1: {  	[spmem:s1] =	stream.indirect.scatter.add.f32 [tilespmem:s29], [sflag:$0x4], $0x80, s14, s25, $0xb8;
	[tilespmem:$0x1FB00] =	vst v63  }
0xf2: {  	_ =	swait.ge [sflag:s23], $0x2800  }
0xf3: {  	[sflag:s23] =	ssyncset.done $0x0  }
0xf4: {  	[sflag:s23] =	ssyncadd.s32 $0xFFFFD800  }
0xf5: {  	v2 =	vld [tilespmem:s19+$0xFFFFFF40];
	_ =	sdelay $0x4  }
0xf6: {  	v3 =	vand.u32 $0xFFFF, v2;
	v2 =	vshrl.u32 v2, $0x10  }
0xf7: {  	v3 =	vadd.s32 v0, v3;
	[tilespmem:$0x4200] =	vst v2  }
0xf8: {  	[tilespmem:$0x4080] =	vst v3  }
0xf9: {  	v2 =	vld [tilespmem:s19+$0xFFFFFF50];
	_ =	sdelay $0x4  }
0xfa: {  	v3 =	vand.u32 $0xFFFF, v2;
	v2 =	vshrl.u32 v2, $0x10  }
0xfb: {  	v3 =	vadd.s32 v0, v3;
	[tilespmem:$0x4210] =	vst v2  }
0xfc: {  	[tilespmem:$0x4090] =	vst v3  }
0xfd: {  	v2 =	vld [tilespmem:s19+$0xFFFFFF60];
	_ =	sdelay $0x4  }
0xfe: {  	v3 =	vand.u32 $0xFFFF, v2;
	v2 =	vshrl.u32 v2, $0x10  }
0xff: {  	v3 =	vadd.s32 v0, v3;
	[tilespmem:$0x4220] =	vst v2  }
0x100: {  	[tilespmem:$0x40A0] =	vst v3  }
0x101: {  	v2 =	vld [tilespmem:s19+$0xFFFFFF70];
	_ =	sdelay $0x4  }
0x102: {  	v3 =	vand.u32 $0xFFFF, v2;
	v2 =	vshrl.u32 v2, $0x10  }
0x103: {  	v3 =	vadd.s32 v0, v3;
	[tilespmem:$0x4230] =	vst v2  }
0x104: {  	[tilespmem:$0x40B0] =	vst v3  }
0x105: {  	v2 =	vld [tilespmem:s19+$0xFFFFFF80];
	_ =	sdelay $0x4  }
0x106: {  	v3 =	vand.u32 $0xFFFF, v2;
	v2 =	vshrl.u32 v2, $0x10  }
0x107: {  	v3 =	vadd.s32 v0, v3;
	[tilespmem:$0x4240] =	vst v2  }
0x108: {  	[tilespmem:$0x40C0] =	vst v3  }
0x109: {  	[tilespmem:s29], [sflag:$0x2] =	stream.indirect.gather [hbm4b:s4+s25], $0x80, s28, s25, $0xb8;
	[tilespmem:$0x1FB00] =	vst v63  }
0x10a: {  	_ =	swait.ge [sflag:s15], $0x2800  }
0x10b: {  	p0 =	seq.s32 s18, $0xFB00;
	[sflag:s15] =	ssyncset.done $0x0  }
.Ltmp3:
0x10c: {  	[sflag:s15] =	ssyncadd.s32 $0xFFFFD800;
	(pc) =	sbr.rel @p0 .LBB2_6-.Ltmp3, $4  }
0x10d: {  	[spmem:s1] =	stream.indirect.scatter.add.f32 [tilespmem:s31], [sflag:$0x4], $0x80, s16, s25, $0xb8;
	[tilespmem:$0x1FB00] =	vst v63  }
0x10e: {  	_ =	swait.ge [sflag:s23], $0x2800  }
0x10f: {  	[sflag:s23] =	ssyncset.done $0x0  }
0x110: {  	[sflag:s23] =	ssyncadd.s32 $0xFFFFD800  }
0x111: {  	v2 =	vld [tilespmem:s19+$0xFFFFFFC0];
	_ =	sdelay $0x4  }
0x112: {  	v3 =	vand.u32 $0xFFFF, v2;
	v2 =	vshrl.u32 v2, $0x10  }
0x113: {  	v3 =	vadd.s32 v0, v3;
	[tilespmem:$0x4280] =	vst v2  }
0x114: {  	[tilespmem:$0x4100] =	vst v3  }
0x115: {  	v2 =	vld [tilespmem:s19+$0xFFFFFFD0];
	_ =	sdelay $0x4  }
0x116: {  	v3 =	vand.u32 $0xFFFF, v2;
	v2 =	vshrl.u32 v2, $0x10  }
0x117: {  	v3 =	vadd.s32 v0, v3;
	[tilespmem:$0x4290] =	vst v2  }
0x118: {  	[tilespmem:$0x4110] =	vst v3  }
0x119: {  	v2 =	vld [tilespmem:s19+$0xFFFFFFE0];
	_ =	sdelay $0x4  }
0x11a: {  	v3 =	vand.u32 $0xFFFF, v2;
	v2 =	vshrl.u32 v2, $0x10  }
0x11b: {  	v3 =	vadd.s32 v0, v3;
	[tilespmem:$0x42A0] =	vst v2  }
0x11c: {  	[tilespmem:$0x4120] =	vst v3  }
0x11d: {  	v2 =	vld [tilespmem:s19+$0xFFFFFFF0];
	_ =	sdelay $0x4  }
0x11e: {  	v3 =	vand.u32 $0xFFFF, v2;
	v2 =	vshrl.u32 v2, $0x10  }
0x11f: {  	v3 =	vadd.s32 v0, v3;
	[tilespmem:$0x42B0] =	vst v2  }
0x120: {  	[tilespmem:$0x4130] =	vst v3  }
0x121: {  	v2 =	vld [tilespmem:s19+$0x0];
	_ =	sdelay $0x3  }
.Ltmp4:
0x122: {  	_ = 	snop;
	(pc) =	sbr.rel .LBB2_4-.Ltmp4, $4  }
0x123: {  	v3 =	vand.u32 $0xFFFF, v2;
	v2 =	vshrl.u32 v2, $0x10  }
0x124: {  	v3 =	vadd.s32 v0, v3;
	[tilespmem:$0x42C0] =	vst v2  }
0x125: {  	s18 =	sadd.s32 $0x600, s18;
	[tilespmem:$0x4140] =	vst v3  }
0x126: {  	[tilespmem:s31], [sflag:$0x3] =	stream.indirect.gather [hbm4b:s4+s25], $0x80, s30, s25, $0xb8;
	[tilespmem:$0x1FB00] =	vst v63  }
.LBB2_7:
0x127: {  	_ =	sfence.sel $0x180000  }
0x128: {  	[bflag:$0x0] =	sbarrier.arrive $0xFFFF  }
0x129: {  	_ =	strace $0x9000004D  }
0x12a: {  	s0 =	stileid.u32;
	[bflag:$0x2] =	sbarrier.arrive $0xFFFF  }
0x12b: {  	p0 =	sne.s32 s0, $0x0;
	s0 =	rddreg [dreg:$0x2]  }
0x12c: {  	s0 =	sadd.s32 @!p0 $0x100000, s0  }
0x12d: {  	[sflag:s0] =	ssyncadd.tile.s32 @!p0 $0x1;
	_ =	shalt  }
.Lfunc_end2:
_tile_overlayer_lowered:
.L_overlay_start_2:
0x12e: {  	(tag) =	ssettag $0x2  }
0x12f: {  	s0 =	rddreg [dreg:$0x0];
	s2 =	stileid.u32  }
0x130: {  	s1 =	rddreg [dreg:$0x1];
	p0 =	sne.s32 s2, $0x0  }
0x131: {  	s3 =	rddreg [dreg:$0x2];
	[bflag:$0x3] =	sbarrier.arrive $0xFFFF;
	s2 =	simm.s32 @!p0 $0x1C04  }
0x132: {  	[timem:s3], [sflag:s2] =	dma.local @!p0 [hbm:s0], s1  }
0x133: {  	s0 =	simm.s32 @!p0 $0x4  }
0x134: {  	_ =	swait.ge @!p0 [sflag:s0], s1  }
0x135: {  	s1 =	ssub.s32 @!p0 $0x0, s1;
	[sflag:s0] =	ssyncset.done @!p0 $0x0  }
0x136: {  	[sflag:s0] =	ssyncadd.s32 @!p0 s1  }
0x137: {  	[bflag:$0x3] =	sbarrier.arrive $0xFFFF  }
0x138: {  	_ =	shalt  }

</sc_bundles>
